<compile_context>
chip_gen: v7x
topology: tpu7x:2x2x1
jax: 0.10.2.dev20260603
libtpu: 0.0.44.dev20260713+nightly
codegen_flags: <defaults>
</compile_context>

<pallas_src>
import functools
import jax
import jax.numpy as jnp
from jax import lax
from jax.experimental import pallas as pl
from jax.experimental.pallas import tpu as pltpu
from jax.experimental.pallas import tpu_sc as plsc

B = 16
N_IN = 100000
N_OUT = 10000
FS = 512

NC = 2
NS = 16
NW = NC * NS
NSEG_PAD = 10240
CPW = NSEG_PAD // NW
CH = 512
GSUB = 128
NSUB = CH // GSUB
U = 16


def _align8(v):
    return pl.multiple_of(v - lax.rem(v, 8), 8)


def _sc_call(xT, crow_pad, segs, kern, bias_pad):
    mesh = plsc.VectorSubcoreMesh(core_axis_name="c", subcore_axis_name="s")

    @functools.partial(
        pl.kernel,
        mesh=mesh,
        out_type=jax.ShapeDtypeStruct((NSEG_PAD, B), jnp.float32),
        scratch_types=[
            pltpu.VMEM((2, CH), jnp.int32),
            pltpu.VMEM((2, CH + 16, B), jnp.float32),
            pltpu.VMEM((2, FS), jnp.float32),
            pltpu.VMEM((CH,), jnp.int32),
            pltpu.VMEM((CH + 16, B), jnp.float32),
            pltpu.VMEM((CPW + 24,), jnp.int32),
            pltpu.VMEM((CPW + 16,), jnp.float32),
            pltpu.VMEM((CPW, B), jnp.float32),
            pltpu.SemaphoreType.DMA,
            pltpu.SemaphoreType.DMA,
            pltpu.SemaphoreType.DMA,
            pltpu.SemaphoreType.DMA,
        ],
        compiler_params=pltpu.CompilerParams(
            needs_layout_passes=False, use_tc_tiling_on_sc=False),
    )
    def k(xT_hbm, crow_hbm, segs_hbm, kern_hbm, bias_hbm, out_hbm,
          idx_v, rows_v, kcol_v, idx_s, rows_s, segs_v, bias_v, out_v,
          sem_g, sem_idx, sem_k, sem_s):
        wid = lax.axis_index("s") * NC + lax.axis_index("c")
        col0 = pl.multiple_of(wid * CPW, 8)
        pltpu.sync_copy(segs_hbm.at[pl.ds(col0, CPW + 8)],
                        segs_v.at[pl.ds(0, CPW + 8)])
        pltpu.sync_copy(bias_hbm.at[pl.ds(col0, CPW)],
                        bias_v.at[pl.ds(0, CPW)])
        zero16 = jnp.zeros((B,), jnp.float32)
        for r in range(16):
            rows_v[0, CH + r] = zero16
            rows_v[1, CH + r] = zero16
            rows_s[CH + r] = zero16

        iota16 = lax.iota(jnp.int32, 16)

        def kcol_src(lj):
            return kern_hbm.at[jnp.minimum(col0 + lj, N_OUT - 1)]

        def fire_kcol(lj, par):
            pltpu.async_copy(kcol_src(lj), kcol_v.at[par], sem_k)

        def wait_kcol(lj, par):
            pltpu.make_async_copy(kcol_src(lj), kcol_v.at[par], sem_k).wait()

        def fire_gathers(par, base, e, sem):
            for q in range(NSUB):
                @pl.when(base + q * GSUB < e + 15)
                def _():
                    pltpu.async_copy(
                        xT_hbm.at[idx_v.at[par, pl.ds(q * GSUB, GSUB)]],
                        rows_v.at[par, pl.ds(q * GSUB, GSUB)],
                        sem)

        def drain_gathers(par, base, e, sem):
            for q in range(NSUB):
                @pl.when(base + q * GSUB < e + 15)
                def _():
                    pltpu.make_async_copy(
                        xT_hbm.at[idx_v.at[par, pl.ds(q * GSUB, GSUB)]],
                        rows_v.at[par, pl.ds(q * GSUB, GSUB)],
                        sem).wait()

        def chunk_compute(load_row, par16, base, s, e, accs):
            c_lo = jnp.maximum(s - base, 0)
            c_hi = jnp.minimum(e - base, CH)
            ntrip = lax.div(jnp.maximum(c_hi - c_lo, 0) + U - 1, U)

            def conn_body(i, a):
                a = list(a)
                c0 = c_lo + i * U
                p0 = base + c0 - s
                pos16 = jnp.clip(p0 + iota16, 0, FS - 1)
                w16 = plsc.load_gather(kcol_v, [par16, pos16])
                w16 = jnp.where(iota16 < c_hi - c0, w16, 0.0)
                for u in range(U):
                    a[u % 4] = a[u % 4] + load_row(c0 + u) * w16[u]
                return tuple(a)

            return lax.fori_loop(0, ntrip, conn_body, accs)

        sv0 = segs_v[pl.ds(0, 16)]
        s0, e0, e1, e2_0 = sv0[0], sv0[1], sv0[2], sv0[3]
        ab0 = _align8(s0)
        ab1 = _align8(e0)
        pltpu.sync_copy(crow_hbm.at[pl.ds(ab0, CH)], idx_v.at[0])
        fire_gathers(0, ab0, e0, sem_g)
        fire_kcol(0, 0)
        pltpu.async_copy(crow_hbm.at[pl.ds(ab1, CH)], idx_v.at[1], sem_idx)

        def one_seg(lj, par, s, e, e2):
            par2 = 1 - par
            ab = _align8(s)
            ab2 = _align8(e)
            ab3 = _align8(e2)

            @pl.when(lj + 1 < CPW)
            def _():
                pltpu.make_async_copy(crow_hbm.at[pl.ds(ab2, CH)],
                                      idx_v.at[par2], sem_idx).wait()
            drain_gathers(par, ab, e, sem_g)
            @pl.when(lj + 1 < CPW)
            def _():
                fire_gathers(par2, ab2, e2, sem_g)
            @pl.when(lj + 2 < CPW)
            def _():
                pltpu.async_copy(crow_hbm.at[pl.ds(ab3, CH)],
                                 idx_v.at[par], sem_idx)
            wait_kcol(lj, par)

            @pl.when(lj + 1 < CPW)
            def _():
                fire_kcol(lj + 1, par2)

            par16 = jnp.full((16,), par, jnp.int32)

            z = jnp.zeros((B,), jnp.float32)
            acc = chunk_compute(lambda c: rows_v[par, c], par16, ab, s, e,
                                (z, z, z, z))
            span = e - ab
            nch = lax.div(span + CH - 1, CH)

            def extra_chunk(cc, a):
                cbase = pl.multiple_of(ab + cc * CH, 8)
                pltpu.sync_copy(crow_hbm.at[pl.ds(cbase, CH)], idx_s)
                for q in range(NSUB):
                    @pl.when(cbase + q * GSUB < e + 15)
                    def _():
                        pltpu.async_copy(
                            xT_hbm.at[idx_s.at[pl.ds(q * GSUB, GSUB)]],
                            rows_s.at[pl.ds(q * GSUB, GSUB)],
                            sem_s)
                for q in range(NSUB):
                    @pl.when(cbase + q * GSUB < e + 15)
                    def _():
                        pltpu.make_async_copy(
                            xT_hbm.at[idx_s.at[pl.ds(q * GSUB, GSUB)]],
                            rows_s.at[pl.ds(q * GSUB, GSUB)],
                            sem_s).wait()
                return chunk_compute(lambda c: rows_s[c], par16, cbase, s, e, a)

            acc = lax.fori_loop(1, nch, extra_chunk, acc)
            atot = (acc[0] + acc[1]) + (acc[2] + acc[3])

            lj16 = jnp.full((16,), lj, jnp.int32)
            bvec = plsc.load_gather(bias_v, [lj16])
            out_v[lj] = jnp.maximum(atot + bvec, 0.0)

        def seg_body2(t, carry):
            b0, b1, b2, b3 = carry
            lj = t * 2
            sv = segs_v[pl.ds(lj + 4, 16)]
            n0, n1 = sv[0], sv[1]
            one_seg(lj, 0, b0, b1, b2)
            one_seg(lj + 1, 1, b1, b2, b3)
            return (b2, b3, n0, n1)

        lax.fori_loop(0, CPW // 2, seg_body2, (s0, e0, e1, e2_0))
        pltpu.sync_copy(out_v, out_hbm.at[pl.ds(col0, CPW)])

    return k(xT, crow_pad, segs, kern, bias_pad)


def kernel(x, conn_row, conn_col, kernel, bias):
    xT = x.T
    crow_pad = jnp.concatenate(
        [conn_row, jnp.zeros((CH + 8,), jnp.int32)])
    hist = jnp.zeros((NSEG_PAD + 8,), jnp.int32).at[conn_col].add(1)
    csum = jnp.cumsum(hist)
    segs = jnp.concatenate([jnp.zeros((1,), jnp.int32), csum[:-1]])
    bias_pad = jnp.concatenate(
        [bias[:, 0], jnp.zeros((NSEG_PAD - N_OUT,), jnp.float32)])
    outT = _sc_call(xT, crow_pad, segs, kernel.T, bias_pad)
    return outT[:N_OUT].T[:, :, None]

# --- scband reference (transcript-rebuilt; emitter-appended) ---
"""Pipeline reference for scband-adaptive-locally-directed1-d-22771916603540 (READ-ONLY COPY).

The authoritative reference and input builder live on the scoring server;
editing this copy changes nothing except your own understanding.
"""

import jax, jax.numpy as jnp
import numpy as np

B = 16
N_IN = 100000
NNZ = 3200000
N_OUT = 10000
FS = 512
FILTERS = 1


def setup_inputs(seed: int = 0) -> dict:
    key = jax.random.key(seed)
    k1, k2, k3, k4 = jax.random.split(key, 4)
    x = jax.random.normal(k1, (B, N_IN), dtype=jnp.float32)
    conn_row = jax.random.randint(k2, (NNZ,), 0, N_IN, dtype=jnp.int32)
    conn_col = jnp.sort(jax.random.randint(k3, (NNZ,), 0, N_OUT, dtype=jnp.int32))
    kernel = jax.random.normal(k4, (FS, N_OUT), dtype=jnp.float32) * 0.02
    bias = jnp.zeros((N_OUT, FILTERS), dtype=jnp.float32)
    return {"x": x, "conn_row": conn_row, "conn_col": conn_col, "kernel": kernel, "bias": bias}


def reference(x, conn_row, conn_col, kernel, bias):
    # AdaptiveLocallyDirected1D: sparse masked dense layer.
    # Each output 'gene' j gathers the inputs connected to it via the COO mask
    # (conn_row -> input index, conn_col -> output/segment index, conn_col sorted),
    # multiplies them position-wise by its kernel column (padded to filter_size),
    # and reduces with a sum; then bias + activation.
    nnz = conn_col.shape[0]
    # position of each connection within its segment (pad_sequences 'post' layout)
    seg_starts = jnp.searchsorted(conn_col, jnp.arange(N_OUT, dtype=conn_col.dtype))
    pos = jnp.arange(nnz, dtype=jnp.int32) - jnp.take(seg_starts, conn_col).astype(jnp.int32)
    pos = jnp.minimum(pos, FS - 1)
    # per-connection weight: kernel[pos_in_segment, output_segment]
    w = kernel[pos, conn_col]  # [NNZ]
    # gather inputs per connection: [B, NNZ]
    gathered = jnp.take(x, conn_row, axis=1)
    contrib = gathered * w[None, :]
    # segment-sum over output segments -> [B, N_OUT]
    seg = jax.ops.segment_sum(contrib.T, conn_col, num_segments=N_OUT).T
    out = seg[:, :, None] + bias[None, :, :]  # [B, N_OUT, FILTERS]
    return jax.nn.relu(out)

if __name__ == "__main__":
    import jax
    _d = setup_inputs()
    print(jax.jit(kernel)(*tuple(_d.values())))

</pallas_src>

<mosaic_0001>
#map = affine_map<(d0, d1) -> (0, 0)>
#map1 = affine_map<(d0, d1) -> (0)>
module attributes {stable_mosaic.version = 14 : i64} {
  func.func @k(%arg0: i32, %arg1: i32, %arg2: memref<100000x16xf32, #tpu.memory_space<hbm>>, %arg3: memref<3200520xi32, #tpu.memory_space<hbm>>, %arg4: memref<10248xi32, #tpu.memory_space<hbm>>, %arg5: memref<10000x512xf32, #tpu.memory_space<hbm>>, %arg6: memref<10240xf32, #tpu.memory_space<hbm>>, %arg7: memref<10240x16xf32, #tpu.memory_space<hbm>>, %arg8: memref<2x512xi32, #tpu.memory_space<vmem>>, %arg9: memref<2x528x16xf32, #tpu.memory_space<vmem>>, %arg10: memref<2x512xf32, #tpu.memory_space<vmem>>, %arg11: memref<512xi32, #tpu.memory_space<vmem>>, %arg12: memref<528x16xf32, #tpu.memory_space<vmem>>, %arg13: memref<344xi32, #tpu.memory_space<vmem>>, %arg14: memref<336xf32, #tpu.memory_space<vmem>>, %arg15: memref<320x16xf32, #tpu.memory_space<vmem>>, %arg16: memref<!tpu.dma_semaphore, #tpu.memory_space<semaphore_mem>>, %arg17: memref<!tpu.dma_semaphore, #tpu.memory_space<semaphore_mem>>, %arg18: memref<!tpu.dma_semaphore, #tpu.memory_space<semaphore_mem>>, %arg19: memref<!tpu.dma_semaphore, #tpu.memory_space<semaphore_mem>>) attributes {dimension_semantics = [#tpu.dimension_semantics<core_parallel>, #tpu.dimension_semantics<subcore_parallel>], iteration_bounds = array<i64: 2, 16>, scalar_prefetch = 0 : i64, scratch_operands = 12 : i64, tpu.core_type = #tpu.core_type<sc_vector_subcore>, window_params = [{transform_indices = #map}, {transform_indices = #map1}, {transform_indices = #map1}, {transform_indices = #map}, {transform_indices = #map1}, {transform_indices = #map}]} {
    %mul3A = arith.constant 2 : i32
    %mul3A_0 = arith.muli %arg1, %mul3A : i32
    %add3A = arith.addi %mul3A_0, %arg0 : i32
    %mul3A_1 = arith.constant 320 : i32
    %mul3A_2 = arith.muli %add3A, %mul3A_1 : i32
    %multiple_of3A = tpu.assume_multiple %mul3A_2, 8 : i32
    "tpu.region"() ({
      %run_scoped3A_330 = tpu.sem_alloc : memref<!tpu.dma_semaphore, #tpu.memory_space<semaphore_mem>>
      %dma_start3A_331 = arith.constant 0 : i32
      %dma_start3A_332 = tpu.memref_slice %arg13[%dma_start3A_331] : memref<344xi32, #tpu.memory_space<vmem>> -> memref<328xi32, #tpu.memory_space<vmem>>
      %dma_start3A_333 = tpu.memref_slice %arg4[%multiple_of3A] : memref<10248xi32, #tpu.memory_space<hbm>> -> memref<328xi32, #tpu.memory_space<hbm>>
      %dma_start3A_334 = arith.constant 0 : i32
      %dma_start3A_335 = tpu.memref_slice %arg13[%dma_start3A_334] : memref<344xi32, #tpu.memory_space<vmem>> -> memref<328xi32, #tpu.memory_space<vmem>>
      %dma_start3A_336 = tpu.memref_slice %arg4[%multiple_of3A] : memref<10248xi32, #tpu.memory_space<hbm>> -> memref<328xi32, #tpu.memory_space<hbm>>
      tpu.enqueue_dma source(%dma_start3A_336 : memref<328xi32, #tpu.memory_space<hbm>>) target(%dma_start3A_335 : memref<328xi32, #tpu.memory_space<vmem>>) target_semaphore(%run_scoped3A_330 : memref<!tpu.dma_semaphore, #tpu.memory_space<semaphore_mem>>)
      %dma_wait3A = arith.constant 0 : i32
      %dma_wait3A_337 = tpu.memref_slice %arg13[%dma_wait3A] : memref<344xi32, #tpu.memory_space<vmem>> -> memref<328xi32, #tpu.memory_space<vmem>>
      %dma_wait3A_338 = tpu.memref_slice %arg4[%multiple_of3A] : memref<10248xi32, #tpu.memory_space<hbm>> -> memref<328xi32, #tpu.memory_space<hbm>>
      %dma_wait3A_339 = arith.constant 0 : i32
      %dma_wait3A_340 = tpu.memref_slice %arg13[%dma_wait3A_339] : memref<344xi32, #tpu.memory_space<vmem>> -> memref<328xi32, #tpu.memory_space<vmem>>
      %dma_wait3A_341 = tpu.memref_slice %arg4[%multiple_of3A] : memref<10248xi32, #tpu.memory_space<hbm>> -> memref<328xi32, #tpu.memory_space<hbm>>
      tpu.wait_dma2 semaphore(%run_scoped3A_330 : memref<!tpu.dma_semaphore, #tpu.memory_space<semaphore_mem>>) src(%dma_wait3A_341 : memref<328xi32, #tpu.memory_space<hbm>>) dst(%dma_wait3A_340 : memref<328xi32, #tpu.memory_space<vmem>>)
      tpu.yield
    }) : () -> ()
    "tpu.region"() ({
      %run_scoped3A_330 = tpu.sem_alloc : memref<!tpu.dma_semaphore, #tpu.memory_space<semaphore_mem>>
      %dma_start3A_331 = arith.constant 0 : i32
      %dma_start3A_332 = tpu.memref_slice %arg14[%dma_start3A_331] : memref<336xf32, #tpu.memory_space<vmem>> -> memref<320xf32, #tpu.memory_space<vmem>>
      %dma_start3A_333 = tpu.memref_slice %arg6[%multiple_of3A] : memref<10240xf32, #tpu.memory_space<hbm>> -> memref<320xf32, #tpu.memory_space<hbm>>
      %dma_start3A_334 = arith.constant 0 : i32
      %dma_start3A_335 = tpu.memref_slice %arg14[%dma_start3A_334] : memref<336xf32, #tpu.memory_space<vmem>> -> memref<320xf32, #tpu.memory_space<vmem>>
      %dma_start3A_336 = tpu.memref_slice %arg6[%multiple_of3A] : memref<10240xf32, #tpu.memory_space<hbm>> -> memref<320xf32, #tpu.memory_space<hbm>>
      tpu.enqueue_dma source(%dma_start3A_336 : memref<320xf32, #tpu.memory_space<hbm>>) target(%dma_start3A_335 : memref<320xf32, #tpu.memory_space<vmem>>) target_semaphore(%run_scoped3A_330 : memref<!tpu.dma_semaphore, #tpu.memory_space<semaphore_mem>>)
      %dma_wait3A = arith.constant 0 : i32
      %dma_wait3A_337 = tpu.memref_slice %arg14[%dma_wait3A] : memref<336xf32, #tpu.memory_space<vmem>> -> memref<320xf32, #tpu.memory_space<vmem>>
      %dma_wait3A_338 = tpu.memref_slice %arg6[%multiple_of3A] : memref<10240xf32, #tpu.memory_space<hbm>> -> memref<320xf32, #tpu.memory_space<hbm>>
      %dma_wait3A_339 = arith.constant 0 : i32
      %dma_wait3A_340 = tpu.memref_slice %arg14[%dma_wait3A_339] : memref<336xf32, #tpu.memory_space<vmem>> -> memref<320xf32, #tpu.memory_space<vmem>>
      %dma_wait3A_341 = tpu.memref_slice %arg6[%multiple_of3A] : memref<10240xf32, #tpu.memory_space<hbm>> -> memref<320xf32, #tpu.memory_space<hbm>>
      tpu.wait_dma2 semaphore(%run_scoped3A_330 : memref<!tpu.dma_semaphore, #tpu.memory_space<semaphore_mem>>) src(%dma_wait3A_341 : memref<320xf32, #tpu.memory_space<hbm>>) dst(%dma_wait3A_340 : memref<320xf32, #tpu.memory_space<vmem>>)
      tpu.yield
    }) : () -> ()
    %broadcast_in_dim3A = arith.constant 0.000000e+00 : f32
    %broadcast_in_dim3A_3 = vector.broadcast %broadcast_in_dim3A : f32 to vector<16xf32>
    %swap3A = arith.constant 0 : i32
    %swap3A_4 = arith.constant 512 : i32
    %swap3A_5 = arith.index_cast %swap3A : i32 to index
    %swap3A_6 = arith.index_cast %swap3A_4 : i32 to index
    %swap3A_7 = arith.constant 0 : index
    %swap3A_8 = tpu.vector_load %arg9[%swap3A_5, %swap3A_6, %swap3A_7] {strides = array<i32>} : memref<2x528x16xf32, #tpu.memory_space<vmem>>, vector<16xf32>,
    tpu.vector_store %arg9[%swap3A_5, %swap3A_6, %swap3A_7], %broadcast_in_dim3A_3 {strides = array<i32>} : memref<2x528x16xf32, #tpu.memory_space<vmem>>, vector<16xf32>,
    %swap3A_9 = arith.constant 1 : i32
    %swap3A_10 = arith.constant 512 : i32
    %swap3A_11 = arith.index_cast %swap3A_9 : i32 to index
    %swap3A_12 = arith.index_cast %swap3A_10 : i32 to index
    %swap3A_13 = arith.constant 0 : index
    %swap3A_14 = tpu.vector_load %arg9[%swap3A_11, %swap3A_12, %swap3A_13] {strides = array<i32>} : memref<2x528x16xf32, #tpu.memory_space<vmem>>, vector<16xf32>,
    tpu.vector_store %arg9[%swap3A_11, %swap3A_12, %swap3A_13], %broadcast_in_dim3A_3 {strides = array<i32>} : memref<2x528x16xf32, #tpu.memory_space<vmem>>, vector<16xf32>,
    %swap3A_15 = arith.constant 512 : i32
    %swap3A_16 = arith.index_cast %swap3A_15 : i32 to index
    %swap3A_17 = arith.constant 0 : index
    %swap3A_18 = tpu.vector_load %arg12[%swap3A_16, %swap3A_17] {strides = array<i32>} : memref<528x16xf32, #tpu.memory_space<vmem>>, vector<16xf32>,
    tpu.vector_store %arg12[%swap3A_16, %swap3A_17], %broadcast_in_dim3A_3 {strides = array<i32>} : memref<528x16xf32, #tpu.memory_space<vmem>>, vector<16xf32>,
    %swap3A_19 = arith.constant 0 : i32
    %swap3A_20 = arith.constant 513 : i32
    %swap3A_21 = arith.index_cast %swap3A_19 : i32 to index
    %swap3A_22 = arith.index_cast %swap3A_20 : i32 to index
    %swap3A_23 = arith.constant 0 : index
    %swap3A_24 = tpu.vector_load %arg9[%swap3A_21, %swap3A_22, %swap3A_23] {strides = array<i32>} : memref<2x528x16xf32, #tpu.memory_space<vmem>>, vector<16xf32>,
    tpu.vector_store %arg9[%swap3A_21, %swap3A_22, %swap3A_23], %broadcast_in_dim3A_3 {strides = array<i32>} : memref<2x528x16xf32, #tpu.memory_space<vmem>>, vector<16xf32>,
    %swap3A_25 = arith.constant 1 : i32
    %swap3A_26 = arith.constant 513 : i32
    %swap3A_27 = arith.index_cast %swap3A_25 : i32 to index
    %swap3A_28 = arith.index_cast %swap3A_26 : i32 to index
    %swap3A_29 = arith.constant 0 : index
    %swap3A_30 = tpu.vector_load %arg9[%swap3A_27, %swap3A_28, %swap3A_29] {strides = array<i32>} : memref<2x528x16xf32, #tpu.memory_space<vmem>>, vector<16xf32>,
    tpu.vector_store %arg9[%swap3A_27, %swap3A_28, %swap3A_29], %broadcast_in_dim3A_3 {strides = array<i32>} : memref<2x528x16xf32, #tpu.memory_space<vmem>>, vector<16xf32>,
    %swap3A_31 = arith.constant 513 : i32
    %swap3A_32 = arith.index_cast %swap3A_31 : i32 to index
    %swap3A_33 = arith.constant 0 : index
    %swap3A_34 = tpu.vector_load %arg12[%swap3A_32, %swap3A_33] {strides = array<i32>} : memref<528x16xf32, #tpu.memory_space<vmem>>, vector<16xf32>,
    tpu.vector_store %arg12[%swap3A_32, %swap3A_33], %broadcast_in_dim3A_3 {strides = array<i32>} : memref<528x16xf32, #tpu.memory_space<vmem>>, vector<16xf32>,
    %swap3A_35 = arith.constant 0 : i32
    %swap3A_36 = arith.constant 514 : i32
    %swap3A_37 = arith.index_cast %swap3A_35 : i32 to index
    %swap3A_38 = arith.index_cast %swap3A_36 : i32 to index
    %swap3A_39 = arith.constant 0 : index
    %swap3A_40 = tpu.vector_load %arg9[%swap3A_37, %swap3A_38, %swap3A_39] {strides = array<i32>} : memref<2x528x16xf32, #tpu.memory_space<vmem>>, vector<16xf32>,
    tpu.vector_store %arg9[%swap3A_37, %swap3A_38, %swap3A_39], %broadcast_in_dim3A_3 {strides = array<i32>} : memref<2x528x16xf32, #tpu.memory_space<vmem>>, vector<16xf32>,
    %swap3A_41 = arith.constant 1 : i32
    %swap3A_42 = arith.constant 514 : i32
    %swap3A_43 = arith.index_cast %swap3A_41 : i32 to index
    %swap3A_44 = arith.index_cast %swap3A_42 : i32 to index
    %swap3A_45 = arith.constant 0 : index
    %swap3A_46 = tpu.vector_load %arg9[%swap3A_43, %swap3A_44, %swap3A_45] {strides = array<i32>} : memref<2x528x16xf32, #tpu.memory_space<vmem>>, vector<16xf32>,
    tpu.vector_store %arg9[%swap3A_43, %swap3A_44, %swap3A_45], %broadcast_in_dim3A_3 {strides = array<i32>} : memref<2x528x16xf32, #tpu.memory_space<vmem>>, vector<16xf32>,
    %swap3A_47 = arith.constant 514 : i32
    %swap3A_48 = arith.index_cast %swap3A_47 : i32 to index
    %swap3A_49 = arith.constant 0 : index
    %swap3A_50 = tpu.vector_load %arg12[%swap3A_48, %swap3A_49] {strides = array<i32>} : memref<528x16xf32, #tpu.memory_space<vmem>>, vector<16xf32>,
    tpu.vector_store %arg12[%swap3A_48, %swap3A_49], %broadcast_in_dim3A_3 {strides = array<i32>} : memref<528x16xf32, #tpu.memory_space<vmem>>, vector<16xf32>,
    %swap3A_51 = arith.constant 0 : i32
    %swap3A_52 = arith.constant 515 : i32
    %swap3A_53 = arith.index_cast %swap3A_51 : i32 to index
    %swap3A_54 = arith.index_cast %swap3A_52 : i32 to index
    %swap3A_55 = arith.constant 0 : index
    %swap3A_56 = tpu.vector_load %arg9[%swap3A_53, %swap3A_54, %swap3A_55] {strides = array<i32>} : memref<2x528x16xf32, #tpu.memory_space<vmem>>, vector<16xf32>,
    tpu.vector_store %arg9[%swap3A_53, %swap3A_54, %swap3A_55], %broadcast_in_dim3A_3 {strides = array<i32>} : memref<2x528x16xf32, #tpu.memory_space<vmem>>, vector<16xf32>,
    %swap3A_57 = arith.constant 1 : i32
    %swap3A_58 = arith.constant 515 : i32
    %swap3A_59 = arith.index_cast %swap3A_57 : i32 to index
    %swap3A_60 = arith.index_cast %swap3A_58 : i32 to index
    %swap3A_61 = arith.constant 0 : index
    %swap3A_62 = tpu.vector_load %arg9[%swap3A_59, %swap3A_60, %swap3A_61] {strides = array<i32>} : memref<2x528x16xf32, #tpu.memory_space<vmem>>, vector<16xf32>,
    tpu.vector_store %arg9[%swap3A_59, %swap3A_60, %swap3A_61], %broadcast_in_dim3A_3 {strides = array<i32>} : memref<2x528x16xf32, #tpu.memory_space<vmem>>, vector<16xf32>,
    %swap3A_63 = arith.constant 515 : i32
    %swap3A_64 = arith.index_cast %swap3A_63 : i32 to index
    %swap3A_65 = arith.constant 0 : index
    %swap3A_66 = tpu.vector_load %arg12[%swap3A_64, %swap3A_65] {strides = array<i32>} : memref<528x16xf32, #tpu.memory_space<vmem>>, vector<16xf32>,
    tpu.vector_store %arg12[%swap3A_64, %swap3A_65], %broadcast_in_dim3A_3 {strides = array<i32>} : memref<528x16xf32, #tpu.memory_space<vmem>>, vector<16xf32>,
    %swap3A_67 = arith.constant 0 : i32
    %swap3A_68 = arith.constant 516 : i32
    %swap3A_69 = arith.index_cast %swap3A_67 : i32 to index
    %swap3A_70 = arith.index_cast %swap3A_68 : i32 to index
    %swap3A_71 = arith.constant 0 : index
    %swap3A_72 = tpu.vector_load %arg9[%swap3A_69, %swap3A_70, %swap3A_71] {strides = array<i32>} : memref<2x528x16xf32, #tpu.memory_space<vmem>>, vector<16xf32>,
    tpu.vector_store %arg9[%swap3A_69, %swap3A_70, %swap3A_71], %broadcast_in_dim3A_3 {strides = array<i32>} : memref<2x528x16xf32, #tpu.memory_space<vmem>>, vector<16xf32>,
    %swap3A_73 = arith.constant 1 : i32
    %swap3A_74 = arith.constant 516 : i32
    %swap3A_75 = arith.index_cast %swap3A_73 : i32 to index
    %swap3A_76 = arith.index_cast %swap3A_74 : i32 to index
    %swap3A_77 = arith.constant 0 : index
    %swap3A_78 = tpu.vector_load %arg9[%swap3A_75, %swap3A_76, %swap3A_77] {strides = array<i32>} : memref<2x528x16xf32, #tpu.memory_space<vmem>>, vector<16xf32>,
    tpu.vector_store %arg9[%swap3A_75, %swap3A_76, %swap3A_77], %broadcast_in_dim3A_3 {strides = array<i32>} : memref<2x528x16xf32, #tpu.memory_space<vmem>>, vector<16xf32>,
    %swap3A_79 = arith.constant 516 : i32
    %swap3A_80 = arith.index_cast %swap3A_79 : i32 to index
    %swap3A_81 = arith.constant 0 : index
    %swap3A_82 = tpu.vector_load %arg12[%swap3A_80, %swap3A_81] {strides = array<i32>} : memref<528x16xf32, #tpu.memory_space<vmem>>, vector<16xf32>,
    tpu.vector_store %arg12[%swap3A_80, %swap3A_81], %broadcast_in_dim3A_3 {strides = array<i32>} : memref<528x16xf32, #tpu.memory_space<vmem>>, vector<16xf32>,
    %swap3A_83 = arith.constant 0 : i32
    %swap3A_84 = arith.constant 517 : i32
    %swap3A_85 = arith.index_cast %swap3A_83 : i32 to index
    %swap3A_86 = arith.index_cast %swap3A_84 : i32 to index
    %swap3A_87 = arith.constant 0 : index
    %swap3A_88 = tpu.vector_load %arg9[%swap3A_85, %swap3A_86, %swap3A_87] {strides = array<i32>} : memref<2x528x16xf32, #tpu.memory_space<vmem>>, vector<16xf32>,
    tpu.vector_store %arg9[%swap3A_85, %swap3A_86, %swap3A_87], %broadcast_in_dim3A_3 {strides = array<i32>} : memref<2x528x16xf32, #tpu.memory_space<vmem>>, vector<16xf32>,
    %swap3A_89 = arith.constant 1 : i32
    %swap3A_90 = arith.constant 517 : i32
    %swap3A_91 = arith.index_cast %swap3A_89 : i32 to index
    %swap3A_92 = arith.index_cast %swap3A_90 : i32 to index
    %swap3A_93 = arith.constant 0 : index
    %swap3A_94 = tpu.vector_load %arg9[%swap3A_91, %swap3A_92, %swap3A_93] {strides = array<i32>} : memref<2x528x16xf32, #tpu.memory_space<vmem>>, vector<16xf32>,
    tpu.vector_store %arg9[%swap3A_91, %swap3A_92, %swap3A_93], %broadcast_in_dim3A_3 {strides = array<i32>} : memref<2x528x16xf32, #tpu.memory_space<vmem>>, vector<16xf32>,
    %swap3A_95 = arith.constant 517 : i32
    %swap3A_96 = arith.index_cast %swap3A_95 : i32 to index
    %swap3A_97 = arith.constant 0 : index
    %swap3A_98 = tpu.vector_load %arg12[%swap3A_96, %swap3A_97] {strides = array<i32>} : memref<528x16xf32, #tpu.memory_space<vmem>>, vector<16xf32>,
    tpu.vector_store %arg12[%swap3A_96, %swap3A_97], %broadcast_in_dim3A_3 {strides = array<i32>} : memref<528x16xf32, #tpu.memory_space<vmem>>, vector<16xf32>,
    %swap3A_99 = arith.constant 0 : i32
    %swap3A_100 = arith.constant 518 : i32
    %swap3A_101 = arith.index_cast %swap3A_99 : i32 to index
    %swap3A_102 = arith.index_cast %swap3A_100 : i32 to index
    %swap3A_103 = arith.constant 0 : index
    %swap3A_104 = tpu.vector_load %arg9[%swap3A_101, %swap3A_102, %swap3A_103] {strides = array<i32>} : memref<2x528x16xf32, #tpu.memory_space<vmem>>, vector<16xf32>,
    tpu.vector_store %arg9[%swap3A_101, %swap3A_102, %swap3A_103], %broadcast_in_dim3A_3 {strides = array<i32>} : memref<2x528x16xf32, #tpu.memory_space<vmem>>, vector<16xf32>,
    %swap3A_105 = arith.constant 1 : i32
    %swap3A_106 = arith.constant 518 : i32
    %swap3A_107 = arith.index_cast %swap3A_105 : i32 to index
    %swap3A_108 = arith.index_cast %swap3A_106 : i32 to index
    %swap3A_109 = arith.constant 0 : index
    %swap3A_110 = tpu.vector_load %arg9[%swap3A_107, %swap3A_108, %swap3A_109] {strides = array<i32>} : memref<2x528x16xf32, #tpu.memory_space<vmem>>, vector<16xf32>,
    tpu.vector_store %arg9[%swap3A_107, %swap3A_108, %swap3A_109], %broadcast_in_dim3A_3 {strides = array<i32>} : memref<2x528x16xf32, #tpu.memory_space<vmem>>, vector<16xf32>,
    %swap3A_111 = arith.constant 518 : i32
    %swap3A_112 = arith.index_cast %swap3A_111 : i32 to index
    %swap3A_113 = arith.constant 0 : index
    %swap3A_114 = tpu.vector_load %arg12[%swap3A_112, %swap3A_113] {strides = array<i32>} : memref<528x16xf32, #tpu.memory_space<vmem>>, vector<16xf32>,
    tpu.vector_store %arg12[%swap3A_112, %swap3A_113], %broadcast_in_dim3A_3 {strides = array<i32>} : memref<528x16xf32, #tpu.memory_space<vmem>>, vector<16xf32>,
    %swap3A_115 = arith.constant 0 : i32
    %swap3A_116 = arith.constant 519 : i32
    %swap3A_117 = arith.index_cast %swap3A_115 : i32 to index
    %swap3A_118 = arith.index_cast %swap3A_116 : i32 to index
    %swap3A_119 = arith.constant 0 : index
    %swap3A_120 = tpu.vector_load %arg9[%swap3A_117, %swap3A_118, %swap3A_119] {strides = array<i32>} : memref<2x528x16xf32, #tpu.memory_space<vmem>>, vector<16xf32>,
    tpu.vector_store %arg9[%swap3A_117, %swap3A_118, %swap3A_119], %broadcast_in_dim3A_3 {strides = array<i32>} : memref<2x528x16xf32, #tpu.memory_space<vmem>>, vector<16xf32>,
    %swap3A_121 = arith.constant 1 : i32
    %swap3A_122 = arith.constant 519 : i32
    %swap3A_123 = arith.index_cast %swap3A_121 : i32 to index
    %swap3A_124 = arith.index_cast %swap3A_122 : i32 to index
    %swap3A_125 = arith.constant 0 : index
    %swap3A_126 = tpu.vector_load %arg9[%swap3A_123, %swap3A_124, %swap3A_125] {strides = array<i32>} : memref<2x528x16xf32, #tpu.memory_space<vmem>>, vector<16xf32>,
    tpu.vector_store %arg9[%swap3A_123, %swap3A_124, %swap3A_125], %broadcast_in_dim3A_3 {strides = array<i32>} : memref<2x528x16xf32, #tpu.memory_space<vmem>>, vector<16xf32>,
    %swap3A_127 = arith.constant 519 : i32
    %swap3A_128 = arith.index_cast %swap3A_127 : i32 to index
    %swap3A_129 = arith.constant 0 : index
    %swap3A_130 = tpu.vector_load %arg12[%swap3A_128, %swap3A_129] {strides = array<i32>} : memref<528x16xf32, #tpu.memory_space<vmem>>, vector<16xf32>,
    tpu.vector_store %arg12[%swap3A_128, %swap3A_129], %broadcast_in_dim3A_3 {strides = array<i32>} : memref<528x16xf32, #tpu.memory_space<vmem>>, vector<16xf32>,
    %swap3A_131 = arith.constant 0 : i32
    %swap3A_132 = arith.constant 520 : i32
    %swap3A_133 = arith.index_cast %swap3A_131 : i32 to index
    %swap3A_134 = arith.index_cast %swap3A_132 : i32 to index
    %swap3A_135 = arith.constant 0 : index
    %swap3A_136 = tpu.vector_load %arg9[%swap3A_133, %swap3A_134, %swap3A_135] {strides = array<i32>} : memref<2x528x16xf32, #tpu.memory_space<vmem>>, vector<16xf32>,
    tpu.vector_store %arg9[%swap3A_133, %swap3A_134, %swap3A_135], %broadcast_in_dim3A_3 {strides = array<i32>} : memref<2x528x16xf32, #tpu.memory_space<vmem>>, vector<16xf32>,
    %swap3A_137 = arith.constant 1 : i32
    %swap3A_138 = arith.constant 520 : i32
    %swap3A_139 = arith.index_cast %swap3A_137 : i32 to index
    %swap3A_140 = arith.index_cast %swap3A_138 : i32 to index
    %swap3A_141 = arith.constant 0 : index
    %swap3A_142 = tpu.vector_load %arg9[%swap3A_139, %swap3A_140, %swap3A_141] {strides = array<i32>} : memref<2x528x16xf32, #tpu.memory_space<vmem>>, vector<16xf32>,
    tpu.vector_store %arg9[%swap3A_139, %swap3A_140, %swap3A_141], %broadcast_in_dim3A_3 {strides = array<i32>} : memref<2x528x16xf32, #tpu.memory_space<vmem>>, vector<16xf32>,
    %swap3A_143 = arith.constant 520 : i32
    %swap3A_144 = arith.index_cast %swap3A_143 : i32 to index
    %swap3A_145 = arith.constant 0 : index
    %swap3A_146 = tpu.vector_load %arg12[%swap3A_144, %swap3A_145] {strides = array<i32>} : memref<528x16xf32, #tpu.memory_space<vmem>>, vector<16xf32>,
    tpu.vector_store %arg12[%swap3A_144, %swap3A_145], %broadcast_in_dim3A_3 {strides = array<i32>} : memref<528x16xf32, #tpu.memory_space<vmem>>, vector<16xf32>,
    %swap3A_147 = arith.constant 0 : i32
    %swap3A_148 = arith.constant 521 : i32
    %swap3A_149 = arith.index_cast %swap3A_147 : i32 to index
    %swap3A_150 = arith.index_cast %swap3A_148 : i32 to index
    %swap3A_151 = arith.constant 0 : index
    %swap3A_152 = tpu.vector_load %arg9[%swap3A_149, %swap3A_150, %swap3A_151] {strides = array<i32>} : memref<2x528x16xf32, #tpu.memory_space<vmem>>, vector<16xf32>,
    tpu.vector_store %arg9[%swap3A_149, %swap3A_150, %swap3A_151], %broadcast_in_dim3A_3 {strides = array<i32>} : memref<2x528x16xf32, #tpu.memory_space<vmem>>, vector<16xf32>,
    %swap3A_153 = arith.constant 1 : i32
    %swap3A_154 = arith.constant 521 : i32
    %swap3A_155 = arith.index_cast %swap3A_153 : i32 to index
    %swap3A_156 = arith.index_cast %swap3A_154 : i32 to index
    %swap3A_157 = arith.constant 0 : index
    %swap3A_158 = tpu.vector_load %arg9[%swap3A_155, %swap3A_156, %swap3A_157] {strides = array<i32>} : memref<2x528x16xf32, #tpu.memory_space<vmem>>, vector<16xf32>,
    tpu.vector_store %arg9[%swap3A_155, %swap3A_156, %swap3A_157], %broadcast_in_dim3A_3 {strides = array<i32>} : memref<2x528x16xf32, #tpu.memory_space<vmem>>, vector<16xf32>,
    %swap3A_159 = arith.constant 521 : i32
    %swap3A_160 = arith.index_cast %swap3A_159 : i32 to index
    %swap3A_161 = arith.constant 0 : index
    %swap3A_162 = tpu.vector_load %arg12[%swap3A_160, %swap3A_161] {strides = array<i32>} : memref<528x16xf32, #tpu.memory_space<vmem>>, vector<16xf32>,
    tpu.vector_store %arg12[%swap3A_160, %swap3A_161], %broadcast_in_dim3A_3 {strides = array<i32>} : memref<528x16xf32, #tpu.memory_space<vmem>>, vector<16xf32>,
    %swap3A_163 = arith.constant 0 : i32
    %swap3A_164 = arith.constant 522 : i32
    %swap3A_165 = arith.index_cast %swap3A_163 : i32 to index
    %swap3A_166 = arith.index_cast %swap3A_164 : i32 to index
    %swap3A_167 = arith.constant 0 : index
    %swap3A_168 = tpu.vector_load %arg9[%swap3A_165, %swap3A_166, %swap3A_167] {strides = array<i32>} : memref<2x528x16xf32, #tpu.memory_space<vmem>>, vector<16xf32>,
    tpu.vector_store %arg9[%swap3A_165, %swap3A_166, %swap3A_167], %broadcast_in_dim3A_3 {strides = array<i32>} : memref<2x528x16xf32, #tpu.memory_space<vmem>>, vector<16xf32>,
    %swap3A_169 = arith.constant 1 : i32
    %swap3A_170 = arith.constant 522 : i32
    %swap3A_171 = arith.index_cast %swap3A_169 : i32 to index
    %swap3A_172 = arith.index_cast %swap3A_170 : i32 to index
    %swap3A_173 = arith.constant 0 : index
    %swap3A_174 = tpu.vector_load %arg9[%swap3A_171, %swap3A_172, %swap3A_173] {strides = array<i32>} : memref<2x528x16xf32, #tpu.memory_space<vmem>>, vector<16xf32>,
    tpu.vector_store %arg9[%swap3A_171, %swap3A_172, %swap3A_173], %broadcast_in_dim3A_3 {strides = array<i32>} : memref<2x528x16xf32, #tpu.memory_space<vmem>>, vector<16xf32>,
    %swap3A_175 = arith.constant 522 : i32
    %swap3A_176 = arith.index_cast %swap3A_175 : i32 to index
    %swap3A_177 = arith.constant 0 : index
    %swap3A_178 = tpu.vector_load %arg12[%swap3A_176, %swap3A_177] {strides = array<i32>} : memref<528x16xf32, #tpu.memory_space<vmem>>, vector<16xf32>,
    tpu.vector_store %arg12[%swap3A_176, %swap3A_177], %broadcast_in_dim3A_3 {strides = array<i32>} : memref<528x16xf32, #tpu.memory_space<vmem>>, vector<16xf32>,
    %swap3A_179 = arith.constant 0 : i32
    %swap3A_180 = arith.constant 523 : i32
    %swap3A_181 = arith.index_cast %swap3A_179 : i32 to index
    %swap3A_182 = arith.index_cast %swap3A_180 : i32 to index
    %swap3A_183 = arith.constant 0 : index
    %swap3A_184 = tpu.vector_load %arg9[%swap3A_181, %swap3A_182, %swap3A_183] {strides = array<i32>} : memref<2x528x16xf32, #tpu.memory_space<vmem>>, vector<16xf32>,
    tpu.vector_store %arg9[%swap3A_181, %swap3A_182, %swap3A_183], %broadcast_in_dim3A_3 {strides = array<i32>} : memref<2x528x16xf32, #tpu.memory_space<vmem>>, vector<16xf32>,
    %swap3A_185 = arith.constant 1 : i32
    %swap3A_186 = arith.constant 523 : i32
    %swap3A_187 = arith.index_cast %swap3A_185 : i32 to index
    %swap3A_188 = arith.index_cast %swap3A_186 : i32 to index
    %swap3A_189 = arith.constant 0 : index
    %swap3A_190 = tpu.vector_load %arg9[%swap3A_187, %swap3A_188, %swap3A_189] {strides = array<i32>} : memref<2x528x16xf32, #tpu.memory_space<vmem>>, vector<16xf32>,
    tpu.vector_store %arg9[%swap3A_187, %swap3A_188, %swap3A_189], %broadcast_in_dim3A_3 {strides = array<i32>} : memref<2x528x16xf32, #tpu.memory_space<vmem>>, vector<16xf32>,
    %swap3A_191 = arith.constant 523 : i32
    %swap3A_192 = arith.index_cast %swap3A_191 : i32 to index
    %swap3A_193 = arith.constant 0 : index
    %swap3A_194 = tpu.vector_load %arg12[%swap3A_192, %swap3A_193] {strides = array<i32>} : memref<528x16xf32, #tpu.memory_space<vmem>>, vector<16xf32>,
    tpu.vector_store %arg12[%swap3A_192, %swap3A_193], %broadcast_in_dim3A_3 {strides = array<i32>} : memref<528x16xf32, #tpu.memory_space<vmem>>, vector<16xf32>,
    %swap3A_195 = arith.constant 0 : i32
    %swap3A_196 = arith.constant 524 : i32
    %swap3A_197 = arith.index_cast %swap3A_195 : i32 to index
    %swap3A_198 = arith.index_cast %swap3A_196 : i32 to index
    %swap3A_199 = arith.constant 0 : index
    %swap3A_200 = tpu.vector_load %arg9[%swap3A_197, %swap3A_198, %swap3A_199] {strides = array<i32>} : memref<2x528x16xf32, #tpu.memory_space<vmem>>, vector<16xf32>,
    tpu.vector_store %arg9[%swap3A_197, %swap3A_198, %swap3A_199], %broadcast_in_dim3A_3 {strides = array<i32>} : memref<2x528x16xf32, #tpu.memory_space<vmem>>, vector<16xf32>,
    %swap3A_201 = arith.constant 1 : i32
    %swap3A_202 = arith.constant 524 : i32
    %swap3A_203 = arith.index_cast %swap3A_201 : i32 to index
    %swap3A_204 = arith.index_cast %swap3A_202 : i32 to index
    %swap3A_205 = arith.constant 0 : index
    %swap3A_206 = tpu.vector_load %arg9[%swap3A_203, %swap3A_204, %swap3A_205] {strides = array<i32>} : memref<2x528x16xf32, #tpu.memory_space<vmem>>, vector<16xf32>,
    tpu.vector_store %arg9[%swap3A_203, %swap3A_204, %swap3A_205], %broadcast_in_dim3A_3 {strides = array<i32>} : memref<2x528x16xf32, #tpu.memory_space<vmem>>, vector<16xf32>,
    %swap3A_207 = arith.constant 524 : i32
    %swap3A_208 = arith.index_cast %swap3A_207 : i32 to index
    %swap3A_209 = arith.constant 0 : index
    %swap3A_210 = tpu.vector_load %arg12[%swap3A_208, %swap3A_209] {strides = array<i32>} : memref<528x16xf32, #tpu.memory_space<vmem>>, vector<16xf32>,
    tpu.vector_store %arg12[%swap3A_208, %swap3A_209], %broadcast_in_dim3A_3 {strides = array<i32>} : memref<528x16xf32, #tpu.memory_space<vmem>>, vector<16xf32>,
    %swap3A_211 = arith.constant 0 : i32
    %swap3A_212 = arith.constant 525 : i32
    %swap3A_213 = arith.index_cast %swap3A_211 : i32 to index
    %swap3A_214 = arith.index_cast %swap3A_212 : i32 to index
    %swap3A_215 = arith.constant 0 : index
    %swap3A_216 = tpu.vector_load %arg9[%swap3A_213, %swap3A_214, %swap3A_215] {strides = array<i32>} : memref<2x528x16xf32, #tpu.memory_space<vmem>>, vector<16xf32>,
    tpu.vector_store %arg9[%swap3A_213, %swap3A_214, %swap3A_215], %broadcast_in_dim3A_3 {strides = array<i32>} : memref<2x528x16xf32, #tpu.memory_space<vmem>>, vector<16xf32>,
    %swap3A_217 = arith.constant 1 : i32
    %swap3A_218 = arith.constant 525 : i32
    %swap3A_219 = arith.index_cast %swap3A_217 : i32 to index
    %swap3A_220 = arith.index_cast %swap3A_218 : i32 to index
    %swap3A_221 = arith.constant 0 : index
    %swap3A_222 = tpu.vector_load %arg9[%swap3A_219, %swap3A_220, %swap3A_221] {strides = array<i32>} : memref<2x528x16xf32, #tpu.memory_space<vmem>>, vector<16xf32>,
    tpu.vector_store %arg9[%swap3A_219, %swap3A_220, %swap3A_221], %broadcast_in_dim3A_3 {strides = array<i32>} : memref<2x528x16xf32, #tpu.memory_space<vmem>>, vector<16xf32>,
    %swap3A_223 = arith.constant 525 : i32
    %swap3A_224 = arith.index_cast %swap3A_223 : i32 to index
    %swap3A_225 = arith.constant 0 : index
    %swap3A_226 = tpu.vector_load %arg12[%swap3A_224, %swap3A_225] {strides = array<i32>} : memref<528x16xf32, #tpu.memory_space<vmem>>, vector<16xf32>,
    tpu.vector_store %arg12[%swap3A_224, %swap3A_225], %broadcast_in_dim3A_3 {strides = array<i32>} : memref<528x16xf32, #tpu.memory_space<vmem>>, vector<16xf32>,
    %swap3A_227 = arith.constant 0 : i32
    %swap3A_228 = arith.constant 526 : i32
    %swap3A_229 = arith.index_cast %swap3A_227 : i32 to index
    %swap3A_230 = arith.index_cast %swap3A_228 : i32 to index
    %swap3A_231 = arith.constant 0 : index
    %swap3A_232 = tpu.vector_load %arg9[%swap3A_229, %swap3A_230, %swap3A_231] {strides = array<i32>} : memref<2x528x16xf32, #tpu.memory_space<vmem>>, vector<16xf32>,
    tpu.vector_store %arg9[%swap3A_229, %swap3A_230, %swap3A_231], %broadcast_in_dim3A_3 {strides = array<i32>} : memref<2x528x16xf32, #tpu.memory_space<vmem>>, vector<16xf32>,
    %swap3A_233 = arith.constant 1 : i32
    %swap3A_234 = arith.constant 526 : i32
    %swap3A_235 = arith.index_cast %swap3A_233 : i32 to index
    %swap3A_236 = arith.index_cast %swap3A_234 : i32 to index
    %swap3A_237 = arith.constant 0 : index
    %swap3A_238 = tpu.vector_load %arg9[%swap3A_235, %swap3A_236, %swap3A_237] {strides = array<i32>} : memref<2x528x16xf32, #tpu.memory_space<vmem>>, vector<16xf32>,
    tpu.vector_store %arg9[%swap3A_235, %swap3A_236, %swap3A_237], %broadcast_in_dim3A_3 {strides = array<i32>} : memref<2x528x16xf32, #tpu.memory_space<vmem>>, vector<16xf32>,
    %swap3A_239 = arith.constant 526 : i32
    %swap3A_240 = arith.index_cast %swap3A_239 : i32 to index
    %swap3A_241 = arith.constant 0 : index
    %swap3A_242 = tpu.vector_load %arg12[%swap3A_240, %swap3A_241] {strides = array<i32>} : memref<528x16xf32, #tpu.memory_space<vmem>>, vector<16xf32>,
    tpu.vector_store %arg12[%swap3A_240, %swap3A_241], %broadcast_in_dim3A_3 {strides = array<i32>} : memref<528x16xf32, #tpu.memory_space<vmem>>, vector<16xf32>,
    %swap3A_243 = arith.constant 0 : i32
    %swap3A_244 = arith.constant 527 : i32
    %swap3A_245 = arith.index_cast %swap3A_243 : i32 to index
    %swap3A_246 = arith.index_cast %swap3A_244 : i32 to index
    %swap3A_247 = arith.constant 0 : index
    %swap3A_248 = tpu.vector_load %arg9[%swap3A_245, %swap3A_246, %swap3A_247] {strides = array<i32>} : memref<2x528x16xf32, #tpu.memory_space<vmem>>, vector<16xf32>,
    tpu.vector_store %arg9[%swap3A_245, %swap3A_246, %swap3A_247], %broadcast_in_dim3A_3 {strides = array<i32>} : memref<2x528x16xf32, #tpu.memory_space<vmem>>, vector<16xf32>,
    %swap3A_249 = arith.constant 1 : i32
    %swap3A_250 = arith.constant 527 : i32
    %swap3A_251 = arith.index_cast %swap3A_249 : i32 to index
    %swap3A_252 = arith.index_cast %swap3A_250 : i32 to index
    %swap3A_253 = arith.constant 0 : index
    %swap3A_254 = tpu.vector_load %arg9[%swap3A_251, %swap3A_252, %swap3A_253] {strides = array<i32>} : memref<2x528x16xf32, #tpu.memory_space<vmem>>, vector<16xf32>,
    tpu.vector_store %arg9[%swap3A_251, %swap3A_252, %swap3A_253], %broadcast_in_dim3A_3 {strides = array<i32>} : memref<2x528x16xf32, #tpu.memory_space<vmem>>, vector<16xf32>,
    %swap3A_255 = arith.constant 527 : i32
    %swap3A_256 = arith.index_cast %swap3A_255 : i32 to index
    %swap3A_257 = arith.constant 0 : index
    %swap3A_258 = tpu.vector_load %arg12[%swap3A_256, %swap3A_257] {strides = array<i32>} : memref<528x16xf32, #tpu.memory_space<vmem>>, vector<16xf32>,
    tpu.vector_store %arg12[%swap3A_256, %swap3A_257], %broadcast_in_dim3A_3 {strides = array<i32>} : memref<528x16xf32, #tpu.memory_space<vmem>>, vector<16xf32>,
    %iota3A = tpu.iota {dimensions = array<i32: 0>} : vector<16xi32>
    %get3A = arith.constant 0 : index
    %get3A_259 = tpu.vector_load %arg13[%get3A] {strides = array<i32>} : memref<344xi32, #tpu.memory_space<vmem>>, vector<16xi32>,
    %slice3A = vector.extract_strided_slice %get3A_259 {offsets = [0], sizes = [1], strides = [1]} : vector<16xi32> to vector<1xi32>
    %squeeze3A = vector.extract %slice3A[0] : i32 from vector<1xi32>
    %slice3A_260 = vector.extract_strided_slice %get3A_259 {offsets = [1], sizes = [1], strides = [1]} : vector<16xi32> to vector<1xi32>
    %squeeze3A_261 = vector.extract %slice3A_260[0] : i32 from vector<1xi32>
    %slice3A_262 = vector.extract_strided_slice %get3A_259 {offsets = [2], sizes = [1], strides = [1]} : vector<16xi32> to vector<1xi32>
    %squeeze3A_263 = vector.extract %slice3A_262[0] : i32 from vector<1xi32>
    %slice3A_264 = vector.extract_strided_slice %get3A_259 {offsets = [3], sizes = [1], strides = [1]} : vector<16xi32> to vector<1xi32>
    %squeeze3A_265 = vector.extract %slice3A_264[0] : i32 from vector<1xi32>
    %rem3A = arith.constant 8 : i32
    %rem3A_266 = arith.remsi %squeeze3A, %rem3A : i32
    %sub3A = arith.subi %squeeze3A, %rem3A_266 : i32
    %multiple_of3A_267 = tpu.assume_multiple %sub3A, 8 : i32
    %rem3A_268 = arith.constant 8 : i32
    %rem3A_269 = arith.remsi %squeeze3A_261, %rem3A_268 : i32
    %sub3A_270 = arith.subi %squeeze3A_261, %rem3A_269 : i32
    %multiple_of3A_271 = tpu.assume_multiple %sub3A_270, 8 : i32
    %run_scoped3A = arith.constant 0 : i32
    "tpu.region"() ({
      %run_scoped3A_330 = tpu.sem_alloc : memref<!tpu.dma_semaphore, #tpu.memory_space<semaphore_mem>>
      %dma_start3A_331 = arith.constant 0 : i32
      %dma_start3A_332 = tpu.memref_slice %arg8[%run_scoped3A, %dma_start3A_331] : memref<2x512xi32, #tpu.memory_space<vmem>> -> memref<1x512xi32, #tpu.memory_space<vmem>>
      %dma_start3A_333 = tpu.memref_squeeze %dma_start3A_332 : memref<1x512xi32, #tpu.memory_space<vmem>> -> memref<512xi32, #tpu.memory_space<vmem>>
      %dma_start3A_334 = tpu.memref_slice %arg3[%multiple_of3A_267] : memref<3200520xi32, #tpu.memory_space<hbm>> -> memref<512xi32, #tpu.memory_space<hbm>>
      %dma_start3A_335 = arith.constant 0 : i32
      %dma_start3A_336 = tpu.memref_slice %arg8[%run_scoped3A, %dma_start3A_335] : memref<2x512xi32, #tpu.memory_space<vmem>> -> memref<1x512xi32, #tpu.memory_space<vmem>>
      %dma_start3A_337 = tpu.memref_squeeze %dma_start3A_336 : memref<1x512xi32, #tpu.memory_space<vmem>> -> memref<512xi32, #tpu.memory_space<vmem>>
      %dma_start3A_338 = tpu.memref_slice %arg3[%multiple_of3A_267] : memref<3200520xi32, #tpu.memory_space<hbm>> -> memref<512xi32, #tpu.memory_space<hbm>>
      tpu.enqueue_dma source(%dma_start3A_338 : memref<512xi32, #tpu.memory_space<hbm>>) target(%dma_start3A_337 : memref<512xi32, #tpu.memory_space<vmem>>) target_semaphore(%run_scoped3A_330 : memref<!tpu.dma_semaphore, #tpu.memory_space<semaphore_mem>>)
      %dma_wait3A = arith.constant 0 : i32
      %dma_wait3A_339 = tpu.memref_slice %arg8[%run_scoped3A, %dma_wait3A] : memref<2x512xi32, #tpu.memory_space<vmem>> -> memref<1x512xi32, #tpu.memory_space<vmem>>
      %dma_wait3A_340 = tpu.memref_squeeze %dma_wait3A_339 : memref<1x512xi32, #tpu.memory_space<vmem>> -> memref<512xi32, #tpu.memory_space<vmem>>
      %dma_wait3A_341 = tpu.memref_slice %arg3[%multiple_of3A_267] : memref<3200520xi32, #tpu.memory_space<hbm>> -> memref<512xi32, #tpu.memory_space<hbm>>
      %dma_wait3A_342 = arith.constant 0 : i32
      %dma_wait3A_343 = tpu.memref_slice %arg8[%run_scoped3A, %dma_wait3A_342] : memref<2x512xi32, #tpu.memory_space<vmem>> -> memref<1x512xi32, #tpu.memory_space<vmem>>
      %dma_wait3A_344 = tpu.memref_squeeze %dma_wait3A_343 : memref<1x512xi32, #tpu.memory_space<vmem>> -> memref<512xi32, #tpu.memory_space<vmem>>
      %dma_wait3A_345 = tpu.memref_slice %arg3[%multiple_of3A_267] : memref<3200520xi32, #tpu.memory_space<hbm>> -> memref<512xi32, #tpu.memory_space<hbm>>
      tpu.wait_dma2 semaphore(%run_scoped3A_330 : memref<!tpu.dma_semaphore, #tpu.memory_space<semaphore_mem>>) src(%dma_wait3A_345 : memref<512xi32, #tpu.memory_space<hbm>>) dst(%dma_wait3A_344 : memref<512xi32, #tpu.memory_space<vmem>>)
      tpu.yield
    }) : () -> ()
    %add3A_272 = arith.constant 0 : i32
    %add3A_273 = arith.addi %multiple_of3A_267, %add3A_272 : i32
    %add3A_274 = arith.constant 15 : i32
    %add3A_275 = arith.addi %squeeze3A_261, %add3A_274 : i32
    %lt3A = arith.cmpi slt, %add3A_273, %add3A_275 : i32
    %convert_element_type3A = arith.extui %lt3A : i1 to i32
    %cond3A = arith.constant 0 : i32
    %cond3A_276 = arith.cmpi ne, %convert_element_type3A, %cond3A : i32
    scf.if %cond3A_276 {
      %dma_start3A_330 = arith.constant 0 : i32
      %dma_start3A_331 = arith.constant 0 : i32
      %dma_start3A_332 = arith.constant 0 : i32
      %dma_start3A_333 = arith.constant 0 : i32
      %dma_start3A_334 = tpu.memref_slice %arg9[%dma_start3A_331, %dma_start3A_332, %dma_start3A_333] : memref<2x528x16xf32, #tpu.memory_space<vmem>> -> memref<1x128x16xf32, #tpu.memory_space<vmem>>
      %dma_start3A_335 = tpu.memref_squeeze %dma_start3A_334 : memref<1x128x16xf32, #tpu.memory_space<vmem>> -> memref<128x16xf32, #tpu.memory_space<vmem>>
      %dma_start3A_336 = arith.constant 0 : i32
      %dma_start3A_337 = tpu.memref_slice %arg8[%dma_start3A_330, %dma_start3A_336] : memref<2x512xi32, #tpu.memory_space<vmem>> -> memref<1x128xi32, #tpu.memory_space<vmem>>
      %dma_start3A_338 = tpu.memref_squeeze %dma_start3A_337 : memref<1x128xi32, #tpu.memory_space<vmem>> -> memref<128xi32, #tpu.memory_space<vmem>>
      %dma_start3A_339 = arith.constant 0 : i32
      %dma_start3A_340 = arith.constant 0 : i32
      %dma_start3A_341 = tpu.memref_slice %arg2[%dma_start3A_339, %dma_start3A_340] : memref<100000x16xf32, #tpu.memory_space<hbm>> -> memref<100000x16xf32, #tpu.memory_space<hbm>>
      tpu.enqueue_indirect_dma source(%dma_start3A_341 : memref<100000x16xf32, #tpu.memory_space<hbm>>) target(%dma_start3A_335 : memref<128x16xf32, #tpu.memory_space<vmem>>) offsets(%dma_start3A_338 : memref<128xi32, #tpu.memory_space<vmem>>) semaphore(%arg16 : memref<!tpu.dma_semaphore, #tpu.memory_space<semaphore_mem>>)
    } else {
    }
    %add3A_277 = arith.constant 128 : i32
    %add3A_278 = arith.addi %multiple_of3A_267, %add3A_277 : i32
    %add3A_279 = arith.constant 15 : i32
    %add3A_280 = arith.addi %squeeze3A_261, %add3A_279 : i32
    %lt3A_281 = arith.cmpi slt, %add3A_278, %add3A_280 : i32
    %convert_element_type3A_282 = arith.extui %lt3A_281 : i1 to i32
    %cond3A_283 = arith.constant 0 : i32
    %cond3A_284 = arith.cmpi ne, %convert_element_type3A_282, %cond3A_283 : i32
    scf.if %cond3A_284 {
      %dma_start3A_330 = arith.constant 0 : i32
      %dma_start3A_331 = arith.constant 0 : i32
      %dma_start3A_332 = arith.constant 128 : i32
      %dma_start3A_333 = arith.constant 0 : i32
      %dma_start3A_334 = tpu.memref_slice %arg9[%dma_start3A_331, %dma_start3A_332, %dma_start3A_333] : memref<2x528x16xf32, #tpu.memory_space<vmem>> -> memref<1x128x16xf32, #tpu.memory_space<vmem>>
      %dma_start3A_335 = tpu.memref_squeeze %dma_start3A_334 : memref<1x128x16xf32, #tpu.memory_space<vmem>> -> memref<128x16xf32, #tpu.memory_space<vmem>>
      %dma_start3A_336 = arith.constant 128 : i32
      %dma_start3A_337 = tpu.memref_slice %arg8[%dma_start3A_330, %dma_start3A_336] : memref<2x512xi32, #tpu.memory_space<vmem>> -> memref<1x128xi32, #tpu.memory_space<vmem>>
      %dma_start3A_338 = tpu.memref_squeeze %dma_start3A_337 : memref<1x128xi32, #tpu.memory_space<vmem>> -> memref<128xi32, #tpu.memory_space<vmem>>
      %dma_start3A_339 = arith.constant 0 : i32
      %dma_start3A_340 = arith.constant 0 : i32
      %dma_start3A_341 = tpu.memref_slice %arg2[%dma_start3A_339, %dma_start3A_340] : memref<100000x16xf32, #tpu.memory_space<hbm>> -> memref<100000x16xf32, #tpu.memory_space<hbm>>
      tpu.enqueue_indirect_dma source(%dma_start3A_341 : memref<100000x16xf32, #tpu.memory_space<hbm>>) target(%dma_start3A_335 : memref<128x16xf32, #tpu.memory_space<vmem>>) offsets(%dma_start3A_338 : memref<128xi32, #tpu.memory_space<vmem>>) semaphore(%arg16 : memref<!tpu.dma_semaphore, #tpu.memory_space<semaphore_mem>>)
    } else {
    }
    %add3A_285 = arith.constant 256 : i32
    %add3A_286 = arith.addi %multiple_of3A_267, %add3A_285 : i32
    %add3A_287 = arith.constant 15 : i32
    %add3A_288 = arith.addi %squeeze3A_261, %add3A_287 : i32
    %lt3A_289 = arith.cmpi slt, %add3A_286, %add3A_288 : i32
    %convert_element_type3A_290 = arith.extui %lt3A_289 : i1 to i32
    %cond3A_291 = arith.constant 0 : i32
    %cond3A_292 = arith.cmpi ne, %convert_element_type3A_290, %cond3A_291 : i32
    scf.if %cond3A_292 {
      %dma_start3A_330 = arith.constant 0 : i32
      %dma_start3A_331 = arith.constant 0 : i32
      %dma_start3A_332 = arith.constant 256 : i32
      %dma_start3A_333 = arith.constant 0 : i32
      %dma_start3A_334 = tpu.memref_slice %arg9[%dma_start3A_331, %dma_start3A_332, %dma_start3A_333] : memref<2x528x16xf32, #tpu.memory_space<vmem>> -> memref<1x128x16xf32, #tpu.memory_space<vmem>>
      %dma_start3A_335 = tpu.memref_squeeze %dma_start3A_334 : memref<1x128x16xf32, #tpu.memory_space<vmem>> -> memref<128x16xf32, #tpu.memory_space<vmem>>
      %dma_start3A_336 = arith.constant 256 : i32
      %dma_start3A_337 = tpu.memref_slice %arg8[%dma_start3A_330, %dma_start3A_336] : memref<2x512xi32, #tpu.memory_space<vmem>> -> memref<1x128xi32, #tpu.memory_space<vmem>>
      %dma_start3A_338 = tpu.memref_squeeze %dma_start3A_337 : memref<1x128xi32, #tpu.memory_space<vmem>> -> memref<128xi32, #tpu.memory_space<vmem>>
      %dma_start3A_339 = arith.constant 0 : i32
      %dma_start3A_340 = arith.constant 0 : i32
      %dma_start3A_341 = tpu.memref_slice %arg2[%dma_start3A_339, %dma_start3A_340] : memref<100000x16xf32, #tpu.memory_space<hbm>> -> memref<100000x16xf32, #tpu.memory_space<hbm>>
      tpu.enqueue_indirect_dma source(%dma_start3A_341 : memref<100000x16xf32, #tpu.memory_space<hbm>>) target(%dma_start3A_335 : memref<128x16xf32, #tpu.memory_space<vmem>>) offsets(%dma_start3A_338 : memref<128xi32, #tpu.memory_space<vmem>>) semaphore(%arg16 : memref<!tpu.dma_semaphore, #tpu.memory_space<semaphore_mem>>)
    } else {
    }
    %add3A_293 = arith.constant 384 : i32
    %add3A_294 = arith.addi %multiple_of3A_267, %add3A_293 : i32
    %add3A_295 = arith.constant 15 : i32
    %add3A_296 = arith.addi %squeeze3A_261, %add3A_295 : i32
    %lt3A_297 = arith.cmpi slt, %add3A_294, %add3A_296 : i32
    %convert_element_type3A_298 = arith.extui %lt3A_297 : i1 to i32
    %cond3A_299 = arith.constant 0 : i32
    %cond3A_300 = arith.cmpi ne, %convert_element_type3A_298, %cond3A_299 : i32
    scf.if %cond3A_300 {
      %dma_start3A_330 = arith.constant 0 : i32
      %dma_start3A_331 = arith.constant 0 : i32
      %dma_start3A_332 = arith.constant 384 : i32
      %dma_start3A_333 = arith.constant 0 : i32
      %dma_start3A_334 = tpu.memref_slice %arg9[%dma_start3A_331, %dma_start3A_332, %dma_start3A_333] : memref<2x528x16xf32, #tpu.memory_space<vmem>> -> memref<1x128x16xf32, #tpu.memory_space<vmem>>
      %dma_start3A_335 = tpu.memref_squeeze %dma_start3A_334 : memref<1x128x16xf32, #tpu.memory_space<vmem>> -> memref<128x16xf32, #tpu.memory_space<vmem>>
      %dma_start3A_336 = arith.constant 384 : i32
      %dma_start3A_337 = tpu.memref_slice %arg8[%dma_start3A_330, %dma_start3A_336] : memref<2x512xi32, #tpu.memory_space<vmem>> -> memref<1x128xi32, #tpu.memory_space<vmem>>
      %dma_start3A_338 = tpu.memref_squeeze %dma_start3A_337 : memref<1x128xi32, #tpu.memory_space<vmem>> -> memref<128xi32, #tpu.memory_space<vmem>>
      %dma_start3A_339 = arith.constant 0 : i32
      %dma_start3A_340 = arith.constant 0 : i32
      %dma_start3A_341 = tpu.memref_slice %arg2[%dma_start3A_339, %dma_start3A_340] : memref<100000x16xf32, #tpu.memory_space<hbm>> -> memref<100000x16xf32, #tpu.memory_space<hbm>>
      tpu.enqueue_indirect_dma source(%dma_start3A_341 : memref<100000x16xf32, #tpu.memory_space<hbm>>) target(%dma_start3A_335 : memref<128x16xf32, #tpu.memory_space<vmem>>) offsets(%dma_start3A_338 : memref<128xi32, #tpu.memory_space<vmem>>) semaphore(%arg16 : memref<!tpu.dma_semaphore, #tpu.memory_space<semaphore_mem>>)
    } else {
    }
    %add3A_301 = arith.constant 0 : i32
    %add3A_302 = arith.addi %multiple_of3A, %add3A_301 : i32
    %min3A = arith.constant 9999 : i32
    %min3A_303 = arith.minsi %add3A_302, %min3A : i32
    %dma_start3A = arith.constant 0 : i32
    %dma_start3A_304 = arith.constant 0 : i32
    %dma_start3A_305 = tpu.memref_slice %arg10[%dma_start3A, %dma_start3A_304] : memref<2x512xf32, #tpu.memory_space<vmem>> -> memref<1x512xf32, #tpu.memory_space<vmem>>
    %dma_start3A_306 = tpu.memref_squeeze %dma_start3A_305 : memref<1x512xf32, #tpu.memory_space<vmem>> -> memref<512xf32, #tpu.memory_space<vmem>>
    %dma_start3A_307 = arith.constant 0 : i32
    %dma_start3A_308 = tpu.memref_slice %arg5[%min3A_303, %dma_start3A_307] : memref<10000x512xf32, #tpu.memory_space<hbm>> -> memref<1x512xf32, #tpu.memory_space<hbm>>
    %dma_start3A_309 = tpu.memref_squeeze %dma_start3A_308 : memref<1x512xf32, #tpu.memory_space<hbm>> -> memref<512xf32, #tpu.memory_space<hbm>>
    %dma_start3A_310 = arith.constant 0 : i32
    %dma_start3A_311 = tpu.memref_slice %arg10[%dma_start3A, %dma_start3A_310] : memref<2x512xf32, #tpu.memory_space<vmem>> -> memref<1x512xf32, #tpu.memory_space<vmem>>
    %dma_start3A_312 = tpu.memref_squeeze %dma_start3A_311 : memref<1x512xf32, #tpu.memory_space<vmem>> -> memref<512xf32, #tpu.memory_space<vmem>>
    %dma_start3A_313 = arith.constant 0 : i32
    %dma_start3A_314 = tpu.memref_slice %arg5[%min3A_303, %dma_start3A_313] : memref<10000x512xf32, #tpu.memory_space<hbm>> -> memref<1x512xf32, #tpu.memory_space<hbm>>
    %dma_start3A_315 = tpu.memref_squeeze %dma_start3A_314 : memref<1x512xf32, #tpu.memory_space<hbm>> -> memref<512xf32, #tpu.memory_space<hbm>>
    tpu.enqueue_dma source(%dma_start3A_315 : memref<512xf32, #tpu.memory_space<hbm>>) target(%dma_start3A_312 : memref<512xf32, #tpu.memory_space<vmem>>) target_semaphore(%arg18 : memref<!tpu.dma_semaphore, #tpu.memory_space<semaphore_mem>>)
    %dma_start3A_316 = arith.constant 1 : i32
    %dma_start3A_317 = arith.constant 0 : i32
    %dma_start3A_318 = tpu.memref_slice %arg8[%dma_start3A_316, %dma_start3A_317] : memref<2x512xi32, #tpu.memory_space<vmem>> -> memref<1x512xi32, #tpu.memory_space<vmem>>
    %dma_start3A_319 = tpu.memref_squeeze %dma_start3A_318 : memref<1x512xi32, #tpu.memory_space<vmem>> -> memref<512xi32, #tpu.memory_space<vmem>>
    %dma_start3A_320 = tpu.memref_slice %arg3[%multiple_of3A_271] : memref<3200520xi32, #tpu.memory_space<hbm>> -> memref<512xi32, #tpu.memory_space<hbm>>
    %dma_start3A_321 = arith.constant 0 : i32
    %dma_start3A_322 = tpu.memref_slice %arg8[%dma_start3A_316, %dma_start3A_321] : memref<2x512xi32, #tpu.memory_space<vmem>> -> memref<1x512xi32, #tpu.memory_space<vmem>>
    %dma_start3A_323 = tpu.memref_squeeze %dma_start3A_322 : memref<1x512xi32, #tpu.memory_space<vmem>> -> memref<512xi32, #tpu.memory_space<vmem>>
    %dma_start3A_324 = tpu.memref_slice %arg3[%multiple_of3A_271] : memref<3200520xi32, #tpu.memory_space<hbm>> -> memref<512xi32, #tpu.memory_space<hbm>>
    tpu.enqueue_dma source(%dma_start3A_324 : memref<512xi32, #tpu.memory_space<hbm>>) target(%dma_start3A_323 : memref<512xi32, #tpu.memory_space<vmem>>) target_semaphore(%arg17 : memref<!tpu.dma_semaphore, #tpu.memory_space<semaphore_mem>>)
    %scan3A = arith.constant 0 : i32
    %scan3A_325 = arith.constant 160 : i32
    %scan3A_326 = arith.addi %scan3A, %scan3A_325 : i32
    %scan3A_327 = arith.constant 1 : i32
    %scan3A_328:4 = scf.for %scan3A_330 = %scan3A to %scan3A_326 step %scan3A_327 iter_args(%scan3A_331 = %squeeze3A, %scan3A_332 = %squeeze3A_261, %scan3A_333 = %squeeze3A_263, %scan3A_334 = %squeeze3A_265) -> (i32, i32, i32, i32)  : i32 {
      %mul3A_335 = arith.constant 2 : i32
      %mul3A_336 = arith.muli %scan3A_330, %mul3A_335 : i32
      %add3A_337 = arith.constant 4 : i32
      %add3A_338 = arith.addi %mul3A_336, %add3A_337 : i32
      %get3A_339 = arith.index_cast %add3A_338 : i32 to index
      %get3A_340 = tpu.vector_load %arg13[%get3A_339] {strides = array<i32>} : memref<344xi32, #tpu.memory_space<vmem>>, vector<16xi32>,
      %slice3A_341 = vector.extract_strided_slice %get3A_340 {offsets = [0], sizes = [1], strides = [1]} : vector<16xi32> to vector<1xi32>
      %squeeze3A_342 = vector.extract %slice3A_341[0] : i32 from vector<1xi32>
      %slice3A_343 = vector.extract_strided_slice %get3A_340 {offsets = [1], sizes = [1], strides = [1]} : vector<16xi32> to vector<1xi32>
      %squeeze3A_344 = vector.extract %slice3A_343[0] : i32 from vector<1xi32>
      %rem3A_345 = arith.constant 8 : i32
      %rem3A_346 = arith.remsi %scan3A_331, %rem3A_345 : i32
      %sub3A_347 = arith.subi %scan3A_331, %rem3A_346 : i32
      %multiple_of3A_348 = tpu.assume_multiple %sub3A_347, 8 : i32
      %rem3A_349 = arith.constant 8 : i32
      %rem3A_350 = arith.remsi %scan3A_332, %rem3A_349 : i32
      %sub3A_351 = arith.subi %scan3A_332, %rem3A_350 : i32
      %multiple_of3A_352 = tpu.assume_multiple %sub3A_351, 8 : i32
      %rem3A_353 = arith.constant 8 : i32
      %rem3A_354 = arith.remsi %scan3A_333, %rem3A_353 : i32
      %sub3A_355 = arith.subi %scan3A_333, %rem3A_354 : i32
      %multiple_of3A_356 = tpu.assume_multiple %sub3A_355, 8 : i32
      %add3A_357 = arith.constant 1 : i32
      %add3A_358 = arith.addi %mul3A_336, %add3A_357 : i32
      %lt3A_359 = arith.constant 320 : i32
      %lt3A_360 = arith.cmpi slt, %add3A_358, %lt3A_359 : i32
      %convert_element_type3A_361 = arith.extui %lt3A_360 : i1 to i32
      %cond3A_362 = arith.constant 0 : i32
      %cond3A_363 = arith.cmpi ne, %convert_element_type3A_361, %cond3A_362 : i32
      scf.if %cond3A_363 {
        %dma_wait3A_638 = arith.constant 1 : i32
        %dma_wait3A_639 = arith.constant 0 : i32
        %dma_wait3A_640 = tpu.memref_slice %arg8[%dma_wait3A_638, %dma_wait3A_639] : memref<2x512xi32, #tpu.memory_space<vmem>> -> memref<1x512xi32, #tpu.memory_space<vmem>>
        %dma_wait3A_641 = tpu.memref_squeeze %dma_wait3A_640 : memref<1x512xi32, #tpu.memory_space<vmem>> -> memref<512xi32, #tpu.memory_space<vmem>>
        %dma_wait3A_642 = tpu.memref_slice %arg3[%multiple_of3A_352] : memref<3200520xi32, #tpu.memory_space<hbm>> -> memref<512xi32, #tpu.memory_space<hbm>>
        %dma_wait3A_643 = arith.constant 0 : i32
        %dma_wait3A_644 = tpu.memref_slice %arg8[%dma_wait3A_638, %dma_wait3A_643] : memref<2x512xi32, #tpu.memory_space<vmem>> -> memref<1x512xi32, #tpu.memory_space<vmem>>
        %dma_wait3A_645 = tpu.memref_squeeze %dma_wait3A_644 : memref<1x512xi32, #tpu.memory_space<vmem>> -> memref<512xi32, #tpu.memory_space<vmem>>
        %dma_wait3A_646 = tpu.memref_slice %arg3[%multiple_of3A_352] : memref<3200520xi32, #tpu.memory_space<hbm>> -> memref<512xi32, #tpu.memory_space<hbm>>
        tpu.wait_dma2 semaphore(%arg17 : memref<!tpu.dma_semaphore, #tpu.memory_space<semaphore_mem>>) src(%dma_wait3A_646 : memref<512xi32, #tpu.memory_space<hbm>>) dst(%dma_wait3A_645 : memref<512xi32, #tpu.memory_space<vmem>>)
      } else {
      }
      %add3A_364 = arith.constant 0 : i32
      %add3A_365 = arith.addi %multiple_of3A_348, %add3A_364 : i32
      %add3A_366 = arith.constant 15 : i32
      %add3A_367 = arith.addi %scan3A_332, %add3A_366 : i32
      %lt3A_368 = arith.cmpi slt, %add3A_365, %add3A_367 : i32
      %convert_element_type3A_369 = arith.extui %lt3A_368 : i1 to i32
      %cond3A_370 = arith.constant 0 : i32
      %cond3A_371 = arith.cmpi ne, %convert_element_type3A_369, %cond3A_370 : i32
      scf.if %cond3A_371 {
        %dma_wait3A_638 = arith.constant 0 : i32
        %dma_wait3A_639 = arith.constant 0 : i32
        %dma_wait3A_640 = arith.constant 0 : i32
        %dma_wait3A_641 = arith.constant 0 : i32
        %dma_wait3A_642 = tpu.memref_slice %arg9[%dma_wait3A_639, %dma_wait3A_640, %dma_wait3A_641] : memref<2x528x16xf32, #tpu.memory_space<vmem>> -> memref<1x128x16xf32, #tpu.memory_space<vmem>>
        %dma_wait3A_643 = tpu.memref_squeeze %dma_wait3A_642 : memref<1x128x16xf32, #tpu.memory_space<vmem>> -> memref<128x16xf32, #tpu.memory_space<vmem>>
        %dma_wait3A_644 = arith.constant 0 : i32
        %dma_wait3A_645 = tpu.memref_slice %arg8[%dma_wait3A_638, %dma_wait3A_644] : memref<2x512xi32, #tpu.memory_space<vmem>> -> memref<1x128xi32, #tpu.memory_space<vmem>>
        %dma_wait3A_646 = tpu.memref_squeeze %dma_wait3A_645 : memref<1x128xi32, #tpu.memory_space<vmem>> -> memref<128xi32, #tpu.memory_space<vmem>>
        %dma_wait3A_647 = arith.constant 0 : i32
        %dma_wait3A_648 = arith.constant 0 : i32
        %dma_wait3A_649 = tpu.memref_slice %arg2[%dma_wait3A_647, %dma_wait3A_648] : memref<100000x16xf32, #tpu.memory_space<hbm>> -> memref<100000x16xf32, #tpu.memory_space<hbm>>
        tpu.wait_indirect_dma semaphore(%arg16 : memref<!tpu.dma_semaphore, #tpu.memory_space<semaphore_mem>>) src(%dma_wait3A_649 : memref<100000x16xf32, #tpu.memory_space<hbm>>) dst(%dma_wait3A_643 : memref<128x16xf32, #tpu.memory_space<vmem>>)
      } else {
      }
      %add3A_372 = arith.constant 128 : i32
      %add3A_373 = arith.addi %multiple_of3A_348, %add3A_372 : i32
      %add3A_374 = arith.constant 15 : i32
      %add3A_375 = arith.addi %scan3A_332, %add3A_374 : i32
      %lt3A_376 = arith.cmpi slt, %add3A_373, %add3A_375 : i32
      %convert_element_type3A_377 = arith.extui %lt3A_376 : i1 to i32
      %cond3A_378 = arith.constant 0 : i32
      %cond3A_379 = arith.cmpi ne, %convert_element_type3A_377, %cond3A_378 : i32
      scf.if %cond3A_379 {
        %dma_wait3A_638 = arith.constant 0 : i32
        %dma_wait3A_639 = arith.constant 0 : i32
        %dma_wait3A_640 = arith.constant 128 : i32
        %dma_wait3A_641 = arith.constant 0 : i32
        %dma_wait3A_642 = tpu.memref_slice %arg9[%dma_wait3A_639, %dma_wait3A_640, %dma_wait3A_641] : memref<2x528x16xf32, #tpu.memory_space<vmem>> -> memref<1x128x16xf32, #tpu.memory_space<vmem>>
        %dma_wait3A_643 = tpu.memref_squeeze %dma_wait3A_642 : memref<1x128x16xf32, #tpu.memory_space<vmem>> -> memref<128x16xf32, #tpu.memory_space<vmem>>
        %dma_wait3A_644 = arith.constant 128 : i32
        %dma_wait3A_645 = tpu.memref_slice %arg8[%dma_wait3A_638, %dma_wait3A_644] : memref<2x512xi32, #tpu.memory_space<vmem>> -> memref<1x128xi32, #tpu.memory_space<vmem>>
        %dma_wait3A_646 = tpu.memref_squeeze %dma_wait3A_645 : memref<1x128xi32, #tpu.memory_space<vmem>> -> memref<128xi32, #tpu.memory_space<vmem>>
        %dma_wait3A_647 = arith.constant 0 : i32
        %dma_wait3A_648 = arith.constant 0 : i32
        %dma_wait3A_649 = tpu.memref_slice %arg2[%dma_wait3A_647, %dma_wait3A_648] : memref<100000x16xf32, #tpu.memory_space<hbm>> -> memref<100000x16xf32, #tpu.memory_space<hbm>>
        tpu.wait_indirect_dma semaphore(%arg16 : memref<!tpu.dma_semaphore, #tpu.memory_space<semaphore_mem>>) src(%dma_wait3A_649 : memref<100000x16xf32, #tpu.memory_space<hbm>>) dst(%dma_wait3A_643 : memref<128x16xf32, #tpu.memory_space<vmem>>)
      } else {
      }
      %add3A_380 = arith.constant 256 : i32
      %add3A_381 = arith.addi %multiple_of3A_348, %add3A_380 : i32
      %add3A_382 = arith.constant 15 : i32
      %add3A_383 = arith.addi %scan3A_332, %add3A_382 : i32
      %lt3A_384 = arith.cmpi slt, %add3A_381, %add3A_383 : i32
      %convert_element_type3A_385 = arith.extui %lt3A_384 : i1 to i32
      %cond3A_386 = arith.constant 0 : i32
      %cond3A_387 = arith.cmpi ne, %convert_element_type3A_385, %cond3A_386 : i32
      scf.if %cond3A_387 {
        %dma_wait3A_638 = arith.constant 0 : i32
        %dma_wait3A_639 = arith.constant 0 : i32
        %dma_wait3A_640 = arith.constant 256 : i32
        %dma_wait3A_641 = arith.constant 0 : i32
        %dma_wait3A_642 = tpu.memref_slice %arg9[%dma_wait3A_639, %dma_wait3A_640, %dma_wait3A_641] : memref<2x528x16xf32, #tpu.memory_space<vmem>> -> memref<1x128x16xf32, #tpu.memory_space<vmem>>
        %dma_wait3A_643 = tpu.memref_squeeze %dma_wait3A_642 : memref<1x128x16xf32, #tpu.memory_space<vmem>> -> memref<128x16xf32, #tpu.memory_space<vmem>>
        %dma_wait3A_644 = arith.constant 256 : i32
        %dma_wait3A_645 = tpu.memref_slice %arg8[%dma_wait3A_638, %dma_wait3A_644] : memref<2x512xi32, #tpu.memory_space<vmem>> -> memref<1x128xi32, #tpu.memory_space<vmem>>
        %dma_wait3A_646 = tpu.memref_squeeze %dma_wait3A_645 : memref<1x128xi32, #tpu.memory_space<vmem>> -> memref<128xi32, #tpu.memory_space<vmem>>
        %dma_wait3A_647 = arith.constant 0 : i32
        %dma_wait3A_648 = arith.constant 0 : i32
        %dma_wait3A_649 = tpu.memref_slice %arg2[%dma_wait3A_647, %dma_wait3A_648] : memref<100000x16xf32, #tpu.memory_space<hbm>> -> memref<100000x16xf32, #tpu.memory_space<hbm>>
        tpu.wait_indirect_dma semaphore(%arg16 : memref<!tpu.dma_semaphore, #tpu.memory_space<semaphore_mem>>) src(%dma_wait3A_649 : memref<100000x16xf32, #tpu.memory_space<hbm>>) dst(%dma_wait3A_643 : memref<128x16xf32, #tpu.memory_space<vmem>>)
      } else {
      }
      %add3A_388 = arith.constant 384 : i32
      %add3A_389 = arith.addi %multiple_of3A_348, %add3A_388 : i32
      %add3A_390 = arith.constant 15 : i32
      %add3A_391 = arith.addi %scan3A_332, %add3A_390 : i32
      %lt3A_392 = arith.cmpi slt, %add3A_389, %add3A_391 : i32
      %convert_element_type3A_393 = arith.extui %lt3A_392 : i1 to i32
      %cond3A_394 = arith.constant 0 : i32
      %cond3A_395 = arith.cmpi ne, %convert_element_type3A_393, %cond3A_394 : i32
      scf.if %cond3A_395 {
        %dma_wait3A_638 = arith.constant 0 : i32
        %dma_wait3A_639 = arith.constant 0 : i32
        %dma_wait3A_640 = arith.constant 384 : i32
        %dma_wait3A_641 = arith.constant 0 : i32
        %dma_wait3A_642 = tpu.memref_slice %arg9[%dma_wait3A_639, %dma_wait3A_640, %dma_wait3A_641] : memref<2x528x16xf32, #tpu.memory_space<vmem>> -> memref<1x128x16xf32, #tpu.memory_space<vmem>>
        %dma_wait3A_643 = tpu.memref_squeeze %dma_wait3A_642 : memref<1x128x16xf32, #tpu.memory_space<vmem>> -> memref<128x16xf32, #tpu.memory_space<vmem>>
        %dma_wait3A_644 = arith.constant 384 : i32
        %dma_wait3A_645 = tpu.memref_slice %arg8[%dma_wait3A_638, %dma_wait3A_644] : memref<2x512xi32, #tpu.memory_space<vmem>> -> memref<1x128xi32, #tpu.memory_space<vmem>>
        %dma_wait3A_646 = tpu.memref_squeeze %dma_wait3A_645 : memref<1x128xi32, #tpu.memory_space<vmem>> -> memref<128xi32, #tpu.memory_space<vmem>>
        %dma_wait3A_647 = arith.constant 0 : i32
        %dma_wait3A_648 = arith.constant 0 : i32
        %dma_wait3A_649 = tpu.memref_slice %arg2[%dma_wait3A_647, %dma_wait3A_648] : memref<100000x16xf32, #tpu.memory_space<hbm>> -> memref<100000x16xf32, #tpu.memory_space<hbm>>
        tpu.wait_indirect_dma semaphore(%arg16 : memref<!tpu.dma_semaphore, #tpu.memory_space<semaphore_mem>>) src(%dma_wait3A_649 : memref<100000x16xf32, #tpu.memory_space<hbm>>) dst(%dma_wait3A_643 : memref<128x16xf32, #tpu.memory_space<vmem>>)
      } else {
      }
      %add3A_396 = arith.constant 1 : i32
      %add3A_397 = arith.addi %mul3A_336, %add3A_396 : i32
      %lt3A_398 = arith.constant 320 : i32
      %lt3A_399 = arith.cmpi slt, %add3A_397, %lt3A_398 : i32
      %convert_element_type3A_400 = arith.extui %lt3A_399 : i1 to i32
      %cond3A_401 = arith.constant 0 : i32
      %cond3A_402 = arith.cmpi ne, %convert_element_type3A_400, %cond3A_401 : i32
      scf.if %cond3A_402 {
        %add3A_638 = arith.constant 0 : i32
        %add3A_639 = arith.addi %multiple_of3A_352, %add3A_638 : i32
        %add3A_640 = arith.constant 15 : i32
        %add3A_641 = arith.addi %scan3A_333, %add3A_640 : i32
        %lt3A_642 = arith.cmpi slt, %add3A_639, %add3A_641 : i32
        %convert_element_type3A_643 = arith.extui %lt3A_642 : i1 to i32
        %cond3A_644 = arith.constant 0 : i32
        %cond3A_645 = arith.cmpi ne, %convert_element_type3A_643, %cond3A_644 : i32
        scf.if %cond3A_645 {
          %dma_start3A_670 = arith.constant 1 : i32
          %dma_start3A_671 = arith.constant 1 : i32
          %dma_start3A_672 = arith.constant 0 : i32
          %dma_start3A_673 = arith.constant 0 : i32
          %dma_start3A_674 = tpu.memref_slice %arg9[%dma_start3A_671, %dma_start3A_672, %dma_start3A_673] : memref<2x528x16xf32, #tpu.memory_space<vmem>> -> memref<1x128x16xf32, #tpu.memory_space<vmem>>
          %dma_start3A_675 = tpu.memref_squeeze %dma_start3A_674 : memref<1x128x16xf32, #tpu.memory_space<vmem>> -> memref<128x16xf32, #tpu.memory_space<vmem>>
          %dma_start3A_676 = arith.constant 0 : i32
          %dma_start3A_677 = tpu.memref_slice %arg8[%dma_start3A_670, %dma_start3A_676] : memref<2x512xi32, #tpu.memory_space<vmem>> -> memref<1x128xi32, #tpu.memory_space<vmem>>
          %dma_start3A_678 = tpu.memref_squeeze %dma_start3A_677 : memref<1x128xi32, #tpu.memory_space<vmem>> -> memref<128xi32, #tpu.memory_space<vmem>>
          %dma_start3A_679 = arith.constant 0 : i32
          %dma_start3A_680 = arith.constant 0 : i32
          %dma_start3A_681 = tpu.memref_slice %arg2[%dma_start3A_679, %dma_start3A_680] : memref<100000x16xf32, #tpu.memory_space<hbm>> -> memref<100000x16xf32, #tpu.memory_space<hbm>>
          tpu.enqueue_indirect_dma source(%dma_start3A_681 : memref<100000x16xf32, #tpu.memory_space<hbm>>) target(%dma_start3A_675 : memref<128x16xf32, #tpu.memory_space<vmem>>) offsets(%dma_start3A_678 : memref<128xi32, #tpu.memory_space<vmem>>) semaphore(%arg16 : memref<!tpu.dma_semaphore, #tpu.memory_space<semaphore_mem>>)
        } else {
        }
        %add3A_646 = arith.constant 128 : i32
        %add3A_647 = arith.addi %multiple_of3A_352, %add3A_646 : i32
        %add3A_648 = arith.constant 15 : i32
        %add3A_649 = arith.addi %scan3A_333, %add3A_648 : i32
        %lt3A_650 = arith.cmpi slt, %add3A_647, %add3A_649 : i32
        %convert_element_type3A_651 = arith.extui %lt3A_650 : i1 to i32
        %cond3A_652 = arith.constant 0 : i32
        %cond3A_653 = arith.cmpi ne, %convert_element_type3A_651, %cond3A_652 : i32
        scf.if %cond3A_653 {
          %dma_start3A_670 = arith.constant 1 : i32
          %dma_start3A_671 = arith.constant 1 : i32
          %dma_start3A_672 = arith.constant 128 : i32
          %dma_start3A_673 = arith.constant 0 : i32
          %dma_start3A_674 = tpu.memref_slice %arg9[%dma_start3A_671, %dma_start3A_672, %dma_start3A_673] : memref<2x528x16xf32, #tpu.memory_space<vmem>> -> memref<1x128x16xf32, #tpu.memory_space<vmem>>
          %dma_start3A_675 = tpu.memref_squeeze %dma_start3A_674 : memref<1x128x16xf32, #tpu.memory_space<vmem>> -> memref<128x16xf32, #tpu.memory_space<vmem>>
          %dma_start3A_676 = arith.constant 128 : i32
          %dma_start3A_677 = tpu.memref_slice %arg8[%dma_start3A_670, %dma_start3A_676] : memref<2x512xi32, #tpu.memory_space<vmem>> -> memref<1x128xi32, #tpu.memory_space<vmem>>
          %dma_start3A_678 = tpu.memref_squeeze %dma_start3A_677 : memref<1x128xi32, #tpu.memory_space<vmem>> -> memref<128xi32, #tpu.memory_space<vmem>>
          %dma_start3A_679 = arith.constant 0 : i32
          %dma_start3A_680 = arith.constant 0 : i32
          %dma_start3A_681 = tpu.memref_slice %arg2[%dma_start3A_679, %dma_start3A_680] : memref<100000x16xf32, #tpu.memory_space<hbm>> -> memref<100000x16xf32, #tpu.memory_space<hbm>>
          tpu.enqueue_indirect_dma source(%dma_start3A_681 : memref<100000x16xf32, #tpu.memory_space<hbm>>) target(%dma_start3A_675 : memref<128x16xf32, #tpu.memory_space<vmem>>) offsets(%dma_start3A_678 : memref<128xi32, #tpu.memory_space<vmem>>) semaphore(%arg16 : memref<!tpu.dma_semaphore, #tpu.memory_space<semaphore_mem>>)
        } else {
        }
        %add3A_654 = arith.constant 256 : i32
        %add3A_655 = arith.addi %multiple_of3A_352, %add3A_654 : i32
        %add3A_656 = arith.constant 15 : i32
        %add3A_657 = arith.addi %scan3A_333, %add3A_656 : i32
        %lt3A_658 = arith.cmpi slt, %add3A_655, %add3A_657 : i32
        %convert_element_type3A_659 = arith.extui %lt3A_658 : i1 to i32
        %cond3A_660 = arith.constant 0 : i32
        %cond3A_661 = arith.cmpi ne, %convert_element_type3A_659, %cond3A_660 : i32
        scf.if %cond3A_661 {
          %dma_start3A_670 = arith.constant 1 : i32
          %dma_start3A_671 = arith.constant 1 : i32
          %dma_start3A_672 = arith.constant 256 : i32
          %dma_start3A_673 = arith.constant 0 : i32
          %dma_start3A_674 = tpu.memref_slice %arg9[%dma_start3A_671, %dma_start3A_672, %dma_start3A_673] : memref<2x528x16xf32, #tpu.memory_space<vmem>> -> memref<1x128x16xf32, #tpu.memory_space<vmem>>
          %dma_start3A_675 = tpu.memref_squeeze %dma_start3A_674 : memref<1x128x16xf32, #tpu.memory_space<vmem>> -> memref<128x16xf32, #tpu.memory_space<vmem>>
          %dma_start3A_676 = arith.constant 256 : i32
          %dma_start3A_677 = tpu.memref_slice %arg8[%dma_start3A_670, %dma_start3A_676] : memref<2x512xi32, #tpu.memory_space<vmem>> -> memref<1x128xi32, #tpu.memory_space<vmem>>
          %dma_start3A_678 = tpu.memref_squeeze %dma_start3A_677 : memref<1x128xi32, #tpu.memory_space<vmem>> -> memref<128xi32, #tpu.memory_space<vmem>>
          %dma_start3A_679 = arith.constant 0 : i32
          %dma_start3A_680 = arith.constant 0 : i32
          %dma_start3A_681 = tpu.memref_slice %arg2[%dma_start3A_679, %dma_start3A_680] : memref<100000x16xf32, #tpu.memory_space<hbm>> -> memref<100000x16xf32, #tpu.memory_space<hbm>>
          tpu.enqueue_indirect_dma source(%dma_start3A_681 : memref<100000x16xf32, #tpu.memory_space<hbm>>) target(%dma_start3A_675 : memref<128x16xf32, #tpu.memory_space<vmem>>) offsets(%dma_start3A_678 : memref<128xi32, #tpu.memory_space<vmem>>) semaphore(%arg16 : memref<!tpu.dma_semaphore, #tpu.memory_space<semaphore_mem>>)
        } else {
        }
        %add3A_662 = arith.constant 384 : i32
        %add3A_663 = arith.addi %multiple_of3A_352, %add3A_662 : i32
        %add3A_664 = arith.constant 15 : i32
        %add3A_665 = arith.addi %scan3A_333, %add3A_664 : i32
        %lt3A_666 = arith.cmpi slt, %add3A_663, %add3A_665 : i32
        %convert_element_type3A_667 = arith.extui %lt3A_666 : i1 to i32
        %cond3A_668 = arith.constant 0 : i32
        %cond3A_669 = arith.cmpi ne, %convert_element_type3A_667, %cond3A_668 : i32
        scf.if %cond3A_669 {
          %dma_start3A_670 = arith.constant 1 : i32
          %dma_start3A_671 = arith.constant 1 : i32
          %dma_start3A_672 = arith.constant 384 : i32
          %dma_start3A_673 = arith.constant 0 : i32
          %dma_start3A_674 = tpu.memref_slice %arg9[%dma_start3A_671, %dma_start3A_672, %dma_start3A_673] : memref<2x528x16xf32, #tpu.memory_space<vmem>> -> memref<1x128x16xf32, #tpu.memory_space<vmem>>
          %dma_start3A_675 = tpu.memref_squeeze %dma_start3A_674 : memref<1x128x16xf32, #tpu.memory_space<vmem>> -> memref<128x16xf32, #tpu.memory_space<vmem>>
          %dma_start3A_676 = arith.constant 384 : i32
          %dma_start3A_677 = tpu.memref_slice %arg8[%dma_start3A_670, %dma_start3A_676] : memref<2x512xi32, #tpu.memory_space<vmem>> -> memref<1x128xi32, #tpu.memory_space<vmem>>
          %dma_start3A_678 = tpu.memref_squeeze %dma_start3A_677 : memref<1x128xi32, #tpu.memory_space<vmem>> -> memref<128xi32, #tpu.memory_space<vmem>>
          %dma_start3A_679 = arith.constant 0 : i32
          %dma_start3A_680 = arith.constant 0 : i32
          %dma_start3A_681 = tpu.memref_slice %arg2[%dma_start3A_679, %dma_start3A_680] : memref<100000x16xf32, #tpu.memory_space<hbm>> -> memref<100000x16xf32, #tpu.memory_space<hbm>>
          tpu.enqueue_indirect_dma source(%dma_start3A_681 : memref<100000x16xf32, #tpu.memory_space<hbm>>) target(%dma_start3A_675 : memref<128x16xf32, #tpu.memory_space<vmem>>) offsets(%dma_start3A_678 : memref<128xi32, #tpu.memory_space<vmem>>) semaphore(%arg16 : memref<!tpu.dma_semaphore, #tpu.memory_space<semaphore_mem>>)
        } else {
        }
      } else {
      }
      %add3A_403 = arith.constant 2 : i32
      %add3A_404 = arith.addi %mul3A_336, %add3A_403 : i32
      %lt3A_405 = arith.constant 320 : i32
      %lt3A_406 = arith.cmpi slt, %add3A_404, %lt3A_405 : i32
      %convert_element_type3A_407 = arith.extui %lt3A_406 : i1 to i32
      %cond3A_408 = arith.constant 0 : i32
      %cond3A_409 = arith.cmpi ne, %convert_element_type3A_407, %cond3A_408 : i32
      scf.if %cond3A_409 {
        %dma_start3A_638 = arith.constant 0 : i32
        %dma_start3A_639 = arith.constant 0 : i32
        %dma_start3A_640 = tpu.memref_slice %arg8[%dma_start3A_638, %dma_start3A_639] : memref<2x512xi32, #tpu.memory_space<vmem>> -> memref<1x512xi32, #tpu.memory_space<vmem>>
        %dma_start3A_641 = tpu.memref_squeeze %dma_start3A_640 : memref<1x512xi32, #tpu.memory_space<vmem>> -> memref<512xi32, #tpu.memory_space<vmem>>
        %dma_start3A_642 = tpu.memref_slice %arg3[%multiple_of3A_356] : memref<3200520xi32, #tpu.memory_space<hbm>> -> memref<512xi32, #tpu.memory_space<hbm>>
        %dma_start3A_643 = arith.constant 0 : i32
        %dma_start3A_644 = tpu.memref_slice %arg8[%dma_start3A_638, %dma_start3A_643] : memref<2x512xi32, #tpu.memory_space<vmem>> -> memref<1x512xi32, #tpu.memory_space<vmem>>
        %dma_start3A_645 = tpu.memref_squeeze %dma_start3A_644 : memref<1x512xi32, #tpu.memory_space<vmem>> -> memref<512xi32, #tpu.memory_space<vmem>>
        %dma_start3A_646 = tpu.memref_slice %arg3[%multiple_of3A_356] : memref<3200520xi32, #tpu.memory_space<hbm>> -> memref<512xi32, #tpu.memory_space<hbm>>
        tpu.enqueue_dma source(%dma_start3A_646 : memref<512xi32, #tpu.memory_space<hbm>>) target(%dma_start3A_645 : memref<512xi32, #tpu.memory_space<vmem>>) target_semaphore(%arg17 : memref<!tpu.dma_semaphore, #tpu.memory_space<semaphore_mem>>)
      } else {
      }
      %add3A_410 = arith.addi %multiple_of3A, %mul3A_336 : i32
      %min3A_411 = arith.constant 9999 : i32
      %min3A_412 = arith.minsi %add3A_410, %min3A_411 : i32
      %dma_wait3A = arith.constant 0 : i32
      %dma_wait3A_413 = arith.constant 0 : i32
      %dma_wait3A_414 = tpu.memref_slice %arg10[%dma_wait3A, %dma_wait3A_413] : memref<2x512xf32, #tpu.memory_space<vmem>> -> memref<1x512xf32, #tpu.memory_space<vmem>>
      %dma_wait3A_415 = tpu.memref_squeeze %dma_wait3A_414 : memref<1x512xf32, #tpu.memory_space<vmem>> -> memref<512xf32, #tpu.memory_space<vmem>>
      %dma_wait3A_416 = arith.constant 0 : i32
      %dma_wait3A_417 = tpu.memref_slice %arg5[%min3A_412, %dma_wait3A_416] : memref<10000x512xf32, #tpu.memory_space<hbm>> -> memref<1x512xf32, #tpu.memory_space<hbm>>
      %dma_wait3A_418 = tpu.memref_squeeze %dma_wait3A_417 : memref<1x512xf32, #tpu.memory_space<hbm>> -> memref<512xf32, #tpu.memory_space<hbm>>
      %dma_wait3A_419 = arith.constant 0 : i32
      %dma_wait3A_420 = tpu.memref_slice %arg10[%dma_wait3A, %dma_wait3A_419] : memref<2x512xf32, #tpu.memory_space<vmem>> -> memref<1x512xf32, #tpu.memory_space<vmem>>
      %dma_wait3A_421 = tpu.memref_squeeze %dma_wait3A_420 : memref<1x512xf32, #tpu.memory_space<vmem>> -> memref<512xf32, #tpu.memory_space<vmem>>
      %dma_wait3A_422 = arith.constant 0 : i32
      %dma_wait3A_423 = tpu.memref_slice %arg5[%min3A_412, %dma_wait3A_422] : memref<10000x512xf32, #tpu.memory_space<hbm>> -> memref<1x512xf32, #tpu.memory_space<hbm>>
      %dma_wait3A_424 = tpu.memref_squeeze %dma_wait3A_423 : memref<1x512xf32, #tpu.memory_space<hbm>> -> memref<512xf32, #tpu.memory_space<hbm>>
      tpu.wait_dma2 semaphore(%arg18 : memref<!tpu.dma_semaphore, #tpu.memory_space<semaphore_mem>>) src(%dma_wait3A_424 : memref<512xf32, #tpu.memory_space<hbm>>) dst(%dma_wait3A_421 : memref<512xf32, #tpu.memory_space<vmem>>)
      %add3A_425 = arith.constant 1 : i32
      %add3A_426 = arith.addi %mul3A_336, %add3A_425 : i32
      %lt3A_427 = arith.constant 320 : i32
      %lt3A_428 = arith.cmpi slt, %add3A_426, %lt3A_427 : i32
      %convert_element_type3A_429 = arith.extui %lt3A_428 : i1 to i32
      %cond3A_430 = arith.constant 0 : i32
      %cond3A_431 = arith.cmpi ne, %convert_element_type3A_429, %cond3A_430 : i32
      scf.if %cond3A_431 {
        %add3A_638 = arith.constant 1 : i32
        %add3A_639 = arith.addi %mul3A_336, %add3A_638 : i32
        %add3A_640 = arith.addi %multiple_of3A, %add3A_639 : i32
        %min3A_641 = arith.constant 9999 : i32
        %min3A_642 = arith.minsi %add3A_640, %min3A_641 : i32
        %dma_start3A_643 = arith.constant 1 : i32
        %dma_start3A_644 = arith.constant 0 : i32
        %dma_start3A_645 = tpu.memref_slice %arg10[%dma_start3A_643, %dma_start3A_644] : memref<2x512xf32, #tpu.memory_space<vmem>> -> memref<1x512xf32, #tpu.memory_space<vmem>>
        %dma_start3A_646 = tpu.memref_squeeze %dma_start3A_645 : memref<1x512xf32, #tpu.memory_space<vmem>> -> memref<512xf32, #tpu.memory_space<vmem>>
        %dma_start3A_647 = arith.constant 0 : i32
        %dma_start3A_648 = tpu.memref_slice %arg5[%min3A_642, %dma_start3A_647] : memref<10000x512xf32, #tpu.memory_space<hbm>> -> memref<1x512xf32, #tpu.memory_space<hbm>>
        %dma_start3A_649 = tpu.memref_squeeze %dma_start3A_648 : memref<1x512xf32, #tpu.memory_space<hbm>> -> memref<512xf32, #tpu.memory_space<hbm>>
        %dma_start3A_650 = arith.constant 0 : i32
        %dma_start3A_651 = tpu.memref_slice %arg10[%dma_start3A_643, %dma_start3A_650] : memref<2x512xf32, #tpu.memory_space<vmem>> -> memref<1x512xf32, #tpu.memory_space<vmem>>
        %dma_start3A_652 = tpu.memref_squeeze %dma_start3A_651 : memref<1x512xf32, #tpu.memory_space<vmem>> -> memref<512xf32, #tpu.memory_space<vmem>>
        %dma_start3A_653 = arith.constant 0 : i32
        %dma_start3A_654 = tpu.memref_slice %arg5[%min3A_642, %dma_start3A_653] : memref<10000x512xf32, #tpu.memory_space<hbm>> -> memref<1x512xf32, #tpu.memory_space<hbm>>
        %dma_start3A_655 = tpu.memref_squeeze %dma_start3A_654 : memref<1x512xf32, #tpu.memory_space<hbm>> -> memref<512xf32, #tpu.memory_space<hbm>>
        tpu.enqueue_dma source(%dma_start3A_655 : memref<512xf32, #tpu.memory_space<hbm>>) target(%dma_start3A_652 : memref<512xf32, #tpu.memory_space<vmem>>) target_semaphore(%arg18 : memref<!tpu.dma_semaphore, #tpu.memory_space<semaphore_mem>>)
      } else {
      }
      %broadcast_in_dim3A_432 = arith.constant 0 : i32
      %broadcast_in_dim3A_433 = vector.broadcast %broadcast_in_dim3A_432 : i32 to vector<16xi32>
      %broadcast_in_dim3A_434 = arith.constant 0.000000e+00 : f32
      %broadcast_in_dim3A_435 = vector.broadcast %broadcast_in_dim3A_434 : f32 to vector<16xf32>
      %sub3A_436 = arith.subi %scan3A_331, %multiple_of3A_348 : i32
      %max3A = arith.constant 0 : i32
      %max3A_437 = arith.maxsi %sub3A_436, %max3A : i32
      %sub3A_438 = arith.subi %scan3A_332, %multiple_of3A_348 : i32
      %min3A_439 = arith.constant 512 : i32
      %min3A_440 = arith.minsi %sub3A_438, %min3A_439 : i32
      %sub3A_441 = arith.subi %min3A_440, %max3A_437 : i32
      %max3A_442 = arith.constant 0 : i32
      %max3A_443 = arith.maxsi %sub3A_441, %max3A_442 : i32
      %add3A_444 = arith.constant 16 : i32
      %add3A_445 = arith.addi %max3A_443, %add3A_444 : i32
      %sub3A_446 = arith.constant 1 : i32
      %sub3A_447 = arith.subi %add3A_445, %sub3A_446 : i32
      %div3A = arith.constant 16 : i32
      %div3A_448 = arith.divsi %sub3A_447, %div3A : i32
      %while3A = arith.constant 0 : i32
      %while3A_449 = arith.subi %div3A_448, %while3A : i32
      %while3A_450 = arith.addi %while3A, %while3A_449 : i32
      %while3A_451 = arith.constant 1 : i32
      %while3A_452 = arith.divsi %while3A_449, %while3A_451 : i32
      %while3A_453 = arith.muli %while3A_452, %while3A_451 : i32
      %while3A_454 = arith.addi %while3A, %while3A_453 : i32
      %while3A_455 = arith.constant 1 : i32
      %while3A_456:4 = scf.for %while3A_638 = %while3A to %while3A_454 step %while3A_455 iter_args(%while3A_639 = %broadcast_in_dim3A_435, %while3A_640 = %broadcast_in_dim3A_435, %while3A_641 = %broadcast_in_dim3A_435, %while3A_642 = %broadcast_in_dim3A_435) -> (vector<16xf32>, vector<16xf32>, vector<16xf32>, vector<16xf32>)  : i32 {
        %mul3A_643 = arith.constant 16 : i32
        %mul3A_644 = arith.muli %while3A_638, %mul3A_643 : i32
        %add3A_645 = arith.addi %max3A_437, %mul3A_644 : i32
        %add3A_646 = arith.addi %multiple_of3A_348, %add3A_645 : i32
        %sub3A_647 = arith.subi %add3A_646, %scan3A_331 : i32
        %add3A_648 = vector.broadcast %sub3A_647 : i32 to vector<16xi32>
        %add3A_649 = arith.addi %add3A_648, %iota3A : vector<16xi32>
        %jit3A = arith.constant 0 : i32
        %jit3A_650 = arith.constant 511 : i32
        %max3A_651 = vector.broadcast %jit3A : i32 to vector<16xi32>
        %max3A_652 = arith.maxsi %max3A_651, %add3A_649 : vector<16xi32>
        %min3A_653 = vector.broadcast %jit3A_650 : i32 to vector<16xi32>
        %min3A_654 = arith.minsi %min3A_653, %max3A_652 : vector<16xi32>
        %gather3A_655 = tpu.vector_load_idx %arg10[%broadcast_in_dim3A_433, %min3A_654] : memref<2x512xf32, #tpu.memory_space<vmem>>[vector<16xi32>, vector<16xi32>], vector<16xf32>,
        %sub3A_656 = arith.subi %min3A_440, %add3A_645 : i32
        %lt3A_657 = vector.broadcast %sub3A_656 : i32 to vector<16xi32>
        %lt3A_658 = arith.cmpi slt, %iota3A, %lt3A_657 : vector<16xi32>
        %jit3A_659 = arith.constant 0.000000e+00 : f32
        %broadcast_in_dim3A_660 = vector.broadcast %jit3A_659 : f32 to vector<16xf32>
        %select_n3A = arith.select %lt3A_658, %gather3A_655, %broadcast_in_dim3A_660 : vector<16xi1>, vector<16xf32>
        %add3A_661 = arith.constant 0 : i32
        %add3A_662 = arith.addi %add3A_645, %add3A_661 : i32
        %get3A_663 = arith.constant 0 : i32
        %get3A_664 = arith.index_cast %get3A_663 : i32 to index
        %get3A_665 = arith.index_cast %add3A_662 : i32 to index
        %get3A_666 = arith.constant 0 : index
        %get3A_667 = tpu.vector_load %arg9[%get3A_664, %get3A_665, %get3A_666] {strides = array<i32>} : memref<2x528x16xf32, #tpu.memory_space<vmem>>, vector<16xf32>,
        %slice3A_668 = vector.extract_strided_slice %select_n3A {offsets = [0], sizes = [1], strides = [1]} : vector<16xf32> to vector<1xf32>
        %squeeze3A_669 = vector.extract %slice3A_668[0] : f32 from vector<1xf32>
        %mul3A_670 = vector.broadcast %squeeze3A_669 : f32 to vector<16xf32>
        %mul3A_671 = arith.mulf %get3A_667, %mul3A_670 : vector<16xf32>
        %add3A_672 = arith.addf %while3A_639, %mul3A_671 : vector<16xf32>
        %add3A_673 = arith.constant 1 : i32
        %add3A_674 = arith.addi %add3A_645, %add3A_673 : i32
        %get3A_675 = arith.constant 0 : i32
        %get3A_676 = arith.index_cast %get3A_675 : i32 to index
        %get3A_677 = arith.index_cast %add3A_674 : i32 to index
        %get3A_678 = arith.constant 0 : index
        %get3A_679 = tpu.vector_load %arg9[%get3A_676, %get3A_677, %get3A_678] {strides = array<i32>} : memref<2x528x16xf32, #tpu.memory_space<vmem>>, vector<16xf32>,
        %slice3A_680 = vector.extract_strided_slice %select_n3A {offsets = [1], sizes = [1], strides = [1]} : vector<16xf32> to vector<1xf32>
        %squeeze3A_681 = vector.extract %slice3A_680[0] : f32 from vector<1xf32>
        %mul3A_682 = vector.broadcast %squeeze3A_681 : f32 to vector<16xf32>
        %mul3A_683 = arith.mulf %get3A_679, %mul3A_682 : vector<16xf32>
        %add3A_684 = arith.addf %while3A_640, %mul3A_683 : vector<16xf32>
        %add3A_685 = arith.constant 2 : i32
        %add3A_686 = arith.addi %add3A_645, %add3A_685 : i32
        %get3A_687 = arith.constant 0 : i32
        %get3A_688 = arith.index_cast %get3A_687 : i32 to index
        %get3A_689 = arith.index_cast %add3A_686 : i32 to index
        %get3A_690 = arith.constant 0 : index
        %get3A_691 = tpu.vector_load %arg9[%get3A_688, %get3A_689, %get3A_690] {strides = array<i32>} : memref<2x528x16xf32, #tpu.memory_space<vmem>>, vector<16xf32>,
        %slice3A_692 = vector.extract_strided_slice %select_n3A {offsets = [2], sizes = [1], strides = [1]} : vector<16xf32> to vector<1xf32>
        %squeeze3A_693 = vector.extract %slice3A_692[0] : f32 from vector<1xf32>
        %mul3A_694 = vector.broadcast %squeeze3A_693 : f32 to vector<16xf32>
        %mul3A_695 = arith.mulf %get3A_691, %mul3A_694 : vector<16xf32>
        %add3A_696 = arith.addf %while3A_641, %mul3A_695 : vector<16xf32>
        %add3A_697 = arith.constant 3 : i32
        %add3A_698 = arith.addi %add3A_645, %add3A_697 : i32
        %get3A_699 = arith.constant 0 : i32
        %get3A_700 = arith.index_cast %get3A_699 : i32 to index
        %get3A_701 = arith.index_cast %add3A_698 : i32 to index
        %get3A_702 = arith.constant 0 : index
        %get3A_703 = tpu.vector_load %arg9[%get3A_700, %get3A_701, %get3A_702] {strides = array<i32>} : memref<2x528x16xf32, #tpu.memory_space<vmem>>, vector<16xf32>,
        %slice3A_704 = vector.extract_strided_slice %select_n3A {offsets = [3], sizes = [1], strides = [1]} : vector<16xf32> to vector<1xf32>
        %squeeze3A_705 = vector.extract %slice3A_704[0] : f32 from vector<1xf32>
        %mul3A_706 = vector.broadcast %squeeze3A_705 : f32 to vector<16xf32>
        %mul3A_707 = arith.mulf %get3A_703, %mul3A_706 : vector<16xf32>
        %add3A_708 = arith.addf %while3A_642, %mul3A_707 : vector<16xf32>
        %add3A_709 = arith.constant 4 : i32
        %add3A_710 = arith.addi %add3A_645, %add3A_709 : i32
        %get3A_711 = arith.constant 0 : i32
        %get3A_712 = arith.index_cast %get3A_711 : i32 to index
        %get3A_713 = arith.index_cast %add3A_710 : i32 to index
        %get3A_714 = arith.constant 0 : index
        %get3A_715 = tpu.vector_load %arg9[%get3A_712, %get3A_713, %get3A_714] {strides = array<i32>} : memref<2x528x16xf32, #tpu.memory_space<vmem>>, vector<16xf32>,
        %slice3A_716 = vector.extract_strided_slice %select_n3A {offsets = [4], sizes = [1], strides = [1]} : vector<16xf32> to vector<1xf32>
        %squeeze3A_717 = vector.extract %slice3A_716[0] : f32 from vector<1xf32>
        %mul3A_718 = vector.broadcast %squeeze3A_717 : f32 to vector<16xf32>
        %mul3A_719 = arith.mulf %get3A_715, %mul3A_718 : vector<16xf32>
        %add3A_720 = arith.addf %add3A_672, %mul3A_719 : vector<16xf32>
        %add3A_721 = arith.constant 5 : i32
        %add3A_722 = arith.addi %add3A_645, %add3A_721 : i32
        %get3A_723 = arith.constant 0 : i32
        %get3A_724 = arith.index_cast %get3A_723 : i32 to index
        %get3A_725 = arith.index_cast %add3A_722 : i32 to index
        %get3A_726 = arith.constant 0 : index
        %get3A_727 = tpu.vector_load %arg9[%get3A_724, %get3A_725, %get3A_726] {strides = array<i32>} : memref<2x528x16xf32, #tpu.memory_space<vmem>>, vector<16xf32>,
        %slice3A_728 = vector.extract_strided_slice %select_n3A {offsets = [5], sizes = [1], strides = [1]} : vector<16xf32> to vector<1xf32>
        %squeeze3A_729 = vector.extract %slice3A_728[0] : f32 from vector<1xf32>
        %mul3A_730 = vector.broadcast %squeeze3A_729 : f32 to vector<16xf32>
        %mul3A_731 = arith.mulf %get3A_727, %mul3A_730 : vector<16xf32>
        %add3A_732 = arith.addf %add3A_684, %mul3A_731 : vector<16xf32>
        %add3A_733 = arith.constant 6 : i32
        %add3A_734 = arith.addi %add3A_645, %add3A_733 : i32
        %get3A_735 = arith.constant 0 : i32
        %get3A_736 = arith.index_cast %get3A_735 : i32 to index
        %get3A_737 = arith.index_cast %add3A_734 : i32 to index
        %get3A_738 = arith.constant 0 : index
        %get3A_739 = tpu.vector_load %arg9[%get3A_736, %get3A_737, %get3A_738] {strides = array<i32>} : memref<2x528x16xf32, #tpu.memory_space<vmem>>, vector<16xf32>,
        %slice3A_740 = vector.extract_strided_slice %select_n3A {offsets = [6], sizes = [1], strides = [1]} : vector<16xf32> to vector<1xf32>
        %squeeze3A_741 = vector.extract %slice3A_740[0] : f32 from vector<1xf32>
        %mul3A_742 = vector.broadcast %squeeze3A_741 : f32 to vector<16xf32>
        %mul3A_743 = arith.mulf %get3A_739, %mul3A_742 : vector<16xf32>
        %add3A_744 = arith.addf %add3A_696, %mul3A_743 : vector<16xf32>
        %add3A_745 = arith.constant 7 : i32
        %add3A_746 = arith.addi %add3A_645, %add3A_745 : i32
        %get3A_747 = arith.constant 0 : i32
        %get3A_748 = arith.index_cast %get3A_747 : i32 to index
        %get3A_749 = arith.index_cast %add3A_746 : i32 to index
        %get3A_750 = arith.constant 0 : index
        %get3A_751 = tpu.vector_load %arg9[%get3A_748, %get3A_749, %get3A_750] {strides = array<i32>} : memref<2x528x16xf32, #tpu.memory_space<vmem>>, vector<16xf32>,
        %slice3A_752 = vector.extract_strided_slice %select_n3A {offsets = [7], sizes = [1], strides = [1]} : vector<16xf32> to vector<1xf32>
        %squeeze3A_753 = vector.extract %slice3A_752[0] : f32 from vector<1xf32>
        %mul3A_754 = vector.broadcast %squeeze3A_753 : f32 to vector<16xf32>
        %mul3A_755 = arith.mulf %get3A_751, %mul3A_754 : vector<16xf32>
        %add3A_756 = arith.addf %add3A_708, %mul3A_755 : vector<16xf32>
        %add3A_757 = arith.constant 8 : i32
        %add3A_758 = arith.addi %add3A_645, %add3A_757 : i32
        %get3A_759 = arith.constant 0 : i32
        %get3A_760 = arith.index_cast %get3A_759 : i32 to index
        %get3A_761 = arith.index_cast %add3A_758 : i32 to index
        %get3A_762 = arith.constant 0 : index
        %get3A_763 = tpu.vector_load %arg9[%get3A_760, %get3A_761, %get3A_762] {strides = array<i32>} : memref<2x528x16xf32, #tpu.memory_space<vmem>>, vector<16xf32>,
        %slice3A_764 = vector.extract_strided_slice %select_n3A {offsets = [8], sizes = [1], strides = [1]} : vector<16xf32> to vector<1xf32>
        %squeeze3A_765 = vector.extract %slice3A_764[0] : f32 from vector<1xf32>
        %mul3A_766 = vector.broadcast %squeeze3A_765 : f32 to vector<16xf32>
        %mul3A_767 = arith.mulf %get3A_763, %mul3A_766 : vector<16xf32>
        %add3A_768 = arith.addf %add3A_720, %mul3A_767 : vector<16xf32>
        %add3A_769 = arith.constant 9 : i32
        %add3A_770 = arith.addi %add3A_645, %add3A_769 : i32
        %get3A_771 = arith.constant 0 : i32
        %get3A_772 = arith.index_cast %get3A_771 : i32 to index
        %get3A_773 = arith.index_cast %add3A_770 : i32 to index
        %get3A_774 = arith.constant 0 : index
        %get3A_775 = tpu.vector_load %arg9[%get3A_772, %get3A_773, %get3A_774] {strides = array<i32>} : memref<2x528x16xf32, #tpu.memory_space<vmem>>, vector<16xf32>,
        %slice3A_776 = vector.extract_strided_slice %select_n3A {offsets = [9], sizes = [1], strides = [1]} : vector<16xf32> to vector<1xf32>
        %squeeze3A_777 = vector.extract %slice3A_776[0] : f32 from vector<1xf32>
        %mul3A_778 = vector.broadcast %squeeze3A_777 : f32 to vector<16xf32>
        %mul3A_779 = arith.mulf %get3A_775, %mul3A_778 : vector<16xf32>
        %add3A_780 = arith.addf %add3A_732, %mul3A_779 : vector<16xf32>
        %add3A_781 = arith.constant 10 : i32
        %add3A_782 = arith.addi %add3A_645, %add3A_781 : i32
        %get3A_783 = arith.constant 0 : i32
        %get3A_784 = arith.index_cast %get3A_783 : i32 to index
        %get3A_785 = arith.index_cast %add3A_782 : i32 to index
        %get3A_786 = arith.constant 0 : index
        %get3A_787 = tpu.vector_load %arg9[%get3A_784, %get3A_785, %get3A_786] {strides = array<i32>} : memref<2x528x16xf32, #tpu.memory_space<vmem>>, vector<16xf32>,
        %slice3A_788 = vector.extract_strided_slice %select_n3A {offsets = [10], sizes = [1], strides = [1]} : vector<16xf32> to vector<1xf32>
        %squeeze3A_789 = vector.extract %slice3A_788[0] : f32 from vector<1xf32>
        %mul3A_790 = vector.broadcast %squeeze3A_789 : f32 to vector<16xf32>
        %mul3A_791 = arith.mulf %get3A_787, %mul3A_790 : vector<16xf32>
        %add3A_792 = arith.addf %add3A_744, %mul3A_791 : vector<16xf32>
        %add3A_793 = arith.constant 11 : i32
        %add3A_794 = arith.addi %add3A_645, %add3A_793 : i32
        %get3A_795 = arith.constant 0 : i32
        %get3A_796 = arith.index_cast %get3A_795 : i32 to index
        %get3A_797 = arith.index_cast %add3A_794 : i32 to index
        %get3A_798 = arith.constant 0 : index
        %get3A_799 = tpu.vector_load %arg9[%get3A_796, %get3A_797, %get3A_798] {strides = array<i32>} : memref<2x528x16xf32, #tpu.memory_space<vmem>>, vector<16xf32>,
        %slice3A_800 = vector.extract_strided_slice %select_n3A {offsets = [11], sizes = [1], strides = [1]} : vector<16xf32> to vector<1xf32>
        %squeeze3A_801 = vector.extract %slice3A_800[0] : f32 from vector<1xf32>
        %mul3A_802 = vector.broadcast %squeeze3A_801 : f32 to vector<16xf32>
        %mul3A_803 = arith.mulf %get3A_799, %mul3A_802 : vector<16xf32>
        %add3A_804 = arith.addf %add3A_756, %mul3A_803 : vector<16xf32>
        %add3A_805 = arith.constant 12 : i32
        %add3A_806 = arith.addi %add3A_645, %add3A_805 : i32
        %get3A_807 = arith.constant 0 : i32
        %get3A_808 = arith.index_cast %get3A_807 : i32 to index
        %get3A_809 = arith.index_cast %add3A_806 : i32 to index
        %get3A_810 = arith.constant 0 : index
        %get3A_811 = tpu.vector_load %arg9[%get3A_808, %get3A_809, %get3A_810] {strides = array<i32>} : memref<2x528x16xf32, #tpu.memory_space<vmem>>, vector<16xf32>,
        %slice3A_812 = vector.extract_strided_slice %select_n3A {offsets = [12], sizes = [1], strides = [1]} : vector<16xf32> to vector<1xf32>
        %squeeze3A_813 = vector.extract %slice3A_812[0] : f32 from vector<1xf32>
        %mul3A_814 = vector.broadcast %squeeze3A_813 : f32 to vector<16xf32>
        %mul3A_815 = arith.mulf %get3A_811, %mul3A_814 : vector<16xf32>
        %add3A_816 = arith.addf %add3A_768, %mul3A_815 : vector<16xf32>
        %add3A_817 = arith.constant 13 : i32
        %add3A_818 = arith.addi %add3A_645, %add3A_817 : i32
        %get3A_819 = arith.constant 0 : i32
        %get3A_820 = arith.index_cast %get3A_819 : i32 to index
        %get3A_821 = arith.index_cast %add3A_818 : i32 to index
        %get3A_822 = arith.constant 0 : index
        %get3A_823 = tpu.vector_load %arg9[%get3A_820, %get3A_821, %get3A_822] {strides = array<i32>} : memref<2x528x16xf32, #tpu.memory_space<vmem>>, vector<16xf32>,
        %slice3A_824 = vector.extract_strided_slice %select_n3A {offsets = [13], sizes = [1], strides = [1]} : vector<16xf32> to vector<1xf32>
        %squeeze3A_825 = vector.extract %slice3A_824[0] : f32 from vector<1xf32>
        %mul3A_826 = vector.broadcast %squeeze3A_825 : f32 to vector<16xf32>
        %mul3A_827 = arith.mulf %get3A_823, %mul3A_826 : vector<16xf32>
        %add3A_828 = arith.addf %add3A_780, %mul3A_827 : vector<16xf32>
        %add3A_829 = arith.constant 14 : i32
        %add3A_830 = arith.addi %add3A_645, %add3A_829 : i32
        %get3A_831 = arith.constant 0 : i32
        %get3A_832 = arith.index_cast %get3A_831 : i32 to index
        %get3A_833 = arith.index_cast %add3A_830 : i32 to index
        %get3A_834 = arith.constant 0 : index
        %get3A_835 = tpu.vector_load %arg9[%get3A_832, %get3A_833, %get3A_834] {strides = array<i32>} : memref<2x528x16xf32, #tpu.memory_space<vmem>>, vector<16xf32>,
        %slice3A_836 = vector.extract_strided_slice %select_n3A {offsets = [14], sizes = [1], strides = [1]} : vector<16xf32> to vector<1xf32>
        %squeeze3A_837 = vector.extract %slice3A_836[0] : f32 from vector<1xf32>
        %mul3A_838 = vector.broadcast %squeeze3A_837 : f32 to vector<16xf32>
        %mul3A_839 = arith.mulf %get3A_835, %mul3A_838 : vector<16xf32>
        %add3A_840 = arith.addf %add3A_792, %mul3A_839 : vector<16xf32>
        %add3A_841 = arith.constant 15 : i32
        %add3A_842 = arith.addi %add3A_645, %add3A_841 : i32
        %get3A_843 = arith.constant 0 : i32
        %get3A_844 = arith.index_cast %get3A_843 : i32 to index
        %get3A_845 = arith.index_cast %add3A_842 : i32 to index
        %get3A_846 = arith.constant 0 : index
        %get3A_847 = tpu.vector_load %arg9[%get3A_844, %get3A_845, %get3A_846] {strides = array<i32>} : memref<2x528x16xf32, #tpu.memory_space<vmem>>, vector<16xf32>,
        %slice3A_848 = vector.extract_strided_slice %select_n3A {offsets = [15], sizes = [1], strides = [1]} : vector<16xf32> to vector<1xf32>
        %squeeze3A_849 = vector.extract %slice3A_848[0] : f32 from vector<1xf32>
        %mul3A_850 = vector.broadcast %squeeze3A_849 : f32 to vector<16xf32>
        %mul3A_851 = arith.mulf %get3A_847, %mul3A_850 : vector<16xf32>
        %add3A_852 = arith.addf %add3A_804, %mul3A_851 : vector<16xf32>
        scf.yield %add3A_816, %add3A_828, %add3A_840, %add3A_852 : vector<16xf32>, vector<16xf32>, vector<16xf32>, vector<16xf32>
      }
      %while3A_457 = arith.constant 1 : i32
      %while3A_458:4 = scf.for %while3A_638 = %while3A_454 to %while3A_450 step %while3A_457 iter_args(%while3A_639 = %while3A_456#0, %while3A_640 = %while3A_456#1, %while3A_641 = %while3A_456#2, %while3A_642 = %while3A_456#3) -> (vector<16xf32>, vector<16xf32>, vector<16xf32>, vector<16xf32>)  : i32 {
        %mul3A_643 = arith.constant 16 : i32
        %mul3A_644 = arith.muli %while3A_638, %mul3A_643 : i32
        %add3A_645 = arith.addi %max3A_437, %mul3A_644 : i32
        %add3A_646 = arith.addi %multiple_of3A_348, %add3A_645 : i32
        %sub3A_647 = arith.subi %add3A_646, %scan3A_331 : i32
        %add3A_648 = vector.broadcast %sub3A_647 : i32 to vector<16xi32>
        %add3A_649 = arith.addi %add3A_648, %iota3A : vector<16xi32>
        %jit3A = arith.constant 0 : i32
        %jit3A_650 = arith.constant 511 : i32
        %max3A_651 = vector.broadcast %jit3A : i32 to vector<16xi32>
        %max3A_652 = arith.maxsi %max3A_651, %add3A_649 : vector<16xi32>
        %min3A_653 = vector.broadcast %jit3A_650 : i32 to vector<16xi32>
        %min3A_654 = arith.minsi %min3A_653, %max3A_652 : vector<16xi32>
        %gather3A_655 = tpu.vector_load_idx %arg10[%broadcast_in_dim3A_433, %min3A_654] : memref<2x512xf32, #tpu.memory_space<vmem>>[vector<16xi32>, vector<16xi32>], vector<16xf32>,
        %sub3A_656 = arith.subi %min3A_440, %add3A_645 : i32
        %lt3A_657 = vector.broadcast %sub3A_656 : i32 to vector<16xi32>
        %lt3A_658 = arith.cmpi slt, %iota3A, %lt3A_657 : vector<16xi32>
        %jit3A_659 = arith.constant 0.000000e+00 : f32
        %broadcast_in_dim3A_660 = vector.broadcast %jit3A_659 : f32 to vector<16xf32>
        %select_n3A = arith.select %lt3A_658, %gather3A_655, %broadcast_in_dim3A_660 : vector<16xi1>, vector<16xf32>
        %add3A_661 = arith.constant 0 : i32
        %add3A_662 = arith.addi %add3A_645, %add3A_661 : i32
        %get3A_663 = arith.constant 0 : i32
        %get3A_664 = arith.index_cast %get3A_663 : i32 to index
        %get3A_665 = arith.index_cast %add3A_662 : i32 to index
        %get3A_666 = arith.constant 0 : index
        %get3A_667 = tpu.vector_load %arg9[%get3A_664, %get3A_665, %get3A_666] {strides = array<i32>} : memref<2x528x16xf32, #tpu.memory_space<vmem>>, vector<16xf32>,
        %slice3A_668 = vector.extract_strided_slice %select_n3A {offsets = [0], sizes = [1], strides = [1]} : vector<16xf32> to vector<1xf32>
        %squeeze3A_669 = vector.extract %slice3A_668[0] : f32 from vector<1xf32>
        %mul3A_670 = vector.broadcast %squeeze3A_669 : f32 to vector<16xf32>
        %mul3A_671 = arith.mulf %get3A_667, %mul3A_670 : vector<16xf32>
        %add3A_672 = arith.addf %while3A_639, %mul3A_671 : vector<16xf32>
        %add3A_673 = arith.constant 1 : i32
        %add3A_674 = arith.addi %add3A_645, %add3A_673 : i32
        %get3A_675 = arith.constant 0 : i32
        %get3A_676 = arith.index_cast %get3A_675 : i32 to index
        %get3A_677 = arith.index_cast %add3A_674 : i32 to index
        %get3A_678 = arith.constant 0 : index
        %get3A_679 = tpu.vector_load %arg9[%get3A_676, %get3A_677, %get3A_678] {strides = array<i32>} : memref<2x528x16xf32, #tpu.memory_space<vmem>>, vector<16xf32>,
        %slice3A_680 = vector.extract_strided_slice %select_n3A {offsets = [1], sizes = [1], strides = [1]} : vector<16xf32> to vector<1xf32>
        %squeeze3A_681 = vector.extract %slice3A_680[0] : f32 from vector<1xf32>
        %mul3A_682 = vector.broadcast %squeeze3A_681 : f32 to vector<16xf32>
        %mul3A_683 = arith.mulf %get3A_679, %mul3A_682 : vector<16xf32>
        %add3A_684 = arith.addf %while3A_640, %mul3A_683 : vector<16xf32>
        %add3A_685 = arith.constant 2 : i32
        %add3A_686 = arith.addi %add3A_645, %add3A_685 : i32
        %get3A_687 = arith.constant 0 : i32
        %get3A_688 = arith.index_cast %get3A_687 : i32 to index
        %get3A_689 = arith.index_cast %add3A_686 : i32 to index
        %get3A_690 = arith.constant 0 : index
        %get3A_691 = tpu.vector_load %arg9[%get3A_688, %get3A_689, %get3A_690] {strides = array<i32>} : memref<2x528x16xf32, #tpu.memory_space<vmem>>, vector<16xf32>,
        %slice3A_692 = vector.extract_strided_slice %select_n3A {offsets = [2], sizes = [1], strides = [1]} : vector<16xf32> to vector<1xf32>
        %squeeze3A_693 = vector.extract %slice3A_692[0] : f32 from vector<1xf32>
        %mul3A_694 = vector.broadcast %squeeze3A_693 : f32 to vector<16xf32>
        %mul3A_695 = arith.mulf %get3A_691, %mul3A_694 : vector<16xf32>
        %add3A_696 = arith.addf %while3A_641, %mul3A_695 : vector<16xf32>
        %add3A_697 = arith.constant 3 : i32
        %add3A_698 = arith.addi %add3A_645, %add3A_697 : i32
        %get3A_699 = arith.constant 0 : i32
        %get3A_700 = arith.index_cast %get3A_699 : i32 to index
        %get3A_701 = arith.index_cast %add3A_698 : i32 to index
        %get3A_702 = arith.constant 0 : index
        %get3A_703 = tpu.vector_load %arg9[%get3A_700, %get3A_701, %get3A_702] {strides = array<i32>} : memref<2x528x16xf32, #tpu.memory_space<vmem>>, vector<16xf32>,
        %slice3A_704 = vector.extract_strided_slice %select_n3A {offsets = [3], sizes = [1], strides = [1]} : vector<16xf32> to vector<1xf32>
        %squeeze3A_705 = vector.extract %slice3A_704[0] : f32 from vector<1xf32>
        %mul3A_706 = vector.broadcast %squeeze3A_705 : f32 to vector<16xf32>
        %mul3A_707 = arith.mulf %get3A_703, %mul3A_706 : vector<16xf32>
        %add3A_708 = arith.addf %while3A_642, %mul3A_707 : vector<16xf32>
        %add3A_709 = arith.constant 4 : i32
        %add3A_710 = arith.addi %add3A_645, %add3A_709 : i32
        %get3A_711 = arith.constant 0 : i32
        %get3A_712 = arith.index_cast %get3A_711 : i32 to index
        %get3A_713 = arith.index_cast %add3A_710 : i32 to index
        %get3A_714 = arith.constant 0 : index
        %get3A_715 = tpu.vector_load %arg9[%get3A_712, %get3A_713, %get3A_714] {strides = array<i32>} : memref<2x528x16xf32, #tpu.memory_space<vmem>>, vector<16xf32>,
        %slice3A_716 = vector.extract_strided_slice %select_n3A {offsets = [4], sizes = [1], strides = [1]} : vector<16xf32> to vector<1xf32>
        %squeeze3A_717 = vector.extract %slice3A_716[0] : f32 from vector<1xf32>
        %mul3A_718 = vector.broadcast %squeeze3A_717 : f32 to vector<16xf32>
        %mul3A_719 = arith.mulf %get3A_715, %mul3A_718 : vector<16xf32>
        %add3A_720 = arith.addf %add3A_672, %mul3A_719 : vector<16xf32>
        %add3A_721 = arith.constant 5 : i32
        %add3A_722 = arith.addi %add3A_645, %add3A_721 : i32
        %get3A_723 = arith.constant 0 : i32
        %get3A_724 = arith.index_cast %get3A_723 : i32 to index
        %get3A_725 = arith.index_cast %add3A_722 : i32 to index
        %get3A_726 = arith.constant 0 : index
        %get3A_727 = tpu.vector_load %arg9[%get3A_724, %get3A_725, %get3A_726] {strides = array<i32>} : memref<2x528x16xf32, #tpu.memory_space<vmem>>, vector<16xf32>,
        %slice3A_728 = vector.extract_strided_slice %select_n3A {offsets = [5], sizes = [1], strides = [1]} : vector<16xf32> to vector<1xf32>
        %squeeze3A_729 = vector.extract %slice3A_728[0] : f32 from vector<1xf32>
        %mul3A_730 = vector.broadcast %squeeze3A_729 : f32 to vector<16xf32>
        %mul3A_731 = arith.mulf %get3A_727, %mul3A_730 : vector<16xf32>
        %add3A_732 = arith.addf %add3A_684, %mul3A_731 : vector<16xf32>
        %add3A_733 = arith.constant 6 : i32
        %add3A_734 = arith.addi %add3A_645, %add3A_733 : i32
        %get3A_735 = arith.constant 0 : i32
        %get3A_736 = arith.index_cast %get3A_735 : i32 to index
        %get3A_737 = arith.index_cast %add3A_734 : i32 to index
        %get3A_738 = arith.constant 0 : index
        %get3A_739 = tpu.vector_load %arg9[%get3A_736, %get3A_737, %get3A_738] {strides = array<i32>} : memref<2x528x16xf32, #tpu.memory_space<vmem>>, vector<16xf32>,
        %slice3A_740 = vector.extract_strided_slice %select_n3A {offsets = [6], sizes = [1], strides = [1]} : vector<16xf32> to vector<1xf32>
        %squeeze3A_741 = vector.extract %slice3A_740[0] : f32 from vector<1xf32>
        %mul3A_742 = vector.broadcast %squeeze3A_741 : f32 to vector<16xf32>
        %mul3A_743 = arith.mulf %get3A_739, %mul3A_742 : vector<16xf32>
        %add3A_744 = arith.addf %add3A_696, %mul3A_743 : vector<16xf32>
        %add3A_745 = arith.constant 7 : i32
        %add3A_746 = arith.addi %add3A_645, %add3A_745 : i32
        %get3A_747 = arith.constant 0 : i32
        %get3A_748 = arith.index_cast %get3A_747 : i32 to index
        %get3A_749 = arith.index_cast %add3A_746 : i32 to index
        %get3A_750 = arith.constant 0 : index
        %get3A_751 = tpu.vector_load %arg9[%get3A_748, %get3A_749, %get3A_750] {strides = array<i32>} : memref<2x528x16xf32, #tpu.memory_space<vmem>>, vector<16xf32>,
        %slice3A_752 = vector.extract_strided_slice %select_n3A {offsets = [7], sizes = [1], strides = [1]} : vector<16xf32> to vector<1xf32>
        %squeeze3A_753 = vector.extract %slice3A_752[0] : f32 from vector<1xf32>
        %mul3A_754 = vector.broadcast %squeeze3A_753 : f32 to vector<16xf32>
        %mul3A_755 = arith.mulf %get3A_751, %mul3A_754 : vector<16xf32>
        %add3A_756 = arith.addf %add3A_708, %mul3A_755 : vector<16xf32>
        %add3A_757 = arith.constant 8 : i32
        %add3A_758 = arith.addi %add3A_645, %add3A_757 : i32
        %get3A_759 = arith.constant 0 : i32
        %get3A_760 = arith.index_cast %get3A_759 : i32 to index
        %get3A_761 = arith.index_cast %add3A_758 : i32 to index
        %get3A_762 = arith.constant 0 : index
        %get3A_763 = tpu.vector_load %arg9[%get3A_760, %get3A_761, %get3A_762] {strides = array<i32>} : memref<2x528x16xf32, #tpu.memory_space<vmem>>, vector<16xf32>,
        %slice3A_764 = vector.extract_strided_slice %select_n3A {offsets = [8], sizes = [1], strides = [1]} : vector<16xf32> to vector<1xf32>
        %squeeze3A_765 = vector.extract %slice3A_764[0] : f32 from vector<1xf32>
        %mul3A_766 = vector.broadcast %squeeze3A_765 : f32 to vector<16xf32>
        %mul3A_767 = arith.mulf %get3A_763, %mul3A_766 : vector<16xf32>
        %add3A_768 = arith.addf %add3A_720, %mul3A_767 : vector<16xf32>
        %add3A_769 = arith.constant 9 : i32
        %add3A_770 = arith.addi %add3A_645, %add3A_769 : i32
        %get3A_771 = arith.constant 0 : i32
        %get3A_772 = arith.index_cast %get3A_771 : i32 to index
        %get3A_773 = arith.index_cast %add3A_770 : i32 to index
        %get3A_774 = arith.constant 0 : index
        %get3A_775 = tpu.vector_load %arg9[%get3A_772, %get3A_773, %get3A_774] {strides = array<i32>} : memref<2x528x16xf32, #tpu.memory_space<vmem>>, vector<16xf32>,
        %slice3A_776 = vector.extract_strided_slice %select_n3A {offsets = [9], sizes = [1], strides = [1]} : vector<16xf32> to vector<1xf32>
        %squeeze3A_777 = vector.extract %slice3A_776[0] : f32 from vector<1xf32>
        %mul3A_778 = vector.broadcast %squeeze3A_777 : f32 to vector<16xf32>
        %mul3A_779 = arith.mulf %get3A_775, %mul3A_778 : vector<16xf32>
        %add3A_780 = arith.addf %add3A_732, %mul3A_779 : vector<16xf32>
        %add3A_781 = arith.constant 10 : i32
        %add3A_782 = arith.addi %add3A_645, %add3A_781 : i32
        %get3A_783 = arith.constant 0 : i32
        %get3A_784 = arith.index_cast %get3A_783 : i32 to index
        %get3A_785 = arith.index_cast %add3A_782 : i32 to index
        %get3A_786 = arith.constant 0 : index
        %get3A_787 = tpu.vector_load %arg9[%get3A_784, %get3A_785, %get3A_786] {strides = array<i32>} : memref<2x528x16xf32, #tpu.memory_space<vmem>>, vector<16xf32>,
        %slice3A_788 = vector.extract_strided_slice %select_n3A {offsets = [10], sizes = [1], strides = [1]} : vector<16xf32> to vector<1xf32>
        %squeeze3A_789 = vector.extract %slice3A_788[0] : f32 from vector<1xf32>
        %mul3A_790 = vector.broadcast %squeeze3A_789 : f32 to vector<16xf32>
        %mul3A_791 = arith.mulf %get3A_787, %mul3A_790 : vector<16xf32>
        %add3A_792 = arith.addf %add3A_744, %mul3A_791 : vector<16xf32>
        %add3A_793 = arith.constant 11 : i32
        %add3A_794 = arith.addi %add3A_645, %add3A_793 : i32
        %get3A_795 = arith.constant 0 : i32
        %get3A_796 = arith.index_cast %get3A_795 : i32 to index
        %get3A_797 = arith.index_cast %add3A_794 : i32 to index
        %get3A_798 = arith.constant 0 : index
        %get3A_799 = tpu.vector_load %arg9[%get3A_796, %get3A_797, %get3A_798] {strides = array<i32>} : memref<2x528x16xf32, #tpu.memory_space<vmem>>, vector<16xf32>,
        %slice3A_800 = vector.extract_strided_slice %select_n3A {offsets = [11], sizes = [1], strides = [1]} : vector<16xf32> to vector<1xf32>
        %squeeze3A_801 = vector.extract %slice3A_800[0] : f32 from vector<1xf32>
        %mul3A_802 = vector.broadcast %squeeze3A_801 : f32 to vector<16xf32>
        %mul3A_803 = arith.mulf %get3A_799, %mul3A_802 : vector<16xf32>
        %add3A_804 = arith.addf %add3A_756, %mul3A_803 : vector<16xf32>
        %add3A_805 = arith.constant 12 : i32
        %add3A_806 = arith.addi %add3A_645, %add3A_805 : i32
        %get3A_807 = arith.constant 0 : i32
        %get3A_808 = arith.index_cast %get3A_807 : i32 to index
        %get3A_809 = arith.index_cast %add3A_806 : i32 to index
        %get3A_810 = arith.constant 0 : index
        %get3A_811 = tpu.vector_load %arg9[%get3A_808, %get3A_809, %get3A_810] {strides = array<i32>} : memref<2x528x16xf32, #tpu.memory_space<vmem>>, vector<16xf32>,
        %slice3A_812 = vector.extract_strided_slice %select_n3A {offsets = [12], sizes = [1], strides = [1]} : vector<16xf32> to vector<1xf32>
        %squeeze3A_813 = vector.extract %slice3A_812[0] : f32 from vector<1xf32>
        %mul3A_814 = vector.broadcast %squeeze3A_813 : f32 to vector<16xf32>
        %mul3A_815 = arith.mulf %get3A_811, %mul3A_814 : vector<16xf32>
        %add3A_816 = arith.addf %add3A_768, %mul3A_815 : vector<16xf32>
        %add3A_817 = arith.constant 13 : i32
        %add3A_818 = arith.addi %add3A_645, %add3A_817 : i32
        %get3A_819 = arith.constant 0 : i32
        %get3A_820 = arith.index_cast %get3A_819 : i32 to index
        %get3A_821 = arith.index_cast %add3A_818 : i32 to index
        %get3A_822 = arith.constant 0 : index
        %get3A_823 = tpu.vector_load %arg9[%get3A_820, %get3A_821, %get3A_822] {strides = array<i32>} : memref<2x528x16xf32, #tpu.memory_space<vmem>>, vector<16xf32>,
        %slice3A_824 = vector.extract_strided_slice %select_n3A {offsets = [13], sizes = [1], strides = [1]} : vector<16xf32> to vector<1xf32>
        %squeeze3A_825 = vector.extract %slice3A_824[0] : f32 from vector<1xf32>
        %mul3A_826 = vector.broadcast %squeeze3A_825 : f32 to vector<16xf32>
        %mul3A_827 = arith.mulf %get3A_823, %mul3A_826 : vector<16xf32>
        %add3A_828 = arith.addf %add3A_780, %mul3A_827 : vector<16xf32>
        %add3A_829 = arith.constant 14 : i32
        %add3A_830 = arith.addi %add3A_645, %add3A_829 : i32
        %get3A_831 = arith.constant 0 : i32
        %get3A_832 = arith.index_cast %get3A_831 : i32 to index
        %get3A_833 = arith.index_cast %add3A_830 : i32 to index
        %get3A_834 = arith.constant 0 : index
        %get3A_835 = tpu.vector_load %arg9[%get3A_832, %get3A_833, %get3A_834] {strides = array<i32>} : memref<2x528x16xf32, #tpu.memory_space<vmem>>, vector<16xf32>,
        %slice3A_836 = vector.extract_strided_slice %select_n3A {offsets = [14], sizes = [1], strides = [1]} : vector<16xf32> to vector<1xf32>
        %squeeze3A_837 = vector.extract %slice3A_836[0] : f32 from vector<1xf32>
        %mul3A_838 = vector.broadcast %squeeze3A_837 : f32 to vector<16xf32>
        %mul3A_839 = arith.mulf %get3A_835, %mul3A_838 : vector<16xf32>
        %add3A_840 = arith.addf %add3A_792, %mul3A_839 : vector<16xf32>
        %add3A_841 = arith.constant 15 : i32
        %add3A_842 = arith.addi %add3A_645, %add3A_841 : i32
        %get3A_843 = arith.constant 0 : i32
        %get3A_844 = arith.index_cast %get3A_843 : i32 to index
        %get3A_845 = arith.index_cast %add3A_842 : i32 to index
        %get3A_846 = arith.constant 0 : index
        %get3A_847 = tpu.vector_load %arg9[%get3A_844, %get3A_845, %get3A_846] {strides = array<i32>} : memref<2x528x16xf32, #tpu.memory_space<vmem>>, vector<16xf32>,
        %slice3A_848 = vector.extract_strided_slice %select_n3A {offsets = [15], sizes = [1], strides = [1]} : vector<16xf32> to vector<1xf32>
        %squeeze3A_849 = vector.extract %slice3A_848[0] : f32 from vector<1xf32>
        %mul3A_850 = vector.broadcast %squeeze3A_849 : f32 to vector<16xf32>
        %mul3A_851 = arith.mulf %get3A_847, %mul3A_850 : vector<16xf32>
        %add3A_852 = arith.addf %add3A_804, %mul3A_851 : vector<16xf32>
        scf.yield %add3A_816, %add3A_828, %add3A_840, %add3A_852 : vector<16xf32>, vector<16xf32>, vector<16xf32>, vector<16xf32>
      }
      %sub3A_459 = arith.subi %scan3A_332, %multiple_of3A_348 : i32
      %add3A_460 = arith.constant 512 : i32
      %add3A_461 = arith.addi %sub3A_459, %add3A_460 : i32
      %sub3A_462 = arith.constant 1 : i32
      %sub3A_463 = arith.subi %add3A_461, %sub3A_462 : i32
      %div3A_464 = arith.constant 512 : i32
      %div3A_465 = arith.divsi %sub3A_463, %div3A_464 : i32
      %while3A_466 = arith.constant 1 : i32
      %while3A_467 = arith.subi %div3A_465, %while3A_466 : i32
      %while3A_468 = arith.addi %while3A_466, %while3A_467 : i32
      %while3A_469 = arith.constant 1 : i32
      %while3A_470 = arith.divsi %while3A_467, %while3A_469 : i32
      %while3A_471 = arith.muli %while3A_470, %while3A_469 : i32
      %while3A_472 = arith.addi %while3A_466, %while3A_471 : i32
      %while3A_473 = arith.constant 1 : i32
      %while3A_474:4 = scf.for %while3A_638 = %while3A_466 to %while3A_472 step %while3A_473 iter_args(%while3A_639 = %while3A_458#0, %while3A_640 = %while3A_458#1, %while3A_641 = %while3A_458#2, %while3A_642 = %while3A_458#3) -> (vector<16xf32>, vector<16xf32>, vector<16xf32>, vector<16xf32>)  : i32 {
        %mul3A_643 = arith.constant 512 : i32
        %mul3A_644 = arith.muli %while3A_638, %mul3A_643 : i32
        %add3A_645 = arith.addi %multiple_of3A_348, %mul3A_644 : i32
        %multiple_of3A_646 = tpu.assume_multiple %add3A_645, 8 : i32
        "tpu.region"() ({
          %run_scoped3A_737 = tpu.sem_alloc : memref<!tpu.dma_semaphore, #tpu.memory_space<semaphore_mem>>
          %dma_start3A_738 = tpu.memref_slice %arg3[%multiple_of3A_646] : memref<3200520xi32, #tpu.memory_space<hbm>> -> memref<512xi32, #tpu.memory_space<hbm>>
          %dma_start3A_739 = tpu.memref_slice %arg3[%multiple_of3A_646] : memref<3200520xi32, #tpu.memory_space<hbm>> -> memref<512xi32, #tpu.memory_space<hbm>>
          tpu.enqueue_dma source(%dma_start3A_739 : memref<512xi32, #tpu.memory_space<hbm>>) target(%arg11 : memref<512xi32, #tpu.memory_space<vmem>>) target_semaphore(%run_scoped3A_737 : memref<!tpu.dma_semaphore, #tpu.memory_space<semaphore_mem>>)
          %dma_wait3A_740 = tpu.memref_slice %arg3[%multiple_of3A_646] : memref<3200520xi32, #tpu.memory_space<hbm>> -> memref<512xi32, #tpu.memory_space<hbm>>
          %dma_wait3A_741 = tpu.memref_slice %arg3[%multiple_of3A_646] : memref<3200520xi32, #tpu.memory_space<hbm>> -> memref<512xi32, #tpu.memory_space<hbm>>
          tpu.wait_dma2 semaphore(%run_scoped3A_737 : memref<!tpu.dma_semaphore, #tpu.memory_space<semaphore_mem>>) src(%dma_wait3A_741 : memref<512xi32, #tpu.memory_space<hbm>>) dst(%arg11 : memref<512xi32, #tpu.memory_space<vmem>>)
          tpu.yield
        }) : () -> ()
        %add3A_647 = arith.constant 0 : i32
        %add3A_648 = arith.addi %multiple_of3A_646, %add3A_647 : i32
        %add3A_649 = arith.constant 15 : i32
        %add3A_650 = arith.addi %scan3A_332, %add3A_649 : i32
        %lt3A_651 = arith.cmpi slt, %add3A_648, %add3A_650 : i32
        %convert_element_type3A_652 = arith.extui %lt3A_651 : i1 to i32
        %cond3A_653 = arith.constant 0 : i32
        %cond3A_654 = arith.cmpi ne, %convert_element_type3A_652, %cond3A_653 : i32
        scf.if %cond3A_654 {
          %dma_start3A_737 = arith.constant 0 : i32
          %dma_start3A_738 = arith.constant 0 : i32
          %dma_start3A_739 = tpu.memref_slice %arg12[%dma_start3A_737, %dma_start3A_738] : memref<528x16xf32, #tpu.memory_space<vmem>> -> memref<128x16xf32, #tpu.memory_space<vmem>>
          %dma_start3A_740 = arith.constant 0 : i32
          %dma_start3A_741 = tpu.memref_slice %arg11[%dma_start3A_740] : memref<512xi32, #tpu.memory_space<vmem>> -> memref<128xi32, #tpu.memory_space<vmem>>
          %dma_start3A_742 = arith.constant 0 : i32
          %dma_start3A_743 = arith.constant 0 : i32
          %dma_start3A_744 = tpu.memref_slice %arg2[%dma_start3A_742, %dma_start3A_743] : memref<100000x16xf32, #tpu.memory_space<hbm>> -> memref<100000x16xf32, #tpu.memory_space<hbm>>
          tpu.enqueue_indirect_dma source(%dma_start3A_744 : memref<100000x16xf32, #tpu.memory_space<hbm>>) target(%dma_start3A_739 : memref<128x16xf32, #tpu.memory_space<vmem>>) offsets(%dma_start3A_741 : memref<128xi32, #tpu.memory_space<vmem>>) semaphore(%arg19 : memref<!tpu.dma_semaphore, #tpu.memory_space<semaphore_mem>>)
        } else {
        }
        %add3A_655 = arith.constant 128 : i32
        %add3A_656 = arith.addi %multiple_of3A_646, %add3A_655 : i32
        %add3A_657 = arith.constant 15 : i32
        %add3A_658 = arith.addi %scan3A_332, %add3A_657 : i32
        %lt3A_659 = arith.cmpi slt, %add3A_656, %add3A_658 : i32
        %convert_element_type3A_660 = arith.extui %lt3A_659 : i1 to i32
        %cond3A_661 = arith.constant 0 : i32
        %cond3A_662 = arith.cmpi ne, %convert_element_type3A_660, %cond3A_661 : i32
        scf.if %cond3A_662 {
          %dma_start3A_737 = arith.constant 128 : i32
          %dma_start3A_738 = arith.constant 0 : i32
          %dma_start3A_739 = tpu.memref_slice %arg12[%dma_start3A_737, %dma_start3A_738] : memref<528x16xf32, #tpu.memory_space<vmem>> -> memref<128x16xf32, #tpu.memory_space<vmem>>
          %dma_start3A_740 = arith.constant 128 : i32
          %dma_start3A_741 = tpu.memref_slice %arg11[%dma_start3A_740] : memref<512xi32, #tpu.memory_space<vmem>> -> memref<128xi32, #tpu.memory_space<vmem>>
          %dma_start3A_742 = arith.constant 0 : i32
          %dma_start3A_743 = arith.constant 0 : i32
          %dma_start3A_744 = tpu.memref_slice %arg2[%dma_start3A_742, %dma_start3A_743] : memref<100000x16xf32, #tpu.memory_space<hbm>> -> memref<100000x16xf32, #tpu.memory_space<hbm>>
          tpu.enqueue_indirect_dma source(%dma_start3A_744 : memref<100000x16xf32, #tpu.memory_space<hbm>>) target(%dma_start3A_739 : memref<128x16xf32, #tpu.memory_space<vmem>>) offsets(%dma_start3A_741 : memref<128xi32, #tpu.memory_space<vmem>>) semaphore(%arg19 : memref<!tpu.dma_semaphore, #tpu.memory_space<semaphore_mem>>)
        } else {
        }
        %add3A_663 = arith.constant 256 : i32
        %add3A_664 = arith.addi %multiple_of3A_646, %add3A_663 : i32
        %add3A_665 = arith.constant 15 : i32
        %add3A_666 = arith.addi %scan3A_332, %add3A_665 : i32
        %lt3A_667 = arith.cmpi slt, %add3A_664, %add3A_666 : i32
        %convert_element_type3A_668 = arith.extui %lt3A_667 : i1 to i32
        %cond3A_669 = arith.constant 0 : i32
        %cond3A_670 = arith.cmpi ne, %convert_element_type3A_668, %cond3A_669 : i32
        scf.if %cond3A_670 {
          %dma_start3A_737 = arith.constant 256 : i32
          %dma_start3A_738 = arith.constant 0 : i32
          %dma_start3A_739 = tpu.memref_slice %arg12[%dma_start3A_737, %dma_start3A_738] : memref<528x16xf32, #tpu.memory_space<vmem>> -> memref<128x16xf32, #tpu.memory_space<vmem>>
          %dma_start3A_740 = arith.constant 256 : i32
          %dma_start3A_741 = tpu.memref_slice %arg11[%dma_start3A_740] : memref<512xi32, #tpu.memory_space<vmem>> -> memref<128xi32, #tpu.memory_space<vmem>>
          %dma_start3A_742 = arith.constant 0 : i32
          %dma_start3A_743 = arith.constant 0 : i32
          %dma_start3A_744 = tpu.memref_slice %arg2[%dma_start3A_742, %dma_start3A_743] : memref<100000x16xf32, #tpu.memory_space<hbm>> -> memref<100000x16xf32, #tpu.memory_space<hbm>>
          tpu.enqueue_indirect_dma source(%dma_start3A_744 : memref<100000x16xf32, #tpu.memory_space<hbm>>) target(%dma_start3A_739 : memref<128x16xf32, #tpu.memory_space<vmem>>) offsets(%dma_start3A_741 : memref<128xi32, #tpu.memory_space<vmem>>) semaphore(%arg19 : memref<!tpu.dma_semaphore, #tpu.memory_space<semaphore_mem>>)
        } else {
        }
        %add3A_671 = arith.constant 384 : i32
        %add3A_672 = arith.addi %multiple_of3A_646, %add3A_671 : i32
        %add3A_673 = arith.constant 15 : i32
        %add3A_674 = arith.addi %scan3A_332, %add3A_673 : i32
        %lt3A_675 = arith.cmpi slt, %add3A_672, %add3A_674 : i32
        %convert_element_type3A_676 = arith.extui %lt3A_675 : i1 to i32
        %cond3A_677 = arith.constant 0 : i32
        %cond3A_678 = arith.cmpi ne, %convert_element_type3A_676, %cond3A_677 : i32
        scf.if %cond3A_678 {
          %dma_start3A_737 = arith.constant 384 : i32
          %dma_start3A_738 = arith.constant 0 : i32
          %dma_start3A_739 = tpu.memref_slice %arg12[%dma_start3A_737, %dma_start3A_738] : memref<528x16xf32, #tpu.memory_space<vmem>> -> memref<128x16xf32, #tpu.memory_space<vmem>>
          %dma_start3A_740 = arith.constant 384 : i32
          %dma_start3A_741 = tpu.memref_slice %arg11[%dma_start3A_740] : memref<512xi32, #tpu.memory_space<vmem>> -> memref<128xi32, #tpu.memory_space<vmem>>
          %dma_start3A_742 = arith.constant 0 : i32
          %dma_start3A_743 = arith.constant 0 : i32
          %dma_start3A_744 = tpu.memref_slice %arg2[%dma_start3A_742, %dma_start3A_743] : memref<100000x16xf32, #tpu.memory_space<hbm>> -> memref<100000x16xf32, #tpu.memory_space<hbm>>
          tpu.enqueue_indirect_dma source(%dma_start3A_744 : memref<100000x16xf32, #tpu.memory_space<hbm>>) target(%dma_start3A_739 : memref<128x16xf32, #tpu.memory_space<vmem>>) offsets(%dma_start3A_741 : memref<128xi32, #tpu.memory_space<vmem>>) semaphore(%arg19 : memref<!tpu.dma_semaphore, #tpu.memory_space<semaphore_mem>>)
        } else {
        }
        %add3A_679 = arith.constant 0 : i32
        %add3A_680 = arith.addi %multiple_of3A_646, %add3A_679 : i32
        %add3A_681 = arith.constant 15 : i32
        %add3A_682 = arith.addi %scan3A_332, %add3A_681 : i32
        %lt3A_683 = arith.cmpi slt, %add3A_680, %add3A_682 : i32
        %convert_element_type3A_684 = arith.extui %lt3A_683 : i1 to i32
        %cond3A_685 = arith.constant 0 : i32
        %cond3A_686 = arith.cmpi ne, %convert_element_type3A_684, %cond3A_685 : i32
        scf.if %cond3A_686 {
          %dma_wait3A_737 = arith.constant 0 : i32
          %dma_wait3A_738 = arith.constant 0 : i32
          %dma_wait3A_739 = tpu.memref_slice %arg12[%dma_wait3A_737, %dma_wait3A_738] : memref<528x16xf32, #tpu.memory_space<vmem>> -> memref<128x16xf32, #tpu.memory_space<vmem>>
          %dma_wait3A_740 = arith.constant 0 : i32
          %dma_wait3A_741 = tpu.memref_slice %arg11[%dma_wait3A_740] : memref<512xi32, #tpu.memory_space<vmem>> -> memref<128xi32, #tpu.memory_space<vmem>>
          %dma_wait3A_742 = arith.constant 0 : i32
          %dma_wait3A_743 = arith.constant 0 : i32
          %dma_wait3A_744 = tpu.memref_slice %arg2[%dma_wait3A_742, %dma_wait3A_743] : memref<100000x16xf32, #tpu.memory_space<hbm>> -> memref<100000x16xf32, #tpu.memory_space<hbm>>
          tpu.wait_indirect_dma semaphore(%arg19 : memref<!tpu.dma_semaphore, #tpu.memory_space<semaphore_mem>>) src(%dma_wait3A_744 : memref<100000x16xf32, #tpu.memory_space<hbm>>) dst(%dma_wait3A_739 : memref<128x16xf32, #tpu.memory_space<vmem>>)
        } else {
        }
        %add3A_687 = arith.constant 128 : i32
        %add3A_688 = arith.addi %multiple_of3A_646, %add3A_687 : i32
        %add3A_689 = arith.constant 15 : i32
        %add3A_690 = arith.addi %scan3A_332, %add3A_689 : i32
        %lt3A_691 = arith.cmpi slt, %add3A_688, %add3A_690 : i32
        %convert_element_type3A_692 = arith.extui %lt3A_691 : i1 to i32
        %cond3A_693 = arith.constant 0 : i32
        %cond3A_694 = arith.cmpi ne, %convert_element_type3A_692, %cond3A_693 : i32
        scf.if %cond3A_694 {
          %dma_wait3A_737 = arith.constant 128 : i32
          %dma_wait3A_738 = arith.constant 0 : i32
          %dma_wait3A_739 = tpu.memref_slice %arg12[%dma_wait3A_737, %dma_wait3A_738] : memref<528x16xf32, #tpu.memory_space<vmem>> -> memref<128x16xf32, #tpu.memory_space<vmem>>
          %dma_wait3A_740 = arith.constant 128 : i32
          %dma_wait3A_741 = tpu.memref_slice %arg11[%dma_wait3A_740] : memref<512xi32, #tpu.memory_space<vmem>> -> memref<128xi32, #tpu.memory_space<vmem>>
          %dma_wait3A_742 = arith.constant 0 : i32
          %dma_wait3A_743 = arith.constant 0 : i32
          %dma_wait3A_744 = tpu.memref_slice %arg2[%dma_wait3A_742, %dma_wait3A_743] : memref<100000x16xf32, #tpu.memory_space<hbm>> -> memref<100000x16xf32, #tpu.memory_space<hbm>>
          tpu.wait_indirect_dma semaphore(%arg19 : memref<!tpu.dma_semaphore, #tpu.memory_space<semaphore_mem>>) src(%dma_wait3A_744 : memref<100000x16xf32, #tpu.memory_space<hbm>>) dst(%dma_wait3A_739 : memref<128x16xf32, #tpu.memory_space<vmem>>)
        } else {
        }
        %add3A_695 = arith.constant 256 : i32
        %add3A_696 = arith.addi %multiple_of3A_646, %add3A_695 : i32
        %add3A_697 = arith.constant 15 : i32
        %add3A_698 = arith.addi %scan3A_332, %add3A_697 : i32
        %lt3A_699 = arith.cmpi slt, %add3A_696, %add3A_698 : i32
        %convert_element_type3A_700 = arith.extui %lt3A_699 : i1 to i32
        %cond3A_701 = arith.constant 0 : i32
        %cond3A_702 = arith.cmpi ne, %convert_element_type3A_700, %cond3A_701 : i32
        scf.if %cond3A_702 {
          %dma_wait3A_737 = arith.constant 256 : i32
          %dma_wait3A_738 = arith.constant 0 : i32
          %dma_wait3A_739 = tpu.memref_slice %arg12[%dma_wait3A_737, %dma_wait3A_738] : memref<528x16xf32, #tpu.memory_space<vmem>> -> memref<128x16xf32, #tpu.memory_space<vmem>>
          %dma_wait3A_740 = arith.constant 256 : i32
          %dma_wait3A_741 = tpu.memref_slice %arg11[%dma_wait3A_740] : memref<512xi32, #tpu.memory_space<vmem>> -> memref<128xi32, #tpu.memory_space<vmem>>
          %dma_wait3A_742 = arith.constant 0 : i32
          %dma_wait3A_743 = arith.constant 0 : i32
          %dma_wait3A_744 = tpu.memref_slice %arg2[%dma_wait3A_742, %dma_wait3A_743] : memref<100000x16xf32, #tpu.memory_space<hbm>> -> memref<100000x16xf32, #tpu.memory_space<hbm>>
          tpu.wait_indirect_dma semaphore(%arg19 : memref<!tpu.dma_semaphore, #tpu.memory_space<semaphore_mem>>) src(%dma_wait3A_744 : memref<100000x16xf32, #tpu.memory_space<hbm>>) dst(%dma_wait3A_739 : memref<128x16xf32, #tpu.memory_space<vmem>>)
        } else {
        }
        %add3A_703 = arith.constant 384 : i32
        %add3A_704 = arith.addi %multiple_of3A_646, %add3A_703 : i32
        %add3A_705 = arith.constant 15 : i32
        %add3A_706 = arith.addi %scan3A_332, %add3A_705 : i32
        %lt3A_707 = arith.cmpi slt, %add3A_704, %add3A_706 : i32
        %convert_element_type3A_708 = arith.extui %lt3A_707 : i1 to i32
        %cond3A_709 = arith.constant 0 : i32
        %cond3A_710 = arith.cmpi ne, %convert_element_type3A_708, %cond3A_709 : i32
        scf.if %cond3A_710 {
          %dma_wait3A_737 = arith.constant 384 : i32
          %dma_wait3A_738 = arith.constant 0 : i32
          %dma_wait3A_739 = tpu.memref_slice %arg12[%dma_wait3A_737, %dma_wait3A_738] : memref<528x16xf32, #tpu.memory_space<vmem>> -> memref<128x16xf32, #tpu.memory_space<vmem>>
          %dma_wait3A_740 = arith.constant 384 : i32
          %dma_wait3A_741 = tpu.memref_slice %arg11[%dma_wait3A_740] : memref<512xi32, #tpu.memory_space<vmem>> -> memref<128xi32, #tpu.memory_space<vmem>>
          %dma_wait3A_742 = arith.constant 0 : i32
          %dma_wait3A_743 = arith.constant 0 : i32
          %dma_wait3A_744 = tpu.memref_slice %arg2[%dma_wait3A_742, %dma_wait3A_743] : memref<100000x16xf32, #tpu.memory_space<hbm>> -> memref<100000x16xf32, #tpu.memory_space<hbm>>
          tpu.wait_indirect_dma semaphore(%arg19 : memref<!tpu.dma_semaphore, #tpu.memory_space<semaphore_mem>>) src(%dma_wait3A_744 : memref<100000x16xf32, #tpu.memory_space<hbm>>) dst(%dma_wait3A_739 : memref<128x16xf32, #tpu.memory_space<vmem>>)
        } else {
        }
        %sub3A_711 = arith.subi %scan3A_331, %multiple_of3A_646 : i32
        %max3A_712 = arith.constant 0 : i32
        %max3A_713 = arith.maxsi %sub3A_711, %max3A_712 : i32
        %sub3A_714 = arith.subi %scan3A_332, %multiple_of3A_646 : i32
        %min3A_715 = arith.constant 512 : i32
        %min3A_716 = arith.minsi %sub3A_714, %min3A_715 : i32
        %sub3A_717 = arith.subi %min3A_716, %max3A_713 : i32
        %max3A_718 = arith.constant 0 : i32
        %max3A_719 = arith.maxsi %sub3A_717, %max3A_718 : i32
        %add3A_720 = arith.constant 16 : i32
        %add3A_721 = arith.addi %max3A_719, %add3A_720 : i32
        %sub3A_722 = arith.constant 1 : i32
        %sub3A_723 = arith.subi %add3A_721, %sub3A_722 : i32
        %div3A_724 = arith.constant 16 : i32
        %div3A_725 = arith.divsi %sub3A_723, %div3A_724 : i32
        %while3A_726 = arith.constant 0 : i32
        %while3A_727 = arith.subi %div3A_725, %while3A_726 : i32
        %while3A_728 = arith.addi %while3A_726, %while3A_727 : i32
        %while3A_729 = arith.constant 1 : i32
        %while3A_730 = arith.divsi %while3A_727, %while3A_729 : i32
        %while3A_731 = arith.muli %while3A_730, %while3A_729 : i32
        %while3A_732 = arith.addi %while3A_726, %while3A_731 : i32
        %while3A_733 = arith.constant 1 : i32
        %while3A_734:4 = scf.for %while3A_737 = %while3A_726 to %while3A_732 step %while3A_733 iter_args(%while3A_738 = %while3A_639, %while3A_739 = %while3A_640, %while3A_740 = %while3A_641, %while3A_741 = %while3A_642) -> (vector<16xf32>, vector<16xf32>, vector<16xf32>, vector<16xf32>)  : i32 {
          %mul3A_742 = arith.constant 16 : i32
          %mul3A_743 = arith.muli %while3A_737, %mul3A_742 : i32
          %add3A_744 = arith.addi %max3A_713, %mul3A_743 : i32
          %add3A_745 = arith.addi %multiple_of3A_646, %add3A_744 : i32
          %sub3A_746 = arith.subi %add3A_745, %scan3A_331 : i32
          %add3A_747 = vector.broadcast %sub3A_746 : i32 to vector<16xi32>
          %add3A_748 = arith.addi %add3A_747, %iota3A : vector<16xi32>
          %jit3A = arith.constant 0 : i32
          %jit3A_749 = arith.constant 511 : i32
          %max3A_750 = vector.broadcast %jit3A : i32 to vector<16xi32>
          %max3A_751 = arith.maxsi %max3A_750, %add3A_748 : vector<16xi32>
          %min3A_752 = vector.broadcast %jit3A_749 : i32 to vector<16xi32>
          %min3A_753 = arith.minsi %min3A_752, %max3A_751 : vector<16xi32>
          %gather3A_754 = tpu.vector_load_idx %arg10[%broadcast_in_dim3A_433, %min3A_753] : memref<2x512xf32, #tpu.memory_space<vmem>>[vector<16xi32>, vector<16xi32>], vector<16xf32>,
          %sub3A_755 = arith.subi %min3A_716, %add3A_744 : i32
          %lt3A_756 = vector.broadcast %sub3A_755 : i32 to vector<16xi32>
          %lt3A_757 = arith.cmpi slt, %iota3A, %lt3A_756 : vector<16xi32>
          %jit3A_758 = arith.constant 0.000000e+00 : f32
          %broadcast_in_dim3A_759 = vector.broadcast %jit3A_758 : f32 to vector<16xf32>
          %select_n3A = arith.select %lt3A_757, %gather3A_754, %broadcast_in_dim3A_759 : vector<16xi1>, vector<16xf32>
          %add3A_760 = arith.constant 0 : i32
          %add3A_761 = arith.addi %add3A_744, %add3A_760 : i32
          %get3A_762 = arith.index_cast %add3A_761 : i32 to index
          %get3A_763 = arith.constant 0 : index
          %get3A_764 = tpu.vector_load %arg12[%get3A_762, %get3A_763] {strides = array<i32>} : memref<528x16xf32, #tpu.memory_space<vmem>>, vector<16xf32>,
          %slice3A_765 = vector.extract_strided_slice %select_n3A {offsets = [0], sizes = [1], strides = [1]} : vector<16xf32> to vector<1xf32>
          %squeeze3A_766 = vector.extract %slice3A_765[0] : f32 from vector<1xf32>
          %mul3A_767 = vector.broadcast %squeeze3A_766 : f32 to vector<16xf32>
          %mul3A_768 = arith.mulf %get3A_764, %mul3A_767 : vector<16xf32>
          %add3A_769 = arith.addf %while3A_738, %mul3A_768 : vector<16xf32>
          %add3A_770 = arith.constant 1 : i32
          %add3A_771 = arith.addi %add3A_744, %add3A_770 : i32
          %get3A_772 = arith.index_cast %add3A_771 : i32 to index
          %get3A_773 = arith.constant 0 : index
          %get3A_774 = tpu.vector_load %arg12[%get3A_772, %get3A_773] {strides = array<i32>} : memref<528x16xf32, #tpu.memory_space<vmem>>, vector<16xf32>,
          %slice3A_775 = vector.extract_strided_slice %select_n3A {offsets = [1], sizes = [1], strides = [1]} : vector<16xf32> to vector<1xf32>
          %squeeze3A_776 = vector.extract %slice3A_775[0] : f32 from vector<1xf32>
          %mul3A_777 = vector.broadcast %squeeze3A_776 : f32 to vector<16xf32>
          %mul3A_778 = arith.mulf %get3A_774, %mul3A_777 : vector<16xf32>
          %add3A_779 = arith.addf %while3A_739, %mul3A_778 : vector<16xf32>
          %add3A_780 = arith.constant 2 : i32
          %add3A_781 = arith.addi %add3A_744, %add3A_780 : i32
          %get3A_782 = arith.index_cast %add3A_781 : i32 to index
          %get3A_783 = arith.constant 0 : index
          %get3A_784 = tpu.vector_load %arg12[%get3A_782, %get3A_783] {strides = array<i32>} : memref<528x16xf32, #tpu.memory_space<vmem>>, vector<16xf32>,
          %slice3A_785 = vector.extract_strided_slice %select_n3A {offsets = [2], sizes = [1], strides = [1]} : vector<16xf32> to vector<1xf32>
          %squeeze3A_786 = vector.extract %slice3A_785[0] : f32 from vector<1xf32>
          %mul3A_787 = vector.broadcast %squeeze3A_786 : f32 to vector<16xf32>
          %mul3A_788 = arith.mulf %get3A_784, %mul3A_787 : vector<16xf32>
          %add3A_789 = arith.addf %while3A_740, %mul3A_788 : vector<16xf32>
          %add3A_790 = arith.constant 3 : i32
          %add3A_791 = arith.addi %add3A_744, %add3A_790 : i32
          %get3A_792 = arith.index_cast %add3A_791 : i32 to index
          %get3A_793 = arith.constant 0 : index
          %get3A_794 = tpu.vector_load %arg12[%get3A_792, %get3A_793] {strides = array<i32>} : memref<528x16xf32, #tpu.memory_space<vmem>>, vector<16xf32>,
          %slice3A_795 = vector.extract_strided_slice %select_n3A {offsets = [3], sizes = [1], strides = [1]} : vector<16xf32> to vector<1xf32>
          %squeeze3A_796 = vector.extract %slice3A_795[0] : f32 from vector<1xf32>
          %mul3A_797 = vector.broadcast %squeeze3A_796 : f32 to vector<16xf32>
          %mul3A_798 = arith.mulf %get3A_794, %mul3A_797 : vector<16xf32>
          %add3A_799 = arith.addf %while3A_741, %mul3A_798 : vector<16xf32>
          %add3A_800 = arith.constant 4 : i32
          %add3A_801 = arith.addi %add3A_744, %add3A_800 : i32
          %get3A_802 = arith.index_cast %add3A_801 : i32 to index
          %get3A_803 = arith.constant 0 : index
          %get3A_804 = tpu.vector_load %arg12[%get3A_802, %get3A_803] {strides = array<i32>} : memref<528x16xf32, #tpu.memory_space<vmem>>, vector<16xf32>,
          %slice3A_805 = vector.extract_strided_slice %select_n3A {offsets = [4], sizes = [1], strides = [1]} : vector<16xf32> to vector<1xf32>
          %squeeze3A_806 = vector.extract %slice3A_805[0] : f32 from vector<1xf32>
          %mul3A_807 = vector.broadcast %squeeze3A_806 : f32 to vector<16xf32>
          %mul3A_808 = arith.mulf %get3A_804, %mul3A_807 : vector<16xf32>
          %add3A_809 = arith.addf %add3A_769, %mul3A_808 : vector<16xf32>
          %add3A_810 = arith.constant 5 : i32
          %add3A_811 = arith.addi %add3A_744, %add3A_810 : i32
          %get3A_812 = arith.index_cast %add3A_811 : i32 to index
          %get3A_813 = arith.constant 0 : index
          %get3A_814 = tpu.vector_load %arg12[%get3A_812, %get3A_813] {strides = array<i32>} : memref<528x16xf32, #tpu.memory_space<vmem>>, vector<16xf32>,
          %slice3A_815 = vector.extract_strided_slice %select_n3A {offsets = [5], sizes = [1], strides = [1]} : vector<16xf32> to vector<1xf32>
          %squeeze3A_816 = vector.extract %slice3A_815[0] : f32 from vector<1xf32>
          %mul3A_817 = vector.broadcast %squeeze3A_816 : f32 to vector<16xf32>
          %mul3A_818 = arith.mulf %get3A_814, %mul3A_817 : vector<16xf32>
          %add3A_819 = arith.addf %add3A_779, %mul3A_818 : vector<16xf32>
          %add3A_820 = arith.constant 6 : i32
          %add3A_821 = arith.addi %add3A_744, %add3A_820 : i32
          %get3A_822 = arith.index_cast %add3A_821 : i32 to index
          %get3A_823 = arith.constant 0 : index
          %get3A_824 = tpu.vector_load %arg12[%get3A_822, %get3A_823] {strides = array<i32>} : memref<528x16xf32, #tpu.memory_space<vmem>>, vector<16xf32>,
          %slice3A_825 = vector.extract_strided_slice %select_n3A {offsets = [6], sizes = [1], strides = [1]} : vector<16xf32> to vector<1xf32>
          %squeeze3A_826 = vector.extract %slice3A_825[0] : f32 from vector<1xf32>
          %mul3A_827 = vector.broadcast %squeeze3A_826 : f32 to vector<16xf32>
          %mul3A_828 = arith.mulf %get3A_824, %mul3A_827 : vector<16xf32>
          %add3A_829 = arith.addf %add3A_789, %mul3A_828 : vector<16xf32>
          %add3A_830 = arith.constant 7 : i32
          %add3A_831 = arith.addi %add3A_744, %add3A_830 : i32
          %get3A_832 = arith.index_cast %add3A_831 : i32 to index
          %get3A_833 = arith.constant 0 : index
          %get3A_834 = tpu.vector_load %arg12[%get3A_832, %get3A_833] {strides = array<i32>} : memref<528x16xf32, #tpu.memory_space<vmem>>, vector<16xf32>,
          %slice3A_835 = vector.extract_strided_slice %select_n3A {offsets = [7], sizes = [1], strides = [1]} : vector<16xf32> to vector<1xf32>
          %squeeze3A_836 = vector.extract %slice3A_835[0] : f32 from vector<1xf32>
          %mul3A_837 = vector.broadcast %squeeze3A_836 : f32 to vector<16xf32>
          %mul3A_838 = arith.mulf %get3A_834, %mul3A_837 : vector<16xf32>
          %add3A_839 = arith.addf %add3A_799, %mul3A_838 : vector<16xf32>
          %add3A_840 = arith.constant 8 : i32
          %add3A_841 = arith.addi %add3A_744, %add3A_840 : i32
          %get3A_842 = arith.index_cast %add3A_841 : i32 to index
          %get3A_843 = arith.constant 0 : index
          %get3A_844 = tpu.vector_load %arg12[%get3A_842, %get3A_843] {strides = array<i32>} : memref<528x16xf32, #tpu.memory_space<vmem>>, vector<16xf32>,
          %slice3A_845 = vector.extract_strided_slice %select_n3A {offsets = [8], sizes = [1], strides = [1]} : vector<16xf32> to vector<1xf32>
          %squeeze3A_846 = vector.extract %slice3A_845[0] : f32 from vector<1xf32>
          %mul3A_847 = vector.broadcast %squeeze3A_846 : f32 to vector<16xf32>
          %mul3A_848 = arith.mulf %get3A_844, %mul3A_847 : vector<16xf32>
          %add3A_849 = arith.addf %add3A_809, %mul3A_848 : vector<16xf32>
          %add3A_850 = arith.constant 9 : i32
          %add3A_851 = arith.addi %add3A_744, %add3A_850 : i32
          %get3A_852 = arith.index_cast %add3A_851 : i32 to index
          %get3A_853 = arith.constant 0 : index
          %get3A_854 = tpu.vector_load %arg12[%get3A_852, %get3A_853] {strides = array<i32>} : memref<528x16xf32, #tpu.memory_space<vmem>>, vector<16xf32>,
          %slice3A_855 = vector.extract_strided_slice %select_n3A {offsets = [9], sizes = [1], strides = [1]} : vector<16xf32> to vector<1xf32>
          %squeeze3A_856 = vector.extract %slice3A_855[0] : f32 from vector<1xf32>
          %mul3A_857 = vector.broadcast %squeeze3A_856 : f32 to vector<16xf32>
          %mul3A_858 = arith.mulf %get3A_854, %mul3A_857 : vector<16xf32>
          %add3A_859 = arith.addf %add3A_819, %mul3A_858 : vector<16xf32>
          %add3A_860 = arith.constant 10 : i32
          %add3A_861 = arith.addi %add3A_744, %add3A_860 : i32
          %get3A_862 = arith.index_cast %add3A_861 : i32 to index
          %get3A_863 = arith.constant 0 : index
          %get3A_864 = tpu.vector_load %arg12[%get3A_862, %get3A_863] {strides = array<i32>} : memref<528x16xf32, #tpu.memory_space<vmem>>, vector<16xf32>,
          %slice3A_865 = vector.extract_strided_slice %select_n3A {offsets = [10], sizes = [1], strides = [1]} : vector<16xf32> to vector<1xf32>
          %squeeze3A_866 = vector.extract %slice3A_865[0] : f32 from vector<1xf32>
          %mul3A_867 = vector.broadcast %squeeze3A_866 : f32 to vector<16xf32>
          %mul3A_868 = arith.mulf %get3A_864, %mul3A_867 : vector<16xf32>
          %add3A_869 = arith.addf %add3A_829, %mul3A_868 : vector<16xf32>
          %add3A_870 = arith.constant 11 : i32
          %add3A_871 = arith.addi %add3A_744, %add3A_870 : i32
          %get3A_872 = arith.index_cast %add3A_871 : i32 to index
          %get3A_873 = arith.constant 0 : index
          %get3A_874 = tpu.vector_load %arg12[%get3A_872, %get3A_873] {strides = array<i32>} : memref<528x16xf32, #tpu.memory_space<vmem>>, vector<16xf32>,
          %slice3A_875 = vector.extract_strided_slice %select_n3A {offsets = [11], sizes = [1], strides = [1]} : vector<16xf32> to vector<1xf32>
          %squeeze3A_876 = vector.extract %slice3A_875[0] : f32 from vector<1xf32>
          %mul3A_877 = vector.broadcast %squeeze3A_876 : f32 to vector<16xf32>
          %mul3A_878 = arith.mulf %get3A_874, %mul3A_877 : vector<16xf32>
          %add3A_879 = arith.addf %add3A_839, %mul3A_878 : vector<16xf32>
          %add3A_880 = arith.constant 12 : i32
          %add3A_881 = arith.addi %add3A_744, %add3A_880 : i32
          %get3A_882 = arith.index_cast %add3A_881 : i32 to index
          %get3A_883 = arith.constant 0 : index
          %get3A_884 = tpu.vector_load %arg12[%get3A_882, %get3A_883] {strides = array<i32>} : memref<528x16xf32, #tpu.memory_space<vmem>>, vector<16xf32>,
          %slice3A_885 = vector.extract_strided_slice %select_n3A {offsets = [12], sizes = [1], strides = [1]} : vector<16xf32> to vector<1xf32>
          %squeeze3A_886 = vector.extract %slice3A_885[0] : f32 from vector<1xf32>
          %mul3A_887 = vector.broadcast %squeeze3A_886 : f32 to vector<16xf32>
          %mul3A_888 = arith.mulf %get3A_884, %mul3A_887 : vector<16xf32>
          %add3A_889 = arith.addf %add3A_849, %mul3A_888 : vector<16xf32>
          %add3A_890 = arith.constant 13 : i32
          %add3A_891 = arith.addi %add3A_744, %add3A_890 : i32
          %get3A_892 = arith.index_cast %add3A_891 : i32 to index
          %get3A_893 = arith.constant 0 : index
          %get3A_894 = tpu.vector_load %arg12[%get3A_892, %get3A_893] {strides = array<i32>} : memref<528x16xf32, #tpu.memory_space<vmem>>, vector<16xf32>,
          %slice3A_895 = vector.extract_strided_slice %select_n3A {offsets = [13], sizes = [1], strides = [1]} : vector<16xf32> to vector<1xf32>
          %squeeze3A_896 = vector.extract %slice3A_895[0] : f32 from vector<1xf32>
          %mul3A_897 = vector.broadcast %squeeze3A_896 : f32 to vector<16xf32>
          %mul3A_898 = arith.mulf %get3A_894, %mul3A_897 : vector<16xf32>
          %add3A_899 = arith.addf %add3A_859, %mul3A_898 : vector<16xf32>
          %add3A_900 = arith.constant 14 : i32
          %add3A_901 = arith.addi %add3A_744, %add3A_900 : i32
          %get3A_902 = arith.index_cast %add3A_901 : i32 to index
          %get3A_903 = arith.constant 0 : index
          %get3A_904 = tpu.vector_load %arg12[%get3A_902, %get3A_903] {strides = array<i32>} : memref<528x16xf32, #tpu.memory_space<vmem>>, vector<16xf32>,
          %slice3A_905 = vector.extract_strided_slice %select_n3A {offsets = [14], sizes = [1], strides = [1]} : vector<16xf32> to vector<1xf32>
          %squeeze3A_906 = vector.extract %slice3A_905[0] : f32 from vector<1xf32>
          %mul3A_907 = vector.broadcast %squeeze3A_906 : f32 to vector<16xf32>
          %mul3A_908 = arith.mulf %get3A_904, %mul3A_907 : vector<16xf32>
          %add3A_909 = arith.addf %add3A_869, %mul3A_908 : vector<16xf32>
          %add3A_910 = arith.constant 15 : i32
          %add3A_911 = arith.addi %add3A_744, %add3A_910 : i32
          %get3A_912 = arith.index_cast %add3A_911 : i32 to index
          %get3A_913 = arith.constant 0 : index
          %get3A_914 = tpu.vector_load %arg12[%get3A_912, %get3A_913] {strides = array<i32>} : memref<528x16xf32, #tpu.memory_space<vmem>>, vector<16xf32>,
          %slice3A_915 = vector.extract_strided_slice %select_n3A {offsets = [15], sizes = [1], strides = [1]} : vector<16xf32> to vector<1xf32>
          %squeeze3A_916 = vector.extract %slice3A_915[0] : f32 from vector<1xf32>
          %mul3A_917 = vector.broadcast %squeeze3A_916 : f32 to vector<16xf32>
          %mul3A_918 = arith.mulf %get3A_914, %mul3A_917 : vector<16xf32>
          %add3A_919 = arith.addf %add3A_879, %mul3A_918 : vector<16xf32>
          scf.yield %add3A_889, %add3A_899, %add3A_909, %add3A_919 : vector<16xf32>, vector<16xf32>, vector<16xf32>, vector<16xf32>
        }
        %while3A_735 = arith.constant 1 : i32
        %while3A_736:4 = scf.for %while3A_737 = %while3A_732 to %while3A_728 step %while3A_735 iter_args(%while3A_738 = %while3A_734#0, %while3A_739 = %while3A_734#1, %while3A_740 = %while3A_734#2, %while3A_741 = %while3A_734#3) -> (vector<16xf32>, vector<16xf32>, vector<16xf32>, vector<16xf32>)  : i32 {
          %mul3A_742 = arith.constant 16 : i32
          %mul3A_743 = arith.muli %while3A_737, %mul3A_742 : i32
          %add3A_744 = arith.addi %max3A_713, %mul3A_743 : i32
          %add3A_745 = arith.addi %multiple_of3A_646, %add3A_744 : i32
          %sub3A_746 = arith.subi %add3A_745, %scan3A_331 : i32
          %add3A_747 = vector.broadcast %sub3A_746 : i32 to vector<16xi32>
          %add3A_748 = arith.addi %add3A_747, %iota3A : vector<16xi32>
          %jit3A = arith.constant 0 : i32
          %jit3A_749 = arith.constant 511 : i32
          %max3A_750 = vector.broadcast %jit3A : i32 to vector<16xi32>
          %max3A_751 = arith.maxsi %max3A_750, %add3A_748 : vector<16xi32>
          %min3A_752 = vector.broadcast %jit3A_749 : i32 to vector<16xi32>
          %min3A_753 = arith.minsi %min3A_752, %max3A_751 : vector<16xi32>
          %gather3A_754 = tpu.vector_load_idx %arg10[%broadcast_in_dim3A_433, %min3A_753] : memref<2x512xf32, #tpu.memory_space<vmem>>[vector<16xi32>, vector<16xi32>], vector<16xf32>,
          %sub3A_755 = arith.subi %min3A_716, %add3A_744 : i32
          %lt3A_756 = vector.broadcast %sub3A_755 : i32 to vector<16xi32>
          %lt3A_757 = arith.cmpi slt, %iota3A, %lt3A_756 : vector<16xi32>
          %jit3A_758 = arith.constant 0.000000e+00 : f32
          %broadcast_in_dim3A_759 = vector.broadcast %jit3A_758 : f32 to vector<16xf32>
          %select_n3A = arith.select %lt3A_757, %gather3A_754, %broadcast_in_dim3A_759 : vector<16xi1>, vector<16xf32>
          %add3A_760 = arith.constant 0 : i32
          %add3A_761 = arith.addi %add3A_744, %add3A_760 : i32
          %get3A_762 = arith.index_cast %add3A_761 : i32 to index
          %get3A_763 = arith.constant 0 : index
          %get3A_764 = tpu.vector_load %arg12[%get3A_762, %get3A_763] {strides = array<i32>} : memref<528x16xf32, #tpu.memory_space<vmem>>, vector<16xf32>,
          %slice3A_765 = vector.extract_strided_slice %select_n3A {offsets = [0], sizes = [1], strides = [1]} : vector<16xf32> to vector<1xf32>
          %squeeze3A_766 = vector.extract %slice3A_765[0] : f32 from vector<1xf32>
          %mul3A_767 = vector.broadcast %squeeze3A_766 : f32 to vector<16xf32>
          %mul3A_768 = arith.mulf %get3A_764, %mul3A_767 : vector<16xf32>
          %add3A_769 = arith.addf %while3A_738, %mul3A_768 : vector<16xf32>
          %add3A_770 = arith.constant 1 : i32
          %add3A_771 = arith.addi %add3A_744, %add3A_770 : i32
          %get3A_772 = arith.index_cast %add3A_771 : i32 to index
          %get3A_773 = arith.constant 0 : index
          %get3A_774 = tpu.vector_load %arg12[%get3A_772, %get3A_773] {strides = array<i32>} : memref<528x16xf32, #tpu.memory_space<vmem>>, vector<16xf32>,
          %slice3A_775 = vector.extract_strided_slice %select_n3A {offsets = [1], sizes = [1], strides = [1]} : vector<16xf32> to vector<1xf32>
          %squeeze3A_776 = vector.extract %slice3A_775[0] : f32 from vector<1xf32>
          %mul3A_777 = vector.broadcast %squeeze3A_776 : f32 to vector<16xf32>
          %mul3A_778 = arith.mulf %get3A_774, %mul3A_777 : vector<16xf32>
          %add3A_779 = arith.addf %while3A_739, %mul3A_778 : vector<16xf32>
          %add3A_780 = arith.constant 2 : i32
          %add3A_781 = arith.addi %add3A_744, %add3A_780 : i32
          %get3A_782 = arith.index_cast %add3A_781 : i32 to index
          %get3A_783 = arith.constant 0 : index
          %get3A_784 = tpu.vector_load %arg12[%get3A_782, %get3A_783] {strides = array<i32>} : memref<528x16xf32, #tpu.memory_space<vmem>>, vector<16xf32>,
          %slice3A_785 = vector.extract_strided_slice %select_n3A {offsets = [2], sizes = [1], strides = [1]} : vector<16xf32> to vector<1xf32>
          %squeeze3A_786 = vector.extract %slice3A_785[0] : f32 from vector<1xf32>
          %mul3A_787 = vector.broadcast %squeeze3A_786 : f32 to vector<16xf32>
          %mul3A_788 = arith.mulf %get3A_784, %mul3A_787 : vector<16xf32>
          %add3A_789 = arith.addf %while3A_740, %mul3A_788 : vector<16xf32>
          %add3A_790 = arith.constant 3 : i32
          %add3A_791 = arith.addi %add3A_744, %add3A_790 : i32
          %get3A_792 = arith.index_cast %add3A_791 : i32 to index
          %get3A_793 = arith.constant 0 : index
          %get3A_794 = tpu.vector_load %arg12[%get3A_792, %get3A_793] {strides = array<i32>} : memref<528x16xf32, #tpu.memory_space<vmem>>, vector<16xf32>,
          %slice3A_795 = vector.extract_strided_slice %select_n3A {offsets = [3], sizes = [1], strides = [1]} : vector<16xf32> to vector<1xf32>
          %squeeze3A_796 = vector.extract %slice3A_795[0] : f32 from vector<1xf32>
          %mul3A_797 = vector.broadcast %squeeze3A_796 : f32 to vector<16xf32>
          %mul3A_798 = arith.mulf %get3A_794, %mul3A_797 : vector<16xf32>
          %add3A_799 = arith.addf %while3A_741, %mul3A_798 : vector<16xf32>
          %add3A_800 = arith.constant 4 : i32
          %add3A_801 = arith.addi %add3A_744, %add3A_800 : i32
          %get3A_802 = arith.index_cast %add3A_801 : i32 to index
          %get3A_803 = arith.constant 0 : index
          %get3A_804 = tpu.vector_load %arg12[%get3A_802, %get3A_803] {strides = array<i32>} : memref<528x16xf32, #tpu.memory_space<vmem>>, vector<16xf32>,
          %slice3A_805 = vector.extract_strided_slice %select_n3A {offsets = [4], sizes = [1], strides = [1]} : vector<16xf32> to vector<1xf32>
          %squeeze3A_806 = vector.extract %slice3A_805[0] : f32 from vector<1xf32>
          %mul3A_807 = vector.broadcast %squeeze3A_806 : f32 to vector<16xf32>
          %mul3A_808 = arith.mulf %get3A_804, %mul3A_807 : vector<16xf32>
          %add3A_809 = arith.addf %add3A_769, %mul3A_808 : vector<16xf32>
          %add3A_810 = arith.constant 5 : i32
          %add3A_811 = arith.addi %add3A_744, %add3A_810 : i32
          %get3A_812 = arith.index_cast %add3A_811 : i32 to index
          %get3A_813 = arith.constant 0 : index
          %get3A_814 = tpu.vector_load %arg12[%get3A_812, %get3A_813] {strides = array<i32>} : memref<528x16xf32, #tpu.memory_space<vmem>>, vector<16xf32>,
          %slice3A_815 = vector.extract_strided_slice %select_n3A {offsets = [5], sizes = [1], strides = [1]} : vector<16xf32> to vector<1xf32>
          %squeeze3A_816 = vector.extract %slice3A_815[0] : f32 from vector<1xf32>
          %mul3A_817 = vector.broadcast %squeeze3A_816 : f32 to vector<16xf32>
          %mul3A_818 = arith.mulf %get3A_814, %mul3A_817 : vector<16xf32>
          %add3A_819 = arith.addf %add3A_779, %mul3A_818 : vector<16xf32>
          %add3A_820 = arith.constant 6 : i32
          %add3A_821 = arith.addi %add3A_744, %add3A_820 : i32
          %get3A_822 = arith.index_cast %add3A_821 : i32 to index
          %get3A_823 = arith.constant 0 : index
          %get3A_824 = tpu.vector_load %arg12[%get3A_822, %get3A_823] {strides = array<i32>} : memref<528x16xf32, #tpu.memory_space<vmem>>, vector<16xf32>,
          %slice3A_825 = vector.extract_strided_slice %select_n3A {offsets = [6], sizes = [1], strides = [1]} : vector<16xf32> to vector<1xf32>
          %squeeze3A_826 = vector.extract %slice3A_825[0] : f32 from vector<1xf32>
          %mul3A_827 = vector.broadcast %squeeze3A_826 : f32 to vector<16xf32>
          %mul3A_828 = arith.mulf %get3A_824, %mul3A_827 : vector<16xf32>
          %add3A_829 = arith.addf %add3A_789, %mul3A_828 : vector<16xf32>
          %add3A_830 = arith.constant 7 : i32
          %add3A_831 = arith.addi %add3A_744, %add3A_830 : i32
          %get3A_832 = arith.index_cast %add3A_831 : i32 to index
          %get3A_833 = arith.constant 0 : index
          %get3A_834 = tpu.vector_load %arg12[%get3A_832, %get3A_833] {strides = array<i32>} : memref<528x16xf32, #tpu.memory_space<vmem>>, vector<16xf32>,
          %slice3A_835 = vector.extract_strided_slice %select_n3A {offsets = [7], sizes = [1], strides = [1]} : vector<16xf32> to vector<1xf32>
          %squeeze3A_836 = vector.extract %slice3A_835[0] : f32 from vector<1xf32>
          %mul3A_837 = vector.broadcast %squeeze3A_836 : f32 to vector<16xf32>
          %mul3A_838 = arith.mulf %get3A_834, %mul3A_837 : vector<16xf32>
          %add3A_839 = arith.addf %add3A_799, %mul3A_838 : vector<16xf32>
          %add3A_840 = arith.constant 8 : i32
          %add3A_841 = arith.addi %add3A_744, %add3A_840 : i32
          %get3A_842 = arith.index_cast %add3A_841 : i32 to index
          %get3A_843 = arith.constant 0 : index
          %get3A_844 = tpu.vector_load %arg12[%get3A_842, %get3A_843] {strides = array<i32>} : memref<528x16xf32, #tpu.memory_space<vmem>>, vector<16xf32>,
          %slice3A_845 = vector.extract_strided_slice %select_n3A {offsets = [8], sizes = [1], strides = [1]} : vector<16xf32> to vector<1xf32>
          %squeeze3A_846 = vector.extract %slice3A_845[0] : f32 from vector<1xf32>
          %mul3A_847 = vector.broadcast %squeeze3A_846 : f32 to vector<16xf32>
          %mul3A_848 = arith.mulf %get3A_844, %mul3A_847 : vector<16xf32>
          %add3A_849 = arith.addf %add3A_809, %mul3A_848 : vector<16xf32>
          %add3A_850 = arith.constant 9 : i32
          %add3A_851 = arith.addi %add3A_744, %add3A_850 : i32
          %get3A_852 = arith.index_cast %add3A_851 : i32 to index
          %get3A_853 = arith.constant 0 : index
          %get3A_854 = tpu.vector_load %arg12[%get3A_852, %get3A_853] {strides = array<i32>} : memref<528x16xf32, #tpu.memory_space<vmem>>, vector<16xf32>,
          %slice3A_855 = vector.extract_strided_slice %select_n3A {offsets = [9], sizes = [1], strides = [1]} : vector<16xf32> to vector<1xf32>
          %squeeze3A_856 = vector.extract %slice3A_855[0] : f32 from vector<1xf32>
          %mul3A_857 = vector.broadcast %squeeze3A_856 : f32 to vector<16xf32>
          %mul3A_858 = arith.mulf %get3A_854, %mul3A_857 : vector<16xf32>
          %add3A_859 = arith.addf %add3A_819, %mul3A_858 : vector<16xf32>
          %add3A_860 = arith.constant 10 : i32
          %add3A_861 = arith.addi %add3A_744, %add3A_860 : i32
          %get3A_862 = arith.index_cast %add3A_861 : i32 to index
          %get3A_863 = arith.constant 0 : index
          %get3A_864 = tpu.vector_load %arg12[%get3A_862, %get3A_863] {strides = array<i32>} : memref<528x16xf32, #tpu.memory_space<vmem>>, vector<16xf32>,
          %slice3A_865 = vector.extract_strided_slice %select_n3A {offsets = [10], sizes = [1], strides = [1]} : vector<16xf32> to vector<1xf32>
          %squeeze3A_866 = vector.extract %slice3A_865[0] : f32 from vector<1xf32>
          %mul3A_867 = vector.broadcast %squeeze3A_866 : f32 to vector<16xf32>
          %mul3A_868 = arith.mulf %get3A_864, %mul3A_867 : vector<16xf32>
          %add3A_869 = arith.addf %add3A_829, %mul3A_868 : vector<16xf32>
          %add3A_870 = arith.constant 11 : i32
          %add3A_871 = arith.addi %add3A_744, %add3A_870 : i32
          %get3A_872 = arith.index_cast %add3A_871 : i32 to index
          %get3A_873 = arith.constant 0 : index
          %get3A_874 = tpu.vector_load %arg12[%get3A_872, %get3A_873] {strides = array<i32>} : memref<528x16xf32, #tpu.memory_space<vmem>>, vector<16xf32>,
          %slice3A_875 = vector.extract_strided_slice %select_n3A {offsets = [11], sizes = [1], strides = [1]} : vector<16xf32> to vector<1xf32>
          %squeeze3A_876 = vector.extract %slice3A_875[0] : f32 from vector<1xf32>
          %mul3A_877 = vector.broadcast %squeeze3A_876 : f32 to vector<16xf32>
          %mul3A_878 = arith.mulf %get3A_874, %mul3A_877 : vector<16xf32>
          %add3A_879 = arith.addf %add3A_839, %mul3A_878 : vector<16xf32>
          %add3A_880 = arith.constant 12 : i32
          %add3A_881 = arith.addi %add3A_744, %add3A_880 : i32
          %get3A_882 = arith.index_cast %add3A_881 : i32 to index
          %get3A_883 = arith.constant 0 : index
          %get3A_884 = tpu.vector_load %arg12[%get3A_882, %get3A_883] {strides = array<i32>} : memref<528x16xf32, #tpu.memory_space<vmem>>, vector<16xf32>,
          %slice3A_885 = vector.extract_strided_slice %select_n3A {offsets = [12], sizes = [1], strides = [1]} : vector<16xf32> to vector<1xf32>
          %squeeze3A_886 = vector.extract %slice3A_885[0] : f32 from vector<1xf32>
          %mul3A_887 = vector.broadcast %squeeze3A_886 : f32 to vector<16xf32>
          %mul3A_888 = arith.mulf %get3A_884, %mul3A_887 : vector<16xf32>
          %add3A_889 = arith.addf %add3A_849, %mul3A_888 : vector<16xf32>
          %add3A_890 = arith.constant 13 : i32
          %add3A_891 = arith.addi %add3A_744, %add3A_890 : i32
          %get3A_892 = arith.index_cast %add3A_891 : i32 to index
          %get3A_893 = arith.constant 0 : index
          %get3A_894 = tpu.vector_load %arg12[%get3A_892, %get3A_893] {strides = array<i32>} : memref<528x16xf32, #tpu.memory_space<vmem>>, vector<16xf32>,
          %slice3A_895 = vector.extract_strided_slice %select_n3A {offsets = [13], sizes = [1], strides = [1]} : vector<16xf32> to vector<1xf32>
          %squeeze3A_896 = vector.extract %slice3A_895[0] : f32 from vector<1xf32>
          %mul3A_897 = vector.broadcast %squeeze3A_896 : f32 to vector<16xf32>
          %mul3A_898 = arith.mulf %get3A_894, %mul3A_897 : vector<16xf32>
          %add3A_899 = arith.addf %add3A_859, %mul3A_898 : vector<16xf32>
          %add3A_900 = arith.constant 14 : i32
          %add3A_901 = arith.addi %add3A_744, %add3A_900 : i32
          %get3A_902 = arith.index_cast %add3A_901 : i32 to index
          %get3A_903 = arith.constant 0 : index
          %get3A_904 = tpu.vector_load %arg12[%get3A_902, %get3A_903] {strides = array<i32>} : memref<528x16xf32, #tpu.memory_space<vmem>>, vector<16xf32>,
          %slice3A_905 = vector.extract_strided_slice %select_n3A {offsets = [14], sizes = [1], strides = [1]} : vector<16xf32> to vector<1xf32>
          %squeeze3A_906 = vector.extract %slice3A_905[0] : f32 from vector<1xf32>
          %mul3A_907 = vector.broadcast %squeeze3A_906 : f32 to vector<16xf32>
          %mul3A_908 = arith.mulf %get3A_904, %mul3A_907 : vector<16xf32>
          %add3A_909 = arith.addf %add3A_869, %mul3A_908 : vector<16xf32>
          %add3A_910 = arith.constant 15 : i32
          %add3A_911 = arith.addi %add3A_744, %add3A_910 : i32
          %get3A_912 = arith.index_cast %add3A_911 : i32 to index
          %get3A_913 = arith.constant 0 : index
          %get3A_914 = tpu.vector_load %arg12[%get3A_912, %get3A_913] {strides = array<i32>} : memref<528x16xf32, #tpu.memory_space<vmem>>, vector<16xf32>,
          %slice3A_915 = vector.extract_strided_slice %select_n3A {offsets = [15], sizes = [1], strides = [1]} : vector<16xf32> to vector<1xf32>
          %squeeze3A_916 = vector.extract %slice3A_915[0] : f32 from vector<1xf32>
          %mul3A_917 = vector.broadcast %squeeze3A_916 : f32 to vector<16xf32>
          %mul3A_918 = arith.mulf %get3A_914, %mul3A_917 : vector<16xf32>
          %add3A_919 = arith.addf %add3A_879, %mul3A_918 : vector<16xf32>
          scf.yield %add3A_889, %add3A_899, %add3A_909, %add3A_919 : vector<16xf32>, vector<16xf32>, vector<16xf32>, vector<16xf32>
        }
        scf.yield %while3A_736#0, %while3A_736#1, %while3A_736#2, %while3A_736#3 : vector<16xf32>, vector<16xf32>, vector<16xf32>, vector<16xf32>
      }
      %while3A_475 = arith.constant 1 : i32
      %while3A_476:4 = scf.for %while3A_638 = %while3A_472 to %while3A_468 step %while3A_475 iter_args(%while3A_639 = %while3A_474#0, %while3A_640 = %while3A_474#1, %while3A_641 = %while3A_474#2, %while3A_642 = %while3A_474#3) -> (vector<16xf32>, vector<16xf32>, vector<16xf32>, vector<16xf32>)  : i32 {
        %mul3A_643 = arith.constant 512 : i32
        %mul3A_644 = arith.muli %while3A_638, %mul3A_643 : i32
        %add3A_645 = arith.addi %multiple_of3A_348, %mul3A_644 : i32
        %multiple_of3A_646 = tpu.assume_multiple %add3A_645, 8 : i32
        "tpu.region"() ({
          %run_scoped3A_737 = tpu.sem_alloc : memref<!tpu.dma_semaphore, #tpu.memory_space<semaphore_mem>>
          %dma_start3A_738 = tpu.memref_slice %arg3[%multiple_of3A_646] : memref<3200520xi32, #tpu.memory_space<hbm>> -> memref<512xi32, #tpu.memory_space<hbm>>
          %dma_start3A_739 = tpu.memref_slice %arg3[%multiple_of3A_646] : memref<3200520xi32, #tpu.memory_space<hbm>> -> memref<512xi32, #tpu.memory_space<hbm>>
          tpu.enqueue_dma source(%dma_start3A_739 : memref<512xi32, #tpu.memory_space<hbm>>) target(%arg11 : memref<512xi32, #tpu.memory_space<vmem>>) target_semaphore(%run_scoped3A_737 : memref<!tpu.dma_semaphore, #tpu.memory_space<semaphore_mem>>)
          %dma_wait3A_740 = tpu.memref_slice %arg3[%multiple_of3A_646] : memref<3200520xi32, #tpu.memory_space<hbm>> -> memref<512xi32, #tpu.memory_space<hbm>>
          %dma_wait3A_741 = tpu.memref_slice %arg3[%multiple_of3A_646] : memref<3200520xi32, #tpu.memory_space<hbm>> -> memref<512xi32, #tpu.memory_space<hbm>>
          tpu.wait_dma2 semaphore(%run_scoped3A_737 : memref<!tpu.dma_semaphore, #tpu.memory_space<semaphore_mem>>) src(%dma_wait3A_741 : memref<512xi32, #tpu.memory_space<hbm>>) dst(%arg11 : memref<512xi32, #tpu.memory_space<vmem>>)
          tpu.yield
        }) : () -> ()
        %add3A_647 = arith.constant 0 : i32
        %add3A_648 = arith.addi %multiple_of3A_646, %add3A_647 : i32
        %add3A_649 = arith.constant 15 : i32
        %add3A_650 = arith.addi %scan3A_332, %add3A_649 : i32
        %lt3A_651 = arith.cmpi slt, %add3A_648, %add3A_650 : i32
        %convert_element_type3A_652 = arith.extui %lt3A_651 : i1 to i32
        %cond3A_653 = arith.constant 0 : i32
        %cond3A_654 = arith.cmpi ne, %convert_element_type3A_652, %cond3A_653 : i32
        scf.if %cond3A_654 {
          %dma_start3A_737 = arith.constant 0 : i32
          %dma_start3A_738 = arith.constant 0 : i32
          %dma_start3A_739 = tpu.memref_slice %arg12[%dma_start3A_737, %dma_start3A_738] : memref<528x16xf32, #tpu.memory_space<vmem>> -> memref<128x16xf32, #tpu.memory_space<vmem>>
          %dma_start3A_740 = arith.constant 0 : i32
          %dma_start3A_741 = tpu.memref_slice %arg11[%dma_start3A_740] : memref<512xi32, #tpu.memory_space<vmem>> -> memref<128xi32, #tpu.memory_space<vmem>>
          %dma_start3A_742 = arith.constant 0 : i32
          %dma_start3A_743 = arith.constant 0 : i32
          %dma_start3A_744 = tpu.memref_slice %arg2[%dma_start3A_742, %dma_start3A_743] : memref<100000x16xf32, #tpu.memory_space<hbm>> -> memref<100000x16xf32, #tpu.memory_space<hbm>>
          tpu.enqueue_indirect_dma source(%dma_start3A_744 : memref<100000x16xf32, #tpu.memory_space<hbm>>) target(%dma_start3A_739 : memref<128x16xf32, #tpu.memory_space<vmem>>) offsets(%dma_start3A_741 : memref<128xi32, #tpu.memory_space<vmem>>) semaphore(%arg19 : memref<!tpu.dma_semaphore, #tpu.memory_space<semaphore_mem>>)
        } else {
        }
        %add3A_655 = arith.constant 128 : i32
        %add3A_656 = arith.addi %multiple_of3A_646, %add3A_655 : i32
        %add3A_657 = arith.constant 15 : i32
        %add3A_658 = arith.addi %scan3A_332, %add3A_657 : i32
        %lt3A_659 = arith.cmpi slt, %add3A_656, %add3A_658 : i32
        %convert_element_type3A_660 = arith.extui %lt3A_659 : i1 to i32
        %cond3A_661 = arith.constant 0 : i32
        %cond3A_662 = arith.cmpi ne, %convert_element_type3A_660, %cond3A_661 : i32
        scf.if %cond3A_662 {
          %dma_start3A_737 = arith.constant 128 : i32
          %dma_start3A_738 = arith.constant 0 : i32
          %dma_start3A_739 = tpu.memref_slice %arg12[%dma_start3A_737, %dma_start3A_738] : memref<528x16xf32, #tpu.memory_space<vmem>> -> memref<128x16xf32, #tpu.memory_space<vmem>>
          %dma_start3A_740 = arith.constant 128 : i32
          %dma_start3A_741 = tpu.memref_slice %arg11[%dma_start3A_740] : memref<512xi32, #tpu.memory_space<vmem>> -> memref<128xi32, #tpu.memory_space<vmem>>
          %dma_start3A_742 = arith.constant 0 : i32
          %dma_start3A_743 = arith.constant 0 : i32
          %dma_start3A_744 = tpu.memref_slice %arg2[%dma_start3A_742, %dma_start3A_743] : memref<100000x16xf32, #tpu.memory_space<hbm>> -> memref<100000x16xf32, #tpu.memory_space<hbm>>
          tpu.enqueue_indirect_dma source(%dma_start3A_744 : memref<100000x16xf32, #tpu.memory_space<hbm>>) target(%dma_start3A_739 : memref<128x16xf32, #tpu.memory_space<vmem>>) offsets(%dma_start3A_741 : memref<128xi32, #tpu.memory_space<vmem>>) semaphore(%arg19 : memref<!tpu.dma_semaphore, #tpu.memory_space<semaphore_mem>>)
        } else {
        }
        %add3A_663 = arith.constant 256 : i32
        %add3A_664 = arith.addi %multiple_of3A_646, %add3A_663 : i32
        %add3A_665 = arith.constant 15 : i32
        %add3A_666 = arith.addi %scan3A_332, %add3A_665 : i32
        %lt3A_667 = arith.cmpi slt, %add3A_664, %add3A_666 : i32
        %convert_element_type3A_668 = arith.extui %lt3A_667 : i1 to i32
        %cond3A_669 = arith.constant 0 : i32
        %cond3A_670 = arith.cmpi ne, %convert_element_type3A_668, %cond3A_669 : i32
        scf.if %cond3A_670 {
          %dma_start3A_737 = arith.constant 256 : i32
          %dma_start3A_738 = arith.constant 0 : i32
          %dma_start3A_739 = tpu.memref_slice %arg12[%dma_start3A_737, %dma_start3A_738] : memref<528x16xf32, #tpu.memory_space<vmem>> -> memref<128x16xf32, #tpu.memory_space<vmem>>
          %dma_start3A_740 = arith.constant 256 : i32
          %dma_start3A_741 = tpu.memref_slice %arg11[%dma_start3A_740] : memref<512xi32, #tpu.memory_space<vmem>> -> memref<128xi32, #tpu.memory_space<vmem>>
          %dma_start3A_742 = arith.constant 0 : i32
          %dma_start3A_743 = arith.constant 0 : i32
          %dma_start3A_744 = tpu.memref_slice %arg2[%dma_start3A_742, %dma_start3A_743] : memref<100000x16xf32, #tpu.memory_space<hbm>> -> memref<100000x16xf32, #tpu.memory_space<hbm>>
          tpu.enqueue_indirect_dma source(%dma_start3A_744 : memref<100000x16xf32, #tpu.memory_space<hbm>>) target(%dma_start3A_739 : memref<128x16xf32, #tpu.memory_space<vmem>>) offsets(%dma_start3A_741 : memref<128xi32, #tpu.memory_space<vmem>>) semaphore(%arg19 : memref<!tpu.dma_semaphore, #tpu.memory_space<semaphore_mem>>)
        } else {
        }
        %add3A_671 = arith.constant 384 : i32
        %add3A_672 = arith.addi %multiple_of3A_646, %add3A_671 : i32
        %add3A_673 = arith.constant 15 : i32
        %add3A_674 = arith.addi %scan3A_332, %add3A_673 : i32
        %lt3A_675 = arith.cmpi slt, %add3A_672, %add3A_674 : i32
        %convert_element_type3A_676 = arith.extui %lt3A_675 : i1 to i32
        %cond3A_677 = arith.constant 0 : i32
        %cond3A_678 = arith.cmpi ne, %convert_element_type3A_676, %cond3A_677 : i32
        scf.if %cond3A_678 {
          %dma_start3A_737 = arith.constant 384 : i32
          %dma_start3A_738 = arith.constant 0 : i32
          %dma_start3A_739 = tpu.memref_slice %arg12[%dma_start3A_737, %dma_start3A_738] : memref<528x16xf32, #tpu.memory_space<vmem>> -> memref<128x16xf32, #tpu.memory_space<vmem>>
          %dma_start3A_740 = arith.constant 384 : i32
          %dma_start3A_741 = tpu.memref_slice %arg11[%dma_start3A_740] : memref<512xi32, #tpu.memory_space<vmem>> -> memref<128xi32, #tpu.memory_space<vmem>>
          %dma_start3A_742 = arith.constant 0 : i32
          %dma_start3A_743 = arith.constant 0 : i32
          %dma_start3A_744 = tpu.memref_slice %arg2[%dma_start3A_742, %dma_start3A_743] : memref<100000x16xf32, #tpu.memory_space<hbm>> -> memref<100000x16xf32, #tpu.memory_space<hbm>>
          tpu.enqueue_indirect_dma source(%dma_start3A_744 : memref<100000x16xf32, #tpu.memory_space<hbm>>) target(%dma_start3A_739 : memref<128x16xf32, #tpu.memory_space<vmem>>) offsets(%dma_start3A_741 : memref<128xi32, #tpu.memory_space<vmem>>) semaphore(%arg19 : memref<!tpu.dma_semaphore, #tpu.memory_space<semaphore_mem>>)
        } else {
        }
        %add3A_679 = arith.constant 0 : i32
        %add3A_680 = arith.addi %multiple_of3A_646, %add3A_679 : i32
        %add3A_681 = arith.constant 15 : i32
        %add3A_682 = arith.addi %scan3A_332, %add3A_681 : i32
        %lt3A_683 = arith.cmpi slt, %add3A_680, %add3A_682 : i32
        %convert_element_type3A_684 = arith.extui %lt3A_683 : i1 to i32
        %cond3A_685 = arith.constant 0 : i32
        %cond3A_686 = arith.cmpi ne, %convert_element_type3A_684, %cond3A_685 : i32
        scf.if %cond3A_686 {
          %dma_wait3A_737 = arith.constant 0 : i32
          %dma_wait3A_738 = arith.constant 0 : i32
          %dma_wait3A_739 = tpu.memref_slice %arg12[%dma_wait3A_737, %dma_wait3A_738] : memref<528x16xf32, #tpu.memory_space<vmem>> -> memref<128x16xf32, #tpu.memory_space<vmem>>
          %dma_wait3A_740 = arith.constant 0 : i32
          %dma_wait3A_741 = tpu.memref_slice %arg11[%dma_wait3A_740] : memref<512xi32, #tpu.memory_space<vmem>> -> memref<128xi32, #tpu.memory_space<vmem>>
          %dma_wait3A_742 = arith.constant 0 : i32
          %dma_wait3A_743 = arith.constant 0 : i32
          %dma_wait3A_744 = tpu.memref_slice %arg2[%dma_wait3A_742, %dma_wait3A_743] : memref<100000x16xf32, #tpu.memory_space<hbm>> -> memref<100000x16xf32, #tpu.memory_space<hbm>>
          tpu.wait_indirect_dma semaphore(%arg19 : memref<!tpu.dma_semaphore, #tpu.memory_space<semaphore_mem>>) src(%dma_wait3A_744 : memref<100000x16xf32, #tpu.memory_space<hbm>>) dst(%dma_wait3A_739 : memref<128x16xf32, #tpu.memory_space<vmem>>)
        } else {
        }
        %add3A_687 = arith.constant 128 : i32
        %add3A_688 = arith.addi %multiple_of3A_646, %add3A_687 : i32
        %add3A_689 = arith.constant 15 : i32
        %add3A_690 = arith.addi %scan3A_332, %add3A_689 : i32
        %lt3A_691 = arith.cmpi slt, %add3A_688, %add3A_690 : i32
        %convert_element_type3A_692 = arith.extui %lt3A_691 : i1 to i32
        %cond3A_693 = arith.constant 0 : i32
        %cond3A_694 = arith.cmpi ne, %convert_element_type3A_692, %cond3A_693 : i32
        scf.if %cond3A_694 {
          %dma_wait3A_737 = arith.constant 128 : i32
          %dma_wait3A_738 = arith.constant 0 : i32
          %dma_wait3A_739 = tpu.memref_slice %arg12[%dma_wait3A_737, %dma_wait3A_738] : memref<528x16xf32, #tpu.memory_space<vmem>> -> memref<128x16xf32, #tpu.memory_space<vmem>>
          %dma_wait3A_740 = arith.constant 128 : i32
          %dma_wait3A_741 = tpu.memref_slice %arg11[%dma_wait3A_740] : memref<512xi32, #tpu.memory_space<vmem>> -> memref<128xi32, #tpu.memory_space<vmem>>
          %dma_wait3A_742 = arith.constant 0 : i32
          %dma_wait3A_743 = arith.constant 0 : i32
          %dma_wait3A_744 = tpu.memref_slice %arg2[%dma_wait3A_742, %dma_wait3A_743] : memref<100000x16xf32, #tpu.memory_space<hbm>> -> memref<100000x16xf32, #tpu.memory_space<hbm>>
          tpu.wait_indirect_dma semaphore(%arg19 : memref<!tpu.dma_semaphore, #tpu.memory_space<semaphore_mem>>) src(%dma_wait3A_744 : memref<100000x16xf32, #tpu.memory_space<hbm>>) dst(%dma_wait3A_739 : memref<128x16xf32, #tpu.memory_space<vmem>>)
        } else {
        }
        %add3A_695 = arith.constant 256 : i32
        %add3A_696 = arith.addi %multiple_of3A_646, %add3A_695 : i32
        %add3A_697 = arith.constant 15 : i32
        %add3A_698 = arith.addi %scan3A_332, %add3A_697 : i32
        %lt3A_699 = arith.cmpi slt, %add3A_696, %add3A_698 : i32
        %convert_element_type3A_700 = arith.extui %lt3A_699 : i1 to i32
        %cond3A_701 = arith.constant 0 : i32
        %cond3A_702 = arith.cmpi ne, %convert_element_type3A_700, %cond3A_701 : i32
        scf.if %cond3A_702 {
          %dma_wait3A_737 = arith.constant 256 : i32
          %dma_wait3A_738 = arith.constant 0 : i32
          %dma_wait3A_739 = tpu.memref_slice %arg12[%dma_wait3A_737, %dma_wait3A_738] : memref<528x16xf32, #tpu.memory_space<vmem>> -> memref<128x16xf32, #tpu.memory_space<vmem>>
          %dma_wait3A_740 = arith.constant 256 : i32
          %dma_wait3A_741 = tpu.memref_slice %arg11[%dma_wait3A_740] : memref<512xi32, #tpu.memory_space<vmem>> -> memref<128xi32, #tpu.memory_space<vmem>>
          %dma_wait3A_742 = arith.constant 0 : i32
          %dma_wait3A_743 = arith.constant 0 : i32
          %dma_wait3A_744 = tpu.memref_slice %arg2[%dma_wait3A_742, %dma_wait3A_743] : memref<100000x16xf32, #tpu.memory_space<hbm>> -> memref<100000x16xf32, #tpu.memory_space<hbm>>
          tpu.wait_indirect_dma semaphore(%arg19 : memref<!tpu.dma_semaphore, #tpu.memory_space<semaphore_mem>>) src(%dma_wait3A_744 : memref<100000x16xf32, #tpu.memory_space<hbm>>) dst(%dma_wait3A_739 : memref<128x16xf32, #tpu.memory_space<vmem>>)
        } else {
        }
        %add3A_703 = arith.constant 384 : i32
        %add3A_704 = arith.addi %multiple_of3A_646, %add3A_703 : i32
        %add3A_705 = arith.constant 15 : i32
        %add3A_706 = arith.addi %scan3A_332, %add3A_705 : i32
        %lt3A_707 = arith.cmpi slt, %add3A_704, %add3A_706 : i32
        %convert_element_type3A_708 = arith.extui %lt3A_707 : i1 to i32
        %cond3A_709 = arith.constant 0 : i32
        %cond3A_710 = arith.cmpi ne, %convert_element_type3A_708, %cond3A_709 : i32
        scf.if %cond3A_710 {
          %dma_wait3A_737 = arith.constant 384 : i32
          %dma_wait3A_738 = arith.constant 0 : i32
          %dma_wait3A_739 = tpu.memref_slice %arg12[%dma_wait3A_737, %dma_wait3A_738] : memref<528x16xf32, #tpu.memory_space<vmem>> -> memref<128x16xf32, #tpu.memory_space<vmem>>
          %dma_wait3A_740 = arith.constant 384 : i32
          %dma_wait3A_741 = tpu.memref_slice %arg11[%dma_wait3A_740] : memref<512xi32, #tpu.memory_space<vmem>> -> memref<128xi32, #tpu.memory_space<vmem>>
          %dma_wait3A_742 = arith.constant 0 : i32
          %dma_wait3A_743 = arith.constant 0 : i32
          %dma_wait3A_744 = tpu.memref_slice %arg2[%dma_wait3A_742, %dma_wait3A_743] : memref<100000x16xf32, #tpu.memory_space<hbm>> -> memref<100000x16xf32, #tpu.memory_space<hbm>>
          tpu.wait_indirect_dma semaphore(%arg19 : memref<!tpu.dma_semaphore, #tpu.memory_space<semaphore_mem>>) src(%dma_wait3A_744 : memref<100000x16xf32, #tpu.memory_space<hbm>>) dst(%dma_wait3A_739 : memref<128x16xf32, #tpu.memory_space<vmem>>)
        } else {
        }
        %sub3A_711 = arith.subi %scan3A_331, %multiple_of3A_646 : i32
        %max3A_712 = arith.constant 0 : i32
        %max3A_713 = arith.maxsi %sub3A_711, %max3A_712 : i32
        %sub3A_714 = arith.subi %scan3A_332, %multiple_of3A_646 : i32
        %min3A_715 = arith.constant 512 : i32
        %min3A_716 = arith.minsi %sub3A_714, %min3A_715 : i32
        %sub3A_717 = arith.subi %min3A_716, %max3A_713 : i32
        %max3A_718 = arith.constant 0 : i32
        %max3A_719 = arith.maxsi %sub3A_717, %max3A_718 : i32
        %add3A_720 = arith.constant 16 : i32
        %add3A_721 = arith.addi %max3A_719, %add3A_720 : i32
        %sub3A_722 = arith.constant 1 : i32
        %sub3A_723 = arith.subi %add3A_721, %sub3A_722 : i32
        %div3A_724 = arith.constant 16 : i32
        %div3A_725 = arith.divsi %sub3A_723, %div3A_724 : i32
        %while3A_726 = arith.constant 0 : i32
        %while3A_727 = arith.subi %div3A_725, %while3A_726 : i32
        %while3A_728 = arith.addi %while3A_726, %while3A_727 : i32
        %while3A_729 = arith.constant 1 : i32
        %while3A_730 = arith.divsi %while3A_727, %while3A_729 : i32
        %while3A_731 = arith.muli %while3A_730, %while3A_729 : i32
        %while3A_732 = arith.addi %while3A_726, %while3A_731 : i32
        %while3A_733 = arith.constant 1 : i32
        %while3A_734:4 = scf.for %while3A_737 = %while3A_726 to %while3A_732 step %while3A_733 iter_args(%while3A_738 = %while3A_639, %while3A_739 = %while3A_640, %while3A_740 = %while3A_641, %while3A_741 = %while3A_642) -> (vector<16xf32>, vector<16xf32>, vector<16xf32>, vector<16xf32>)  : i32 {
          %mul3A_742 = arith.constant 16 : i32
          %mul3A_743 = arith.muli %while3A_737, %mul3A_742 : i32
          %add3A_744 = arith.addi %max3A_713, %mul3A_743 : i32
          %add3A_745 = arith.addi %multiple_of3A_646, %add3A_744 : i32
          %sub3A_746 = arith.subi %add3A_745, %scan3A_331 : i32
          %add3A_747 = vector.broadcast %sub3A_746 : i32 to vector<16xi32>
          %add3A_748 = arith.addi %add3A_747, %iota3A : vector<16xi32>
          %jit3A = arith.constant 0 : i32
          %jit3A_749 = arith.constant 511 : i32
          %max3A_750 = vector.broadcast %jit3A : i32 to vector<16xi32>
          %max3A_751 = arith.maxsi %max3A_750, %add3A_748 : vector<16xi32>
          %min3A_752 = vector.broadcast %jit3A_749 : i32 to vector<16xi32>
          %min3A_753 = arith.minsi %min3A_752, %max3A_751 : vector<16xi32>
          %gather3A_754 = tpu.vector_load_idx %arg10[%broadcast_in_dim3A_433, %min3A_753] : memref<2x512xf32, #tpu.memory_space<vmem>>[vector<16xi32>, vector<16xi32>], vector<16xf32>,
          %sub3A_755 = arith.subi %min3A_716, %add3A_744 : i32
          %lt3A_756 = vector.broadcast %sub3A_755 : i32 to vector<16xi32>
          %lt3A_757 = arith.cmpi slt, %iota3A, %lt3A_756 : vector<16xi32>
          %jit3A_758 = arith.constant 0.000000e+00 : f32
          %broadcast_in_dim3A_759 = vector.broadcast %jit3A_758 : f32 to vector<16xf32>
          %select_n3A = arith.select %lt3A_757, %gather3A_754, %broadcast_in_dim3A_759 : vector<16xi1>, vector<16xf32>
          %add3A_760 = arith.constant 0 : i32
          %add3A_761 = arith.addi %add3A_744, %add3A_760 : i32
          %get3A_762 = arith.index_cast %add3A_761 : i32 to index
          %get3A_763 = arith.constant 0 : index
          %get3A_764 = tpu.vector_load %arg12[%get3A_762, %get3A_763] {strides = array<i32>} : memref<528x16xf32, #tpu.memory_space<vmem>>, vector<16xf32>,
          %slice3A_765 = vector.extract_strided_slice %select_n3A {offsets = [0], sizes = [1], strides = [1]} : vector<16xf32> to vector<1xf32>
          %squeeze3A_766 = vector.extract %slice3A_765[0] : f32 from vector<1xf32>
          %mul3A_767 = vector.broadcast %squeeze3A_766 : f32 to vector<16xf32>
          %mul3A_768 = arith.mulf %get3A_764, %mul3A_767 : vector<16xf32>
          %add3A_769 = arith.addf %while3A_738, %mul3A_768 : vector<16xf32>
          %add3A_770 = arith.constant 1 : i32
          %add3A_771 = arith.addi %add3A_744, %add3A_770 : i32
          %get3A_772 = arith.index_cast %add3A_771 : i32 to index
          %get3A_773 = arith.constant 0 : index
          %get3A_774 = tpu.vector_load %arg12[%get3A_772, %get3A_773] {strides = array<i32>} : memref<528x16xf32, #tpu.memory_space<vmem>>, vector<16xf32>,
          %slice3A_775 = vector.extract_strided_slice %select_n3A {offsets = [1], sizes = [1], strides = [1]} : vector<16xf32> to vector<1xf32>
          %squeeze3A_776 = vector.extract %slice3A_775[0] : f32 from vector<1xf32>
          %mul3A_777 = vector.broadcast %squeeze3A_776 : f32 to vector<16xf32>
          %mul3A_778 = arith.mulf %get3A_774, %mul3A_777 : vector<16xf32>
          %add3A_779 = arith.addf %while3A_739, %mul3A_778 : vector<16xf32>
          %add3A_780 = arith.constant 2 : i32
          %add3A_781 = arith.addi %add3A_744, %add3A_780 : i32
          %get3A_782 = arith.index_cast %add3A_781 : i32 to index
          %get3A_783 = arith.constant 0 : index
          %get3A_784 = tpu.vector_load %arg12[%get3A_782, %get3A_783] {strides = array<i32>} : memref<528x16xf32, #tpu.memory_space<vmem>>, vector<16xf32>,
          %slice3A_785 = vector.extract_strided_slice %select_n3A {offsets = [2], sizes = [1], strides = [1]} : vector<16xf32> to vector<1xf32>
          %squeeze3A_786 = vector.extract %slice3A_785[0] : f32 from vector<1xf32>
          %mul3A_787 = vector.broadcast %squeeze3A_786 : f32 to vector<16xf32>
          %mul3A_788 = arith.mulf %get3A_784, %mul3A_787 : vector<16xf32>
          %add3A_789 = arith.addf %while3A_740, %mul3A_788 : vector<16xf32>
          %add3A_790 = arith.constant 3 : i32
          %add3A_791 = arith.addi %add3A_744, %add3A_790 : i32
          %get3A_792 = arith.index_cast %add3A_791 : i32 to index
          %get3A_793 = arith.constant 0 : index
          %get3A_794 = tpu.vector_load %arg12[%get3A_792, %get3A_793] {strides = array<i32>} : memref<528x16xf32, #tpu.memory_space<vmem>>, vector<16xf32>,
          %slice3A_795 = vector.extract_strided_slice %select_n3A {offsets = [3], sizes = [1], strides = [1]} : vector<16xf32> to vector<1xf32>
          %squeeze3A_796 = vector.extract %slice3A_795[0] : f32 from vector<1xf32>
          %mul3A_797 = vector.broadcast %squeeze3A_796 : f32 to vector<16xf32>
          %mul3A_798 = arith.mulf %get3A_794, %mul3A_797 : vector<16xf32>
          %add3A_799 = arith.addf %while3A_741, %mul3A_798 : vector<16xf32>
          %add3A_800 = arith.constant 4 : i32
          %add3A_801 = arith.addi %add3A_744, %add3A_800 : i32
          %get3A_802 = arith.index_cast %add3A_801 : i32 to index
          %get3A_803 = arith.constant 0 : index
          %get3A_804 = tpu.vector_load %arg12[%get3A_802, %get3A_803] {strides = array<i32>} : memref<528x16xf32, #tpu.memory_space<vmem>>, vector<16xf32>,
          %slice3A_805 = vector.extract_strided_slice %select_n3A {offsets = [4], sizes = [1], strides = [1]} : vector<16xf32> to vector<1xf32>
          %squeeze3A_806 = vector.extract %slice3A_805[0] : f32 from vector<1xf32>
          %mul3A_807 = vector.broadcast %squeeze3A_806 : f32 to vector<16xf32>
          %mul3A_808 = arith.mulf %get3A_804, %mul3A_807 : vector<16xf32>
          %add3A_809 = arith.addf %add3A_769, %mul3A_808 : vector<16xf32>
          %add3A_810 = arith.constant 5 : i32
          %add3A_811 = arith.addi %add3A_744, %add3A_810 : i32
          %get3A_812 = arith.index_cast %add3A_811 : i32 to index
          %get3A_813 = arith.constant 0 : index
          %get3A_814 = tpu.vector_load %arg12[%get3A_812, %get3A_813] {strides = array<i32>} : memref<528x16xf32, #tpu.memory_space<vmem>>, vector<16xf32>,
          %slice3A_815 = vector.extract_strided_slice %select_n3A {offsets = [5], sizes = [1], strides = [1]} : vector<16xf32> to vector<1xf32>
          %squeeze3A_816 = vector.extract %slice3A_815[0] : f32 from vector<1xf32>
          %mul3A_817 = vector.broadcast %squeeze3A_816 : f32 to vector<16xf32>
          %mul3A_818 = arith.mulf %get3A_814, %mul3A_817 : vector<16xf32>
          %add3A_819 = arith.addf %add3A_779, %mul3A_818 : vector<16xf32>
          %add3A_820 = arith.constant 6 : i32
          %add3A_821 = arith.addi %add3A_744, %add3A_820 : i32
          %get3A_822 = arith.index_cast %add3A_821 : i32 to index
          %get3A_823 = arith.constant 0 : index
          %get3A_824 = tpu.vector_load %arg12[%get3A_822, %get3A_823] {strides = array<i32>} : memref<528x16xf32, #tpu.memory_space<vmem>>, vector<16xf32>,
          %slice3A_825 = vector.extract_strided_slice %select_n3A {offsets = [6], sizes = [1], strides = [1]} : vector<16xf32> to vector<1xf32>
          %squeeze3A_826 = vector.extract %slice3A_825[0] : f32 from vector<1xf32>
          %mul3A_827 = vector.broadcast %squeeze3A_826 : f32 to vector<16xf32>
          %mul3A_828 = arith.mulf %get3A_824, %mul3A_827 : vector<16xf32>
          %add3A_829 = arith.addf %add3A_789, %mul3A_828 : vector<16xf32>
          %add3A_830 = arith.constant 7 : i32
          %add3A_831 = arith.addi %add3A_744, %add3A_830 : i32
          %get3A_832 = arith.index_cast %add3A_831 : i32 to index
          %get3A_833 = arith.constant 0 : index
          %get3A_834 = tpu.vector_load %arg12[%get3A_832, %get3A_833] {strides = array<i32>} : memref<528x16xf32, #tpu.memory_space<vmem>>, vector<16xf32>,
          %slice3A_835 = vector.extract_strided_slice %select_n3A {offsets = [7], sizes = [1], strides = [1]} : vector<16xf32> to vector<1xf32>
          %squeeze3A_836 = vector.extract %slice3A_835[0] : f32 from vector<1xf32>
          %mul3A_837 = vector.broadcast %squeeze3A_836 : f32 to vector<16xf32>
          %mul3A_838 = arith.mulf %get3A_834, %mul3A_837 : vector<16xf32>
          %add3A_839 = arith.addf %add3A_799, %mul3A_838 : vector<16xf32>
          %add3A_840 = arith.constant 8 : i32
          %add3A_841 = arith.addi %add3A_744, %add3A_840 : i32
          %get3A_842 = arith.index_cast %add3A_841 : i32 to index
          %get3A_843 = arith.constant 0 : index
          %get3A_844 = tpu.vector_load %arg12[%get3A_842, %get3A_843] {strides = array<i32>} : memref<528x16xf32, #tpu.memory_space<vmem>>, vector<16xf32>,
          %slice3A_845 = vector.extract_strided_slice %select_n3A {offsets = [8], sizes = [1], strides = [1]} : vector<16xf32> to vector<1xf32>
          %squeeze3A_846 = vector.extract %slice3A_845[0] : f32 from vector<1xf32>
          %mul3A_847 = vector.broadcast %squeeze3A_846 : f32 to vector<16xf32>
          %mul3A_848 = arith.mulf %get3A_844, %mul3A_847 : vector<16xf32>
          %add3A_849 = arith.addf %add3A_809, %mul3A_848 : vector<16xf32>
          %add3A_850 = arith.constant 9 : i32
          %add3A_851 = arith.addi %add3A_744, %add3A_850 : i32
          %get3A_852 = arith.index_cast %add3A_851 : i32 to index
          %get3A_853 = arith.constant 0 : index
          %get3A_854 = tpu.vector_load %arg12[%get3A_852, %get3A_853] {strides = array<i32>} : memref<528x16xf32, #tpu.memory_space<vmem>>, vector<16xf32>,
          %slice3A_855 = vector.extract_strided_slice %select_n3A {offsets = [9], sizes = [1], strides = [1]} : vector<16xf32> to vector<1xf32>
          %squeeze3A_856 = vector.extract %slice3A_855[0] : f32 from vector<1xf32>
          %mul3A_857 = vector.broadcast %squeeze3A_856 : f32 to vector<16xf32>
          %mul3A_858 = arith.mulf %get3A_854, %mul3A_857 : vector<16xf32>
          %add3A_859 = arith.addf %add3A_819, %mul3A_858 : vector<16xf32>
          %add3A_860 = arith.constant 10 : i32
          %add3A_861 = arith.addi %add3A_744, %add3A_860 : i32
          %get3A_862 = arith.index_cast %add3A_861 : i32 to index
          %get3A_863 = arith.constant 0 : index
          %get3A_864 = tpu.vector_load %arg12[%get3A_862, %get3A_863] {strides = array<i32>} : memref<528x16xf32, #tpu.memory_space<vmem>>, vector<16xf32>,
          %slice3A_865 = vector.extract_strided_slice %select_n3A {offsets = [10], sizes = [1], strides = [1]} : vector<16xf32> to vector<1xf32>
          %squeeze3A_866 = vector.extract %slice3A_865[0] : f32 from vector<1xf32>
          %mul3A_867 = vector.broadcast %squeeze3A_866 : f32 to vector<16xf32>
          %mul3A_868 = arith.mulf %get3A_864, %mul3A_867 : vector<16xf32>
          %add3A_869 = arith.addf %add3A_829, %mul3A_868 : vector<16xf32>
          %add3A_870 = arith.constant 11 : i32
          %add3A_871 = arith.addi %add3A_744, %add3A_870 : i32
          %get3A_872 = arith.index_cast %add3A_871 : i32 to index
          %get3A_873 = arith.constant 0 : index
          %get3A_874 = tpu.vector_load %arg12[%get3A_872, %get3A_873] {strides = array<i32>} : memref<528x16xf32, #tpu.memory_space<vmem>>, vector<16xf32>,
          %slice3A_875 = vector.extract_strided_slice %select_n3A {offsets = [11], sizes = [1], strides = [1]} : vector<16xf32> to vector<1xf32>
          %squeeze3A_876 = vector.extract %slice3A_875[0] : f32 from vector<1xf32>
          %mul3A_877 = vector.broadcast %squeeze3A_876 : f32 to vector<16xf32>
          %mul3A_878 = arith.mulf %get3A_874, %mul3A_877 : vector<16xf32>
          %add3A_879 = arith.addf %add3A_839, %mul3A_878 : vector<16xf32>
          %add3A_880 = arith.constant 12 : i32
          %add3A_881 = arith.addi %add3A_744, %add3A_880 : i32
          %get3A_882 = arith.index_cast %add3A_881 : i32 to index
          %get3A_883 = arith.constant 0 : index
          %get3A_884 = tpu.vector_load %arg12[%get3A_882, %get3A_883] {strides = array<i32>} : memref<528x16xf32, #tpu.memory_space<vmem>>, vector<16xf32>,
          %slice3A_885 = vector.extract_strided_slice %select_n3A {offsets = [12], sizes = [1], strides = [1]} : vector<16xf32> to vector<1xf32>
          %squeeze3A_886 = vector.extract %slice3A_885[0] : f32 from vector<1xf32>
          %mul3A_887 = vector.broadcast %squeeze3A_886 : f32 to vector<16xf32>
          %mul3A_888 = arith.mulf %get3A_884, %mul3A_887 : vector<16xf32>
          %add3A_889 = arith.addf %add3A_849, %mul3A_888 : vector<16xf32>
          %add3A_890 = arith.constant 13 : i32
          %add3A_891 = arith.addi %add3A_744, %add3A_890 : i32
          %get3A_892 = arith.index_cast %add3A_891 : i32 to index
          %get3A_893 = arith.constant 0 : index
          %get3A_894 = tpu.vector_load %arg12[%get3A_892, %get3A_893] {strides = array<i32>} : memref<528x16xf32, #tpu.memory_space<vmem>>, vector<16xf32>,
          %slice3A_895 = vector.extract_strided_slice %select_n3A {offsets = [13], sizes = [1], strides = [1]} : vector<16xf32> to vector<1xf32>
          %squeeze3A_896 = vector.extract %slice3A_895[0] : f32 from vector<1xf32>
          %mul3A_897 = vector.broadcast %squeeze3A_896 : f32 to vector<16xf32>
          %mul3A_898 = arith.mulf %get3A_894, %mul3A_897 : vector<16xf32>
          %add3A_899 = arith.addf %add3A_859, %mul3A_898 : vector<16xf32>
          %add3A_900 = arith.constant 14 : i32
          %add3A_901 = arith.addi %add3A_744, %add3A_900 : i32
          %get3A_902 = arith.index_cast %add3A_901 : i32 to index
          %get3A_903 = arith.constant 0 : index
          %get3A_904 = tpu.vector_load %arg12[%get3A_902, %get3A_903] {strides = array<i32>} : memref<528x16xf32, #tpu.memory_space<vmem>>, vector<16xf32>,
          %slice3A_905 = vector.extract_strided_slice %select_n3A {offsets = [14], sizes = [1], strides = [1]} : vector<16xf32> to vector<1xf32>
          %squeeze3A_906 = vector.extract %slice3A_905[0] : f32 from vector<1xf32>
          %mul3A_907 = vector.broadcast %squeeze3A_906 : f32 to vector<16xf32>
          %mul3A_908 = arith.mulf %get3A_904, %mul3A_907 : vector<16xf32>
          %add3A_909 = arith.addf %add3A_869, %mul3A_908 : vector<16xf32>
          %add3A_910 = arith.constant 15 : i32
          %add3A_911 = arith.addi %add3A_744, %add3A_910 : i32
          %get3A_912 = arith.index_cast %add3A_911 : i32 to index
          %get3A_913 = arith.constant 0 : index
          %get3A_914 = tpu.vector_load %arg12[%get3A_912, %get3A_913] {strides = array<i32>} : memref<528x16xf32, #tpu.memory_space<vmem>>, vector<16xf32>,
          %slice3A_915 = vector.extract_strided_slice %select_n3A {offsets = [15], sizes = [1], strides = [1]} : vector<16xf32> to vector<1xf32>
          %squeeze3A_916 = vector.extract %slice3A_915[0] : f32 from vector<1xf32>
          %mul3A_917 = vector.broadcast %squeeze3A_916 : f32 to vector<16xf32>
          %mul3A_918 = arith.mulf %get3A_914, %mul3A_917 : vector<16xf32>
          %add3A_919 = arith.addf %add3A_879, %mul3A_918 : vector<16xf32>
          scf.yield %add3A_889, %add3A_899, %add3A_909, %add3A_919 : vector<16xf32>, vector<16xf32>, vector<16xf32>, vector<16xf32>
        }
        %while3A_735 = arith.constant 1 : i32
        %while3A_736:4 = scf.for %while3A_737 = %while3A_732 to %while3A_728 step %while3A_735 iter_args(%while3A_738 = %while3A_734#0, %while3A_739 = %while3A_734#1, %while3A_740 = %while3A_734#2, %while3A_741 = %while3A_734#3) -> (vector<16xf32>, vector<16xf32>, vector<16xf32>, vector<16xf32>)  : i32 {
          %mul3A_742 = arith.constant 16 : i32
          %mul3A_743 = arith.muli %while3A_737, %mul3A_742 : i32
          %add3A_744 = arith.addi %max3A_713, %mul3A_743 : i32
          %add3A_745 = arith.addi %multiple_of3A_646, %add3A_744 : i32
          %sub3A_746 = arith.subi %add3A_745, %scan3A_331 : i32
          %add3A_747 = vector.broadcast %sub3A_746 : i32 to vector<16xi32>
          %add3A_748 = arith.addi %add3A_747, %iota3A : vector<16xi32>
          %jit3A = arith.constant 0 : i32
          %jit3A_749 = arith.constant 511 : i32
          %max3A_750 = vector.broadcast %jit3A : i32 to vector<16xi32>
          %max3A_751 = arith.maxsi %max3A_750, %add3A_748 : vector<16xi32>
          %min3A_752 = vector.broadcast %jit3A_749 : i32 to vector<16xi32>
          %min3A_753 = arith.minsi %min3A_752, %max3A_751 : vector<16xi32>
          %gather3A_754 = tpu.vector_load_idx %arg10[%broadcast_in_dim3A_433, %min3A_753] : memref<2x512xf32, #tpu.memory_space<vmem>>[vector<16xi32>, vector<16xi32>], vector<16xf32>,
          %sub3A_755 = arith.subi %min3A_716, %add3A_744 : i32
          %lt3A_756 = vector.broadcast %sub3A_755 : i32 to vector<16xi32>
          %lt3A_757 = arith.cmpi slt, %iota3A, %lt3A_756 : vector<16xi32>
          %jit3A_758 = arith.constant 0.000000e+00 : f32
          %broadcast_in_dim3A_759 = vector.broadcast %jit3A_758 : f32 to vector<16xf32>
          %select_n3A = arith.select %lt3A_757, %gather3A_754, %broadcast_in_dim3A_759 : vector<16xi1>, vector<16xf32>
          %add3A_760 = arith.constant 0 : i32
          %add3A_761 = arith.addi %add3A_744, %add3A_760 : i32
          %get3A_762 = arith.index_cast %add3A_761 : i32 to index
          %get3A_763 = arith.constant 0 : index
          %get3A_764 = tpu.vector_load %arg12[%get3A_762, %get3A_763] {strides = array<i32>} : memref<528x16xf32, #tpu.memory_space<vmem>>, vector<16xf32>,
          %slice3A_765 = vector.extract_strided_slice %select_n3A {offsets = [0], sizes = [1], strides = [1]} : vector<16xf32> to vector<1xf32>
          %squeeze3A_766 = vector.extract %slice3A_765[0] : f32 from vector<1xf32>
          %mul3A_767 = vector.broadcast %squeeze3A_766 : f32 to vector<16xf32>
          %mul3A_768 = arith.mulf %get3A_764, %mul3A_767 : vector<16xf32>
          %add3A_769 = arith.addf %while3A_738, %mul3A_768 : vector<16xf32>
          %add3A_770 = arith.constant 1 : i32
          %add3A_771 = arith.addi %add3A_744, %add3A_770 : i32
          %get3A_772 = arith.index_cast %add3A_771 : i32 to index
          %get3A_773 = arith.constant 0 : index
          %get3A_774 = tpu.vector_load %arg12[%get3A_772, %get3A_773] {strides = array<i32>} : memref<528x16xf32, #tpu.memory_space<vmem>>, vector<16xf32>,
          %slice3A_775 = vector.extract_strided_slice %select_n3A {offsets = [1], sizes = [1], strides = [1]} : vector<16xf32> to vector<1xf32>
          %squeeze3A_776 = vector.extract %slice3A_775[0] : f32 from vector<1xf32>
          %mul3A_777 = vector.broadcast %squeeze3A_776 : f32 to vector<16xf32>
          %mul3A_778 = arith.mulf %get3A_774, %mul3A_777 : vector<16xf32>
          %add3A_779 = arith.addf %while3A_739, %mul3A_778 : vector<16xf32>
          %add3A_780 = arith.constant 2 : i32
          %add3A_781 = arith.addi %add3A_744, %add3A_780 : i32
          %get3A_782 = arith.index_cast %add3A_781 : i32 to index
          %get3A_783 = arith.constant 0 : index
          %get3A_784 = tpu.vector_load %arg12[%get3A_782, %get3A_783] {strides = array<i32>} : memref<528x16xf32, #tpu.memory_space<vmem>>, vector<16xf32>,
          %slice3A_785 = vector.extract_strided_slice %select_n3A {offsets = [2], sizes = [1], strides = [1]} : vector<16xf32> to vector<1xf32>
          %squeeze3A_786 = vector.extract %slice3A_785[0] : f32 from vector<1xf32>
          %mul3A_787 = vector.broadcast %squeeze3A_786 : f32 to vector<16xf32>
          %mul3A_788 = arith.mulf %get3A_784, %mul3A_787 : vector<16xf32>
          %add3A_789 = arith.addf %while3A_740, %mul3A_788 : vector<16xf32>
          %add3A_790 = arith.constant 3 : i32
          %add3A_791 = arith.addi %add3A_744, %add3A_790 : i32
          %get3A_792 = arith.index_cast %add3A_791 : i32 to index
          %get3A_793 = arith.constant 0 : index
          %get3A_794 = tpu.vector_load %arg12[%get3A_792, %get3A_793] {strides = array<i32>} : memref<528x16xf32, #tpu.memory_space<vmem>>, vector<16xf32>,
          %slice3A_795 = vector.extract_strided_slice %select_n3A {offsets = [3], sizes = [1], strides = [1]} : vector<16xf32> to vector<1xf32>
          %squeeze3A_796 = vector.extract %slice3A_795[0] : f32 from vector<1xf32>
          %mul3A_797 = vector.broadcast %squeeze3A_796 : f32 to vector<16xf32>
          %mul3A_798 = arith.mulf %get3A_794, %mul3A_797 : vector<16xf32>
          %add3A_799 = arith.addf %while3A_741, %mul3A_798 : vector<16xf32>
          %add3A_800 = arith.constant 4 : i32
          %add3A_801 = arith.addi %add3A_744, %add3A_800 : i32
          %get3A_802 = arith.index_cast %add3A_801 : i32 to index
          %get3A_803 = arith.constant 0 : index
          %get3A_804 = tpu.vector_load %arg12[%get3A_802, %get3A_803] {strides = array<i32>} : memref<528x16xf32, #tpu.memory_space<vmem>>, vector<16xf32>,
          %slice3A_805 = vector.extract_strided_slice %select_n3A {offsets = [4], sizes = [1], strides = [1]} : vector<16xf32> to vector<1xf32>
          %squeeze3A_806 = vector.extract %slice3A_805[0] : f32 from vector<1xf32>
          %mul3A_807 = vector.broadcast %squeeze3A_806 : f32 to vector<16xf32>
          %mul3A_808 = arith.mulf %get3A_804, %mul3A_807 : vector<16xf32>
          %add3A_809 = arith.addf %add3A_769, %mul3A_808 : vector<16xf32>
          %add3A_810 = arith.constant 5 : i32
          %add3A_811 = arith.addi %add3A_744, %add3A_810 : i32
          %get3A_812 = arith.index_cast %add3A_811 : i32 to index
          %get3A_813 = arith.constant 0 : index
          %get3A_814 = tpu.vector_load %arg12[%get3A_812, %get3A_813] {strides = array<i32>} : memref<528x16xf32, #tpu.memory_space<vmem>>, vector<16xf32>,
          %slice3A_815 = vector.extract_strided_slice %select_n3A {offsets = [5], sizes = [1], strides = [1]} : vector<16xf32> to vector<1xf32>
          %squeeze3A_816 = vector.extract %slice3A_815[0] : f32 from vector<1xf32>
          %mul3A_817 = vector.broadcast %squeeze3A_816 : f32 to vector<16xf32>
          %mul3A_818 = arith.mulf %get3A_814, %mul3A_817 : vector<16xf32>
          %add3A_819 = arith.addf %add3A_779, %mul3A_818 : vector<16xf32>
          %add3A_820 = arith.constant 6 : i32
          %add3A_821 = arith.addi %add3A_744, %add3A_820 : i32
          %get3A_822 = arith.index_cast %add3A_821 : i32 to index
          %get3A_823 = arith.constant 0 : index
          %get3A_824 = tpu.vector_load %arg12[%get3A_822, %get3A_823] {strides = array<i32>} : memref<528x16xf32, #tpu.memory_space<vmem>>, vector<16xf32>,
          %slice3A_825 = vector.extract_strided_slice %select_n3A {offsets = [6], sizes = [1], strides = [1]} : vector<16xf32> to vector<1xf32>
          %squeeze3A_826 = vector.extract %slice3A_825[0] : f32 from vector<1xf32>
          %mul3A_827 = vector.broadcast %squeeze3A_826 : f32 to vector<16xf32>
          %mul3A_828 = arith.mulf %get3A_824, %mul3A_827 : vector<16xf32>
          %add3A_829 = arith.addf %add3A_789, %mul3A_828 : vector<16xf32>
          %add3A_830 = arith.constant 7 : i32
          %add3A_831 = arith.addi %add3A_744, %add3A_830 : i32
          %get3A_832 = arith.index_cast %add3A_831 : i32 to index
          %get3A_833 = arith.constant 0 : index
          %get3A_834 = tpu.vector_load %arg12[%get3A_832, %get3A_833] {strides = array<i32>} : memref<528x16xf32, #tpu.memory_space<vmem>>, vector<16xf32>,
          %slice3A_835 = vector.extract_strided_slice %select_n3A {offsets = [7], sizes = [1], strides = [1]} : vector<16xf32> to vector<1xf32>
          %squeeze3A_836 = vector.extract %slice3A_835[0] : f32 from vector<1xf32>
          %mul3A_837 = vector.broadcast %squeeze3A_836 : f32 to vector<16xf32>
          %mul3A_838 = arith.mulf %get3A_834, %mul3A_837 : vector<16xf32>
          %add3A_839 = arith.addf %add3A_799, %mul3A_838 : vector<16xf32>
          %add3A_840 = arith.constant 8 : i32
          %add3A_841 = arith.addi %add3A_744, %add3A_840 : i32
          %get3A_842 = arith.index_cast %add3A_841 : i32 to index
          %get3A_843 = arith.constant 0 : index
          %get3A_844 = tpu.vector_load %arg12[%get3A_842, %get3A_843] {strides = array<i32>} : memref<528x16xf32, #tpu.memory_space<vmem>>, vector<16xf32>,
          %slice3A_845 = vector.extract_strided_slice %select_n3A {offsets = [8], sizes = [1], strides = [1]} : vector<16xf32> to vector<1xf32>
          %squeeze3A_846 = vector.extract %slice3A_845[0] : f32 from vector<1xf32>
          %mul3A_847 = vector.broadcast %squeeze3A_846 : f32 to vector<16xf32>
          %mul3A_848 = arith.mulf %get3A_844, %mul3A_847 : vector<16xf32>
          %add3A_849 = arith.addf %add3A_809, %mul3A_848 : vector<16xf32>
          %add3A_850 = arith.constant 9 : i32
          %add3A_851 = arith.addi %add3A_744, %add3A_850 : i32
          %get3A_852 = arith.index_cast %add3A_851 : i32 to index
          %get3A_853 = arith.constant 0 : index
          %get3A_854 = tpu.vector_load %arg12[%get3A_852, %get3A_853] {strides = array<i32>} : memref<528x16xf32, #tpu.memory_space<vmem>>, vector<16xf32>,
          %slice3A_855 = vector.extract_strided_slice %select_n3A {offsets = [9], sizes = [1], strides = [1]} : vector<16xf32> to vector<1xf32>
          %squeeze3A_856 = vector.extract %slice3A_855[0] : f32 from vector<1xf32>
          %mul3A_857 = vector.broadcast %squeeze3A_856 : f32 to vector<16xf32>
          %mul3A_858 = arith.mulf %get3A_854, %mul3A_857 : vector<16xf32>
          %add3A_859 = arith.addf %add3A_819, %mul3A_858 : vector<16xf32>
          %add3A_860 = arith.constant 10 : i32
          %add3A_861 = arith.addi %add3A_744, %add3A_860 : i32
          %get3A_862 = arith.index_cast %add3A_861 : i32 to index
          %get3A_863 = arith.constant 0 : index
          %get3A_864 = tpu.vector_load %arg12[%get3A_862, %get3A_863] {strides = array<i32>} : memref<528x16xf32, #tpu.memory_space<vmem>>, vector<16xf32>,
          %slice3A_865 = vector.extract_strided_slice %select_n3A {offsets = [10], sizes = [1], strides = [1]} : vector<16xf32> to vector<1xf32>
          %squeeze3A_866 = vector.extract %slice3A_865[0] : f32 from vector<1xf32>
          %mul3A_867 = vector.broadcast %squeeze3A_866 : f32 to vector<16xf32>
          %mul3A_868 = arith.mulf %get3A_864, %mul3A_867 : vector<16xf32>
          %add3A_869 = arith.addf %add3A_829, %mul3A_868 : vector<16xf32>
          %add3A_870 = arith.constant 11 : i32
          %add3A_871 = arith.addi %add3A_744, %add3A_870 : i32
          %get3A_872 = arith.index_cast %add3A_871 : i32 to index
          %get3A_873 = arith.constant 0 : index
          %get3A_874 = tpu.vector_load %arg12[%get3A_872, %get3A_873] {strides = array<i32>} : memref<528x16xf32, #tpu.memory_space<vmem>>, vector<16xf32>,
          %slice3A_875 = vector.extract_strided_slice %select_n3A {offsets = [11], sizes = [1], strides = [1]} : vector<16xf32> to vector<1xf32>
          %squeeze3A_876 = vector.extract %slice3A_875[0] : f32 from vector<1xf32>
          %mul3A_877 = vector.broadcast %squeeze3A_876 : f32 to vector<16xf32>
          %mul3A_878 = arith.mulf %get3A_874, %mul3A_877 : vector<16xf32>
          %add3A_879 = arith.addf %add3A_839, %mul3A_878 : vector<16xf32>
          %add3A_880 = arith.constant 12 : i32
          %add3A_881 = arith.addi %add3A_744, %add3A_880 : i32
          %get3A_882 = arith.index_cast %add3A_881 : i32 to index
          %get3A_883 = arith.constant 0 : index
          %get3A_884 = tpu.vector_load %arg12[%get3A_882, %get3A_883] {strides = array<i32>} : memref<528x16xf32, #tpu.memory_space<vmem>>, vector<16xf32>,
          %slice3A_885 = vector.extract_strided_slice %select_n3A {offsets = [12], sizes = [1], strides = [1]} : vector<16xf32> to vector<1xf32>
          %squeeze3A_886 = vector.extract %slice3A_885[0] : f32 from vector<1xf32>
          %mul3A_887 = vector.broadcast %squeeze3A_886 : f32 to vector<16xf32>
          %mul3A_888 = arith.mulf %get3A_884, %mul3A_887 : vector<16xf32>
          %add3A_889 = arith.addf %add3A_849, %mul3A_888 : vector<16xf32>
          %add3A_890 = arith.constant 13 : i32
          %add3A_891 = arith.addi %add3A_744, %add3A_890 : i32
          %get3A_892 = arith.index_cast %add3A_891 : i32 to index
          %get3A_893 = arith.constant 0 : index
          %get3A_894 = tpu.vector_load %arg12[%get3A_892, %get3A_893] {strides = array<i32>} : memref<528x16xf32, #tpu.memory_space<vmem>>, vector<16xf32>,
          %slice3A_895 = vector.extract_strided_slice %select_n3A {offsets = [13], sizes = [1], strides = [1]} : vector<16xf32> to vector<1xf32>
          %squeeze3A_896 = vector.extract %slice3A_895[0] : f32 from vector<1xf32>
          %mul3A_897 = vector.broadcast %squeeze3A_896 : f32 to vector<16xf32>
          %mul3A_898 = arith.mulf %get3A_894, %mul3A_897 : vector<16xf32>
          %add3A_899 = arith.addf %add3A_859, %mul3A_898 : vector<16xf32>
          %add3A_900 = arith.constant 14 : i32
          %add3A_901 = arith.addi %add3A_744, %add3A_900 : i32
          %get3A_902 = arith.index_cast %add3A_901 : i32 to index
          %get3A_903 = arith.constant 0 : index
          %get3A_904 = tpu.vector_load %arg12[%get3A_902, %get3A_903] {strides = array<i32>} : memref<528x16xf32, #tpu.memory_space<vmem>>, vector<16xf32>,
          %slice3A_905 = vector.extract_strided_slice %select_n3A {offsets = [14], sizes = [1], strides = [1]} : vector<16xf32> to vector<1xf32>
          %squeeze3A_906 = vector.extract %slice3A_905[0] : f32 from vector<1xf32>
          %mul3A_907 = vector.broadcast %squeeze3A_906 : f32 to vector<16xf32>
          %mul3A_908 = arith.mulf %get3A_904, %mul3A_907 : vector<16xf32>
          %add3A_909 = arith.addf %add3A_869, %mul3A_908 : vector<16xf32>
          %add3A_910 = arith.constant 15 : i32
          %add3A_911 = arith.addi %add3A_744, %add3A_910 : i32
          %get3A_912 = arith.index_cast %add3A_911 : i32 to index
          %get3A_913 = arith.constant 0 : index
          %get3A_914 = tpu.vector_load %arg12[%get3A_912, %get3A_913] {strides = array<i32>} : memref<528x16xf32, #tpu.memory_space<vmem>>, vector<16xf32>,
          %slice3A_915 = vector.extract_strided_slice %select_n3A {offsets = [15], sizes = [1], strides = [1]} : vector<16xf32> to vector<1xf32>
          %squeeze3A_916 = vector.extract %slice3A_915[0] : f32 from vector<1xf32>
          %mul3A_917 = vector.broadcast %squeeze3A_916 : f32 to vector<16xf32>
          %mul3A_918 = arith.mulf %get3A_914, %mul3A_917 : vector<16xf32>
          %add3A_919 = arith.addf %add3A_879, %mul3A_918 : vector<16xf32>
          scf.yield %add3A_889, %add3A_899, %add3A_909, %add3A_919 : vector<16xf32>, vector<16xf32>, vector<16xf32>, vector<16xf32>
        }
        scf.yield %while3A_736#0, %while3A_736#1, %while3A_736#2, %while3A_736#3 : vector<16xf32>, vector<16xf32>, vector<16xf32>, vector<16xf32>
      }
      %add3A_477 = arith.addf %while3A_476#0, %while3A_476#1 : vector<16xf32>
      %add3A_478 = arith.addf %while3A_476#2, %while3A_476#3 : vector<16xf32>
      %add3A_479 = arith.addf %add3A_477, %add3A_478 : vector<16xf32>
      %broadcast_in_dim3A_480 = vector.broadcast %mul3A_336 : i32 to vector<16xi32>
      %gather3A = tpu.vector_load_idx %arg14[%broadcast_in_dim3A_480] : memref<336xf32, #tpu.memory_space<vmem>>[vector<16xi32>], vector<16xf32>,
      %add3A_481 = arith.addf %add3A_479, %gather3A : vector<16xf32>
      %max3A_482 = arith.constant 0.000000e+00 : f32
      %max3A_483 = vector.broadcast %max3A_482 : f32 to vector<16xf32>
      %max3A_484 = arith.maximumf %add3A_481, %max3A_483 : vector<16xf32>
      %swap3A_485 = arith.index_cast %mul3A_336 : i32 to index
      %swap3A_486 = arith.constant 0 : index
      %swap3A_487 = tpu.vector_load %arg15[%swap3A_485, %swap3A_486] {strides = array<i32>} : memref<320x16xf32, #tpu.memory_space<vmem>>, vector<16xf32>,
      tpu.vector_store %arg15[%swap3A_485, %swap3A_486], %max3A_484 {strides = array<i32>} : memref<320x16xf32, #tpu.memory_space<vmem>>, vector<16xf32>,
      %add3A_488 = arith.constant 1 : i32
      %add3A_489 = arith.addi %mul3A_336, %add3A_488 : i32
      %rem3A_490 = arith.constant 8 : i32
      %rem3A_491 = arith.remsi %scan3A_332, %rem3A_490 : i32
      %sub3A_492 = arith.subi %scan3A_332, %rem3A_491 : i32
      %multiple_of3A_493 = tpu.assume_multiple %sub3A_492, 8 : i32
      %rem3A_494 = arith.constant 8 : i32
      %rem3A_495 = arith.remsi %scan3A_333, %rem3A_494 : i32
      %sub3A_496 = arith.subi %scan3A_333, %rem3A_495 : i32
      %multiple_of3A_497 = tpu.assume_multiple %sub3A_496, 8 : i32
      %rem3A_498 = arith.constant 8 : i32
      %rem3A_499 = arith.remsi %scan3A_334, %rem3A_498 : i32
      %sub3A_500 = arith.subi %scan3A_334, %rem3A_499 : i32
      %multiple_of3A_501 = tpu.assume_multiple %sub3A_500, 8 : i32
      %add3A_502 = arith.constant 1 : i32
      %add3A_503 = arith.addi %add3A_489, %add3A_502 : i32
      %lt3A_504 = arith.constant 320 : i32
      %lt3A_505 = arith.cmpi slt, %add3A_503, %lt3A_504 : i32
      %convert_element_type3A_506 = arith.extui %lt3A_505 : i1 to i32
      %cond3A_507 = arith.constant 0 : i32
      %cond3A_508 = arith.cmpi ne, %convert_element_type3A_506, %cond3A_507 : i32
      scf.if %cond3A_508 {
        %dma_wait3A_638 = arith.constant 0 : i32
        %dma_wait3A_639 = arith.constant 0 : i32
        %dma_wait3A_640 = tpu.memref_slice %arg8[%dma_wait3A_638, %dma_wait3A_639] : memref<2x512xi32, #tpu.memory_space<vmem>> -> memref<1x512xi32, #tpu.memory_space<vmem>>
        %dma_wait3A_641 = tpu.memref_squeeze %dma_wait3A_640 : memref<1x512xi32, #tpu.memory_space<vmem>> -> memref<512xi32, #tpu.memory_space<vmem>>
        %dma_wait3A_642 = tpu.memref_slice %arg3[%multiple_of3A_497] : memref<3200520xi32, #tpu.memory_space<hbm>> -> memref<512xi32, #tpu.memory_space<hbm>>
        %dma_wait3A_643 = arith.constant 0 : i32
        %dma_wait3A_644 = tpu.memref_slice %arg8[%dma_wait3A_638, %dma_wait3A_643] : memref<2x512xi32, #tpu.memory_space<vmem>> -> memref<1x512xi32, #tpu.memory_space<vmem>>
        %dma_wait3A_645 = tpu.memref_squeeze %dma_wait3A_644 : memref<1x512xi32, #tpu.memory_space<vmem>> -> memref<512xi32, #tpu.memory_space<vmem>>
        %dma_wait3A_646 = tpu.memref_slice %arg3[%multiple_of3A_497] : memref<3200520xi32, #tpu.memory_space<hbm>> -> memref<512xi32, #tpu.memory_space<hbm>>
        tpu.wait_dma2 semaphore(%arg17 : memref<!tpu.dma_semaphore, #tpu.memory_space<semaphore_mem>>) src(%dma_wait3A_646 : memref<512xi32, #tpu.memory_space<hbm>>) dst(%dma_wait3A_645 : memref<512xi32, #tpu.memory_space<vmem>>)
      } else {
      }
      %add3A_509 = arith.constant 0 : i32
      %add3A_510 = arith.addi %multiple_of3A_493, %add3A_509 : i32
      %add3A_511 = arith.constant 15 : i32
      %add3A_512 = arith.addi %scan3A_333, %add3A_511 : i32
      %lt3A_513 = arith.cmpi slt, %add3A_510, %add3A_512 : i32
      %convert_element_type3A_514 = arith.extui %lt3A_513 : i1 to i32
      %cond3A_515 = arith.constant 0 : i32
      %cond3A_516 = arith.cmpi ne, %convert_element_type3A_514, %cond3A_515 : i32
      scf.if %cond3A_516 {
        %dma_wait3A_638 = arith.constant 1 : i32
        %dma_wait3A_639 = arith.constant 1 : i32
        %dma_wait3A_640 = arith.constant 0 : i32
        %dma_wait3A_641 = arith.constant 0 : i32
        %dma_wait3A_642 = tpu.memref_slice %arg9[%dma_wait3A_639, %dma_wait3A_640, %dma_wait3A_641] : memref<2x528x16xf32, #tpu.memory_space<vmem>> -> memref<1x128x16xf32, #tpu.memory_space<vmem>>
        %dma_wait3A_643 = tpu.memref_squeeze %dma_wait3A_642 : memref<1x128x16xf32, #tpu.memory_space<vmem>> -> memref<128x16xf32, #tpu.memory_space<vmem>>
        %dma_wait3A_644 = arith.constant 0 : i32
        %dma_wait3A_645 = tpu.memref_slice %arg8[%dma_wait3A_638, %dma_wait3A_644] : memref<2x512xi32, #tpu.memory_space<vmem>> -> memref<1x128xi32, #tpu.memory_space<vmem>>
        %dma_wait3A_646 = tpu.memref_squeeze %dma_wait3A_645 : memref<1x128xi32, #tpu.memory_space<vmem>> -> memref<128xi32, #tpu.memory_space<vmem>>
        %dma_wait3A_647 = arith.constant 0 : i32
        %dma_wait3A_648 = arith.constant 0 : i32
        %dma_wait3A_649 = tpu.memref_slice %arg2[%dma_wait3A_647, %dma_wait3A_648] : memref<100000x16xf32, #tpu.memory_space<hbm>> -> memref<100000x16xf32, #tpu.memory_space<hbm>>
        tpu.wait_indirect_dma semaphore(%arg16 : memref<!tpu.dma_semaphore, #tpu.memory_space<semaphore_mem>>) src(%dma_wait3A_649 : memref<100000x16xf32, #tpu.memory_space<hbm>>) dst(%dma_wait3A_643 : memref<128x16xf32, #tpu.memory_space<vmem>>)
      } else {
      }
      %add3A_517 = arith.constant 128 : i32
      %add3A_518 = arith.addi %multiple_of3A_493, %add3A_517 : i32
      %add3A_519 = arith.constant 15 : i32
      %add3A_520 = arith.addi %scan3A_333, %add3A_519 : i32
      %lt3A_521 = arith.cmpi slt, %add3A_518, %add3A_520 : i32
      %convert_element_type3A_522 = arith.extui %lt3A_521 : i1 to i32
      %cond3A_523 = arith.constant 0 : i32
      %cond3A_524 = arith.cmpi ne, %convert_element_type3A_522, %cond3A_523 : i32
      scf.if %cond3A_524 {
        %dma_wait3A_638 = arith.constant 1 : i32
        %dma_wait3A_639 = arith.constant 1 : i32
        %dma_wait3A_640 = arith.constant 128 : i32
        %dma_wait3A_641 = arith.constant 0 : i32
        %dma_wait3A_642 = tpu.memref_slice %arg9[%dma_wait3A_639, %dma_wait3A_640, %dma_wait3A_641] : memref<2x528x16xf32, #tpu.memory_space<vmem>> -> memref<1x128x16xf32, #tpu.memory_space<vmem>>
        %dma_wait3A_643 = tpu.memref_squeeze %dma_wait3A_642 : memref<1x128x16xf32, #tpu.memory_space<vmem>> -> memref<128x16xf32, #tpu.memory_space<vmem>>
        %dma_wait3A_644 = arith.constant 128 : i32
        %dma_wait3A_645 = tpu.memref_slice %arg8[%dma_wait3A_638, %dma_wait3A_644] : memref<2x512xi32, #tpu.memory_space<vmem>> -> memref<1x128xi32, #tpu.memory_space<vmem>>
        %dma_wait3A_646 = tpu.memref_squeeze %dma_wait3A_645 : memref<1x128xi32, #tpu.memory_space<vmem>> -> memref<128xi32, #tpu.memory_space<vmem>>
        %dma_wait3A_647 = arith.constant 0 : i32
        %dma_wait3A_648 = arith.constant 0 : i32
        %dma_wait3A_649 = tpu.memref_slice %arg2[%dma_wait3A_647, %dma_wait3A_648] : memref<100000x16xf32, #tpu.memory_space<hbm>> -> memref<100000x16xf32, #tpu.memory_space<hbm>>
        tpu.wait_indirect_dma semaphore(%arg16 : memref<!tpu.dma_semaphore, #tpu.memory_space<semaphore_mem>>) src(%dma_wait3A_649 : memref<100000x16xf32, #tpu.memory_space<hbm>>) dst(%dma_wait3A_643 : memref<128x16xf32, #tpu.memory_space<vmem>>)
      } else {
      }
      %add3A_525 = arith.constant 256 : i32
      %add3A_526 = arith.addi %multiple_of3A_493, %add3A_525 : i32
      %add3A_527 = arith.constant 15 : i32
      %add3A_528 = arith.addi %scan3A_333, %add3A_527 : i32
      %lt3A_529 = arith.cmpi slt, %add3A_526, %add3A_528 : i32
      %convert_element_type3A_530 = arith.extui %lt3A_529 : i1 to i32
      %cond3A_531 = arith.constant 0 : i32
      %cond3A_532 = arith.cmpi ne, %convert_element_type3A_530, %cond3A_531 : i32
      scf.if %cond3A_532 {
        %dma_wait3A_638 = arith.constant 1 : i32
        %dma_wait3A_639 = arith.constant 1 : i32
        %dma_wait3A_640 = arith.constant 256 : i32
        %dma_wait3A_641 = arith.constant 0 : i32
        %dma_wait3A_642 = tpu.memref_slice %arg9[%dma_wait3A_639, %dma_wait3A_640, %dma_wait3A_641] : memref<2x528x16xf32, #tpu.memory_space<vmem>> -> memref<1x128x16xf32, #tpu.memory_space<vmem>>
        %dma_wait3A_643 = tpu.memref_squeeze %dma_wait3A_642 : memref<1x128x16xf32, #tpu.memory_space<vmem>> -> memref<128x16xf32, #tpu.memory_space<vmem>>
        %dma_wait3A_644 = arith.constant 256 : i32
        %dma_wait3A_645 = tpu.memref_slice %arg8[%dma_wait3A_638, %dma_wait3A_644] : memref<2x512xi32, #tpu.memory_space<vmem>> -> memref<1x128xi32, #tpu.memory_space<vmem>>
        %dma_wait3A_646 = tpu.memref_squeeze %dma_wait3A_645 : memref<1x128xi32, #tpu.memory_space<vmem>> -> memref<128xi32, #tpu.memory_space<vmem>>
        %dma_wait3A_647 = arith.constant 0 : i32
        %dma_wait3A_648 = arith.constant 0 : i32
        %dma_wait3A_649 = tpu.memref_slice %arg2[%dma_wait3A_647, %dma_wait3A_648] : memref<100000x16xf32, #tpu.memory_space<hbm>> -> memref<100000x16xf32, #tpu.memory_space<hbm>>
        tpu.wait_indirect_dma semaphore(%arg16 : memref<!tpu.dma_semaphore, #tpu.memory_space<semaphore_mem>>) src(%dma_wait3A_649 : memref<100000x16xf32, #tpu.memory_space<hbm>>) dst(%dma_wait3A_643 : memref<128x16xf32, #tpu.memory_space<vmem>>)
      } else {
      }
      %add3A_533 = arith.constant 384 : i32
      %add3A_534 = arith.addi %multiple_of3A_493, %add3A_533 : i32
      %add3A_535 = arith.constant 15 : i32
      %add3A_536 = arith.addi %scan3A_333, %add3A_535 : i32
      %lt3A_537 = arith.cmpi slt, %add3A_534, %add3A_536 : i32
      %convert_element_type3A_538 = arith.extui %lt3A_537 : i1 to i32
      %cond3A_539 = arith.constant 0 : i32
      %cond3A_540 = arith.cmpi ne, %convert_element_type3A_538, %cond3A_539 : i32
      scf.if %cond3A_540 {
        %dma_wait3A_638 = arith.constant 1 : i32
        %dma_wait3A_639 = arith.constant 1 : i32
        %dma_wait3A_640 = arith.constant 384 : i32
        %dma_wait3A_641 = arith.constant 0 : i32
        %dma_wait3A_642 = tpu.memref_slice %arg9[%dma_wait3A_639, %dma_wait3A_640, %dma_wait3A_641] : memref<2x528x16xf32, #tpu.memory_space<vmem>> -> memref<1x128x16xf32, #tpu.memory_space<vmem>>
        %dma_wait3A_643 = tpu.memref_squeeze %dma_wait3A_642 : memref<1x128x16xf32, #tpu.memory_space<vmem>> -> memref<128x16xf32, #tpu.memory_space<vmem>>
        %dma_wait3A_644 = arith.constant 384 : i32
        %dma_wait3A_645 = tpu.memref_slice %arg8[%dma_wait3A_638, %dma_wait3A_644] : memref<2x512xi32, #tpu.memory_space<vmem>> -> memref<1x128xi32, #tpu.memory_space<vmem>>
        %dma_wait3A_646 = tpu.memref_squeeze %dma_wait3A_645 : memref<1x128xi32, #tpu.memory_space<vmem>> -> memref<128xi32, #tpu.memory_space<vmem>>
        %dma_wait3A_647 = arith.constant 0 : i32
        %dma_wait3A_648 = arith.constant 0 : i32
        %dma_wait3A_649 = tpu.memref_slice %arg2[%dma_wait3A_647, %dma_wait3A_648] : memref<100000x16xf32, #tpu.memory_space<hbm>> -> memref<100000x16xf32, #tpu.memory_space<hbm>>
        tpu.wait_indirect_dma semaphore(%arg16 : memref<!tpu.dma_semaphore, #tpu.memory_space<semaphore_mem>>) src(%dma_wait3A_649 : memref<100000x16xf32, #tpu.memory_space<hbm>>) dst(%dma_wait3A_643 : memref<128x16xf32, #tpu.memory_space<vmem>>)
      } else {
      }
      %add3A_541 = arith.constant 1 : i32
      %add3A_542 = arith.addi %add3A_489, %add3A_541 : i32
      %lt3A_543 = arith.constant 320 : i32
      %lt3A_544 = arith.cmpi slt, %add3A_542, %lt3A_543 : i32
      %convert_element_type3A_545 = arith.extui %lt3A_544 : i1 to i32
      %cond3A_546 = arith.constant 0 : i32
      %cond3A_547 = arith.cmpi ne, %convert_element_type3A_545, %cond3A_546 : i32
      scf.if %cond3A_547 {
        %add3A_638 = arith.constant 0 : i32
        %add3A_639 = arith.addi %multiple_of3A_497, %add3A_638 : i32
        %add3A_640 = arith.constant 15 : i32
        %add3A_641 = arith.addi %scan3A_334, %add3A_640 : i32
        %lt3A_642 = arith.cmpi slt, %add3A_639, %add3A_641 : i32
        %convert_element_type3A_643 = arith.extui %lt3A_642 : i1 to i32
        %cond3A_644 = arith.constant 0 : i32
        %cond3A_645 = arith.cmpi ne, %convert_element_type3A_643, %cond3A_644 : i32
        scf.if %cond3A_645 {
          %dma_start3A_670 = arith.constant 0 : i32
          %dma_start3A_671 = arith.constant 0 : i32
          %dma_start3A_672 = arith.constant 0 : i32
          %dma_start3A_673 = arith.constant 0 : i32
          %dma_start3A_674 = tpu.memref_slice %arg9[%dma_start3A_671, %dma_start3A_672, %dma_start3A_673] : memref<2x528x16xf32, #tpu.memory_space<vmem>> -> memref<1x128x16xf32, #tpu.memory_space<vmem>>
          %dma_start3A_675 = tpu.memref_squeeze %dma_start3A_674 : memref<1x128x16xf32, #tpu.memory_space<vmem>> -> memref<128x16xf32, #tpu.memory_space<vmem>>
          %dma_start3A_676 = arith.constant 0 : i32
          %dma_start3A_677 = tpu.memref_slice %arg8[%dma_start3A_670, %dma_start3A_676] : memref<2x512xi32, #tpu.memory_space<vmem>> -> memref<1x128xi32, #tpu.memory_space<vmem>>
          %dma_start3A_678 = tpu.memref_squeeze %dma_start3A_677 : memref<1x128xi32, #tpu.memory_space<vmem>> -> memref<128xi32, #tpu.memory_space<vmem>>
          %dma_start3A_679 = arith.constant 0 : i32
          %dma_start3A_680 = arith.constant 0 : i32
          %dma_start3A_681 = tpu.memref_slice %arg2[%dma_start3A_679, %dma_start3A_680] : memref<100000x16xf32, #tpu.memory_space<hbm>> -> memref<100000x16xf32, #tpu.memory_space<hbm>>
          tpu.enqueue_indirect_dma source(%dma_start3A_681 : memref<100000x16xf32, #tpu.memory_space<hbm>>) target(%dma_start3A_675 : memref<128x16xf32, #tpu.memory_space<vmem>>) offsets(%dma_start3A_678 : memref<128xi32, #tpu.memory_space<vmem>>) semaphore(%arg16 : memref<!tpu.dma_semaphore, #tpu.memory_space<semaphore_mem>>)
        } else {
        }
        %add3A_646 = arith.constant 128 : i32
        %add3A_647 = arith.addi %multiple_of3A_497, %add3A_646 : i32
        %add3A_648 = arith.constant 15 : i32
        %add3A_649 = arith.addi %scan3A_334, %add3A_648 : i32
        %lt3A_650 = arith.cmpi slt, %add3A_647, %add3A_649 : i32
        %convert_element_type3A_651 = arith.extui %lt3A_650 : i1 to i32
        %cond3A_652 = arith.constant 0 : i32
        %cond3A_653 = arith.cmpi ne, %convert_element_type3A_651, %cond3A_652 : i32
        scf.if %cond3A_653 {
          %dma_start3A_670 = arith.constant 0 : i32
          %dma_start3A_671 = arith.constant 0 : i32
          %dma_start3A_672 = arith.constant 128 : i32
          %dma_start3A_673 = arith.constant 0 : i32
          %dma_start3A_674 = tpu.memref_slice %arg9[%dma_start3A_671, %dma_start3A_672, %dma_start3A_673] : memref<2x528x16xf32, #tpu.memory_space<vmem>> -> memref<1x128x16xf32, #tpu.memory_space<vmem>>
          %dma_start3A_675 = tpu.memref_squeeze %dma_start3A_674 : memref<1x128x16xf32, #tpu.memory_space<vmem>> -> memref<128x16xf32, #tpu.memory_space<vmem>>
          %dma_start3A_676 = arith.constant 128 : i32
          %dma_start3A_677 = tpu.memref_slice %arg8[%dma_start3A_670, %dma_start3A_676] : memref<2x512xi32, #tpu.memory_space<vmem>> -> memref<1x128xi32, #tpu.memory_space<vmem>>
          %dma_start3A_678 = tpu.memref_squeeze %dma_start3A_677 : memref<1x128xi32, #tpu.memory_space<vmem>> -> memref<128xi32, #tpu.memory_space<vmem>>
          %dma_start3A_679 = arith.constant 0 : i32
          %dma_start3A_680 = arith.constant 0 : i32
          %dma_start3A_681 = tpu.memref_slice %arg2[%dma_start3A_679, %dma_start3A_680] : memref<100000x16xf32, #tpu.memory_space<hbm>> -> memref<100000x16xf32, #tpu.memory_space<hbm>>
          tpu.enqueue_indirect_dma source(%dma_start3A_681 : memref<100000x16xf32, #tpu.memory_space<hbm>>) target(%dma_start3A_675 : memref<128x16xf32, #tpu.memory_space<vmem>>) offsets(%dma_start3A_678 : memref<128xi32, #tpu.memory_space<vmem>>) semaphore(%arg16 : memref<!tpu.dma_semaphore, #tpu.memory_space<semaphore_mem>>)
        } else {
        }
        %add3A_654 = arith.constant 256 : i32
        %add3A_655 = arith.addi %multiple_of3A_497, %add3A_654 : i32
        %add3A_656 = arith.constant 15 : i32
        %add3A_657 = arith.addi %scan3A_334, %add3A_656 : i32
        %lt3A_658 = arith.cmpi slt, %add3A_655, %add3A_657 : i32
        %convert_element_type3A_659 = arith.extui %lt3A_658 : i1 to i32
        %cond3A_660 = arith.constant 0 : i32
        %cond3A_661 = arith.cmpi ne, %convert_element_type3A_659, %cond3A_660 : i32
        scf.if %cond3A_661 {
          %dma_start3A_670 = arith.constant 0 : i32
          %dma_start3A_671 = arith.constant 0 : i32
          %dma_start3A_672 = arith.constant 256 : i32
          %dma_start3A_673 = arith.constant 0 : i32
          %dma_start3A_674 = tpu.memref_slice %arg9[%dma_start3A_671, %dma_start3A_672, %dma_start3A_673] : memref<2x528x16xf32, #tpu.memory_space<vmem>> -> memref<1x128x16xf32, #tpu.memory_space<vmem>>
          %dma_start3A_675 = tpu.memref_squeeze %dma_start3A_674 : memref<1x128x16xf32, #tpu.memory_space<vmem>> -> memref<128x16xf32, #tpu.memory_space<vmem>>
          %dma_start3A_676 = arith.constant 256 : i32
          %dma_start3A_677 = tpu.memref_slice %arg8[%dma_start3A_670, %dma_start3A_676] : memref<2x512xi32, #tpu.memory_space<vmem>> -> memref<1x128xi32, #tpu.memory_space<vmem>>
          %dma_start3A_678 = tpu.memref_squeeze %dma_start3A_677 : memref<1x128xi32, #tpu.memory_space<vmem>> -> memref<128xi32, #tpu.memory_space<vmem>>
          %dma_start3A_679 = arith.constant 0 : i32
          %dma_start3A_680 = arith.constant 0 : i32
          %dma_start3A_681 = tpu.memref_slice %arg2[%dma_start3A_679, %dma_start3A_680] : memref<100000x16xf32, #tpu.memory_space<hbm>> -> memref<100000x16xf32, #tpu.memory_space<hbm>>
          tpu.enqueue_indirect_dma source(%dma_start3A_681 : memref<100000x16xf32, #tpu.memory_space<hbm>>) target(%dma_start3A_675 : memref<128x16xf32, #tpu.memory_space<vmem>>) offsets(%dma_start3A_678 : memref<128xi32, #tpu.memory_space<vmem>>) semaphore(%arg16 : memref<!tpu.dma_semaphore, #tpu.memory_space<semaphore_mem>>)
        } else {
        }
        %add3A_662 = arith.constant 384 : i32
        %add3A_663 = arith.addi %multiple_of3A_497, %add3A_662 : i32
        %add3A_664 = arith.constant 15 : i32
        %add3A_665 = arith.addi %scan3A_334, %add3A_664 : i32
        %lt3A_666 = arith.cmpi slt, %add3A_663, %add3A_665 : i32
        %convert_element_type3A_667 = arith.extui %lt3A_666 : i1 to i32
        %cond3A_668 = arith.constant 0 : i32
        %cond3A_669 = arith.cmpi ne, %convert_element_type3A_667, %cond3A_668 : i32
        scf.if %cond3A_669 {
          %dma_start3A_670 = arith.constant 0 : i32
          %dma_start3A_671 = arith.constant 0 : i32
          %dma_start3A_672 = arith.constant 384 : i32
          %dma_start3A_673 = arith.constant 0 : i32
          %dma_start3A_674 = tpu.memref_slice %arg9[%dma_start3A_671, %dma_start3A_672, %dma_start3A_673] : memref<2x528x16xf32, #tpu.memory_space<vmem>> -> memref<1x128x16xf32, #tpu.memory_space<vmem>>
          %dma_start3A_675 = tpu.memref_squeeze %dma_start3A_674 : memref<1x128x16xf32, #tpu.memory_space<vmem>> -> memref<128x16xf32, #tpu.memory_space<vmem>>
          %dma_start3A_676 = arith.constant 384 : i32
          %dma_start3A_677 = tpu.memref_slice %arg8[%dma_start3A_670, %dma_start3A_676] : memref<2x512xi32, #tpu.memory_space<vmem>> -> memref<1x128xi32, #tpu.memory_space<vmem>>
          %dma_start3A_678 = tpu.memref_squeeze %dma_start3A_677 : memref<1x128xi32, #tpu.memory_space<vmem>> -> memref<128xi32, #tpu.memory_space<vmem>>
          %dma_start3A_679 = arith.constant 0 : i32
          %dma_start3A_680 = arith.constant 0 : i32
          %dma_start3A_681 = tpu.memref_slice %arg2[%dma_start3A_679, %dma_start3A_680] : memref<100000x16xf32, #tpu.memory_space<hbm>> -> memref<100000x16xf32, #tpu.memory_space<hbm>>
          tpu.enqueue_indirect_dma source(%dma_start3A_681 : memref<100000x16xf32, #tpu.memory_space<hbm>>) target(%dma_start3A_675 : memref<128x16xf32, #tpu.memory_space<vmem>>) offsets(%dma_start3A_678 : memref<128xi32, #tpu.memory_space<vmem>>) semaphore(%arg16 : memref<!tpu.dma_semaphore, #tpu.memory_space<semaphore_mem>>)
        } else {
        }
      } else {
      }
      %add3A_548 = arith.constant 2 : i32
      %add3A_549 = arith.addi %add3A_489, %add3A_548 : i32
      %lt3A_550 = arith.constant 320 : i32
      %lt3A_551 = arith.cmpi slt, %add3A_549, %lt3A_550 : i32
      %convert_element_type3A_552 = arith.extui %lt3A_551 : i1 to i32
      %cond3A_553 = arith.constant 0 : i32
      %cond3A_554 = arith.cmpi ne, %convert_element_type3A_552, %cond3A_553 : i32
      scf.if %cond3A_554 {
        %dma_start3A_638 = arith.constant 1 : i32
        %dma_start3A_639 = arith.constant 0 : i32
        %dma_start3A_640 = tpu.memref_slice %arg8[%dma_start3A_638, %dma_start3A_639] : memref<2x512xi32, #tpu.memory_space<vmem>> -> memref<1x512xi32, #tpu.memory_space<vmem>>
        %dma_start3A_641 = tpu.memref_squeeze %dma_start3A_640 : memref<1x512xi32, #tpu.memory_space<vmem>> -> memref<512xi32, #tpu.memory_space<vmem>>
        %dma_start3A_642 = tpu.memref_slice %arg3[%multiple_of3A_501] : memref<3200520xi32, #tpu.memory_space<hbm>> -> memref<512xi32, #tpu.memory_space<hbm>>
        %dma_start3A_643 = arith.constant 0 : i32
        %dma_start3A_644 = tpu.memref_slice %arg8[%dma_start3A_638, %dma_start3A_643] : memref<2x512xi32, #tpu.memory_space<vmem>> -> memref<1x512xi32, #tpu.memory_space<vmem>>
        %dma_start3A_645 = tpu.memref_squeeze %dma_start3A_644 : memref<1x512xi32, #tpu.memory_space<vmem>> -> memref<512xi32, #tpu.memory_space<vmem>>
        %dma_start3A_646 = tpu.memref_slice %arg3[%multiple_of3A_501] : memref<3200520xi32, #tpu.memory_space<hbm>> -> memref<512xi32, #tpu.memory_space<hbm>>
        tpu.enqueue_dma source(%dma_start3A_646 : memref<512xi32, #tpu.memory_space<hbm>>) target(%dma_start3A_645 : memref<512xi32, #tpu.memory_space<vmem>>) target_semaphore(%arg17 : memref<!tpu.dma_semaphore, #tpu.memory_space<semaphore_mem>>)
      } else {
      }
      %add3A_555 = arith.addi %multiple_of3A, %add3A_489 : i32
      %min3A_556 = arith.constant 9999 : i32
      %min3A_557 = arith.minsi %add3A_555, %min3A_556 : i32
      %dma_wait3A_558 = arith.constant 1 : i32
      %dma_wait3A_559 = arith.constant 0 : i32
      %dma_wait3A_560 = tpu.memref_slice %arg10[%dma_wait3A_558, %dma_wait3A_559] : memref<2x512xf32, #tpu.memory_space<vmem>> -> memref<1x512xf32, #tpu.memory_space<vmem>>
      %dma_wait3A_561 = tpu.memref_squeeze %dma_wait3A_560 : memref<1x512xf32, #tpu.memory_space<vmem>> -> memref<512xf32, #tpu.memory_space<vmem>>
      %dma_wait3A_562 = arith.constant 0 : i32
      %dma_wait3A_563 = tpu.memref_slice %arg5[%min3A_557, %dma_wait3A_562] : memref<10000x512xf32, #tpu.memory_space<hbm>> -> memref<1x512xf32, #tpu.memory_space<hbm>>
      %dma_wait3A_564 = tpu.memref_squeeze %dma_wait3A_563 : memref<1x512xf32, #tpu.memory_space<hbm>> -> memref<512xf32, #tpu.memory_space<hbm>>
      %dma_wait3A_565 = arith.constant 0 : i32
      %dma_wait3A_566 = tpu.memref_slice %arg10[%dma_wait3A_558, %dma_wait3A_565] : memref<2x512xf32, #tpu.memory_space<vmem>> -> memref<1x512xf32, #tpu.memory_space<vmem>>
      %dma_wait3A_567 = tpu.memref_squeeze %dma_wait3A_566 : memref<1x512xf32, #tpu.memory_space<vmem>> -> memref<512xf32, #tpu.memory_space<vmem>>
      %dma_wait3A_568 = arith.constant 0 : i32
      %dma_wait3A_569 = tpu.memref_slice %arg5[%min3A_557, %dma_wait3A_568] : memref<10000x512xf32, #tpu.memory_space<hbm>> -> memref<1x512xf32, #tpu.memory_space<hbm>>
      %dma_wait3A_570 = tpu.memref_squeeze %dma_wait3A_569 : memref<1x512xf32, #tpu.memory_space<hbm>> -> memref<512xf32, #tpu.memory_space<hbm>>
      tpu.wait_dma2 semaphore(%arg18 : memref<!tpu.dma_semaphore, #tpu.memory_space<semaphore_mem>>) src(%dma_wait3A_570 : memref<512xf32, #tpu.memory_space<hbm>>) dst(%dma_wait3A_567 : memref<512xf32, #tpu.memory_space<vmem>>)
      %add3A_571 = arith.constant 1 : i32
      %add3A_572 = arith.addi %add3A_489, %add3A_571 : i32
      %lt3A_573 = arith.constant 320 : i32
      %lt3A_574 = arith.cmpi slt, %add3A_572, %lt3A_573 : i32
      %convert_element_type3A_575 = arith.extui %lt3A_574 : i1 to i32
      %cond3A_576 = arith.constant 0 : i32
      %cond3A_577 = arith.cmpi ne, %convert_element_type3A_575, %cond3A_576 : i32
      scf.if %cond3A_577 {
        %add3A_638 = arith.constant 1 : i32
        %add3A_639 = arith.addi %add3A_489, %add3A_638 : i32
        %add3A_640 = arith.addi %multiple_of3A, %add3A_639 : i32
        %min3A_641 = arith.constant 9999 : i32
        %min3A_642 = arith.minsi %add3A_640, %min3A_641 : i32
        %dma_start3A_643 = arith.constant 0 : i32
        %dma_start3A_644 = arith.constant 0 : i32
        %dma_start3A_645 = tpu.memref_slice %arg10[%dma_start3A_643, %dma_start3A_644] : memref<2x512xf32, #tpu.memory_space<vmem>> -> memref<1x512xf32, #tpu.memory_space<vmem>>
        %dma_start3A_646 = tpu.memref_squeeze %dma_start3A_645 : memref<1x512xf32, #tpu.memory_space<vmem>> -> memref<512xf32, #tpu.memory_space<vmem>>
        %dma_start3A_647 = arith.constant 0 : i32
        %dma_start3A_648 = tpu.memref_slice %arg5[%min3A_642, %dma_start3A_647] : memref<10000x512xf32, #tpu.memory_space<hbm>> -> memref<1x512xf32, #tpu.memory_space<hbm>>
        %dma_start3A_649 = tpu.memref_squeeze %dma_start3A_648 : memref<1x512xf32, #tpu.memory_space<hbm>> -> memref<512xf32, #tpu.memory_space<hbm>>
        %dma_start3A_650 = arith.constant 0 : i32
        %dma_start3A_651 = tpu.memref_slice %arg10[%dma_start3A_643, %dma_start3A_650] : memref<2x512xf32, #tpu.memory_space<vmem>> -> memref<1x512xf32, #tpu.memory_space<vmem>>
        %dma_start3A_652 = tpu.memref_squeeze %dma_start3A_651 : memref<1x512xf32, #tpu.memory_space<vmem>> -> memref<512xf32, #tpu.memory_space<vmem>>
        %dma_start3A_653 = arith.constant 0 : i32
        %dma_start3A_654 = tpu.memref_slice %arg5[%min3A_642, %dma_start3A_653] : memref<10000x512xf32, #tpu.memory_space<hbm>> -> memref<1x512xf32, #tpu.memory_space<hbm>>
        %dma_start3A_655 = tpu.memref_squeeze %dma_start3A_654 : memref<1x512xf32, #tpu.memory_space<hbm>> -> memref<512xf32, #tpu.memory_space<hbm>>
        tpu.enqueue_dma source(%dma_start3A_655 : memref<512xf32, #tpu.memory_space<hbm>>) target(%dma_start3A_652 : memref<512xf32, #tpu.memory_space<vmem>>) target_semaphore(%arg18 : memref<!tpu.dma_semaphore, #tpu.memory_space<semaphore_mem>>)
      } else {
      }
      %broadcast_in_dim3A_578 = arith.constant 1 : i32
      %broadcast_in_dim3A_579 = vector.broadcast %broadcast_in_dim3A_578 : i32 to vector<16xi32>
      %broadcast_in_dim3A_580 = arith.constant 0.000000e+00 : f32
      %broadcast_in_dim3A_581 = vector.broadcast %broadcast_in_dim3A_580 : f32 to vector<16xf32>
      %sub3A_582 = arith.subi %scan3A_332, %multiple_of3A_493 : i32
      %max3A_583 = arith.constant 0 : i32
      %max3A_584 = arith.maxsi %sub3A_582, %max3A_583 : i32
      %sub3A_585 = arith.subi %scan3A_333, %multiple_of3A_493 : i32
      %min3A_586 = arith.constant 512 : i32
      %min3A_587 = arith.minsi %sub3A_585, %min3A_586 : i32
      %sub3A_588 = arith.subi %min3A_587, %max3A_584 : i32
      %max3A_589 = arith.constant 0 : i32
      %max3A_590 = arith.maxsi %sub3A_588, %max3A_589 : i32
      %add3A_591 = arith.constant 16 : i32
      %add3A_592 = arith.addi %max3A_590, %add3A_591 : i32
      %sub3A_593 = arith.constant 1 : i32
      %sub3A_594 = arith.subi %add3A_592, %sub3A_593 : i32
      %div3A_595 = arith.constant 16 : i32
      %div3A_596 = arith.divsi %sub3A_594, %div3A_595 : i32
      %while3A_597 = arith.constant 0 : i32
      %while3A_598 = arith.subi %div3A_596, %while3A_597 : i32
      %while3A_599 = arith.addi %while3A_597, %while3A_598 : i32
      %while3A_600 = arith.constant 1 : i32
      %while3A_601 = arith.divsi %while3A_598, %while3A_600 : i32
      %while3A_602 = arith.muli %while3A_601, %while3A_600 : i32
      %while3A_603 = arith.addi %while3A_597, %while3A_602 : i32
      %while3A_604 = arith.constant 1 : i32
      %while3A_605:4 = scf.for %while3A_638 = %while3A_597 to %while3A_603 step %while3A_604 iter_args(%while3A_639 = %broadcast_in_dim3A_581, %while3A_640 = %broadcast_in_dim3A_581, %while3A_641 = %broadcast_in_dim3A_581, %while3A_642 = %broadcast_in_dim3A_581) -> (vector<16xf32>, vector<16xf32>, vector<16xf32>, vector<16xf32>)  : i32 {
        %mul3A_643 = arith.constant 16 : i32
        %mul3A_644 = arith.muli %while3A_638, %mul3A_643 : i32
        %add3A_645 = arith.addi %max3A_584, %mul3A_644 : i32
        %add3A_646 = arith.addi %multiple_of3A_493, %add3A_645 : i32
        %sub3A_647 = arith.subi %add3A_646, %scan3A_332 : i32
        %add3A_648 = vector.broadcast %sub3A_647 : i32 to vector<16xi32>
        %add3A_649 = arith.addi %add3A_648, %iota3A : vector<16xi32>
        %jit3A = arith.constant 0 : i32
        %jit3A_650 = arith.constant 511 : i32
        %max3A_651 = vector.broadcast %jit3A : i32 to vector<16xi32>
        %max3A_652 = arith.maxsi %max3A_651, %add3A_649 : vector<16xi32>
        %min3A_653 = vector.broadcast %jit3A_650 : i32 to vector<16xi32>
        %min3A_654 = arith.minsi %min3A_653, %max3A_652 : vector<16xi32>
        %gather3A_655 = tpu.vector_load_idx %arg10[%broadcast_in_dim3A_579, %min3A_654] : memref<2x512xf32, #tpu.memory_space<vmem>>[vector<16xi32>, vector<16xi32>], vector<16xf32>,
        %sub3A_656 = arith.subi %min3A_587, %add3A_645 : i32
        %lt3A_657 = vector.broadcast %sub3A_656 : i32 to vector<16xi32>
        %lt3A_658 = arith.cmpi slt, %iota3A, %lt3A_657 : vector<16xi32>
        %jit3A_659 = arith.constant 0.000000e+00 : f32
        %broadcast_in_dim3A_660 = vector.broadcast %jit3A_659 : f32 to vector<16xf32>
        %select_n3A = arith.select %lt3A_658, %gather3A_655, %broadcast_in_dim3A_660 : vector<16xi1>, vector<16xf32>
        %add3A_661 = arith.constant 0 : i32
        %add3A_662 = arith.addi %add3A_645, %add3A_661 : i32
        %get3A_663 = arith.constant 1 : i32
        %get3A_664 = arith.index_cast %get3A_663 : i32 to index
        %get3A_665 = arith.index_cast %add3A_662 : i32 to index
        %get3A_666 = arith.constant 0 : index
        %get3A_667 = tpu.vector_load %arg9[%get3A_664, %get3A_665, %get3A_666] {strides = array<i32>} : memref<2x528x16xf32, #tpu.memory_space<vmem>>, vector<16xf32>,
        %slice3A_668 = vector.extract_strided_slice %select_n3A {offsets = [0], sizes = [1], strides = [1]} : vector<16xf32> to vector<1xf32>
        %squeeze3A_669 = vector.extract %slice3A_668[0] : f32 from vector<1xf32>
        %mul3A_670 = vector.broadcast %squeeze3A_669 : f32 to vector<16xf32>
        %mul3A_671 = arith.mulf %get3A_667, %mul3A_670 : vector<16xf32>
        %add3A_672 = arith.addf %while3A_639, %mul3A_671 : vector<16xf32>
        %add3A_673 = arith.constant 1 : i32
        %add3A_674 = arith.addi %add3A_645, %add3A_673 : i32
        %get3A_675 = arith.constant 1 : i32
        %get3A_676 = arith.index_cast %get3A_675 : i32 to index
        %get3A_677 = arith.index_cast %add3A_674 : i32 to index
        %get3A_678 = arith.constant 0 : index
        %get3A_679 = tpu.vector_load %arg9[%get3A_676, %get3A_677, %get3A_678] {strides = array<i32>} : memref<2x528x16xf32, #tpu.memory_space<vmem>>, vector<16xf32>,
        %slice3A_680 = vector.extract_strided_slice %select_n3A {offsets = [1], sizes = [1], strides = [1]} : vector<16xf32> to vector<1xf32>
        %squeeze3A_681 = vector.extract %slice3A_680[0] : f32 from vector<1xf32>
        %mul3A_682 = vector.broadcast %squeeze3A_681 : f32 to vector<16xf32>
        %mul3A_683 = arith.mulf %get3A_679, %mul3A_682 : vector<16xf32>
        %add3A_684 = arith.addf %while3A_640, %mul3A_683 : vector<16xf32>
        %add3A_685 = arith.constant 2 : i32
        %add3A_686 = arith.addi %add3A_645, %add3A_685 : i32
        %get3A_687 = arith.constant 1 : i32
        %get3A_688 = arith.index_cast %get3A_687 : i32 to index
        %get3A_689 = arith.index_cast %add3A_686 : i32 to index
        %get3A_690 = arith.constant 0 : index
        %get3A_691 = tpu.vector_load %arg9[%get3A_688, %get3A_689, %get3A_690] {strides = array<i32>} : memref<2x528x16xf32, #tpu.memory_space<vmem>>, vector<16xf32>,
        %slice3A_692 = vector.extract_strided_slice %select_n3A {offsets = [2], sizes = [1], strides = [1]} : vector<16xf32> to vector<1xf32>
        %squeeze3A_693 = vector.extract %slice3A_692[0] : f32 from vector<1xf32>
        %mul3A_694 = vector.broadcast %squeeze3A_693 : f32 to vector<16xf32>
        %mul3A_695 = arith.mulf %get3A_691, %mul3A_694 : vector<16xf32>
        %add3A_696 = arith.addf %while3A_641, %mul3A_695 : vector<16xf32>
        %add3A_697 = arith.constant 3 : i32
        %add3A_698 = arith.addi %add3A_645, %add3A_697 : i32
        %get3A_699 = arith.constant 1 : i32
        %get3A_700 = arith.index_cast %get3A_699 : i32 to index
        %get3A_701 = arith.index_cast %add3A_698 : i32 to index
        %get3A_702 = arith.constant 0 : index
        %get3A_703 = tpu.vector_load %arg9[%get3A_700, %get3A_701, %get3A_702] {strides = array<i32>} : memref<2x528x16xf32, #tpu.memory_space<vmem>>, vector<16xf32>,
        %slice3A_704 = vector.extract_strided_slice %select_n3A {offsets = [3], sizes = [1], strides = [1]} : vector<16xf32> to vector<1xf32>
        %squeeze3A_705 = vector.extract %slice3A_704[0] : f32 from vector<1xf32>
        %mul3A_706 = vector.broadcast %squeeze3A_705 : f32 to vector<16xf32>
        %mul3A_707 = arith.mulf %get3A_703, %mul3A_706 : vector<16xf32>
        %add3A_708 = arith.addf %while3A_642, %mul3A_707 : vector<16xf32>
        %add3A_709 = arith.constant 4 : i32
        %add3A_710 = arith.addi %add3A_645, %add3A_709 : i32
        %get3A_711 = arith.constant 1 : i32
        %get3A_712 = arith.index_cast %get3A_711 : i32 to index
        %get3A_713 = arith.index_cast %add3A_710 : i32 to index
        %get3A_714 = arith.constant 0 : index
        %get3A_715 = tpu.vector_load %arg9[%get3A_712, %get3A_713, %get3A_714] {strides = array<i32>} : memref<2x528x16xf32, #tpu.memory_space<vmem>>, vector<16xf32>,
        %slice3A_716 = vector.extract_strided_slice %select_n3A {offsets = [4], sizes = [1], strides = [1]} : vector<16xf32> to vector<1xf32>
        %squeeze3A_717 = vector.extract %slice3A_716[0] : f32 from vector<1xf32>
        %mul3A_718 = vector.broadcast %squeeze3A_717 : f32 to vector<16xf32>
        %mul3A_719 = arith.mulf %get3A_715, %mul3A_718 : vector<16xf32>
        %add3A_720 = arith.addf %add3A_672, %mul3A_719 : vector<16xf32>
        %add3A_721 = arith.constant 5 : i32
        %add3A_722 = arith.addi %add3A_645, %add3A_721 : i32
        %get3A_723 = arith.constant 1 : i32
        %get3A_724 = arith.index_cast %get3A_723 : i32 to index
        %get3A_725 = arith.index_cast %add3A_722 : i32 to index
        %get3A_726 = arith.constant 0 : index
        %get3A_727 = tpu.vector_load %arg9[%get3A_724, %get3A_725, %get3A_726] {strides = array<i32>} : memref<2x528x16xf32, #tpu.memory_space<vmem>>, vector<16xf32>,
        %slice3A_728 = vector.extract_strided_slice %select_n3A {offsets = [5], sizes = [1], strides = [1]} : vector<16xf32> to vector<1xf32>
        %squeeze3A_729 = vector.extract %slice3A_728[0] : f32 from vector<1xf32>
        %mul3A_730 = vector.broadcast %squeeze3A_729 : f32 to vector<16xf32>
        %mul3A_731 = arith.mulf %get3A_727, %mul3A_730 : vector<16xf32>
        %add3A_732 = arith.addf %add3A_684, %mul3A_731 : vector<16xf32>
        %add3A_733 = arith.constant 6 : i32
        %add3A_734 = arith.addi %add3A_645, %add3A_733 : i32
        %get3A_735 = arith.constant 1 : i32
        %get3A_736 = arith.index_cast %get3A_735 : i32 to index
        %get3A_737 = arith.index_cast %add3A_734 : i32 to index
        %get3A_738 = arith.constant 0 : index
        %get3A_739 = tpu.vector_load %arg9[%get3A_736, %get3A_737, %get3A_738] {strides = array<i32>} : memref<2x528x16xf32, #tpu.memory_space<vmem>>, vector<16xf32>,
        %slice3A_740 = vector.extract_strided_slice %select_n3A {offsets = [6], sizes = [1], strides = [1]} : vector<16xf32> to vector<1xf32>
        %squeeze3A_741 = vector.extract %slice3A_740[0] : f32 from vector<1xf32>
        %mul3A_742 = vector.broadcast %squeeze3A_741 : f32 to vector<16xf32>
        %mul3A_743 = arith.mulf %get3A_739, %mul3A_742 : vector<16xf32>
        %add3A_744 = arith.addf %add3A_696, %mul3A_743 : vector<16xf32>
        %add3A_745 = arith.constant 7 : i32
        %add3A_746 = arith.addi %add3A_645, %add3A_745 : i32
        %get3A_747 = arith.constant 1 : i32
        %get3A_748 = arith.index_cast %get3A_747 : i32 to index
        %get3A_749 = arith.index_cast %add3A_746 : i32 to index
        %get3A_750 = arith.constant 0 : index
        %get3A_751 = tpu.vector_load %arg9[%get3A_748, %get3A_749, %get3A_750] {strides = array<i32>} : memref<2x528x16xf32, #tpu.memory_space<vmem>>, vector<16xf32>,
        %slice3A_752 = vector.extract_strided_slice %select_n3A {offsets = [7], sizes = [1], strides = [1]} : vector<16xf32> to vector<1xf32>
        %squeeze3A_753 = vector.extract %slice3A_752[0] : f32 from vector<1xf32>
        %mul3A_754 = vector.broadcast %squeeze3A_753 : f32 to vector<16xf32>
        %mul3A_755 = arith.mulf %get3A_751, %mul3A_754 : vector<16xf32>
        %add3A_756 = arith.addf %add3A_708, %mul3A_755 : vector<16xf32>
        %add3A_757 = arith.constant 8 : i32
        %add3A_758 = arith.addi %add3A_645, %add3A_757 : i32
        %get3A_759 = arith.constant 1 : i32
        %get3A_760 = arith.index_cast %get3A_759 : i32 to index
        %get3A_761 = arith.index_cast %add3A_758 : i32 to index
        %get3A_762 = arith.constant 0 : index
        %get3A_763 = tpu.vector_load %arg9[%get3A_760, %get3A_761, %get3A_762] {strides = array<i32>} : memref<2x528x16xf32, #tpu.memory_space<vmem>>, vector<16xf32>,
        %slice3A_764 = vector.extract_strided_slice %select_n3A {offsets = [8], sizes = [1], strides = [1]} : vector<16xf32> to vector<1xf32>
        %squeeze3A_765 = vector.extract %slice3A_764[0] : f32 from vector<1xf32>
        %mul3A_766 = vector.broadcast %squeeze3A_765 : f32 to vector<16xf32>
        %mul3A_767 = arith.mulf %get3A_763, %mul3A_766 : vector<16xf32>
        %add3A_768 = arith.addf %add3A_720, %mul3A_767 : vector<16xf32>
        %add3A_769 = arith.constant 9 : i32
        %add3A_770 = arith.addi %add3A_645, %add3A_769 : i32
        %get3A_771 = arith.constant 1 : i32
        %get3A_772 = arith.index_cast %get3A_771 : i32 to index
        %get3A_773 = arith.index_cast %add3A_770 : i32 to index
        %get3A_774 = arith.constant 0 : index
        %get3A_775 = tpu.vector_load %arg9[%get3A_772, %get3A_773, %get3A_774] {strides = array<i32>} : memref<2x528x16xf32, #tpu.memory_space<vmem>>, vector<16xf32>,
        %slice3A_776 = vector.extract_strided_slice %select_n3A {offsets = [9], sizes = [1], strides = [1]} : vector<16xf32> to vector<1xf32>
        %squeeze3A_777 = vector.extract %slice3A_776[0] : f32 from vector<1xf32>
        %mul3A_778 = vector.broadcast %squeeze3A_777 : f32 to vector<16xf32>
        %mul3A_779 = arith.mulf %get3A_775, %mul3A_778 : vector<16xf32>
        %add3A_780 = arith.addf %add3A_732, %mul3A_779 : vector<16xf32>
        %add3A_781 = arith.constant 10 : i32
        %add3A_782 = arith.addi %add3A_645, %add3A_781 : i32
        %get3A_783 = arith.constant 1 : i32
        %get3A_784 = arith.index_cast %get3A_783 : i32 to index
        %get3A_785 = arith.index_cast %add3A_782 : i32 to index
        %get3A_786 = arith.constant 0 : index
        %get3A_787 = tpu.vector_load %arg9[%get3A_784, %get3A_785, %get3A_786] {strides = array<i32>} : memref<2x528x16xf32, #tpu.memory_space<vmem>>, vector<16xf32>,
        %slice3A_788 = vector.extract_strided_slice %select_n3A {offsets = [10], sizes = [1], strides = [1]} : vector<16xf32> to vector<1xf32>
        %squeeze3A_789 = vector.extract %slice3A_788[0] : f32 from vector<1xf32>
        %mul3A_790 = vector.broadcast %squeeze3A_789 : f32 to vector<16xf32>
        %mul3A_791 = arith.mulf %get3A_787, %mul3A_790 : vector<16xf32>
        %add3A_792 = arith.addf %add3A_744, %mul3A_791 : vector<16xf32>
        %add3A_793 = arith.constant 11 : i32
        %add3A_794 = arith.addi %add3A_645, %add3A_793 : i32
        %get3A_795 = arith.constant 1 : i32
        %get3A_796 = arith.index_cast %get3A_795 : i32 to index
        %get3A_797 = arith.index_cast %add3A_794 : i32 to index
        %get3A_798 = arith.constant 0 : index
        %get3A_799 = tpu.vector_load %arg9[%get3A_796, %get3A_797, %get3A_798] {strides = array<i32>} : memref<2x528x16xf32, #tpu.memory_space<vmem>>, vector<16xf32>,
        %slice3A_800 = vector.extract_strided_slice %select_n3A {offsets = [11], sizes = [1], strides = [1]} : vector<16xf32> to vector<1xf32>
        %squeeze3A_801 = vector.extract %slice3A_800[0] : f32 from vector<1xf32>
        %mul3A_802 = vector.broadcast %squeeze3A_801 : f32 to vector<16xf32>
        %mul3A_803 = arith.mulf %get3A_799, %mul3A_802 : vector<16xf32>
        %add3A_804 = arith.addf %add3A_756, %mul3A_803 : vector<16xf32>
        %add3A_805 = arith.constant 12 : i32
        %add3A_806 = arith.addi %add3A_645, %add3A_805 : i32
        %get3A_807 = arith.constant 1 : i32
        %get3A_808 = arith.index_cast %get3A_807 : i32 to index
        %get3A_809 = arith.index_cast %add3A_806 : i32 to index
        %get3A_810 = arith.constant 0 : index
        %get3A_811 = tpu.vector_load %arg9[%get3A_808, %get3A_809, %get3A_810] {strides = array<i32>} : memref<2x528x16xf32, #tpu.memory_space<vmem>>, vector<16xf32>,
        %slice3A_812 = vector.extract_strided_slice %select_n3A {offsets = [12], sizes = [1], strides = [1]} : vector<16xf32> to vector<1xf32>
        %squeeze3A_813 = vector.extract %slice3A_812[0] : f32 from vector<1xf32>
        %mul3A_814 = vector.broadcast %squeeze3A_813 : f32 to vector<16xf32>
        %mul3A_815 = arith.mulf %get3A_811, %mul3A_814 : vector<16xf32>
        %add3A_816 = arith.addf %add3A_768, %mul3A_815 : vector<16xf32>
        %add3A_817 = arith.constant 13 : i32
        %add3A_818 = arith.addi %add3A_645, %add3A_817 : i32
        %get3A_819 = arith.constant 1 : i32
        %get3A_820 = arith.index_cast %get3A_819 : i32 to index
        %get3A_821 = arith.index_cast %add3A_818 : i32 to index
        %get3A_822 = arith.constant 0 : index
        %get3A_823 = tpu.vector_load %arg9[%get3A_820, %get3A_821, %get3A_822] {strides = array<i32>} : memref<2x528x16xf32, #tpu.memory_space<vmem>>, vector<16xf32>,
        %slice3A_824 = vector.extract_strided_slice %select_n3A {offsets = [13], sizes = [1], strides = [1]} : vector<16xf32> to vector<1xf32>
        %squeeze3A_825 = vector.extract %slice3A_824[0] : f32 from vector<1xf32>
        %mul3A_826 = vector.broadcast %squeeze3A_825 : f32 to vector<16xf32>
        %mul3A_827 = arith.mulf %get3A_823, %mul3A_826 : vector<16xf32>
        %add3A_828 = arith.addf %add3A_780, %mul3A_827 : vector<16xf32>
        %add3A_829 = arith.constant 14 : i32
        %add3A_830 = arith.addi %add3A_645, %add3A_829 : i32
        %get3A_831 = arith.constant 1 : i32
        %get3A_832 = arith.index_cast %get3A_831 : i32 to index
        %get3A_833 = arith.index_cast %add3A_830 : i32 to index
        %get3A_834 = arith.constant 0 : index
        %get3A_835 = tpu.vector_load %arg9[%get3A_832, %get3A_833, %get3A_834] {strides = array<i32>} : memref<2x528x16xf32, #tpu.memory_space<vmem>>, vector<16xf32>,
        %slice3A_836 = vector.extract_strided_slice %select_n3A {offsets = [14], sizes = [1], strides = [1]} : vector<16xf32> to vector<1xf32>
        %squeeze3A_837 = vector.extract %slice3A_836[0] : f32 from vector<1xf32>
        %mul3A_838 = vector.broadcast %squeeze3A_837 : f32 to vector<16xf32>
        %mul3A_839 = arith.mulf %get3A_835, %mul3A_838 : vector<16xf32>
        %add3A_840 = arith.addf %add3A_792, %mul3A_839 : vector<16xf32>
        %add3A_841 = arith.constant 15 : i32
        %add3A_842 = arith.addi %add3A_645, %add3A_841 : i32
        %get3A_843 = arith.constant 1 : i32
        %get3A_844 = arith.index_cast %get3A_843 : i32 to index
        %get3A_845 = arith.index_cast %add3A_842 : i32 to index
        %get3A_846 = arith.constant 0 : index
        %get3A_847 = tpu.vector_load %arg9[%get3A_844, %get3A_845, %get3A_846] {strides = array<i32>} : memref<2x528x16xf32, #tpu.memory_space<vmem>>, vector<16xf32>,
        %slice3A_848 = vector.extract_strided_slice %select_n3A {offsets = [15], sizes = [1], strides = [1]} : vector<16xf32> to vector<1xf32>
        %squeeze3A_849 = vector.extract %slice3A_848[0] : f32 from vector<1xf32>
        %mul3A_850 = vector.broadcast %squeeze3A_849 : f32 to vector<16xf32>
        %mul3A_851 = arith.mulf %get3A_847, %mul3A_850 : vector<16xf32>
        %add3A_852 = arith.addf %add3A_804, %mul3A_851 : vector<16xf32>
        scf.yield %add3A_816, %add3A_828, %add3A_840, %add3A_852 : vector<16xf32>, vector<16xf32>, vector<16xf32>, vector<16xf32>
      }
      %while3A_606 = arith.constant 1 : i32
      %while3A_607:4 = scf.for %while3A_638 = %while3A_603 to %while3A_599 step %while3A_606 iter_args(%while3A_639 = %while3A_605#0, %while3A_640 = %while3A_605#1, %while3A_641 = %while3A_605#2, %while3A_642 = %while3A_605#3) -> (vector<16xf32>, vector<16xf32>, vector<16xf32>, vector<16xf32>)  : i32 {
        %mul3A_643 = arith.constant 16 : i32
        %mul3A_644 = arith.muli %while3A_638, %mul3A_643 : i32
        %add3A_645 = arith.addi %max3A_584, %mul3A_644 : i32
        %add3A_646 = arith.addi %multiple_of3A_493, %add3A_645 : i32
        %sub3A_647 = arith.subi %add3A_646, %scan3A_332 : i32
        %add3A_648 = vector.broadcast %sub3A_647 : i32 to vector<16xi32>
        %add3A_649 = arith.addi %add3A_648, %iota3A : vector<16xi32>
        %jit3A = arith.constant 0 : i32
        %jit3A_650 = arith.constant 511 : i32
        %max3A_651 = vector.broadcast %jit3A : i32 to vector<16xi32>
        %max3A_652 = arith.maxsi %max3A_651, %add3A_649 : vector<16xi32>
        %min3A_653 = vector.broadcast %jit3A_650 : i32 to vector<16xi32>
        %min3A_654 = arith.minsi %min3A_653, %max3A_652 : vector<16xi32>
        %gather3A_655 = tpu.vector_load_idx %arg10[%broadcast_in_dim3A_579, %min3A_654] : memref<2x512xf32, #tpu.memory_space<vmem>>[vector<16xi32>, vector<16xi32>], vector<16xf32>,
        %sub3A_656 = arith.subi %min3A_587, %add3A_645 : i32
        %lt3A_657 = vector.broadcast %sub3A_656 : i32 to vector<16xi32>
        %lt3A_658 = arith.cmpi slt, %iota3A, %lt3A_657 : vector<16xi32>
        %jit3A_659 = arith.constant 0.000000e+00 : f32
        %broadcast_in_dim3A_660 = vector.broadcast %jit3A_659 : f32 to vector<16xf32>
        %select_n3A = arith.select %lt3A_658, %gather3A_655, %broadcast_in_dim3A_660 : vector<16xi1>, vector<16xf32>
        %add3A_661 = arith.constant 0 : i32
        %add3A_662 = arith.addi %add3A_645, %add3A_661 : i32
        %get3A_663 = arith.constant 1 : i32
        %get3A_664 = arith.index_cast %get3A_663 : i32 to index
        %get3A_665 = arith.index_cast %add3A_662 : i32 to index
        %get3A_666 = arith.constant 0 : index
        %get3A_667 = tpu.vector_load %arg9[%get3A_664, %get3A_665, %get3A_666] {strides = array<i32>} : memref<2x528x16xf32, #tpu.memory_space<vmem>>, vector<16xf32>,
        %slice3A_668 = vector.extract_strided_slice %select_n3A {offsets = [0], sizes = [1], strides = [1]} : vector<16xf32> to vector<1xf32>
        %squeeze3A_669 = vector.extract %slice3A_668[0] : f32 from vector<1xf32>
        %mul3A_670 = vector.broadcast %squeeze3A_669 : f32 to vector<16xf32>
        %mul3A_671 = arith.mulf %get3A_667, %mul3A_670 : vector<16xf32>
        %add3A_672 = arith.addf %while3A_639, %mul3A_671 : vector<16xf32>
        %add3A_673 = arith.constant 1 : i32
        %add3A_674 = arith.addi %add3A_645, %add3A_673 : i32
        %get3A_675 = arith.constant 1 : i32
        %get3A_676 = arith.index_cast %get3A_675 : i32 to index
        %get3A_677 = arith.index_cast %add3A_674 : i32 to index
        %get3A_678 = arith.constant 0 : index
        %get3A_679 = tpu.vector_load %arg9[%get3A_676, %get3A_677, %get3A_678] {strides = array<i32>} : memref<2x528x16xf32, #tpu.memory_space<vmem>>, vector<16xf32>,
        %slice3A_680 = vector.extract_strided_slice %select_n3A {offsets = [1], sizes = [1], strides = [1]} : vector<16xf32> to vector<1xf32>
        %squeeze3A_681 = vector.extract %slice3A_680[0] : f32 from vector<1xf32>
        %mul3A_682 = vector.broadcast %squeeze3A_681 : f32 to vector<16xf32>
        %mul3A_683 = arith.mulf %get3A_679, %mul3A_682 : vector<16xf32>
        %add3A_684 = arith.addf %while3A_640, %mul3A_683 : vector<16xf32>
        %add3A_685 = arith.constant 2 : i32
        %add3A_686 = arith.addi %add3A_645, %add3A_685 : i32
        %get3A_687 = arith.constant 1 : i32
        %get3A_688 = arith.index_cast %get3A_687 : i32 to index
        %get3A_689 = arith.index_cast %add3A_686 : i32 to index
        %get3A_690 = arith.constant 0 : index
        %get3A_691 = tpu.vector_load %arg9[%get3A_688, %get3A_689, %get3A_690] {strides = array<i32>} : memref<2x528x16xf32, #tpu.memory_space<vmem>>, vector<16xf32>,
        %slice3A_692 = vector.extract_strided_slice %select_n3A {offsets = [2], sizes = [1], strides = [1]} : vector<16xf32> to vector<1xf32>
        %squeeze3A_693 = vector.extract %slice3A_692[0] : f32 from vector<1xf32>
        %mul3A_694 = vector.broadcast %squeeze3A_693 : f32 to vector<16xf32>
        %mul3A_695 = arith.mulf %get3A_691, %mul3A_694 : vector<16xf32>
        %add3A_696 = arith.addf %while3A_641, %mul3A_695 : vector<16xf32>
        %add3A_697 = arith.constant 3 : i32
        %add3A_698 = arith.addi %add3A_645, %add3A_697 : i32
        %get3A_699 = arith.constant 1 : i32
        %get3A_700 = arith.index_cast %get3A_699 : i32 to index
        %get3A_701 = arith.index_cast %add3A_698 : i32 to index
        %get3A_702 = arith.constant 0 : index
        %get3A_703 = tpu.vector_load %arg9[%get3A_700, %get3A_701, %get3A_702] {strides = array<i32>} : memref<2x528x16xf32, #tpu.memory_space<vmem>>, vector<16xf32>,
        %slice3A_704 = vector.extract_strided_slice %select_n3A {offsets = [3], sizes = [1], strides = [1]} : vector<16xf32> to vector<1xf32>
        %squeeze3A_705 = vector.extract %slice3A_704[0] : f32 from vector<1xf32>
        %mul3A_706 = vector.broadcast %squeeze3A_705 : f32 to vector<16xf32>
        %mul3A_707 = arith.mulf %get3A_703, %mul3A_706 : vector<16xf32>
        %add3A_708 = arith.addf %while3A_642, %mul3A_707 : vector<16xf32>
        %add3A_709 = arith.constant 4 : i32
        %add3A_710 = arith.addi %add3A_645, %add3A_709 : i32
        %get3A_711 = arith.constant 1 : i32
        %get3A_712 = arith.index_cast %get3A_711 : i32 to index
        %get3A_713 = arith.index_cast %add3A_710 : i32 to index
        %get3A_714 = arith.constant 0 : index
        %get3A_715 = tpu.vector_load %arg9[%get3A_712, %get3A_713, %get3A_714] {strides = array<i32>} : memref<2x528x16xf32, #tpu.memory_space<vmem>>, vector<16xf32>,
        %slice3A_716 = vector.extract_strided_slice %select_n3A {offsets = [4], sizes = [1], strides = [1]} : vector<16xf32> to vector<1xf32>
        %squeeze3A_717 = vector.extract %slice3A_716[0] : f32 from vector<1xf32>
        %mul3A_718 = vector.broadcast %squeeze3A_717 : f32 to vector<16xf32>
        %mul3A_719 = arith.mulf %get3A_715, %mul3A_718 : vector<16xf32>
        %add3A_720 = arith.addf %add3A_672, %mul3A_719 : vector<16xf32>
        %add3A_721 = arith.constant 5 : i32
        %add3A_722 = arith.addi %add3A_645, %add3A_721 : i32
        %get3A_723 = arith.constant 1 : i32
        %get3A_724 = arith.index_cast %get3A_723 : i32 to index
        %get3A_725 = arith.index_cast %add3A_722 : i32 to index
        %get3A_726 = arith.constant 0 : index
        %get3A_727 = tpu.vector_load %arg9[%get3A_724, %get3A_725, %get3A_726] {strides = array<i32>} : memref<2x528x16xf32, #tpu.memory_space<vmem>>, vector<16xf32>,
        %slice3A_728 = vector.extract_strided_slice %select_n3A {offsets = [5], sizes = [1], strides = [1]} : vector<16xf32> to vector<1xf32>
        %squeeze3A_729 = vector.extract %slice3A_728[0] : f32 from vector<1xf32>
        %mul3A_730 = vector.broadcast %squeeze3A_729 : f32 to vector<16xf32>
        %mul3A_731 = arith.mulf %get3A_727, %mul3A_730 : vector<16xf32>
        %add3A_732 = arith.addf %add3A_684, %mul3A_731 : vector<16xf32>
        %add3A_733 = arith.constant 6 : i32
        %add3A_734 = arith.addi %add3A_645, %add3A_733 : i32
        %get3A_735 = arith.constant 1 : i32
        %get3A_736 = arith.index_cast %get3A_735 : i32 to index
        %get3A_737 = arith.index_cast %add3A_734 : i32 to index
        %get3A_738 = arith.constant 0 : index
        %get3A_739 = tpu.vector_load %arg9[%get3A_736, %get3A_737, %get3A_738] {strides = array<i32>} : memref<2x528x16xf32, #tpu.memory_space<vmem>>, vector<16xf32>,
        %slice3A_740 = vector.extract_strided_slice %select_n3A {offsets = [6], sizes = [1], strides = [1]} : vector<16xf32> to vector<1xf32>
        %squeeze3A_741 = vector.extract %slice3A_740[0] : f32 from vector<1xf32>
        %mul3A_742 = vector.broadcast %squeeze3A_741 : f32 to vector<16xf32>
        %mul3A_743 = arith.mulf %get3A_739, %mul3A_742 : vector<16xf32>
        %add3A_744 = arith.addf %add3A_696, %mul3A_743 : vector<16xf32>
        %add3A_745 = arith.constant 7 : i32
        %add3A_746 = arith.addi %add3A_645, %add3A_745 : i32
        %get3A_747 = arith.constant 1 : i32
        %get3A_748 = arith.index_cast %get3A_747 : i32 to index
        %get3A_749 = arith.index_cast %add3A_746 : i32 to index
        %get3A_750 = arith.constant 0 : index
        %get3A_751 = tpu.vector_load %arg9[%get3A_748, %get3A_749, %get3A_750] {strides = array<i32>} : memref<2x528x16xf32, #tpu.memory_space<vmem>>, vector<16xf32>,
        %slice3A_752 = vector.extract_strided_slice %select_n3A {offsets = [7], sizes = [1], strides = [1]} : vector<16xf32> to vector<1xf32>
        %squeeze3A_753 = vector.extract %slice3A_752[0] : f32 from vector<1xf32>
        %mul3A_754 = vector.broadcast %squeeze3A_753 : f32 to vector<16xf32>
        %mul3A_755 = arith.mulf %get3A_751, %mul3A_754 : vector<16xf32>
        %add3A_756 = arith.addf %add3A_708, %mul3A_755 : vector<16xf32>
        %add3A_757 = arith.constant 8 : i32
        %add3A_758 = arith.addi %add3A_645, %add3A_757 : i32
        %get3A_759 = arith.constant 1 : i32
        %get3A_760 = arith.index_cast %get3A_759 : i32 to index
        %get3A_761 = arith.index_cast %add3A_758 : i32 to index
        %get3A_762 = arith.constant 0 : index
        %get3A_763 = tpu.vector_load %arg9[%get3A_760, %get3A_761, %get3A_762] {strides = array<i32>} : memref<2x528x16xf32, #tpu.memory_space<vmem>>, vector<16xf32>,
        %slice3A_764 = vector.extract_strided_slice %select_n3A {offsets = [8], sizes = [1], strides = [1]} : vector<16xf32> to vector<1xf32>
        %squeeze3A_765 = vector.extract %slice3A_764[0] : f32 from vector<1xf32>
        %mul3A_766 = vector.broadcast %squeeze3A_765 : f32 to vector<16xf32>
        %mul3A_767 = arith.mulf %get3A_763, %mul3A_766 : vector<16xf32>
        %add3A_768 = arith.addf %add3A_720, %mul3A_767 : vector<16xf32>
        %add3A_769 = arith.constant 9 : i32
        %add3A_770 = arith.addi %add3A_645, %add3A_769 : i32
        %get3A_771 = arith.constant 1 : i32
        %get3A_772 = arith.index_cast %get3A_771 : i32 to index
        %get3A_773 = arith.index_cast %add3A_770 : i32 to index
        %get3A_774 = arith.constant 0 : index
        %get3A_775 = tpu.vector_load %arg9[%get3A_772, %get3A_773, %get3A_774] {strides = array<i32>} : memref<2x528x16xf32, #tpu.memory_space<vmem>>, vector<16xf32>,
        %slice3A_776 = vector.extract_strided_slice %select_n3A {offsets = [9], sizes = [1], strides = [1]} : vector<16xf32> to vector<1xf32>
        %squeeze3A_777 = vector.extract %slice3A_776[0] : f32 from vector<1xf32>
        %mul3A_778 = vector.broadcast %squeeze3A_777 : f32 to vector<16xf32>
        %mul3A_779 = arith.mulf %get3A_775, %mul3A_778 : vector<16xf32>
        %add3A_780 = arith.addf %add3A_732, %mul3A_779 : vector<16xf32>
        %add3A_781 = arith.constant 10 : i32
        %add3A_782 = arith.addi %add3A_645, %add3A_781 : i32
        %get3A_783 = arith.constant 1 : i32
        %get3A_784 = arith.index_cast %get3A_783 : i32 to index
        %get3A_785 = arith.index_cast %add3A_782 : i32 to index
        %get3A_786 = arith.constant 0 : index
        %get3A_787 = tpu.vector_load %arg9[%get3A_784, %get3A_785, %get3A_786] {strides = array<i32>} : memref<2x528x16xf32, #tpu.memory_space<vmem>>, vector<16xf32>,
        %slice3A_788 = vector.extract_strided_slice %select_n3A {offsets = [10], sizes = [1], strides = [1]} : vector<16xf32> to vector<1xf32>
        %squeeze3A_789 = vector.extract %slice3A_788[0] : f32 from vector<1xf32>
        %mul3A_790 = vector.broadcast %squeeze3A_789 : f32 to vector<16xf32>
        %mul3A_791 = arith.mulf %get3A_787, %mul3A_790 : vector<16xf32>
        %add3A_792 = arith.addf %add3A_744, %mul3A_791 : vector<16xf32>
        %add3A_793 = arith.constant 11 : i32
        %add3A_794 = arith.addi %add3A_645, %add3A_793 : i32
        %get3A_795 = arith.constant 1 : i32
        %get3A_796 = arith.index_cast %get3A_795 : i32 to index
        %get3A_797 = arith.index_cast %add3A_794 : i32 to index
        %get3A_798 = arith.constant 0 : index
        %get3A_799 = tpu.vector_load %arg9[%get3A_796, %get3A_797, %get3A_798] {strides = array<i32>} : memref<2x528x16xf32, #tpu.memory_space<vmem>>, vector<16xf32>,
        %slice3A_800 = vector.extract_strided_slice %select_n3A {offsets = [11], sizes = [1], strides = [1]} : vector<16xf32> to vector<1xf32>
        %squeeze3A_801 = vector.extract %slice3A_800[0] : f32 from vector<1xf32>
        %mul3A_802 = vector.broadcast %squeeze3A_801 : f32 to vector<16xf32>
        %mul3A_803 = arith.mulf %get3A_799, %mul3A_802 : vector<16xf32>
        %add3A_804 = arith.addf %add3A_756, %mul3A_803 : vector<16xf32>
        %add3A_805 = arith.constant 12 : i32
        %add3A_806 = arith.addi %add3A_645, %add3A_805 : i32
        %get3A_807 = arith.constant 1 : i32
        %get3A_808 = arith.index_cast %get3A_807 : i32 to index
        %get3A_809 = arith.index_cast %add3A_806 : i32 to index
        %get3A_810 = arith.constant 0 : index
        %get3A_811 = tpu.vector_load %arg9[%get3A_808, %get3A_809, %get3A_810] {strides = array<i32>} : memref<2x528x16xf32, #tpu.memory_space<vmem>>, vector<16xf32>,
        %slice3A_812 = vector.extract_strided_slice %select_n3A {offsets = [12], sizes = [1], strides = [1]} : vector<16xf32> to vector<1xf32>
        %squeeze3A_813 = vector.extract %slice3A_812[0] : f32 from vector<1xf32>
        %mul3A_814 = vector.broadcast %squeeze3A_813 : f32 to vector<16xf32>
        %mul3A_815 = arith.mulf %get3A_811, %mul3A_814 : vector<16xf32>
        %add3A_816 = arith.addf %add3A_768, %mul3A_815 : vector<16xf32>
        %add3A_817 = arith.constant 13 : i32
        %add3A_818 = arith.addi %add3A_645, %add3A_817 : i32
        %get3A_819 = arith.constant 1 : i32
        %get3A_820 = arith.index_cast %get3A_819 : i32 to index
        %get3A_821 = arith.index_cast %add3A_818 : i32 to index
        %get3A_822 = arith.constant 0 : index
        %get3A_823 = tpu.vector_load %arg9[%get3A_820, %get3A_821, %get3A_822] {strides = array<i32>} : memref<2x528x16xf32, #tpu.memory_space<vmem>>, vector<16xf32>,
        %slice3A_824 = vector.extract_strided_slice %select_n3A {offsets = [13], sizes = [1], strides = [1]} : vector<16xf32> to vector<1xf32>
        %squeeze3A_825 = vector.extract %slice3A_824[0] : f32 from vector<1xf32>
        %mul3A_826 = vector.broadcast %squeeze3A_825 : f32 to vector<16xf32>
        %mul3A_827 = arith.mulf %get3A_823, %mul3A_826 : vector<16xf32>
        %add3A_828 = arith.addf %add3A_780, %mul3A_827 : vector<16xf32>
        %add3A_829 = arith.constant 14 : i32
        %add3A_830 = arith.addi %add3A_645, %add3A_829 : i32
        %get3A_831 = arith.constant 1 : i32
        %get3A_832 = arith.index_cast %get3A_831 : i32 to index
        %get3A_833 = arith.index_cast %add3A_830 : i32 to index
        %get3A_834 = arith.constant 0 : index
        %get3A_835 = tpu.vector_load %arg9[%get3A_832, %get3A_833, %get3A_834] {strides = array<i32>} : memref<2x528x16xf32, #tpu.memory_space<vmem>>, vector<16xf32>,
        %slice3A_836 = vector.extract_strided_slice %select_n3A {offsets = [14], sizes = [1], strides = [1]} : vector<16xf32> to vector<1xf32>
        %squeeze3A_837 = vector.extract %slice3A_836[0] : f32 from vector<1xf32>
        %mul3A_838 = vector.broadcast %squeeze3A_837 : f32 to vector<16xf32>
        %mul3A_839 = arith.mulf %get3A_835, %mul3A_838 : vector<16xf32>
        %add3A_840 = arith.addf %add3A_792, %mul3A_839 : vector<16xf32>
        %add3A_841 = arith.constant 15 : i32
        %add3A_842 = arith.addi %add3A_645, %add3A_841 : i32
        %get3A_843 = arith.constant 1 : i32
        %get3A_844 = arith.index_cast %get3A_843 : i32 to index
        %get3A_845 = arith.index_cast %add3A_842 : i32 to index
        %get3A_846 = arith.constant 0 : index
        %get3A_847 = tpu.vector_load %arg9[%get3A_844, %get3A_845, %get3A_846] {strides = array<i32>} : memref<2x528x16xf32, #tpu.memory_space<vmem>>, vector<16xf32>,
        %slice3A_848 = vector.extract_strided_slice %select_n3A {offsets = [15], sizes = [1], strides = [1]} : vector<16xf32> to vector<1xf32>
        %squeeze3A_849 = vector.extract %slice3A_848[0] : f32 from vector<1xf32>
        %mul3A_850 = vector.broadcast %squeeze3A_849 : f32 to vector<16xf32>
        %mul3A_851 = arith.mulf %get3A_847, %mul3A_850 : vector<16xf32>
        %add3A_852 = arith.addf %add3A_804, %mul3A_851 : vector<16xf32>
        scf.yield %add3A_816, %add3A_828, %add3A_840, %add3A_852 : vector<16xf32>, vector<16xf32>, vector<16xf32>, vector<16xf32>
      }
      %sub3A_608 = arith.subi %scan3A_333, %multiple_of3A_493 : i32
      %add3A_609 = arith.constant 512 : i32
      %add3A_610 = arith.addi %sub3A_608, %add3A_609 : i32
      %sub3A_611 = arith.constant 1 : i32
      %sub3A_612 = arith.subi %add3A_610, %sub3A_611 : i32
      %div3A_613 = arith.constant 512 : i32
      %div3A_614 = arith.divsi %sub3A_612, %div3A_613 : i32
      %while3A_615 = arith.constant 1 : i32
      %while3A_616 = arith.subi %div3A_614, %while3A_615 : i32
      %while3A_617 = arith.addi %while3A_615, %while3A_616 : i32
      %while3A_618 = arith.constant 1 : i32
      %while3A_619 = arith.divsi %while3A_616, %while3A_618 : i32
      %while3A_620 = arith.muli %while3A_619, %while3A_618 : i32
      %while3A_621 = arith.addi %while3A_615, %while3A_620 : i32
      %while3A_622 = arith.constant 1 : i32
      %while3A_623:4 = scf.for %while3A_638 = %while3A_615 to %while3A_621 step %while3A_622 iter_args(%while3A_639 = %while3A_607#0, %while3A_640 = %while3A_607#1, %while3A_641 = %while3A_607#2, %while3A_642 = %while3A_607#3) -> (vector<16xf32>, vector<16xf32>, vector<16xf32>, vector<16xf32>)  : i32 {
        %mul3A_643 = arith.constant 512 : i32
        %mul3A_644 = arith.muli %while3A_638, %mul3A_643 : i32
        %add3A_645 = arith.addi %multiple_of3A_493, %mul3A_644 : i32
        %multiple_of3A_646 = tpu.assume_multiple %add3A_645, 8 : i32
        "tpu.region"() ({
          %run_scoped3A_737 = tpu.sem_alloc : memref<!tpu.dma_semaphore, #tpu.memory_space<semaphore_mem>>
          %dma_start3A_738 = tpu.memref_slice %arg3[%multiple_of3A_646] : memref<3200520xi32, #tpu.memory_space<hbm>> -> memref<512xi32, #tpu.memory_space<hbm>>
          %dma_start3A_739 = tpu.memref_slice %arg3[%multiple_of3A_646] : memref<3200520xi32, #tpu.memory_space<hbm>> -> memref<512xi32, #tpu.memory_space<hbm>>
          tpu.enqueue_dma source(%dma_start3A_739 : memref<512xi32, #tpu.memory_space<hbm>>) target(%arg11 : memref<512xi32, #tpu.memory_space<vmem>>) target_semaphore(%run_scoped3A_737 : memref<!tpu.dma_semaphore, #tpu.memory_space<semaphore_mem>>)
          %dma_wait3A_740 = tpu.memref_slice %arg3[%multiple_of3A_646] : memref<3200520xi32, #tpu.memory_space<hbm>> -> memref<512xi32, #tpu.memory_space<hbm>>
          %dma_wait3A_741 = tpu.memref_slice %arg3[%multiple_of3A_646] : memref<3200520xi32, #tpu.memory_space<hbm>> -> memref<512xi32, #tpu.memory_space<hbm>>
          tpu.wait_dma2 semaphore(%run_scoped3A_737 : memref<!tpu.dma_semaphore, #tpu.memory_space<semaphore_mem>>) src(%dma_wait3A_741 : memref<512xi32, #tpu.memory_space<hbm>>) dst(%arg11 : memref<512xi32, #tpu.memory_space<vmem>>)
          tpu.yield
        }) : () -> ()
        %add3A_647 = arith.constant 0 : i32
        %add3A_648 = arith.addi %multiple_of3A_646, %add3A_647 : i32
        %add3A_649 = arith.constant 15 : i32
        %add3A_650 = arith.addi %scan3A_333, %add3A_649 : i32
        %lt3A_651 = arith.cmpi slt, %add3A_648, %add3A_650 : i32
        %convert_element_type3A_652 = arith.extui %lt3A_651 : i1 to i32
        %cond3A_653 = arith.constant 0 : i32
        %cond3A_654 = arith.cmpi ne, %convert_element_type3A_652, %cond3A_653 : i32
        scf.if %cond3A_654 {
          %dma_start3A_737 = arith.constant 0 : i32
          %dma_start3A_738 = arith.constant 0 : i32
          %dma_start3A_739 = tpu.memref_slice %arg12[%dma_start3A_737, %dma_start3A_738] : memref<528x16xf32, #tpu.memory_space<vmem>> -> memref<128x16xf32, #tpu.memory_space<vmem>>
          %dma_start3A_740 = arith.constant 0 : i32
          %dma_start3A_741 = tpu.memref_slice %arg11[%dma_start3A_740] : memref<512xi32, #tpu.memory_space<vmem>> -> memref<128xi32, #tpu.memory_space<vmem>>
          %dma_start3A_742 = arith.constant 0 : i32
          %dma_start3A_743 = arith.constant 0 : i32
          %dma_start3A_744 = tpu.memref_slice %arg2[%dma_start3A_742, %dma_start3A_743] : memref<100000x16xf32, #tpu.memory_space<hbm>> -> memref<100000x16xf32, #tpu.memory_space<hbm>>
          tpu.enqueue_indirect_dma source(%dma_start3A_744 : memref<100000x16xf32, #tpu.memory_space<hbm>>) target(%dma_start3A_739 : memref<128x16xf32, #tpu.memory_space<vmem>>) offsets(%dma_start3A_741 : memref<128xi32, #tpu.memory_space<vmem>>) semaphore(%arg19 : memref<!tpu.dma_semaphore, #tpu.memory_space<semaphore_mem>>)
        } else {
        }
        %add3A_655 = arith.constant 128 : i32
        %add3A_656 = arith.addi %multiple_of3A_646, %add3A_655 : i32
        %add3A_657 = arith.constant 15 : i32
        %add3A_658 = arith.addi %scan3A_333, %add3A_657 : i32
        %lt3A_659 = arith.cmpi slt, %add3A_656, %add3A_658 : i32
        %convert_element_type3A_660 = arith.extui %lt3A_659 : i1 to i32
        %cond3A_661 = arith.constant 0 : i32
        %cond3A_662 = arith.cmpi ne, %convert_element_type3A_660, %cond3A_661 : i32
        scf.if %cond3A_662 {
          %dma_start3A_737 = arith.constant 128 : i32
          %dma_start3A_738 = arith.constant 0 : i32
          %dma_start3A_739 = tpu.memref_slice %arg12[%dma_start3A_737, %dma_start3A_738] : memref<528x16xf32, #tpu.memory_space<vmem>> -> memref<128x16xf32, #tpu.memory_space<vmem>>
          %dma_start3A_740 = arith.constant 128 : i32
          %dma_start3A_741 = tpu.memref_slice %arg11[%dma_start3A_740] : memref<512xi32, #tpu.memory_space<vmem>> -> memref<128xi32, #tpu.memory_space<vmem>>
          %dma_start3A_742 = arith.constant 0 : i32
          %dma_start3A_743 = arith.constant 0 : i32
          %dma_start3A_744 = tpu.memref_slice %arg2[%dma_start3A_742, %dma_start3A_743] : memref<100000x16xf32, #tpu.memory_space<hbm>> -> memref<100000x16xf32, #tpu.memory_space<hbm>>
          tpu.enqueue_indirect_dma source(%dma_start3A_744 : memref<100000x16xf32, #tpu.memory_space<hbm>>) target(%dma_start3A_739 : memref<128x16xf32, #tpu.memory_space<vmem>>) offsets(%dma_start3A_741 : memref<128xi32, #tpu.memory_space<vmem>>) semaphore(%arg19 : memref<!tpu.dma_semaphore, #tpu.memory_space<semaphore_mem>>)
        } else {
        }
        %add3A_663 = arith.constant 256 : i32
        %add3A_664 = arith.addi %multiple_of3A_646, %add3A_663 : i32
        %add3A_665 = arith.constant 15 : i32
        %add3A_666 = arith.addi %scan3A_333, %add3A_665 : i32
        %lt3A_667 = arith.cmpi slt, %add3A_664, %add3A_666 : i32
        %convert_element_type3A_668 = arith.extui %lt3A_667 : i1 to i32
        %cond3A_669 = arith.constant 0 : i32
        %cond3A_670 = arith.cmpi ne, %convert_element_type3A_668, %cond3A_669 : i32
        scf.if %cond3A_670 {
          %dma_start3A_737 = arith.constant 256 : i32
          %dma_start3A_738 = arith.constant 0 : i32
          %dma_start3A_739 = tpu.memref_slice %arg12[%dma_start3A_737, %dma_start3A_738] : memref<528x16xf32, #tpu.memory_space<vmem>> -> memref<128x16xf32, #tpu.memory_space<vmem>>
          %dma_start3A_740 = arith.constant 256 : i32
          %dma_start3A_741 = tpu.memref_slice %arg11[%dma_start3A_740] : memref<512xi32, #tpu.memory_space<vmem>> -> memref<128xi32, #tpu.memory_space<vmem>>
          %dma_start3A_742 = arith.constant 0 : i32
          %dma_start3A_743 = arith.constant 0 : i32
          %dma_start3A_744 = tpu.memref_slice %arg2[%dma_start3A_742, %dma_start3A_743] : memref<100000x16xf32, #tpu.memory_space<hbm>> -> memref<100000x16xf32, #tpu.memory_space<hbm>>
          tpu.enqueue_indirect_dma source(%dma_start3A_744 : memref<100000x16xf32, #tpu.memory_space<hbm>>) target(%dma_start3A_739 : memref<128x16xf32, #tpu.memory_space<vmem>>) offsets(%dma_start3A_741 : memref<128xi32, #tpu.memory_space<vmem>>) semaphore(%arg19 : memref<!tpu.dma_semaphore, #tpu.memory_space<semaphore_mem>>)
        } else {
        }
        %add3A_671 = arith.constant 384 : i32
        %add3A_672 = arith.addi %multiple_of3A_646, %add3A_671 : i32
        %add3A_673 = arith.constant 15 : i32
        %add3A_674 = arith.addi %scan3A_333, %add3A_673 : i32
        %lt3A_675 = arith.cmpi slt, %add3A_672, %add3A_674 : i32
        %convert_element_type3A_676 = arith.extui %lt3A_675 : i1 to i32
        %cond3A_677 = arith.constant 0 : i32
        %cond3A_678 = arith.cmpi ne, %convert_element_type3A_676, %cond3A_677 : i32
        scf.if %cond3A_678 {
          %dma_start3A_737 = arith.constant 384 : i32
          %dma_start3A_738 = arith.constant 0 : i32
          %dma_start3A_739 = tpu.memref_slice %arg12[%dma_start3A_737, %dma_start3A_738] : memref<528x16xf32, #tpu.memory_space<vmem>> -> memref<128x16xf32, #tpu.memory_space<vmem>>
          %dma_start3A_740 = arith.constant 384 : i32
          %dma_start3A_741 = tpu.memref_slice %arg11[%dma_start3A_740] : memref<512xi32, #tpu.memory_space<vmem>> -> memref<128xi32, #tpu.memory_space<vmem>>
          %dma_start3A_742 = arith.constant 0 : i32
          %dma_start3A_743 = arith.constant 0 : i32
          %dma_start3A_744 = tpu.memref_slice %arg2[%dma_start3A_742, %dma_start3A_743] : memref<100000x16xf32, #tpu.memory_space<hbm>> -> memref<100000x16xf32, #tpu.memory_space<hbm>>
          tpu.enqueue_indirect_dma source(%dma_start3A_744 : memref<100000x16xf32, #tpu.memory_space<hbm>>) target(%dma_start3A_739 : memref<128x16xf32, #tpu.memory_space<vmem>>) offsets(%dma_start3A_741 : memref<128xi32, #tpu.memory_space<vmem>>) semaphore(%arg19 : memref<!tpu.dma_semaphore, #tpu.memory_space<semaphore_mem>>)
        } else {
        }
        %add3A_679 = arith.constant 0 : i32
        %add3A_680 = arith.addi %multiple_of3A_646, %add3A_679 : i32
        %add3A_681 = arith.constant 15 : i32
        %add3A_682 = arith.addi %scan3A_333, %add3A_681 : i32
        %lt3A_683 = arith.cmpi slt, %add3A_680, %add3A_682 : i32
        %convert_element_type3A_684 = arith.extui %lt3A_683 : i1 to i32
        %cond3A_685 = arith.constant 0 : i32
        %cond3A_686 = arith.cmpi ne, %convert_element_type3A_684, %cond3A_685 : i32
        scf.if %cond3A_686 {
          %dma_wait3A_737 = arith.constant 0 : i32
          %dma_wait3A_738 = arith.constant 0 : i32
          %dma_wait3A_739 = tpu.memref_slice %arg12[%dma_wait3A_737, %dma_wait3A_738] : memref<528x16xf32, #tpu.memory_space<vmem>> -> memref<128x16xf32, #tpu.memory_space<vmem>>
          %dma_wait3A_740 = arith.constant 0 : i32
          %dma_wait3A_741 = tpu.memref_slice %arg11[%dma_wait3A_740] : memref<512xi32, #tpu.memory_space<vmem>> -> memref<128xi32, #tpu.memory_space<vmem>>
          %dma_wait3A_742 = arith.constant 0 : i32
          %dma_wait3A_743 = arith.constant 0 : i32
          %dma_wait3A_744 = tpu.memref_slice %arg2[%dma_wait3A_742, %dma_wait3A_743] : memref<100000x16xf32, #tpu.memory_space<hbm>> -> memref<100000x16xf32, #tpu.memory_space<hbm>>
          tpu.wait_indirect_dma semaphore(%arg19 : memref<!tpu.dma_semaphore, #tpu.memory_space<semaphore_mem>>) src(%dma_wait3A_744 : memref<100000x16xf32, #tpu.memory_space<hbm>>) dst(%dma_wait3A_739 : memref<128x16xf32, #tpu.memory_space<vmem>>)
        } else {
        }
        %add3A_687 = arith.constant 128 : i32
        %add3A_688 = arith.addi %multiple_of3A_646, %add3A_687 : i32
        %add3A_689 = arith.constant 15 : i32
        %add3A_690 = arith.addi %scan3A_333, %add3A_689 : i32
        %lt3A_691 = arith.cmpi slt, %add3A_688, %add3A_690 : i32
        %convert_element_type3A_692 = arith.extui %lt3A_691 : i1 to i32
        %cond3A_693 = arith.constant 0 : i32
        %cond3A_694 = arith.cmpi ne, %convert_element_type3A_692, %cond3A_693 : i32
        scf.if %cond3A_694 {
          %dma_wait3A_737 = arith.constant 128 : i32
          %dma_wait3A_738 = arith.constant 0 : i32
          %dma_wait3A_739 = tpu.memref_slice %arg12[%dma_wait3A_737, %dma_wait3A_738] : memref<528x16xf32, #tpu.memory_space<vmem>> -> memref<128x16xf32, #tpu.memory_space<vmem>>
          %dma_wait3A_740 = arith.constant 128 : i32
          %dma_wait3A_741 = tpu.memref_slice %arg11[%dma_wait3A_740] : memref<512xi32, #tpu.memory_space<vmem>> -> memref<128xi32, #tpu.memory_space<vmem>>
          %dma_wait3A_742 = arith.constant 0 : i32
          %dma_wait3A_743 = arith.constant 0 : i32
          %dma_wait3A_744 = tpu.memref_slice %arg2[%dma_wait3A_742, %dma_wait3A_743] : memref<100000x16xf32, #tpu.memory_space<hbm>> -> memref<100000x16xf32, #tpu.memory_space<hbm>>
          tpu.wait_indirect_dma semaphore(%arg19 : memref<!tpu.dma_semaphore, #tpu.memory_space<semaphore_mem>>) src(%dma_wait3A_744 : memref<100000x16xf32, #tpu.memory_space<hbm>>) dst(%dma_wait3A_739 : memref<128x16xf32, #tpu.memory_space<vmem>>)
        } else {
        }
        %add3A_695 = arith.constant 256 : i32
        %add3A_696 = arith.addi %multiple_of3A_646, %add3A_695 : i32
        %add3A_697 = arith.constant 15 : i32
        %add3A_698 = arith.addi %scan3A_333, %add3A_697 : i32
        %lt3A_699 = arith.cmpi slt, %add3A_696, %add3A_698 : i32
        %convert_element_type3A_700 = arith.extui %lt3A_699 : i1 to i32
        %cond3A_701 = arith.constant 0 : i32
        %cond3A_702 = arith.cmpi ne, %convert_element_type3A_700, %cond3A_701 : i32
        scf.if %cond3A_702 {
          %dma_wait3A_737 = arith.constant 256 : i32
          %dma_wait3A_738 = arith.constant 0 : i32
          %dma_wait3A_739 = tpu.memref_slice %arg12[%dma_wait3A_737, %dma_wait3A_738] : memref<528x16xf32, #tpu.memory_space<vmem>> -> memref<128x16xf32, #tpu.memory_space<vmem>>
          %dma_wait3A_740 = arith.constant 256 : i32
          %dma_wait3A_741 = tpu.memref_slice %arg11[%dma_wait3A_740] : memref<512xi32, #tpu.memory_space<vmem>> -> memref<128xi32, #tpu.memory_space<vmem>>
          %dma_wait3A_742 = arith.constant 0 : i32
          %dma_wait3A_743 = arith.constant 0 : i32
          %dma_wait3A_744 = tpu.memref_slice %arg2[%dma_wait3A_742, %dma_wait3A_743] : memref<100000x16xf32, #tpu.memory_space<hbm>> -> memref<100000x16xf32, #tpu.memory_space<hbm>>
          tpu.wait_indirect_dma semaphore(%arg19 : memref<!tpu.dma_semaphore, #tpu.memory_space<semaphore_mem>>) src(%dma_wait3A_744 : memref<100000x16xf32, #tpu.memory_space<hbm>>) dst(%dma_wait3A_739 : memref<128x16xf32, #tpu.memory_space<vmem>>)
        } else {
        }
        %add3A_703 = arith.constant 384 : i32
        %add3A_704 = arith.addi %multiple_of3A_646, %add3A_703 : i32
        %add3A_705 = arith.constant 15 : i32
        %add3A_706 = arith.addi %scan3A_333, %add3A_705 : i32
        %lt3A_707 = arith.cmpi slt, %add3A_704, %add3A_706 : i32
        %convert_element_type3A_708 = arith.extui %lt3A_707 : i1 to i32
        %cond3A_709 = arith.constant 0 : i32
        %cond3A_710 = arith.cmpi ne, %convert_element_type3A_708, %cond3A_709 : i32
        scf.if %cond3A_710 {
          %dma_wait3A_737 = arith.constant 384 : i32
          %dma_wait3A_738 = arith.constant 0 : i32
          %dma_wait3A_739 = tpu.memref_slice %arg12[%dma_wait3A_737, %dma_wait3A_738] : memref<528x16xf32, #tpu.memory_space<vmem>> -> memref<128x16xf32, #tpu.memory_space<vmem>>
          %dma_wait3A_740 = arith.constant 384 : i32
          %dma_wait3A_741 = tpu.memref_slice %arg11[%dma_wait3A_740] : memref<512xi32, #tpu.memory_space<vmem>> -> memref<128xi32, #tpu.memory_space<vmem>>
          %dma_wait3A_742 = arith.constant 0 : i32
          %dma_wait3A_743 = arith.constant 0 : i32
          %dma_wait3A_744 = tpu.memref_slice %arg2[%dma_wait3A_742, %dma_wait3A_743] : memref<100000x16xf32, #tpu.memory_space<hbm>> -> memref<100000x16xf32, #tpu.memory_space<hbm>>
          tpu.wait_indirect_dma semaphore(%arg19 : memref<!tpu.dma_semaphore, #tpu.memory_space<semaphore_mem>>) src(%dma_wait3A_744 : memref<100000x16xf32, #tpu.memory_space<hbm>>) dst(%dma_wait3A_739 : memref<128x16xf32, #tpu.memory_space<vmem>>)
        } else {
        }
        %sub3A_711 = arith.subi %scan3A_332, %multiple_of3A_646 : i32
        %max3A_712 = arith.constant 0 : i32
        %max3A_713 = arith.maxsi %sub3A_711, %max3A_712 : i32
        %sub3A_714 = arith.subi %scan3A_333, %multiple_of3A_646 : i32
        %min3A_715 = arith.constant 512 : i32
        %min3A_716 = arith.minsi %sub3A_714, %min3A_715 : i32
        %sub3A_717 = arith.subi %min3A_716, %max3A_713 : i32
        %max3A_718 = arith.constant 0 : i32
        %max3A_719 = arith.maxsi %sub3A_717, %max3A_718 : i32
        %add3A_720 = arith.constant 16 : i32
        %add3A_721 = arith.addi %max3A_719, %add3A_720 : i32
        %sub3A_722 = arith.constant 1 : i32
        %sub3A_723 = arith.subi %add3A_721, %sub3A_722 : i32
        %div3A_724 = arith.constant 16 : i32
        %div3A_725 = arith.divsi %sub3A_723, %div3A_724 : i32
        %while3A_726 = arith.constant 0 : i32
        %while3A_727 = arith.subi %div3A_725, %while3A_726 : i32
        %while3A_728 = arith.addi %while3A_726, %while3A_727 : i32
        %while3A_729 = arith.constant 1 : i32
        %while3A_730 = arith.divsi %while3A_727, %while3A_729 : i32
        %while3A_731 = arith.muli %while3A_730, %while3A_729 : i32
        %while3A_732 = arith.addi %while3A_726, %while3A_731 : i32
        %while3A_733 = arith.constant 1 : i32
        %while3A_734:4 = scf.for %while3A_737 = %while3A_726 to %while3A_732 step %while3A_733 iter_args(%while3A_738 = %while3A_639, %while3A_739 = %while3A_640, %while3A_740 = %while3A_641, %while3A_741 = %while3A_642) -> (vector<16xf32>, vector<16xf32>, vector<16xf32>, vector<16xf32>)  : i32 {
          %mul3A_742 = arith.constant 16 : i32
          %mul3A_743 = arith.muli %while3A_737, %mul3A_742 : i32
          %add3A_744 = arith.addi %max3A_713, %mul3A_743 : i32
          %add3A_745 = arith.addi %multiple_of3A_646, %add3A_744 : i32
          %sub3A_746 = arith.subi %add3A_745, %scan3A_332 : i32
          %add3A_747 = vector.broadcast %sub3A_746 : i32 to vector<16xi32>
          %add3A_748 = arith.addi %add3A_747, %iota3A : vector<16xi32>
          %jit3A = arith.constant 0 : i32
          %jit3A_749 = arith.constant 511 : i32
          %max3A_750 = vector.broadcast %jit3A : i32 to vector<16xi32>
          %max3A_751 = arith.maxsi %max3A_750, %add3A_748 : vector<16xi32>
          %min3A_752 = vector.broadcast %jit3A_749 : i32 to vector<16xi32>
          %min3A_753 = arith.minsi %min3A_752, %max3A_751 : vector<16xi32>
          %gather3A_754 = tpu.vector_load_idx %arg10[%broadcast_in_dim3A_579, %min3A_753] : memref<2x512xf32, #tpu.memory_space<vmem>>[vector<16xi32>, vector<16xi32>], vector<16xf32>,
          %sub3A_755 = arith.subi %min3A_716, %add3A_744 : i32
          %lt3A_756 = vector.broadcast %sub3A_755 : i32 to vector<16xi32>
          %lt3A_757 = arith.cmpi slt, %iota3A, %lt3A_756 : vector<16xi32>
          %jit3A_758 = arith.constant 0.000000e+00 : f32
          %broadcast_in_dim3A_759 = vector.broadcast %jit3A_758 : f32 to vector<16xf32>
          %select_n3A = arith.select %lt3A_757, %gather3A_754, %broadcast_in_dim3A_759 : vector<16xi1>, vector<16xf32>
          %add3A_760 = arith.constant 0 : i32
          %add3A_761 = arith.addi %add3A_744, %add3A_760 : i32
          %get3A_762 = arith.index_cast %add3A_761 : i32 to index
          %get3A_763 = arith.constant 0 : index
          %get3A_764 = tpu.vector_load %arg12[%get3A_762, %get3A_763] {strides = array<i32>} : memref<528x16xf32, #tpu.memory_space<vmem>>, vector<16xf32>,
          %slice3A_765 = vector.extract_strided_slice %select_n3A {offsets = [0], sizes = [1], strides = [1]} : vector<16xf32> to vector<1xf32>
          %squeeze3A_766 = vector.extract %slice3A_765[0] : f32 from vector<1xf32>
          %mul3A_767 = vector.broadcast %squeeze3A_766 : f32 to vector<16xf32>
          %mul3A_768 = arith.mulf %get3A_764, %mul3A_767 : vector<16xf32>
          %add3A_769 = arith.addf %while3A_738, %mul3A_768 : vector<16xf32>
          %add3A_770 = arith.constant 1 : i32
          %add3A_771 = arith.addi %add3A_744, %add3A_770 : i32
          %get3A_772 = arith.index_cast %add3A_771 : i32 to index
          %get3A_773 = arith.constant 0 : index
          %get3A_774 = tpu.vector_load %arg12[%get3A_772, %get3A_773] {strides = array<i32>} : memref<528x16xf32, #tpu.memory_space<vmem>>, vector<16xf32>,
          %slice3A_775 = vector.extract_strided_slice %select_n3A {offsets = [1], sizes = [1], strides = [1]} : vector<16xf32> to vector<1xf32>
          %squeeze3A_776 = vector.extract %slice3A_775[0] : f32 from vector<1xf32>
          %mul3A_777 = vector.broadcast %squeeze3A_776 : f32 to vector<16xf32>
          %mul3A_778 = arith.mulf %get3A_774, %mul3A_777 : vector<16xf32>
          %add3A_779 = arith.addf %while3A_739, %mul3A_778 : vector<16xf32>
          %add3A_780 = arith.constant 2 : i32
          %add3A_781 = arith.addi %add3A_744, %add3A_780 : i32
          %get3A_782 = arith.index_cast %add3A_781 : i32 to index
          %get3A_783 = arith.constant 0 : index
          %get3A_784 = tpu.vector_load %arg12[%get3A_782, %get3A_783] {strides = array<i32>} : memref<528x16xf32, #tpu.memory_space<vmem>>, vector<16xf32>,
          %slice3A_785 = vector.extract_strided_slice %select_n3A {offsets = [2], sizes = [1], strides = [1]} : vector<16xf32> to vector<1xf32>
          %squeeze3A_786 = vector.extract %slice3A_785[0] : f32 from vector<1xf32>
          %mul3A_787 = vector.broadcast %squeeze3A_786 : f32 to vector<16xf32>
          %mul3A_788 = arith.mulf %get3A_784, %mul3A_787 : vector<16xf32>
          %add3A_789 = arith.addf %while3A_740, %mul3A_788 : vector<16xf32>
          %add3A_790 = arith.constant 3 : i32
          %add3A_791 = arith.addi %add3A_744, %add3A_790 : i32
          %get3A_792 = arith.index_cast %add3A_791 : i32 to index
          %get3A_793 = arith.constant 0 : index
          %get3A_794 = tpu.vector_load %arg12[%get3A_792, %get3A_793] {strides = array<i32>} : memref<528x16xf32, #tpu.memory_space<vmem>>, vector<16xf32>,
          %slice3A_795 = vector.extract_strided_slice %select_n3A {offsets = [3], sizes = [1], strides = [1]} : vector<16xf32> to vector<1xf32>
          %squeeze3A_796 = vector.extract %slice3A_795[0] : f32 from vector<1xf32>
          %mul3A_797 = vector.broadcast %squeeze3A_796 : f32 to vector<16xf32>
          %mul3A_798 = arith.mulf %get3A_794, %mul3A_797 : vector<16xf32>
          %add3A_799 = arith.addf %while3A_741, %mul3A_798 : vector<16xf32>
          %add3A_800 = arith.constant 4 : i32
          %add3A_801 = arith.addi %add3A_744, %add3A_800 : i32
          %get3A_802 = arith.index_cast %add3A_801 : i32 to index
          %get3A_803 = arith.constant 0 : index
          %get3A_804 = tpu.vector_load %arg12[%get3A_802, %get3A_803] {strides = array<i32>} : memref<528x16xf32, #tpu.memory_space<vmem>>, vector<16xf32>,
          %slice3A_805 = vector.extract_strided_slice %select_n3A {offsets = [4], sizes = [1], strides = [1]} : vector<16xf32> to vector<1xf32>
          %squeeze3A_806 = vector.extract %slice3A_805[0] : f32 from vector<1xf32>
          %mul3A_807 = vector.broadcast %squeeze3A_806 : f32 to vector<16xf32>
          %mul3A_808 = arith.mulf %get3A_804, %mul3A_807 : vector<16xf32>
          %add3A_809 = arith.addf %add3A_769, %mul3A_808 : vector<16xf32>
          %add3A_810 = arith.constant 5 : i32
          %add3A_811 = arith.addi %add3A_744, %add3A_810 : i32
          %get3A_812 = arith.index_cast %add3A_811 : i32 to index
          %get3A_813 = arith.constant 0 : index
          %get3A_814 = tpu.vector_load %arg12[%get3A_812, %get3A_813] {strides = array<i32>} : memref<528x16xf32, #tpu.memory_space<vmem>>, vector<16xf32>,
          %slice3A_815 = vector.extract_strided_slice %select_n3A {offsets = [5], sizes = [1], strides = [1]} : vector<16xf32> to vector<1xf32>
          %squeeze3A_816 = vector.extract %slice3A_815[0] : f32 from vector<1xf32>
          %mul3A_817 = vector.broadcast %squeeze3A_816 : f32 to vector<16xf32>
          %mul3A_818 = arith.mulf %get3A_814, %mul3A_817 : vector<16xf32>
          %add3A_819 = arith.addf %add3A_779, %mul3A_818 : vector<16xf32>
          %add3A_820 = arith.constant 6 : i32
          %add3A_821 = arith.addi %add3A_744, %add3A_820 : i32
          %get3A_822 = arith.index_cast %add3A_821 : i32 to index
          %get3A_823 = arith.constant 0 : index
          %get3A_824 = tpu.vector_load %arg12[%get3A_822, %get3A_823] {strides = array<i32>} : memref<528x16xf32, #tpu.memory_space<vmem>>, vector<16xf32>,
          %slice3A_825 = vector.extract_strided_slice %select_n3A {offsets = [6], sizes = [1], strides = [1]} : vector<16xf32> to vector<1xf32>
          %squeeze3A_826 = vector.extract %slice3A_825[0] : f32 from vector<1xf32>
          %mul3A_827 = vector.broadcast %squeeze3A_826 : f32 to vector<16xf32>
          %mul3A_828 = arith.mulf %get3A_824, %mul3A_827 : vector<16xf32>
          %add3A_829 = arith.addf %add3A_789, %mul3A_828 : vector<16xf32>
          %add3A_830 = arith.constant 7 : i32
          %add3A_831 = arith.addi %add3A_744, %add3A_830 : i32
          %get3A_832 = arith.index_cast %add3A_831 : i32 to index
          %get3A_833 = arith.constant 0 : index
          %get3A_834 = tpu.vector_load %arg12[%get3A_832, %get3A_833] {strides = array<i32>} : memref<528x16xf32, #tpu.memory_space<vmem>>, vector<16xf32>,
          %slice3A_835 = vector.extract_strided_slice %select_n3A {offsets = [7], sizes = [1], strides = [1]} : vector<16xf32> to vector<1xf32>
          %squeeze3A_836 = vector.extract %slice3A_835[0] : f32 from vector<1xf32>
          %mul3A_837 = vector.broadcast %squeeze3A_836 : f32 to vector<16xf32>
          %mul3A_838 = arith.mulf %get3A_834, %mul3A_837 : vector<16xf32>
          %add3A_839 = arith.addf %add3A_799, %mul3A_838 : vector<16xf32>
          %add3A_840 = arith.constant 8 : i32
          %add3A_841 = arith.addi %add3A_744, %add3A_840 : i32
          %get3A_842 = arith.index_cast %add3A_841 : i32 to index
          %get3A_843 = arith.constant 0 : index
          %get3A_844 = tpu.vector_load %arg12[%get3A_842, %get3A_843] {strides = array<i32>} : memref<528x16xf32, #tpu.memory_space<vmem>>, vector<16xf32>,
          %slice3A_845 = vector.extract_strided_slice %select_n3A {offsets = [8], sizes = [1], strides = [1]} : vector<16xf32> to vector<1xf32>
          %squeeze3A_846 = vector.extract %slice3A_845[0] : f32 from vector<1xf32>
          %mul3A_847 = vector.broadcast %squeeze3A_846 : f32 to vector<16xf32>
          %mul3A_848 = arith.mulf %get3A_844, %mul3A_847 : vector<16xf32>
          %add3A_849 = arith.addf %add3A_809, %mul3A_848 : vector<16xf32>
          %add3A_850 = arith.constant 9 : i32
          %add3A_851 = arith.addi %add3A_744, %add3A_850 : i32
          %get3A_852 = arith.index_cast %add3A_851 : i32 to index
          %get3A_853 = arith.constant 0 : index
          %get3A_854 = tpu.vector_load %arg12[%get3A_852, %get3A_853] {strides = array<i32>} : memref<528x16xf32, #tpu.memory_space<vmem>>, vector<16xf32>,
          %slice3A_855 = vector.extract_strided_slice %select_n3A {offsets = [9], sizes = [1], strides = [1]} : vector<16xf32> to vector<1xf32>
          %squeeze3A_856 = vector.extract %slice3A_855[0] : f32 from vector<1xf32>
          %mul3A_857 = vector.broadcast %squeeze3A_856 : f32 to vector<16xf32>
          %mul3A_858 = arith.mulf %get3A_854, %mul3A_857 : vector<16xf32>
          %add3A_859 = arith.addf %add3A_819, %mul3A_858 : vector<16xf32>
          %add3A_860 = arith.constant 10 : i32
          %add3A_861 = arith.addi %add3A_744, %add3A_860 : i32
          %get3A_862 = arith.index_cast %add3A_861 : i32 to index
          %get3A_863 = arith.constant 0 : index
          %get3A_864 = tpu.vector_load %arg12[%get3A_862, %get3A_863] {strides = array<i32>} : memref<528x16xf32, #tpu.memory_space<vmem>>, vector<16xf32>,
          %slice3A_865 = vector.extract_strided_slice %select_n3A {offsets = [10], sizes = [1], strides = [1]} : vector<16xf32> to vector<1xf32>
          %squeeze3A_866 = vector.extract %slice3A_865[0] : f32 from vector<1xf32>
          %mul3A_867 = vector.broadcast %squeeze3A_866 : f32 to vector<16xf32>
          %mul3A_868 = arith.mulf %get3A_864, %mul3A_867 : vector<16xf32>
          %add3A_869 = arith.addf %add3A_829, %mul3A_868 : vector<16xf32>
          %add3A_870 = arith.constant 11 : i32
          %add3A_871 = arith.addi %add3A_744, %add3A_870 : i32
          %get3A_872 = arith.index_cast %add3A_871 : i32 to index
          %get3A_873 = arith.constant 0 : index
          %get3A_874 = tpu.vector_load %arg12[%get3A_872, %get3A_873] {strides = array<i32>} : memref<528x16xf32, #tpu.memory_space<vmem>>, vector<16xf32>,
          %slice3A_875 = vector.extract_strided_slice %select_n3A {offsets = [11], sizes = [1], strides = [1]} : vector<16xf32> to vector<1xf32>
          %squeeze3A_876 = vector.extract %slice3A_875[0] : f32 from vector<1xf32>
          %mul3A_877 = vector.broadcast %squeeze3A_876 : f32 to vector<16xf32>
          %mul3A_878 = arith.mulf %get3A_874, %mul3A_877 : vector<16xf32>
          %add3A_879 = arith.addf %add3A_839, %mul3A_878 : vector<16xf32>
          %add3A_880 = arith.constant 12 : i32
          %add3A_881 = arith.addi %add3A_744, %add3A_880 : i32
          %get3A_882 = arith.index_cast %add3A_881 : i32 to index
          %get3A_883 = arith.constant 0 : index
          %get3A_884 = tpu.vector_load %arg12[%get3A_882, %get3A_883] {strides = array<i32>} : memref<528x16xf32, #tpu.memory_space<vmem>>, vector<16xf32>,
          %slice3A_885 = vector.extract_strided_slice %select_n3A {offsets = [12], sizes = [1], strides = [1]} : vector<16xf32> to vector<1xf32>
          %squeeze3A_886 = vector.extract %slice3A_885[0] : f32 from vector<1xf32>
          %mul3A_887 = vector.broadcast %squeeze3A_886 : f32 to vector<16xf32>
          %mul3A_888 = arith.mulf %get3A_884, %mul3A_887 : vector<16xf32>
          %add3A_889 = arith.addf %add3A_849, %mul3A_888 : vector<16xf32>
          %add3A_890 = arith.constant 13 : i32
          %add3A_891 = arith.addi %add3A_744, %add3A_890 : i32
          %get3A_892 = arith.index_cast %add3A_891 : i32 to index
          %get3A_893 = arith.constant 0 : index
          %get3A_894 = tpu.vector_load %arg12[%get3A_892, %get3A_893] {strides = array<i32>} : memref<528x16xf32, #tpu.memory_space<vmem>>, vector<16xf32>,
          %slice3A_895 = vector.extract_strided_slice %select_n3A {offsets = [13], sizes = [1], strides = [1]} : vector<16xf32> to vector<1xf32>
          %squeeze3A_896 = vector.extract %slice3A_895[0] : f32 from vector<1xf32>
          %mul3A_897 = vector.broadcast %squeeze3A_896 : f32 to vector<16xf32>
          %mul3A_898 = arith.mulf %get3A_894, %mul3A_897 : vector<16xf32>
          %add3A_899 = arith.addf %add3A_859, %mul3A_898 : vector<16xf32>
          %add3A_900 = arith.constant 14 : i32
          %add3A_901 = arith.addi %add3A_744, %add3A_900 : i32
          %get3A_902 = arith.index_cast %add3A_901 : i32 to index
          %get3A_903 = arith.constant 0 : index
          %get3A_904 = tpu.vector_load %arg12[%get3A_902, %get3A_903] {strides = array<i32>} : memref<528x16xf32, #tpu.memory_space<vmem>>, vector<16xf32>,
          %slice3A_905 = vector.extract_strided_slice %select_n3A {offsets = [14], sizes = [1], strides = [1]} : vector<16xf32> to vector<1xf32>
          %squeeze3A_906 = vector.extract %slice3A_905[0] : f32 from vector<1xf32>
          %mul3A_907 = vector.broadcast %squeeze3A_906 : f32 to vector<16xf32>
          %mul3A_908 = arith.mulf %get3A_904, %mul3A_907 : vector<16xf32>
          %add3A_909 = arith.addf %add3A_869, %mul3A_908 : vector<16xf32>
          %add3A_910 = arith.constant 15 : i32
          %add3A_911 = arith.addi %add3A_744, %add3A_910 : i32
          %get3A_912 = arith.index_cast %add3A_911 : i32 to index
          %get3A_913 = arith.constant 0 : index
          %get3A_914 = tpu.vector_load %arg12[%get3A_912, %get3A_913] {strides = array<i32>} : memref<528x16xf32, #tpu.memory_space<vmem>>, vector<16xf32>,
          %slice3A_915 = vector.extract_strided_slice %select_n3A {offsets = [15], sizes = [1], strides = [1]} : vector<16xf32> to vector<1xf32>
          %squeeze3A_916 = vector.extract %slice3A_915[0] : f32 from vector<1xf32>
          %mul3A_917 = vector.broadcast %squeeze3A_916 : f32 to vector<16xf32>
          %mul3A_918 = arith.mulf %get3A_914, %mul3A_917 : vector<16xf32>
          %add3A_919 = arith.addf %add3A_879, %mul3A_918 : vector<16xf32>
          scf.yield %add3A_889, %add3A_899, %add3A_909, %add3A_919 : vector<16xf32>, vector<16xf32>, vector<16xf32>, vector<16xf32>
        }
        %while3A_735 = arith.constant 1 : i32
        %while3A_736:4 = scf.for %while3A_737 = %while3A_732 to %while3A_728 step %while3A_735 iter_args(%while3A_738 = %while3A_734#0, %while3A_739 = %while3A_734#1, %while3A_740 = %while3A_734#2, %while3A_741 = %while3A_734#3) -> (vector<16xf32>, vector<16xf32>, vector<16xf32>, vector<16xf32>)  : i32 {
          %mul3A_742 = arith.constant 16 : i32
          %mul3A_743 = arith.muli %while3A_737, %mul3A_742 : i32
          %add3A_744 = arith.addi %max3A_713, %mul3A_743 : i32
          %add3A_745 = arith.addi %multiple_of3A_646, %add3A_744 : i32
          %sub3A_746 = arith.subi %add3A_745, %scan3A_332 : i32
          %add3A_747 = vector.broadcast %sub3A_746 : i32 to vector<16xi32>
          %add3A_748 = arith.addi %add3A_747, %iota3A : vector<16xi32>
          %jit3A = arith.constant 0 : i32
          %jit3A_749 = arith.constant 511 : i32
          %max3A_750 = vector.broadcast %jit3A : i32 to vector<16xi32>
          %max3A_751 = arith.maxsi %max3A_750, %add3A_748 : vector<16xi32>
          %min3A_752 = vector.broadcast %jit3A_749 : i32 to vector<16xi32>
          %min3A_753 = arith.minsi %min3A_752, %max3A_751 : vector<16xi32>
          %gather3A_754 = tpu.vector_load_idx %arg10[%broadcast_in_dim3A_579, %min3A_753] : memref<2x512xf32, #tpu.memory_space<vmem>>[vector<16xi32>, vector<16xi32>], vector<16xf32>,
          %sub3A_755 = arith.subi %min3A_716, %add3A_744 : i32
          %lt3A_756 = vector.broadcast %sub3A_755 : i32 to vector<16xi32>
          %lt3A_757 = arith.cmpi slt, %iota3A, %lt3A_756 : vector<16xi32>
          %jit3A_758 = arith.constant 0.000000e+00 : f32
          %broadcast_in_dim3A_759 = vector.broadcast %jit3A_758 : f32 to vector<16xf32>
          %select_n3A = arith.select %lt3A_757, %gather3A_754, %broadcast_in_dim3A_759 : vector<16xi1>, vector<16xf32>
          %add3A_760 = arith.constant 0 : i32
          %add3A_761 = arith.addi %add3A_744, %add3A_760 : i32
          %get3A_762 = arith.index_cast %add3A_761 : i32 to index
          %get3A_763 = arith.constant 0 : index
          %get3A_764 = tpu.vector_load %arg12[%get3A_762, %get3A_763] {strides = array<i32>} : memref<528x16xf32, #tpu.memory_space<vmem>>, vector<16xf32>,
          %slice3A_765 = vector.extract_strided_slice %select_n3A {offsets = [0], sizes = [1], strides = [1]} : vector<16xf32> to vector<1xf32>
          %squeeze3A_766 = vector.extract %slice3A_765[0] : f32 from vector<1xf32>
          %mul3A_767 = vector.broadcast %squeeze3A_766 : f32 to vector<16xf32>
          %mul3A_768 = arith.mulf %get3A_764, %mul3A_767 : vector<16xf32>
          %add3A_769 = arith.addf %while3A_738, %mul3A_768 : vector<16xf32>
          %add3A_770 = arith.constant 1 : i32
          %add3A_771 = arith.addi %add3A_744, %add3A_770 : i32
          %get3A_772 = arith.index_cast %add3A_771 : i32 to index
          %get3A_773 = arith.constant 0 : index
          %get3A_774 = tpu.vector_load %arg12[%get3A_772, %get3A_773] {strides = array<i32>} : memref<528x16xf32, #tpu.memory_space<vmem>>, vector<16xf32>,
          %slice3A_775 = vector.extract_strided_slice %select_n3A {offsets = [1], sizes = [1], strides = [1]} : vector<16xf32> to vector<1xf32>
          %squeeze3A_776 = vector.extract %slice3A_775[0] : f32 from vector<1xf32>
          %mul3A_777 = vector.broadcast %squeeze3A_776 : f32 to vector<16xf32>
          %mul3A_778 = arith.mulf %get3A_774, %mul3A_777 : vector<16xf32>
          %add3A_779 = arith.addf %while3A_739, %mul3A_778 : vector<16xf32>
          %add3A_780 = arith.constant 2 : i32
          %add3A_781 = arith.addi %add3A_744, %add3A_780 : i32
          %get3A_782 = arith.index_cast %add3A_781 : i32 to index
          %get3A_783 = arith.constant 0 : index
          %get3A_784 = tpu.vector_load %arg12[%get3A_782, %get3A_783] {strides = array<i32>} : memref<528x16xf32, #tpu.memory_space<vmem>>, vector<16xf32>,
          %slice3A_785 = vector.extract_strided_slice %select_n3A {offsets = [2], sizes = [1], strides = [1]} : vector<16xf32> to vector<1xf32>
          %squeeze3A_786 = vector.extract %slice3A_785[0] : f32 from vector<1xf32>
          %mul3A_787 = vector.broadcast %squeeze3A_786 : f32 to vector<16xf32>
          %mul3A_788 = arith.mulf %get3A_784, %mul3A_787 : vector<16xf32>
          %add3A_789 = arith.addf %while3A_740, %mul3A_788 : vector<16xf32>
          %add3A_790 = arith.constant 3 : i32
          %add3A_791 = arith.addi %add3A_744, %add3A_790 : i32
          %get3A_792 = arith.index_cast %add3A_791 : i32 to index
          %get3A_793 = arith.constant 0 : index
          %get3A_794 = tpu.vector_load %arg12[%get3A_792, %get3A_793] {strides = array<i32>} : memref<528x16xf32, #tpu.memory_space<vmem>>, vector<16xf32>,
          %slice3A_795 = vector.extract_strided_slice %select_n3A {offsets = [3], sizes = [1], strides = [1]} : vector<16xf32> to vector<1xf32>
          %squeeze3A_796 = vector.extract %slice3A_795[0] : f32 from vector<1xf32>
          %mul3A_797 = vector.broadcast %squeeze3A_796 : f32 to vector<16xf32>
          %mul3A_798 = arith.mulf %get3A_794, %mul3A_797 : vector<16xf32>
          %add3A_799 = arith.addf %while3A_741, %mul3A_798 : vector<16xf32>
          %add3A_800 = arith.constant 4 : i32
          %add3A_801 = arith.addi %add3A_744, %add3A_800 : i32
          %get3A_802 = arith.index_cast %add3A_801 : i32 to index
          %get3A_803 = arith.constant 0 : index
          %get3A_804 = tpu.vector_load %arg12[%get3A_802, %get3A_803] {strides = array<i32>} : memref<528x16xf32, #tpu.memory_space<vmem>>, vector<16xf32>,
          %slice3A_805 = vector.extract_strided_slice %select_n3A {offsets = [4], sizes = [1], strides = [1]} : vector<16xf32> to vector<1xf32>
          %squeeze3A_806 = vector.extract %slice3A_805[0] : f32 from vector<1xf32>
          %mul3A_807 = vector.broadcast %squeeze3A_806 : f32 to vector<16xf32>
          %mul3A_808 = arith.mulf %get3A_804, %mul3A_807 : vector<16xf32>
          %add3A_809 = arith.addf %add3A_769, %mul3A_808 : vector<16xf32>
          %add3A_810 = arith.constant 5 : i32
          %add3A_811 = arith.addi %add3A_744, %add3A_810 : i32
          %get3A_812 = arith.index_cast %add3A_811 : i32 to index
          %get3A_813 = arith.constant 0 : index
          %get3A_814 = tpu.vector_load %arg12[%get3A_812, %get3A_813] {strides = array<i32>} : memref<528x16xf32, #tpu.memory_space<vmem>>, vector<16xf32>,
          %slice3A_815 = vector.extract_strided_slice %select_n3A {offsets = [5], sizes = [1], strides = [1]} : vector<16xf32> to vector<1xf32>
          %squeeze3A_816 = vector.extract %slice3A_815[0] : f32 from vector<1xf32>
          %mul3A_817 = vector.broadcast %squeeze3A_816 : f32 to vector<16xf32>
          %mul3A_818 = arith.mulf %get3A_814, %mul3A_817 : vector<16xf32>
          %add3A_819 = arith.addf %add3A_779, %mul3A_818 : vector<16xf32>
          %add3A_820 = arith.constant 6 : i32
          %add3A_821 = arith.addi %add3A_744, %add3A_820 : i32
          %get3A_822 = arith.index_cast %add3A_821 : i32 to index
          %get3A_823 = arith.constant 0 : index
          %get3A_824 = tpu.vector_load %arg12[%get3A_822, %get3A_823] {strides = array<i32>} : memref<528x16xf32, #tpu.memory_space<vmem>>, vector<16xf32>,
          %slice3A_825 = vector.extract_strided_slice %select_n3A {offsets = [6], sizes = [1], strides = [1]} : vector<16xf32> to vector<1xf32>
          %squeeze3A_826 = vector.extract %slice3A_825[0] : f32 from vector<1xf32>
          %mul3A_827 = vector.broadcast %squeeze3A_826 : f32 to vector<16xf32>
          %mul3A_828 = arith.mulf %get3A_824, %mul3A_827 : vector<16xf32>
          %add3A_829 = arith.addf %add3A_789, %mul3A_828 : vector<16xf32>
          %add3A_830 = arith.constant 7 : i32
          %add3A_831 = arith.addi %add3A_744, %add3A_830 : i32
          %get3A_832 = arith.index_cast %add3A_831 : i32 to index
          %get3A_833 = arith.constant 0 : index
          %get3A_834 = tpu.vector_load %arg12[%get3A_832, %get3A_833] {strides = array<i32>} : memref<528x16xf32, #tpu.memory_space<vmem>>, vector<16xf32>,
          %slice3A_835 = vector.extract_strided_slice %select_n3A {offsets = [7], sizes = [1], strides = [1]} : vector<16xf32> to vector<1xf32>
          %squeeze3A_836 = vector.extract %slice3A_835[0] : f32 from vector<1xf32>
          %mul3A_837 = vector.broadcast %squeeze3A_836 : f32 to vector<16xf32>
          %mul3A_838 = arith.mulf %get3A_834, %mul3A_837 : vector<16xf32>
          %add3A_839 = arith.addf %add3A_799, %mul3A_838 : vector<16xf32>
          %add3A_840 = arith.constant 8 : i32
          %add3A_841 = arith.addi %add3A_744, %add3A_840 : i32
          %get3A_842 = arith.index_cast %add3A_841 : i32 to index
          %get3A_843 = arith.constant 0 : index
          %get3A_844 = tpu.vector_load %arg12[%get3A_842, %get3A_843] {strides = array<i32>} : memref<528x16xf32, #tpu.memory_space<vmem>>, vector<16xf32>,
          %slice3A_845 = vector.extract_strided_slice %select_n3A {offsets = [8], sizes = [1], strides = [1]} : vector<16xf32> to vector<1xf32>
          %squeeze3A_846 = vector.extract %slice3A_845[0] : f32 from vector<1xf32>
          %mul3A_847 = vector.broadcast %squeeze3A_846 : f32 to vector<16xf32>
          %mul3A_848 = arith.mulf %get3A_844, %mul3A_847 : vector<16xf32>
          %add3A_849 = arith.addf %add3A_809, %mul3A_848 : vector<16xf32>
          %add3A_850 = arith.constant 9 : i32
          %add3A_851 = arith.addi %add3A_744, %add3A_850 : i32
          %get3A_852 = arith.index_cast %add3A_851 : i32 to index
          %get3A_853 = arith.constant 0 : index
          %get3A_854 = tpu.vector_load %arg12[%get3A_852, %get3A_853] {strides = array<i32>} : memref<528x16xf32, #tpu.memory_space<vmem>>, vector<16xf32>,
          %slice3A_855 = vector.extract_strided_slice %select_n3A {offsets = [9], sizes = [1], strides = [1]} : vector<16xf32> to vector<1xf32>
          %squeeze3A_856 = vector.extract %slice3A_855[0] : f32 from vector<1xf32>
          %mul3A_857 = vector.broadcast %squeeze3A_856 : f32 to vector<16xf32>
          %mul3A_858 = arith.mulf %get3A_854, %mul3A_857 : vector<16xf32>
          %add3A_859 = arith.addf %add3A_819, %mul3A_858 : vector<16xf32>
          %add3A_860 = arith.constant 10 : i32
          %add3A_861 = arith.addi %add3A_744, %add3A_860 : i32
          %get3A_862 = arith.index_cast %add3A_861 : i32 to index
          %get3A_863 = arith.constant 0 : index
          %get3A_864 = tpu.vector_load %arg12[%get3A_862, %get3A_863] {strides = array<i32>} : memref<528x16xf32, #tpu.memory_space<vmem>>, vector<16xf32>,
          %slice3A_865 = vector.extract_strided_slice %select_n3A {offsets = [10], sizes = [1], strides = [1]} : vector<16xf32> to vector<1xf32>
          %squeeze3A_866 = vector.extract %slice3A_865[0] : f32 from vector<1xf32>
          %mul3A_867 = vector.broadcast %squeeze3A_866 : f32 to vector<16xf32>
          %mul3A_868 = arith.mulf %get3A_864, %mul3A_867 : vector<16xf32>
          %add3A_869 = arith.addf %add3A_829, %mul3A_868 : vector<16xf32>
          %add3A_870 = arith.constant 11 : i32
          %add3A_871 = arith.addi %add3A_744, %add3A_870 : i32
          %get3A_872 = arith.index_cast %add3A_871 : i32 to index
          %get3A_873 = arith.constant 0 : index
          %get3A_874 = tpu.vector_load %arg12[%get3A_872, %get3A_873] {strides = array<i32>} : memref<528x16xf32, #tpu.memory_space<vmem>>, vector<16xf32>,
          %slice3A_875 = vector.extract_strided_slice %select_n3A {offsets = [11], sizes = [1], strides = [1]} : vector<16xf32> to vector<1xf32>
          %squeeze3A_876 = vector.extract %slice3A_875[0] : f32 from vector<1xf32>
          %mul3A_877 = vector.broadcast %squeeze3A_876 : f32 to vector<16xf32>
          %mul3A_878 = arith.mulf %get3A_874, %mul3A_877 : vector<16xf32>
          %add3A_879 = arith.addf %add3A_839, %mul3A_878 : vector<16xf32>
          %add3A_880 = arith.constant 12 : i32
          %add3A_881 = arith.addi %add3A_744, %add3A_880 : i32
          %get3A_882 = arith.index_cast %add3A_881 : i32 to index
          %get3A_883 = arith.constant 0 : index
          %get3A_884 = tpu.vector_load %arg12[%get3A_882, %get3A_883] {strides = array<i32>} : memref<528x16xf32, #tpu.memory_space<vmem>>, vector<16xf32>,
          %slice3A_885 = vector.extract_strided_slice %select_n3A {offsets = [12], sizes = [1], strides = [1]} : vector<16xf32> to vector<1xf32>
          %squeeze3A_886 = vector.extract %slice3A_885[0] : f32 from vector<1xf32>
          %mul3A_887 = vector.broadcast %squeeze3A_886 : f32 to vector<16xf32>
          %mul3A_888 = arith.mulf %get3A_884, %mul3A_887 : vector<16xf32>
          %add3A_889 = arith.addf %add3A_849, %mul3A_888 : vector<16xf32>
          %add3A_890 = arith.constant 13 : i32
          %add3A_891 = arith.addi %add3A_744, %add3A_890 : i32
          %get3A_892 = arith.index_cast %add3A_891 : i32 to index
          %get3A_893 = arith.constant 0 : index
          %get3A_894 = tpu.vector_load %arg12[%get3A_892, %get3A_893] {strides = array<i32>} : memref<528x16xf32, #tpu.memory_space<vmem>>, vector<16xf32>,
          %slice3A_895 = vector.extract_strided_slice %select_n3A {offsets = [13], sizes = [1], strides = [1]} : vector<16xf32> to vector<1xf32>
          %squeeze3A_896 = vector.extract %slice3A_895[0] : f32 from vector<1xf32>
          %mul3A_897 = vector.broadcast %squeeze3A_896 : f32 to vector<16xf32>
          %mul3A_898 = arith.mulf %get3A_894, %mul3A_897 : vector<16xf32>
          %add3A_899 = arith.addf %add3A_859, %mul3A_898 : vector<16xf32>
          %add3A_900 = arith.constant 14 : i32
          %add3A_901 = arith.addi %add3A_744, %add3A_900 : i32
          %get3A_902 = arith.index_cast %add3A_901 : i32 to index
          %get3A_903 = arith.constant 0 : index
          %get3A_904 = tpu.vector_load %arg12[%get3A_902, %get3A_903] {strides = array<i32>} : memref<528x16xf32, #tpu.memory_space<vmem>>, vector<16xf32>,
          %slice3A_905 = vector.extract_strided_slice %select_n3A {offsets = [14], sizes = [1], strides = [1]} : vector<16xf32> to vector<1xf32>
          %squeeze3A_906 = vector.extract %slice3A_905[0] : f32 from vector<1xf32>
          %mul3A_907 = vector.broadcast %squeeze3A_906 : f32 to vector<16xf32>
          %mul3A_908 = arith.mulf %get3A_904, %mul3A_907 : vector<16xf32>
          %add3A_909 = arith.addf %add3A_869, %mul3A_908 : vector<16xf32>
          %add3A_910 = arith.constant 15 : i32
          %add3A_911 = arith.addi %add3A_744, %add3A_910 : i32
          %get3A_912 = arith.index_cast %add3A_911 : i32 to index
          %get3A_913 = arith.constant 0 : index
          %get3A_914 = tpu.vector_load %arg12[%get3A_912, %get3A_913] {strides = array<i32>} : memref<528x16xf32, #tpu.memory_space<vmem>>, vector<16xf32>,
          %slice3A_915 = vector.extract_strided_slice %select_n3A {offsets = [15], sizes = [1], strides = [1]} : vector<16xf32> to vector<1xf32>
          %squeeze3A_916 = vector.extract %slice3A_915[0] : f32 from vector<1xf32>
          %mul3A_917 = vector.broadcast %squeeze3A_916 : f32 to vector<16xf32>
          %mul3A_918 = arith.mulf %get3A_914, %mul3A_917 : vector<16xf32>
          %add3A_919 = arith.addf %add3A_879, %mul3A_918 : vector<16xf32>
          scf.yield %add3A_889, %add3A_899, %add3A_909, %add3A_919 : vector<16xf32>, vector<16xf32>, vector<16xf32>, vector<16xf32>
        }
        scf.yield %while3A_736#0, %while3A_736#1, %while3A_736#2, %while3A_736#3 : vector<16xf32>, vector<16xf32>, vector<16xf32>, vector<16xf32>
      }
      %while3A_624 = arith.constant 1 : i32
      %while3A_625:4 = scf.for %while3A_638 = %while3A_621 to %while3A_617 step %while3A_624 iter_args(%while3A_639 = %while3A_623#0, %while3A_640 = %while3A_623#1, %while3A_641 = %while3A_623#2, %while3A_642 = %while3A_623#3) -> (vector<16xf32>, vector<16xf32>, vector<16xf32>, vector<16xf32>)  : i32 {
        %mul3A_643 = arith.constant 512 : i32
        %mul3A_644 = arith.muli %while3A_638, %mul3A_643 : i32
        %add3A_645 = arith.addi %multiple_of3A_493, %mul3A_644 : i32
        %multiple_of3A_646 = tpu.assume_multiple %add3A_645, 8 : i32
        "tpu.region"() ({
          %run_scoped3A_737 = tpu.sem_alloc : memref<!tpu.dma_semaphore, #tpu.memory_space<semaphore_mem>>
          %dma_start3A_738 = tpu.memref_slice %arg3[%multiple_of3A_646] : memref<3200520xi32, #tpu.memory_space<hbm>> -> memref<512xi32, #tpu.memory_space<hbm>>
          %dma_start3A_739 = tpu.memref_slice %arg3[%multiple_of3A_646] : memref<3200520xi32, #tpu.memory_space<hbm>> -> memref<512xi32, #tpu.memory_space<hbm>>
          tpu.enqueue_dma source(%dma_start3A_739 : memref<512xi32, #tpu.memory_space<hbm>>) target(%arg11 : memref<512xi32, #tpu.memory_space<vmem>>) target_semaphore(%run_scoped3A_737 : memref<!tpu.dma_semaphore, #tpu.memory_space<semaphore_mem>>)
          %dma_wait3A_740 = tpu.memref_slice %arg3[%multiple_of3A_646] : memref<3200520xi32, #tpu.memory_space<hbm>> -> memref<512xi32, #tpu.memory_space<hbm>>
          %dma_wait3A_741 = tpu.memref_slice %arg3[%multiple_of3A_646] : memref<3200520xi32, #tpu.memory_space<hbm>> -> memref<512xi32, #tpu.memory_space<hbm>>
          tpu.wait_dma2 semaphore(%run_scoped3A_737 : memref<!tpu.dma_semaphore, #tpu.memory_space<semaphore_mem>>) src(%dma_wait3A_741 : memref<512xi32, #tpu.memory_space<hbm>>) dst(%arg11 : memref<512xi32, #tpu.memory_space<vmem>>)
          tpu.yield
        }) : () -> ()
        %add3A_647 = arith.constant 0 : i32
        %add3A_648 = arith.addi %multiple_of3A_646, %add3A_647 : i32
        %add3A_649 = arith.constant 15 : i32
        %add3A_650 = arith.addi %scan3A_333, %add3A_649 : i32
        %lt3A_651 = arith.cmpi slt, %add3A_648, %add3A_650 : i32
        %convert_element_type3A_652 = arith.extui %lt3A_651 : i1 to i32
        %cond3A_653 = arith.constant 0 : i32
        %cond3A_654 = arith.cmpi ne, %convert_element_type3A_652, %cond3A_653 : i32
        scf.if %cond3A_654 {
          %dma_start3A_737 = arith.constant 0 : i32
          %dma_start3A_738 = arith.constant 0 : i32
          %dma_start3A_739 = tpu.memref_slice %arg12[%dma_start3A_737, %dma_start3A_738] : memref<528x16xf32, #tpu.memory_space<vmem>> -> memref<128x16xf32, #tpu.memory_space<vmem>>
          %dma_start3A_740 = arith.constant 0 : i32
          %dma_start3A_741 = tpu.memref_slice %arg11[%dma_start3A_740] : memref<512xi32, #tpu.memory_space<vmem>> -> memref<128xi32, #tpu.memory_space<vmem>>
          %dma_start3A_742 = arith.constant 0 : i32
          %dma_start3A_743 = arith.constant 0 : i32
          %dma_start3A_744 = tpu.memref_slice %arg2[%dma_start3A_742, %dma_start3A_743] : memref<100000x16xf32, #tpu.memory_space<hbm>> -> memref<100000x16xf32, #tpu.memory_space<hbm>>
          tpu.enqueue_indirect_dma source(%dma_start3A_744 : memref<100000x16xf32, #tpu.memory_space<hbm>>) target(%dma_start3A_739 : memref<128x16xf32, #tpu.memory_space<vmem>>) offsets(%dma_start3A_741 : memref<128xi32, #tpu.memory_space<vmem>>) semaphore(%arg19 : memref<!tpu.dma_semaphore, #tpu.memory_space<semaphore_mem>>)
        } else {
        }
        %add3A_655 = arith.constant 128 : i32
        %add3A_656 = arith.addi %multiple_of3A_646, %add3A_655 : i32
        %add3A_657 = arith.constant 15 : i32
        %add3A_658 = arith.addi %scan3A_333, %add3A_657 : i32
        %lt3A_659 = arith.cmpi slt, %add3A_656, %add3A_658 : i32
        %convert_element_type3A_660 = arith.extui %lt3A_659 : i1 to i32
        %cond3A_661 = arith.constant 0 : i32
        %cond3A_662 = arith.cmpi ne, %convert_element_type3A_660, %cond3A_661 : i32
        scf.if %cond3A_662 {
          %dma_start3A_737 = arith.constant 128 : i32
          %dma_start3A_738 = arith.constant 0 : i32
          %dma_start3A_739 = tpu.memref_slice %arg12[%dma_start3A_737, %dma_start3A_738] : memref<528x16xf32, #tpu.memory_space<vmem>> -> memref<128x16xf32, #tpu.memory_space<vmem>>
          %dma_start3A_740 = arith.constant 128 : i32
          %dma_start3A_741 = tpu.memref_slice %arg11[%dma_start3A_740] : memref<512xi32, #tpu.memory_space<vmem>> -> memref<128xi32, #tpu.memory_space<vmem>>
          %dma_start3A_742 = arith.constant 0 : i32
          %dma_start3A_743 = arith.constant 0 : i32
          %dma_start3A_744 = tpu.memref_slice %arg2[%dma_start3A_742, %dma_start3A_743] : memref<100000x16xf32, #tpu.memory_space<hbm>> -> memref<100000x16xf32, #tpu.memory_space<hbm>>
          tpu.enqueue_indirect_dma source(%dma_start3A_744 : memref<100000x16xf32, #tpu.memory_space<hbm>>) target(%dma_start3A_739 : memref<128x16xf32, #tpu.memory_space<vmem>>) offsets(%dma_start3A_741 : memref<128xi32, #tpu.memory_space<vmem>>) semaphore(%arg19 : memref<!tpu.dma_semaphore, #tpu.memory_space<semaphore_mem>>)
        } else {
        }
        %add3A_663 = arith.constant 256 : i32
        %add3A_664 = arith.addi %multiple_of3A_646, %add3A_663 : i32
        %add3A_665 = arith.constant 15 : i32
        %add3A_666 = arith.addi %scan3A_333, %add3A_665 : i32
        %lt3A_667 = arith.cmpi slt, %add3A_664, %add3A_666 : i32
        %convert_element_type3A_668 = arith.extui %lt3A_667 : i1 to i32
        %cond3A_669 = arith.constant 0 : i32
        %cond3A_670 = arith.cmpi ne, %convert_element_type3A_668, %cond3A_669 : i32
        scf.if %cond3A_670 {
          %dma_start3A_737 = arith.constant 256 : i32
          %dma_start3A_738 = arith.constant 0 : i32
          %dma_start3A_739 = tpu.memref_slice %arg12[%dma_start3A_737, %dma_start3A_738] : memref<528x16xf32, #tpu.memory_space<vmem>> -> memref<128x16xf32, #tpu.memory_space<vmem>>
          %dma_start3A_740 = arith.constant 256 : i32
          %dma_start3A_741 = tpu.memref_slice %arg11[%dma_start3A_740] : memref<512xi32, #tpu.memory_space<vmem>> -> memref<128xi32, #tpu.memory_space<vmem>>
          %dma_start3A_742 = arith.constant 0 : i32
          %dma_start3A_743 = arith.constant 0 : i32
          %dma_start3A_744 = tpu.memref_slice %arg2[%dma_start3A_742, %dma_start3A_743] : memref<100000x16xf32, #tpu.memory_space<hbm>> -> memref<100000x16xf32, #tpu.memory_space<hbm>>
          tpu.enqueue_indirect_dma source(%dma_start3A_744 : memref<100000x16xf32, #tpu.memory_space<hbm>>) target(%dma_start3A_739 : memref<128x16xf32, #tpu.memory_space<vmem>>) offsets(%dma_start3A_741 : memref<128xi32, #tpu.memory_space<vmem>>) semaphore(%arg19 : memref<!tpu.dma_semaphore, #tpu.memory_space<semaphore_mem>>)
        } else {
        }
        %add3A_671 = arith.constant 384 : i32
        %add3A_672 = arith.addi %multiple_of3A_646, %add3A_671 : i32
        %add3A_673 = arith.constant 15 : i32
        %add3A_674 = arith.addi %scan3A_333, %add3A_673 : i32
        %lt3A_675 = arith.cmpi slt, %add3A_672, %add3A_674 : i32
        %convert_element_type3A_676 = arith.extui %lt3A_675 : i1 to i32
        %cond3A_677 = arith.constant 0 : i32
        %cond3A_678 = arith.cmpi ne, %convert_element_type3A_676, %cond3A_677 : i32
        scf.if %cond3A_678 {
          %dma_start3A_737 = arith.constant 384 : i32
          %dma_start3A_738 = arith.constant 0 : i32
          %dma_start3A_739 = tpu.memref_slice %arg12[%dma_start3A_737, %dma_start3A_738] : memref<528x16xf32, #tpu.memory_space<vmem>> -> memref<128x16xf32, #tpu.memory_space<vmem>>
          %dma_start3A_740 = arith.constant 384 : i32
          %dma_start3A_741 = tpu.memref_slice %arg11[%dma_start3A_740] : memref<512xi32, #tpu.memory_space<vmem>> -> memref<128xi32, #tpu.memory_space<vmem>>
          %dma_start3A_742 = arith.constant 0 : i32
          %dma_start3A_743 = arith.constant 0 : i32
          %dma_start3A_744 = tpu.memref_slice %arg2[%dma_start3A_742, %dma_start3A_743] : memref<100000x16xf32, #tpu.memory_space<hbm>> -> memref<100000x16xf32, #tpu.memory_space<hbm>>
          tpu.enqueue_indirect_dma source(%dma_start3A_744 : memref<100000x16xf32, #tpu.memory_space<hbm>>) target(%dma_start3A_739 : memref<128x16xf32, #tpu.memory_space<vmem>>) offsets(%dma_start3A_741 : memref<128xi32, #tpu.memory_space<vmem>>) semaphore(%arg19 : memref<!tpu.dma_semaphore, #tpu.memory_space<semaphore_mem>>)
        } else {
        }
        %add3A_679 = arith.constant 0 : i32
        %add3A_680 = arith.addi %multiple_of3A_646, %add3A_679 : i32
        %add3A_681 = arith.constant 15 : i32
        %add3A_682 = arith.addi %scan3A_333, %add3A_681 : i32
        %lt3A_683 = arith.cmpi slt, %add3A_680, %add3A_682 : i32
        %convert_element_type3A_684 = arith.extui %lt3A_683 : i1 to i32
        %cond3A_685 = arith.constant 0 : i32
        %cond3A_686 = arith.cmpi ne, %convert_element_type3A_684, %cond3A_685 : i32
        scf.if %cond3A_686 {
          %dma_wait3A_737 = arith.constant 0 : i32
          %dma_wait3A_738 = arith.constant 0 : i32
          %dma_wait3A_739 = tpu.memref_slice %arg12[%dma_wait3A_737, %dma_wait3A_738] : memref<528x16xf32, #tpu.memory_space<vmem>> -> memref<128x16xf32, #tpu.memory_space<vmem>>
          %dma_wait3A_740 = arith.constant 0 : i32
          %dma_wait3A_741 = tpu.memref_slice %arg11[%dma_wait3A_740] : memref<512xi32, #tpu.memory_space<vmem>> -> memref<128xi32, #tpu.memory_space<vmem>>
          %dma_wait3A_742 = arith.constant 0 : i32
          %dma_wait3A_743 = arith.constant 0 : i32
          %dma_wait3A_744 = tpu.memref_slice %arg2[%dma_wait3A_742, %dma_wait3A_743] : memref<100000x16xf32, #tpu.memory_space<hbm>> -> memref<100000x16xf32, #tpu.memory_space<hbm>>
          tpu.wait_indirect_dma semaphore(%arg19 : memref<!tpu.dma_semaphore, #tpu.memory_space<semaphore_mem>>) src(%dma_wait3A_744 : memref<100000x16xf32, #tpu.memory_space<hbm>>) dst(%dma_wait3A_739 : memref<128x16xf32, #tpu.memory_space<vmem>>)
        } else {
        }
        %add3A_687 = arith.constant 128 : i32
        %add3A_688 = arith.addi %multiple_of3A_646, %add3A_687 : i32
        %add3A_689 = arith.constant 15 : i32
        %add3A_690 = arith.addi %scan3A_333, %add3A_689 : i32
        %lt3A_691 = arith.cmpi slt, %add3A_688, %add3A_690 : i32
        %convert_element_type3A_692 = arith.extui %lt3A_691 : i1 to i32
        %cond3A_693 = arith.constant 0 : i32
        %cond3A_694 = arith.cmpi ne, %convert_element_type3A_692, %cond3A_693 : i32
        scf.if %cond3A_694 {
          %dma_wait3A_737 = arith.constant 128 : i32
          %dma_wait3A_738 = arith.constant 0 : i32
          %dma_wait3A_739 = tpu.memref_slice %arg12[%dma_wait3A_737, %dma_wait3A_738] : memref<528x16xf32, #tpu.memory_space<vmem>> -> memref<128x16xf32, #tpu.memory_space<vmem>>
          %dma_wait3A_740 = arith.constant 128 : i32
          %dma_wait3A_741 = tpu.memref_slice %arg11[%dma_wait3A_740] : memref<512xi32, #tpu.memory_space<vmem>> -> memref<128xi32, #tpu.memory_space<vmem>>
          %dma_wait3A_742 = arith.constant 0 : i32
          %dma_wait3A_743 = arith.constant 0 : i32
          %dma_wait3A_744 = tpu.memref_slice %arg2[%dma_wait3A_742, %dma_wait3A_743] : memref<100000x16xf32, #tpu.memory_space<hbm>> -> memref<100000x16xf32, #tpu.memory_space<hbm>>
          tpu.wait_indirect_dma semaphore(%arg19 : memref<!tpu.dma_semaphore, #tpu.memory_space<semaphore_mem>>) src(%dma_wait3A_744 : memref<100000x16xf32, #tpu.memory_space<hbm>>) dst(%dma_wait3A_739 : memref<128x16xf32, #tpu.memory_space<vmem>>)
        } else {
        }
        %add3A_695 = arith.constant 256 : i32
        %add3A_696 = arith.addi %multiple_of3A_646, %add3A_695 : i32
        %add3A_697 = arith.constant 15 : i32
        %add3A_698 = arith.addi %scan3A_333, %add3A_697 : i32
        %lt3A_699 = arith.cmpi slt, %add3A_696, %add3A_698 : i32
        %convert_element_type3A_700 = arith.extui %lt3A_699 : i1 to i32
        %cond3A_701 = arith.constant 0 : i32
        %cond3A_702 = arith.cmpi ne, %convert_element_type3A_700, %cond3A_701 : i32
        scf.if %cond3A_702 {
          %dma_wait3A_737 = arith.constant 256 : i32
          %dma_wait3A_738 = arith.constant 0 : i32
          %dma_wait3A_739 = tpu.memref_slice %arg12[%dma_wait3A_737, %dma_wait3A_738] : memref<528x16xf32, #tpu.memory_space<vmem>> -> memref<128x16xf32, #tpu.memory_space<vmem>>
          %dma_wait3A_740 = arith.constant 256 : i32
          %dma_wait3A_741 = tpu.memref_slice %arg11[%dma_wait3A_740] : memref<512xi32, #tpu.memory_space<vmem>> -> memref<128xi32, #tpu.memory_space<vmem>>
          %dma_wait3A_742 = arith.constant 0 : i32
          %dma_wait3A_743 = arith.constant 0 : i32
          %dma_wait3A_744 = tpu.memref_slice %arg2[%dma_wait3A_742, %dma_wait3A_743] : memref<100000x16xf32, #tpu.memory_space<hbm>> -> memref<100000x16xf32, #tpu.memory_space<hbm>>
          tpu.wait_indirect_dma semaphore(%arg19 : memref<!tpu.dma_semaphore, #tpu.memory_space<semaphore_mem>>) src(%dma_wait3A_744 : memref<100000x16xf32, #tpu.memory_space<hbm>>) dst(%dma_wait3A_739 : memref<128x16xf32, #tpu.memory_space<vmem>>)
        } else {
        }
        %add3A_703 = arith.constant 384 : i32
        %add3A_704 = arith.addi %multiple_of3A_646, %add3A_703 : i32
        %add3A_705 = arith.constant 15 : i32
        %add3A_706 = arith.addi %scan3A_333, %add3A_705 : i32
        %lt3A_707 = arith.cmpi slt, %add3A_704, %add3A_706 : i32
        %convert_element_type3A_708 = arith.extui %lt3A_707 : i1 to i32
        %cond3A_709 = arith.constant 0 : i32
        %cond3A_710 = arith.cmpi ne, %convert_element_type3A_708, %cond3A_709 : i32
        scf.if %cond3A_710 {
          %dma_wait3A_737 = arith.constant 384 : i32
          %dma_wait3A_738 = arith.constant 0 : i32
          %dma_wait3A_739 = tpu.memref_slice %arg12[%dma_wait3A_737, %dma_wait3A_738] : memref<528x16xf32, #tpu.memory_space<vmem>> -> memref<128x16xf32, #tpu.memory_space<vmem>>
          %dma_wait3A_740 = arith.constant 384 : i32
          %dma_wait3A_741 = tpu.memref_slice %arg11[%dma_wait3A_740] : memref<512xi32, #tpu.memory_space<vmem>> -> memref<128xi32, #tpu.memory_space<vmem>>
          %dma_wait3A_742 = arith.constant 0 : i32
          %dma_wait3A_743 = arith.constant 0 : i32
          %dma_wait3A_744 = tpu.memref_slice %arg2[%dma_wait3A_742, %dma_wait3A_743] : memref<100000x16xf32, #tpu.memory_space<hbm>> -> memref<100000x16xf32, #tpu.memory_space<hbm>>
          tpu.wait_indirect_dma semaphore(%arg19 : memref<!tpu.dma_semaphore, #tpu.memory_space<semaphore_mem>>) src(%dma_wait3A_744 : memref<100000x16xf32, #tpu.memory_space<hbm>>) dst(%dma_wait3A_739 : memref<128x16xf32, #tpu.memory_space<vmem>>)
        } else {
        }
        %sub3A_711 = arith.subi %scan3A_332, %multiple_of3A_646 : i32
        %max3A_712 = arith.constant 0 : i32
        %max3A_713 = arith.maxsi %sub3A_711, %max3A_712 : i32
        %sub3A_714 = arith.subi %scan3A_333, %multiple_of3A_646 : i32
        %min3A_715 = arith.constant 512 : i32
        %min3A_716 = arith.minsi %sub3A_714, %min3A_715 : i32
        %sub3A_717 = arith.subi %min3A_716, %max3A_713 : i32
        %max3A_718 = arith.constant 0 : i32
        %max3A_719 = arith.maxsi %sub3A_717, %max3A_718 : i32
        %add3A_720 = arith.constant 16 : i32
        %add3A_721 = arith.addi %max3A_719, %add3A_720 : i32
        %sub3A_722 = arith.constant 1 : i32
        %sub3A_723 = arith.subi %add3A_721, %sub3A_722 : i32
        %div3A_724 = arith.constant 16 : i32
        %div3A_725 = arith.divsi %sub3A_723, %div3A_724 : i32
        %while3A_726 = arith.constant 0 : i32
        %while3A_727 = arith.subi %div3A_725, %while3A_726 : i32
        %while3A_728 = arith.addi %while3A_726, %while3A_727 : i32
        %while3A_729 = arith.constant 1 : i32
        %while3A_730 = arith.divsi %while3A_727, %while3A_729 : i32
        %while3A_731 = arith.muli %while3A_730, %while3A_729 : i32
        %while3A_732 = arith.addi %while3A_726, %while3A_731 : i32
        %while3A_733 = arith.constant 1 : i32
        %while3A_734:4 = scf.for %while3A_737 = %while3A_726 to %while3A_732 step %while3A_733 iter_args(%while3A_738 = %while3A_639, %while3A_739 = %while3A_640, %while3A_740 = %while3A_641, %while3A_741 = %while3A_642) -> (vector<16xf32>, vector<16xf32>, vector<16xf32>, vector<16xf32>)  : i32 {
          %mul3A_742 = arith.constant 16 : i32
          %mul3A_743 = arith.muli %while3A_737, %mul3A_742 : i32
          %add3A_744 = arith.addi %max3A_713, %mul3A_743 : i32
          %add3A_745 = arith.addi %multiple_of3A_646, %add3A_744 : i32
          %sub3A_746 = arith.subi %add3A_745, %scan3A_332 : i32
          %add3A_747 = vector.broadcast %sub3A_746 : i32 to vector<16xi32>
          %add3A_748 = arith.addi %add3A_747, %iota3A : vector<16xi32>
          %jit3A = arith.constant 0 : i32
          %jit3A_749 = arith.constant 511 : i32
          %max3A_750 = vector.broadcast %jit3A : i32 to vector<16xi32>
          %max3A_751 = arith.maxsi %max3A_750, %add3A_748 : vector<16xi32>
          %min3A_752 = vector.broadcast %jit3A_749 : i32 to vector<16xi32>
          %min3A_753 = arith.minsi %min3A_752, %max3A_751 : vector<16xi32>
          %gather3A_754 = tpu.vector_load_idx %arg10[%broadcast_in_dim3A_579, %min3A_753] : memref<2x512xf32, #tpu.memory_space<vmem>>[vector<16xi32>, vector<16xi32>], vector<16xf32>,
          %sub3A_755 = arith.subi %min3A_716, %add3A_744 : i32
          %lt3A_756 = vector.broadcast %sub3A_755 : i32 to vector<16xi32>
          %lt3A_757 = arith.cmpi slt, %iota3A, %lt3A_756 : vector<16xi32>
          %jit3A_758 = arith.constant 0.000000e+00 : f32
          %broadcast_in_dim3A_759 = vector.broadcast %jit3A_758 : f32 to vector<16xf32>
          %select_n3A = arith.select %lt3A_757, %gather3A_754, %broadcast_in_dim3A_759 : vector<16xi1>, vector<16xf32>
          %add3A_760 = arith.constant 0 : i32
          %add3A_761 = arith.addi %add3A_744, %add3A_760 : i32
          %get3A_762 = arith.index_cast %add3A_761 : i32 to index
          %get3A_763 = arith.constant 0 : index
          %get3A_764 = tpu.vector_load %arg12[%get3A_762, %get3A_763] {strides = array<i32>} : memref<528x16xf32, #tpu.memory_space<vmem>>, vector<16xf32>,
          %slice3A_765 = vector.extract_strided_slice %select_n3A {offsets = [0], sizes = [1], strides = [1]} : vector<16xf32> to vector<1xf32>
          %squeeze3A_766 = vector.extract %slice3A_765[0] : f32 from vector<1xf32>
          %mul3A_767 = vector.broadcast %squeeze3A_766 : f32 to vector<16xf32>
          %mul3A_768 = arith.mulf %get3A_764, %mul3A_767 : vector<16xf32>
          %add3A_769 = arith.addf %while3A_738, %mul3A_768 : vector<16xf32>
          %add3A_770 = arith.constant 1 : i32
          %add3A_771 = arith.addi %add3A_744, %add3A_770 : i32
          %get3A_772 = arith.index_cast %add3A_771 : i32 to index
          %get3A_773 = arith.constant 0 : index
          %get3A_774 = tpu.vector_load %arg12[%get3A_772, %get3A_773] {strides = array<i32>} : memref<528x16xf32, #tpu.memory_space<vmem>>, vector<16xf32>,
          %slice3A_775 = vector.extract_strided_slice %select_n3A {offsets = [1], sizes = [1], strides = [1]} : vector<16xf32> to vector<1xf32>
          %squeeze3A_776 = vector.extract %slice3A_775[0] : f32 from vector<1xf32>
          %mul3A_777 = vector.broadcast %squeeze3A_776 : f32 to vector<16xf32>
          %mul3A_778 = arith.mulf %get3A_774, %mul3A_777 : vector<16xf32>
          %add3A_779 = arith.addf %while3A_739, %mul3A_778 : vector<16xf32>
          %add3A_780 = arith.constant 2 : i32
          %add3A_781 = arith.addi %add3A_744, %add3A_780 : i32
          %get3A_782 = arith.index_cast %add3A_781 : i32 to index
          %get3A_783 = arith.constant 0 : index
          %get3A_784 = tpu.vector_load %arg12[%get3A_782, %get3A_783] {strides = array<i32>} : memref<528x16xf32, #tpu.memory_space<vmem>>, vector<16xf32>,
          %slice3A_785 = vector.extract_strided_slice %select_n3A {offsets = [2], sizes = [1], strides = [1]} : vector<16xf32> to vector<1xf32>
          %squeeze3A_786 = vector.extract %slice3A_785[0] : f32 from vector<1xf32>
          %mul3A_787 = vector.broadcast %squeeze3A_786 : f32 to vector<16xf32>
          %mul3A_788 = arith.mulf %get3A_784, %mul3A_787 : vector<16xf32>
          %add3A_789 = arith.addf %while3A_740, %mul3A_788 : vector<16xf32>
          %add3A_790 = arith.constant 3 : i32
          %add3A_791 = arith.addi %add3A_744, %add3A_790 : i32
          %get3A_792 = arith.index_cast %add3A_791 : i32 to index
          %get3A_793 = arith.constant 0 : index
          %get3A_794 = tpu.vector_load %arg12[%get3A_792, %get3A_793] {strides = array<i32>} : memref<528x16xf32, #tpu.memory_space<vmem>>, vector<16xf32>,
          %slice3A_795 = vector.extract_strided_slice %select_n3A {offsets = [3], sizes = [1], strides = [1]} : vector<16xf32> to vector<1xf32>
          %squeeze3A_796 = vector.extract %slice3A_795[0] : f32 from vector<1xf32>
          %mul3A_797 = vector.broadcast %squeeze3A_796 : f32 to vector<16xf32>
          %mul3A_798 = arith.mulf %get3A_794, %mul3A_797 : vector<16xf32>
          %add3A_799 = arith.addf %while3A_741, %mul3A_798 : vector<16xf32>
          %add3A_800 = arith.constant 4 : i32
          %add3A_801 = arith.addi %add3A_744, %add3A_800 : i32
          %get3A_802 = arith.index_cast %add3A_801 : i32 to index
          %get3A_803 = arith.constant 0 : index
          %get3A_804 = tpu.vector_load %arg12[%get3A_802, %get3A_803] {strides = array<i32>} : memref<528x16xf32, #tpu.memory_space<vmem>>, vector<16xf32>,
          %slice3A_805 = vector.extract_strided_slice %select_n3A {offsets = [4], sizes = [1], strides = [1]} : vector<16xf32> to vector<1xf32>
          %squeeze3A_806 = vector.extract %slice3A_805[0] : f32 from vector<1xf32>
          %mul3A_807 = vector.broadcast %squeeze3A_806 : f32 to vector<16xf32>
          %mul3A_808 = arith.mulf %get3A_804, %mul3A_807 : vector<16xf32>
          %add3A_809 = arith.addf %add3A_769, %mul3A_808 : vector<16xf32>
          %add3A_810 = arith.constant 5 : i32
          %add3A_811 = arith.addi %add3A_744, %add3A_810 : i32
          %get3A_812 = arith.index_cast %add3A_811 : i32 to index
          %get3A_813 = arith.constant 0 : index
          %get3A_814 = tpu.vector_load %arg12[%get3A_812, %get3A_813] {strides = array<i32>} : memref<528x16xf32, #tpu.memory_space<vmem>>, vector<16xf32>,
          %slice3A_815 = vector.extract_strided_slice %select_n3A {offsets = [5], sizes = [1], strides = [1]} : vector<16xf32> to vector<1xf32>
          %squeeze3A_816 = vector.extract %slice3A_815[0] : f32 from vector<1xf32>
          %mul3A_817 = vector.broadcast %squeeze3A_816 : f32 to vector<16xf32>
          %mul3A_818 = arith.mulf %get3A_814, %mul3A_817 : vector<16xf32>
          %add3A_819 = arith.addf %add3A_779, %mul3A_818 : vector<16xf32>
          %add3A_820 = arith.constant 6 : i32
          %add3A_821 = arith.addi %add3A_744, %add3A_820 : i32
          %get3A_822 = arith.index_cast %add3A_821 : i32 to index
          %get3A_823 = arith.constant 0 : index
          %get3A_824 = tpu.vector_load %arg12[%get3A_822, %get3A_823] {strides = array<i32>} : memref<528x16xf32, #tpu.memory_space<vmem>>, vector<16xf32>,
          %slice3A_825 = vector.extract_strided_slice %select_n3A {offsets = [6], sizes = [1], strides = [1]} : vector<16xf32> to vector<1xf32>
          %squeeze3A_826 = vector.extract %slice3A_825[0] : f32 from vector<1xf32>
          %mul3A_827 = vector.broadcast %squeeze3A_826 : f32 to vector<16xf32>
          %mul3A_828 = arith.mulf %get3A_824, %mul3A_827 : vector<16xf32>
          %add3A_829 = arith.addf %add3A_789, %mul3A_828 : vector<16xf32>
          %add3A_830 = arith.constant 7 : i32
          %add3A_831 = arith.addi %add3A_744, %add3A_830 : i32
          %get3A_832 = arith.index_cast %add3A_831 : i32 to index
          %get3A_833 = arith.constant 0 : index
          %get3A_834 = tpu.vector_load %arg12[%get3A_832, %get3A_833] {strides = array<i32>} : memref<528x16xf32, #tpu.memory_space<vmem>>, vector<16xf32>,
          %slice3A_835 = vector.extract_strided_slice %select_n3A {offsets = [7], sizes = [1], strides = [1]} : vector<16xf32> to vector<1xf32>
          %squeeze3A_836 = vector.extract %slice3A_835[0] : f32 from vector<1xf32>
          %mul3A_837 = vector.broadcast %squeeze3A_836 : f32 to vector<16xf32>
          %mul3A_838 = arith.mulf %get3A_834, %mul3A_837 : vector<16xf32>
          %add3A_839 = arith.addf %add3A_799, %mul3A_838 : vector<16xf32>
          %add3A_840 = arith.constant 8 : i32
          %add3A_841 = arith.addi %add3A_744, %add3A_840 : i32
          %get3A_842 = arith.index_cast %add3A_841 : i32 to index
          %get3A_843 = arith.constant 0 : index
          %get3A_844 = tpu.vector_load %arg12[%get3A_842, %get3A_843] {strides = array<i32>} : memref<528x16xf32, #tpu.memory_space<vmem>>, vector<16xf32>,
          %slice3A_845 = vector.extract_strided_slice %select_n3A {offsets = [8], sizes = [1], strides = [1]} : vector<16xf32> to vector<1xf32>
          %squeeze3A_846 = vector.extract %slice3A_845[0] : f32 from vector<1xf32>
          %mul3A_847 = vector.broadcast %squeeze3A_846 : f32 to vector<16xf32>
          %mul3A_848 = arith.mulf %get3A_844, %mul3A_847 : vector<16xf32>
          %add3A_849 = arith.addf %add3A_809, %mul3A_848 : vector<16xf32>
          %add3A_850 = arith.constant 9 : i32
          %add3A_851 = arith.addi %add3A_744, %add3A_850 : i32
          %get3A_852 = arith.index_cast %add3A_851 : i32 to index
          %get3A_853 = arith.constant 0 : index
          %get3A_854 = tpu.vector_load %arg12[%get3A_852, %get3A_853] {strides = array<i32>} : memref<528x16xf32, #tpu.memory_space<vmem>>, vector<16xf32>,
          %slice3A_855 = vector.extract_strided_slice %select_n3A {offsets = [9], sizes = [1], strides = [1]} : vector<16xf32> to vector<1xf32>
          %squeeze3A_856 = vector.extract %slice3A_855[0] : f32 from vector<1xf32>
          %mul3A_857 = vector.broadcast %squeeze3A_856 : f32 to vector<16xf32>
          %mul3A_858 = arith.mulf %get3A_854, %mul3A_857 : vector<16xf32>
          %add3A_859 = arith.addf %add3A_819, %mul3A_858 : vector<16xf32>
          %add3A_860 = arith.constant 10 : i32
          %add3A_861 = arith.addi %add3A_744, %add3A_860 : i32
          %get3A_862 = arith.index_cast %add3A_861 : i32 to index
          %get3A_863 = arith.constant 0 : index
          %get3A_864 = tpu.vector_load %arg12[%get3A_862, %get3A_863] {strides = array<i32>} : memref<528x16xf32, #tpu.memory_space<vmem>>, vector<16xf32>,
          %slice3A_865 = vector.extract_strided_slice %select_n3A {offsets = [10], sizes = [1], strides = [1]} : vector<16xf32> to vector<1xf32>
          %squeeze3A_866 = vector.extract %slice3A_865[0] : f32 from vector<1xf32>
          %mul3A_867 = vector.broadcast %squeeze3A_866 : f32 to vector<16xf32>
          %mul3A_868 = arith.mulf %get3A_864, %mul3A_867 : vector<16xf32>
          %add3A_869 = arith.addf %add3A_829, %mul3A_868 : vector<16xf32>
          %add3A_870 = arith.constant 11 : i32
          %add3A_871 = arith.addi %add3A_744, %add3A_870 : i32
          %get3A_872 = arith.index_cast %add3A_871 : i32 to index
          %get3A_873 = arith.constant 0 : index
          %get3A_874 = tpu.vector_load %arg12[%get3A_872, %get3A_873] {strides = array<i32>} : memref<528x16xf32, #tpu.memory_space<vmem>>, vector<16xf32>,
          %slice3A_875 = vector.extract_strided_slice %select_n3A {offsets = [11], sizes = [1], strides = [1]} : vector<16xf32> to vector<1xf32>
          %squeeze3A_876 = vector.extract %slice3A_875[0] : f32 from vector<1xf32>
          %mul3A_877 = vector.broadcast %squeeze3A_876 : f32 to vector<16xf32>
          %mul3A_878 = arith.mulf %get3A_874, %mul3A_877 : vector<16xf32>
          %add3A_879 = arith.addf %add3A_839, %mul3A_878 : vector<16xf32>
          %add3A_880 = arith.constant 12 : i32
          %add3A_881 = arith.addi %add3A_744, %add3A_880 : i32
          %get3A_882 = arith.index_cast %add3A_881 : i32 to index
          %get3A_883 = arith.constant 0 : index
          %get3A_884 = tpu.vector_load %arg12[%get3A_882, %get3A_883] {strides = array<i32>} : memref<528x16xf32, #tpu.memory_space<vmem>>, vector<16xf32>,
          %slice3A_885 = vector.extract_strided_slice %select_n3A {offsets = [12], sizes = [1], strides = [1]} : vector<16xf32> to vector<1xf32>
          %squeeze3A_886 = vector.extract %slice3A_885[0] : f32 from vector<1xf32>
          %mul3A_887 = vector.broadcast %squeeze3A_886 : f32 to vector<16xf32>
          %mul3A_888 = arith.mulf %get3A_884, %mul3A_887 : vector<16xf32>
          %add3A_889 = arith.addf %add3A_849, %mul3A_888 : vector<16xf32>
          %add3A_890 = arith.constant 13 : i32
          %add3A_891 = arith.addi %add3A_744, %add3A_890 : i32
          %get3A_892 = arith.index_cast %add3A_891 : i32 to index
          %get3A_893 = arith.constant 0 : index
          %get3A_894 = tpu.vector_load %arg12[%get3A_892, %get3A_893] {strides = array<i32>} : memref<528x16xf32, #tpu.memory_space<vmem>>, vector<16xf32>,
          %slice3A_895 = vector.extract_strided_slice %select_n3A {offsets = [13], sizes = [1], strides = [1]} : vector<16xf32> to vector<1xf32>
          %squeeze3A_896 = vector.extract %slice3A_895[0] : f32 from vector<1xf32>
          %mul3A_897 = vector.broadcast %squeeze3A_896 : f32 to vector<16xf32>
          %mul3A_898 = arith.mulf %get3A_894, %mul3A_897 : vector<16xf32>
          %add3A_899 = arith.addf %add3A_859, %mul3A_898 : vector<16xf32>
          %add3A_900 = arith.constant 14 : i32
          %add3A_901 = arith.addi %add3A_744, %add3A_900 : i32
          %get3A_902 = arith.index_cast %add3A_901 : i32 to index
          %get3A_903 = arith.constant 0 : index
          %get3A_904 = tpu.vector_load %arg12[%get3A_902, %get3A_903] {strides = array<i32>} : memref<528x16xf32, #tpu.memory_space<vmem>>, vector<16xf32>,
          %slice3A_905 = vector.extract_strided_slice %select_n3A {offsets = [14], sizes = [1], strides = [1]} : vector<16xf32> to vector<1xf32>
          %squeeze3A_906 = vector.extract %slice3A_905[0] : f32 from vector<1xf32>
          %mul3A_907 = vector.broadcast %squeeze3A_906 : f32 to vector<16xf32>
          %mul3A_908 = arith.mulf %get3A_904, %mul3A_907 : vector<16xf32>
          %add3A_909 = arith.addf %add3A_869, %mul3A_908 : vector<16xf32>
          %add3A_910 = arith.constant 15 : i32
          %add3A_911 = arith.addi %add3A_744, %add3A_910 : i32
          %get3A_912 = arith.index_cast %add3A_911 : i32 to index
          %get3A_913 = arith.constant 0 : index
          %get3A_914 = tpu.vector_load %arg12[%get3A_912, %get3A_913] {strides = array<i32>} : memref<528x16xf32, #tpu.memory_space<vmem>>, vector<16xf32>,
          %slice3A_915 = vector.extract_strided_slice %select_n3A {offsets = [15], sizes = [1], strides = [1]} : vector<16xf32> to vector<1xf32>
          %squeeze3A_916 = vector.extract %slice3A_915[0] : f32 from vector<1xf32>
          %mul3A_917 = vector.broadcast %squeeze3A_916 : f32 to vector<16xf32>
          %mul3A_918 = arith.mulf %get3A_914, %mul3A_917 : vector<16xf32>
          %add3A_919 = arith.addf %add3A_879, %mul3A_918 : vector<16xf32>
          scf.yield %add3A_889, %add3A_899, %add3A_909, %add3A_919 : vector<16xf32>, vector<16xf32>, vector<16xf32>, vector<16xf32>
        }
        %while3A_735 = arith.constant 1 : i32
        %while3A_736:4 = scf.for %while3A_737 = %while3A_732 to %while3A_728 step %while3A_735 iter_args(%while3A_738 = %while3A_734#0, %while3A_739 = %while3A_734#1, %while3A_740 = %while3A_734#2, %while3A_741 = %while3A_734#3) -> (vector<16xf32>, vector<16xf32>, vector<16xf32>, vector<16xf32>)  : i32 {
          %mul3A_742 = arith.constant 16 : i32
          %mul3A_743 = arith.muli %while3A_737, %mul3A_742 : i32
          %add3A_744 = arith.addi %max3A_713, %mul3A_743 : i32
          %add3A_745 = arith.addi %multiple_of3A_646, %add3A_744 : i32
          %sub3A_746 = arith.subi %add3A_745, %scan3A_332 : i32
          %add3A_747 = vector.broadcast %sub3A_746 : i32 to vector<16xi32>
          %add3A_748 = arith.addi %add3A_747, %iota3A : vector<16xi32>
          %jit3A = arith.constant 0 : i32
          %jit3A_749 = arith.constant 511 : i32
          %max3A_750 = vector.broadcast %jit3A : i32 to vector<16xi32>
          %max3A_751 = arith.maxsi %max3A_750, %add3A_748 : vector<16xi32>
          %min3A_752 = vector.broadcast %jit3A_749 : i32 to vector<16xi32>
          %min3A_753 = arith.minsi %min3A_752, %max3A_751 : vector<16xi32>
          %gather3A_754 = tpu.vector_load_idx %arg10[%broadcast_in_dim3A_579, %min3A_753] : memref<2x512xf32, #tpu.memory_space<vmem>>[vector<16xi32>, vector<16xi32>], vector<16xf32>,
          %sub3A_755 = arith.subi %min3A_716, %add3A_744 : i32
          %lt3A_756 = vector.broadcast %sub3A_755 : i32 to vector<16xi32>
          %lt3A_757 = arith.cmpi slt, %iota3A, %lt3A_756 : vector<16xi32>
          %jit3A_758 = arith.constant 0.000000e+00 : f32
          %broadcast_in_dim3A_759 = vector.broadcast %jit3A_758 : f32 to vector<16xf32>
          %select_n3A = arith.select %lt3A_757, %gather3A_754, %broadcast_in_dim3A_759 : vector<16xi1>, vector<16xf32>
          %add3A_760 = arith.constant 0 : i32
          %add3A_761 = arith.addi %add3A_744, %add3A_760 : i32
          %get3A_762 = arith.index_cast %add3A_761 : i32 to index
          %get3A_763 = arith.constant 0 : index
          %get3A_764 = tpu.vector_load %arg12[%get3A_762, %get3A_763] {strides = array<i32>} : memref<528x16xf32, #tpu.memory_space<vmem>>, vector<16xf32>,
          %slice3A_765 = vector.extract_strided_slice %select_n3A {offsets = [0], sizes = [1], strides = [1]} : vector<16xf32> to vector<1xf32>
          %squeeze3A_766 = vector.extract %slice3A_765[0] : f32 from vector<1xf32>
          %mul3A_767 = vector.broadcast %squeeze3A_766 : f32 to vector<16xf32>
          %mul3A_768 = arith.mulf %get3A_764, %mul3A_767 : vector<16xf32>
          %add3A_769 = arith.addf %while3A_738, %mul3A_768 : vector<16xf32>
          %add3A_770 = arith.constant 1 : i32
          %add3A_771 = arith.addi %add3A_744, %add3A_770 : i32
          %get3A_772 = arith.index_cast %add3A_771 : i32 to index
          %get3A_773 = arith.constant 0 : index
          %get3A_774 = tpu.vector_load %arg12[%get3A_772, %get3A_773] {strides = array<i32>} : memref<528x16xf32, #tpu.memory_space<vmem>>, vector<16xf32>,
          %slice3A_775 = vector.extract_strided_slice %select_n3A {offsets = [1], sizes = [1], strides = [1]} : vector<16xf32> to vector<1xf32>
          %squeeze3A_776 = vector.extract %slice3A_775[0] : f32 from vector<1xf32>
          %mul3A_777 = vector.broadcast %squeeze3A_776 : f32 to vector<16xf32>
          %mul3A_778 = arith.mulf %get3A_774, %mul3A_777 : vector<16xf32>
          %add3A_779 = arith.addf %while3A_739, %mul3A_778 : vector<16xf32>
          %add3A_780 = arith.constant 2 : i32
          %add3A_781 = arith.addi %add3A_744, %add3A_780 : i32
          %get3A_782 = arith.index_cast %add3A_781 : i32 to index
          %get3A_783 = arith.constant 0 : index
          %get3A_784 = tpu.vector_load %arg12[%get3A_782, %get3A_783] {strides = array<i32>} : memref<528x16xf32, #tpu.memory_space<vmem>>, vector<16xf32>,
          %slice3A_785 = vector.extract_strided_slice %select_n3A {offsets = [2], sizes = [1], strides = [1]} : vector<16xf32> to vector<1xf32>
          %squeeze3A_786 = vector.extract %slice3A_785[0] : f32 from vector<1xf32>
          %mul3A_787 = vector.broadcast %squeeze3A_786 : f32 to vector<16xf32>
          %mul3A_788 = arith.mulf %get3A_784, %mul3A_787 : vector<16xf32>
          %add3A_789 = arith.addf %while3A_740, %mul3A_788 : vector<16xf32>
          %add3A_790 = arith.constant 3 : i32
          %add3A_791 = arith.addi %add3A_744, %add3A_790 : i32
          %get3A_792 = arith.index_cast %add3A_791 : i32 to index
          %get3A_793 = arith.constant 0 : index
          %get3A_794 = tpu.vector_load %arg12[%get3A_792, %get3A_793] {strides = array<i32>} : memref<528x16xf32, #tpu.memory_space<vmem>>, vector<16xf32>,
          %slice3A_795 = vector.extract_strided_slice %select_n3A {offsets = [3], sizes = [1], strides = [1]} : vector<16xf32> to vector<1xf32>
          %squeeze3A_796 = vector.extract %slice3A_795[0] : f32 from vector<1xf32>
          %mul3A_797 = vector.broadcast %squeeze3A_796 : f32 to vector<16xf32>
          %mul3A_798 = arith.mulf %get3A_794, %mul3A_797 : vector<16xf32>
          %add3A_799 = arith.addf %while3A_741, %mul3A_798 : vector<16xf32>
          %add3A_800 = arith.constant 4 : i32
          %add3A_801 = arith.addi %add3A_744, %add3A_800 : i32
          %get3A_802 = arith.index_cast %add3A_801 : i32 to index
          %get3A_803 = arith.constant 0 : index
          %get3A_804 = tpu.vector_load %arg12[%get3A_802, %get3A_803] {strides = array<i32>} : memref<528x16xf32, #tpu.memory_space<vmem>>, vector<16xf32>,
          %slice3A_805 = vector.extract_strided_slice %select_n3A {offsets = [4], sizes = [1], strides = [1]} : vector<16xf32> to vector<1xf32>
          %squeeze3A_806 = vector.extract %slice3A_805[0] : f32 from vector<1xf32>
          %mul3A_807 = vector.broadcast %squeeze3A_806 : f32 to vector<16xf32>
          %mul3A_808 = arith.mulf %get3A_804, %mul3A_807 : vector<16xf32>
          %add3A_809 = arith.addf %add3A_769, %mul3A_808 : vector<16xf32>
          %add3A_810 = arith.constant 5 : i32
          %add3A_811 = arith.addi %add3A_744, %add3A_810 : i32
          %get3A_812 = arith.index_cast %add3A_811 : i32 to index
          %get3A_813 = arith.constant 0 : index
          %get3A_814 = tpu.vector_load %arg12[%get3A_812, %get3A_813] {strides = array<i32>} : memref<528x16xf32, #tpu.memory_space<vmem>>, vector<16xf32>,
          %slice3A_815 = vector.extract_strided_slice %select_n3A {offsets = [5], sizes = [1], strides = [1]} : vector<16xf32> to vector<1xf32>
          %squeeze3A_816 = vector.extract %slice3A_815[0] : f32 from vector<1xf32>
          %mul3A_817 = vector.broadcast %squeeze3A_816 : f32 to vector<16xf32>
          %mul3A_818 = arith.mulf %get3A_814, %mul3A_817 : vector<16xf32>
          %add3A_819 = arith.addf %add3A_779, %mul3A_818 : vector<16xf32>
          %add3A_820 = arith.constant 6 : i32
          %add3A_821 = arith.addi %add3A_744, %add3A_820 : i32
          %get3A_822 = arith.index_cast %add3A_821 : i32 to index
          %get3A_823 = arith.constant 0 : index
          %get3A_824 = tpu.vector_load %arg12[%get3A_822, %get3A_823] {strides = array<i32>} : memref<528x16xf32, #tpu.memory_space<vmem>>, vector<16xf32>,
          %slice3A_825 = vector.extract_strided_slice %select_n3A {offsets = [6], sizes = [1], strides = [1]} : vector<16xf32> to vector<1xf32>
          %squeeze3A_826 = vector.extract %slice3A_825[0] : f32 from vector<1xf32>
          %mul3A_827 = vector.broadcast %squeeze3A_826 : f32 to vector<16xf32>
          %mul3A_828 = arith.mulf %get3A_824, %mul3A_827 : vector<16xf32>
          %add3A_829 = arith.addf %add3A_789, %mul3A_828 : vector<16xf32>
          %add3A_830 = arith.constant 7 : i32
          %add3A_831 = arith.addi %add3A_744, %add3A_830 : i32
          %get3A_832 = arith.index_cast %add3A_831 : i32 to index
          %get3A_833 = arith.constant 0 : index
          %get3A_834 = tpu.vector_load %arg12[%get3A_832, %get3A_833] {strides = array<i32>} : memref<528x16xf32, #tpu.memory_space<vmem>>, vector<16xf32>,
          %slice3A_835 = vector.extract_strided_slice %select_n3A {offsets = [7], sizes = [1], strides = [1]} : vector<16xf32> to vector<1xf32>
          %squeeze3A_836 = vector.extract %slice3A_835[0] : f32 from vector<1xf32>
          %mul3A_837 = vector.broadcast %squeeze3A_836 : f32 to vector<16xf32>
          %mul3A_838 = arith.mulf %get3A_834, %mul3A_837 : vector<16xf32>
          %add3A_839 = arith.addf %add3A_799, %mul3A_838 : vector<16xf32>
          %add3A_840 = arith.constant 8 : i32
          %add3A_841 = arith.addi %add3A_744, %add3A_840 : i32
          %get3A_842 = arith.index_cast %add3A_841 : i32 to index
          %get3A_843 = arith.constant 0 : index
          %get3A_844 = tpu.vector_load %arg12[%get3A_842, %get3A_843] {strides = array<i32>} : memref<528x16xf32, #tpu.memory_space<vmem>>, vector<16xf32>,
          %slice3A_845 = vector.extract_strided_slice %select_n3A {offsets = [8], sizes = [1], strides = [1]} : vector<16xf32> to vector<1xf32>
          %squeeze3A_846 = vector.extract %slice3A_845[0] : f32 from vector<1xf32>
          %mul3A_847 = vector.broadcast %squeeze3A_846 : f32 to vector<16xf32>
          %mul3A_848 = arith.mulf %get3A_844, %mul3A_847 : vector<16xf32>
          %add3A_849 = arith.addf %add3A_809, %mul3A_848 : vector<16xf32>
          %add3A_850 = arith.constant 9 : i32
          %add3A_851 = arith.addi %add3A_744, %add3A_850 : i32
          %get3A_852 = arith.index_cast %add3A_851 : i32 to index
          %get3A_853 = arith.constant 0 : index
          %get3A_854 = tpu.vector_load %arg12[%get3A_852, %get3A_853] {strides = array<i32>} : memref<528x16xf32, #tpu.memory_space<vmem>>, vector<16xf32>,
          %slice3A_855 = vector.extract_strided_slice %select_n3A {offsets = [9], sizes = [1], strides = [1]} : vector<16xf32> to vector<1xf32>
          %squeeze3A_856 = vector.extract %slice3A_855[0] : f32 from vector<1xf32>
          %mul3A_857 = vector.broadcast %squeeze3A_856 : f32 to vector<16xf32>
          %mul3A_858 = arith.mulf %get3A_854, %mul3A_857 : vector<16xf32>
          %add3A_859 = arith.addf %add3A_819, %mul3A_858 : vector<16xf32>
          %add3A_860 = arith.constant 10 : i32
          %add3A_861 = arith.addi %add3A_744, %add3A_860 : i32
          %get3A_862 = arith.index_cast %add3A_861 : i32 to index
          %get3A_863 = arith.constant 0 : index
          %get3A_864 = tpu.vector_load %arg12[%get3A_862, %get3A_863] {strides = array<i32>} : memref<528x16xf32, #tpu.memory_space<vmem>>, vector<16xf32>,
          %slice3A_865 = vector.extract_strided_slice %select_n3A {offsets = [10], sizes = [1], strides = [1]} : vector<16xf32> to vector<1xf32>
          %squeeze3A_866 = vector.extract %slice3A_865[0] : f32 from vector<1xf32>
          %mul3A_867 = vector.broadcast %squeeze3A_866 : f32 to vector<16xf32>
          %mul3A_868 = arith.mulf %get3A_864, %mul3A_867 : vector<16xf32>
          %add3A_869 = arith.addf %add3A_829, %mul3A_868 : vector<16xf32>
          %add3A_870 = arith.constant 11 : i32
          %add3A_871 = arith.addi %add3A_744, %add3A_870 : i32
          %get3A_872 = arith.index_cast %add3A_871 : i32 to index
          %get3A_873 = arith.constant 0 : index
          %get3A_874 = tpu.vector_load %arg12[%get3A_872, %get3A_873] {strides = array<i32>} : memref<528x16xf32, #tpu.memory_space<vmem>>, vector<16xf32>,
          %slice3A_875 = vector.extract_strided_slice %select_n3A {offsets = [11], sizes = [1], strides = [1]} : vector<16xf32> to vector<1xf32>
          %squeeze3A_876 = vector.extract %slice3A_875[0] : f32 from vector<1xf32>
          %mul3A_877 = vector.broadcast %squeeze3A_876 : f32 to vector<16xf32>
          %mul3A_878 = arith.mulf %get3A_874, %mul3A_877 : vector<16xf32>
          %add3A_879 = arith.addf %add3A_839, %mul3A_878 : vector<16xf32>
          %add3A_880 = arith.constant 12 : i32
          %add3A_881 = arith.addi %add3A_744, %add3A_880 : i32
          %get3A_882 = arith.index_cast %add3A_881 : i32 to index
          %get3A_883 = arith.constant 0 : index
          %get3A_884 = tpu.vector_load %arg12[%get3A_882, %get3A_883] {strides = array<i32>} : memref<528x16xf32, #tpu.memory_space<vmem>>, vector<16xf32>,
          %slice3A_885 = vector.extract_strided_slice %select_n3A {offsets = [12], sizes = [1], strides = [1]} : vector<16xf32> to vector<1xf32>
          %squeeze3A_886 = vector.extract %slice3A_885[0] : f32 from vector<1xf32>
          %mul3A_887 = vector.broadcast %squeeze3A_886 : f32 to vector<16xf32>
          %mul3A_888 = arith.mulf %get3A_884, %mul3A_887 : vector<16xf32>
          %add3A_889 = arith.addf %add3A_849, %mul3A_888 : vector<16xf32>
          %add3A_890 = arith.constant 13 : i32
          %add3A_891 = arith.addi %add3A_744, %add3A_890 : i32
          %get3A_892 = arith.index_cast %add3A_891 : i32 to index
          %get3A_893 = arith.constant 0 : index
          %get3A_894 = tpu.vector_load %arg12[%get3A_892, %get3A_893] {strides = array<i32>} : memref<528x16xf32, #tpu.memory_space<vmem>>, vector<16xf32>,
          %slice3A_895 = vector.extract_strided_slice %select_n3A {offsets = [13], sizes = [1], strides = [1]} : vector<16xf32> to vector<1xf32>
          %squeeze3A_896 = vector.extract %slice3A_895[0] : f32 from vector<1xf32>
          %mul3A_897 = vector.broadcast %squeeze3A_896 : f32 to vector<16xf32>
          %mul3A_898 = arith.mulf %get3A_894, %mul3A_897 : vector<16xf32>
          %add3A_899 = arith.addf %add3A_859, %mul3A_898 : vector<16xf32>
          %add3A_900 = arith.constant 14 : i32
          %add3A_901 = arith.addi %add3A_744, %add3A_900 : i32
          %get3A_902 = arith.index_cast %add3A_901 : i32 to index
          %get3A_903 = arith.constant 0 : index
          %get3A_904 = tpu.vector_load %arg12[%get3A_902, %get3A_903] {strides = array<i32>} : memref<528x16xf32, #tpu.memory_space<vmem>>, vector<16xf32>,
          %slice3A_905 = vector.extract_strided_slice %select_n3A {offsets = [14], sizes = [1], strides = [1]} : vector<16xf32> to vector<1xf32>
          %squeeze3A_906 = vector.extract %slice3A_905[0] : f32 from vector<1xf32>
          %mul3A_907 = vector.broadcast %squeeze3A_906 : f32 to vector<16xf32>
          %mul3A_908 = arith.mulf %get3A_904, %mul3A_907 : vector<16xf32>
          %add3A_909 = arith.addf %add3A_869, %mul3A_908 : vector<16xf32>
          %add3A_910 = arith.constant 15 : i32
          %add3A_911 = arith.addi %add3A_744, %add3A_910 : i32
          %get3A_912 = arith.index_cast %add3A_911 : i32 to index
          %get3A_913 = arith.constant 0 : index
          %get3A_914 = tpu.vector_load %arg12[%get3A_912, %get3A_913] {strides = array<i32>} : memref<528x16xf32, #tpu.memory_space<vmem>>, vector<16xf32>,
          %slice3A_915 = vector.extract_strided_slice %select_n3A {offsets = [15], sizes = [1], strides = [1]} : vector<16xf32> to vector<1xf32>
          %squeeze3A_916 = vector.extract %slice3A_915[0] : f32 from vector<1xf32>
          %mul3A_917 = vector.broadcast %squeeze3A_916 : f32 to vector<16xf32>
          %mul3A_918 = arith.mulf %get3A_914, %mul3A_917 : vector<16xf32>
          %add3A_919 = arith.addf %add3A_879, %mul3A_918 : vector<16xf32>
          scf.yield %add3A_889, %add3A_899, %add3A_909, %add3A_919 : vector<16xf32>, vector<16xf32>, vector<16xf32>, vector<16xf32>
        }
        scf.yield %while3A_736#0, %while3A_736#1, %while3A_736#2, %while3A_736#3 : vector<16xf32>, vector<16xf32>, vector<16xf32>, vector<16xf32>
      }
      %add3A_626 = arith.addf %while3A_625#0, %while3A_625#1 : vector<16xf32>
      %add3A_627 = arith.addf %while3A_625#2, %while3A_625#3 : vector<16xf32>
      %add3A_628 = arith.addf %add3A_626, %add3A_627 : vector<16xf32>
      %broadcast_in_dim3A_629 = vector.broadcast %add3A_489 : i32 to vector<16xi32>
      %gather3A_630 = tpu.vector_load_idx %arg14[%broadcast_in_dim3A_629] : memref<336xf32, #tpu.memory_space<vmem>>[vector<16xi32>], vector<16xf32>,
      %add3A_631 = arith.addf %add3A_628, %gather3A_630 : vector<16xf32>
      %max3A_632 = arith.constant 0.000000e+00 : f32
      %max3A_633 = vector.broadcast %max3A_632 : f32 to vector<16xf32>
      %max3A_634 = arith.maximumf %add3A_631, %max3A_633 : vector<16xf32>
      %swap3A_635 = arith.index_cast %add3A_489 : i32 to index
      %swap3A_636 = arith.constant 0 : index
      %swap3A_637 = tpu.vector_load %arg15[%swap3A_635, %swap3A_636] {strides = array<i32>} : memref<320x16xf32, #tpu.memory_space<vmem>>, vector<16xf32>,
      tpu.vector_store %arg15[%swap3A_635, %swap3A_636], %max3A_634 {strides = array<i32>} : memref<320x16xf32, #tpu.memory_space<vmem>>, vector<16xf32>,
      scf.yield %scan3A_333, %scan3A_334, %squeeze3A_342, %squeeze3A_344 : i32, i32, i32, i32
    }
    %scan3A_329 = arith.constant 160 : i32
    "tpu.region"() ({
      %run_scoped3A_330 = tpu.sem_alloc : memref<!tpu.dma_semaphore, #tpu.memory_space<semaphore_mem>>
      %dma_start3A_331 = arith.constant 0 : i32
      %dma_start3A_332 = tpu.memref_slice %arg7[%multiple_of3A, %dma_start3A_331] : memref<10240x16xf32, #tpu.memory_space<hbm>> -> memref<320x16xf32, #tpu.memory_space<hbm>>
      %dma_start3A_333 = arith.constant 0 : i32
      %dma_start3A_334 = tpu.memref_slice %arg7[%multiple_of3A, %dma_start3A_333] : memref<10240x16xf32, #tpu.memory_space<hbm>> -> memref<320x16xf32, #tpu.memory_space<hbm>>
      tpu.enqueue_dma source(%arg15 : memref<320x16xf32, #tpu.memory_space<vmem>>) target(%dma_start3A_334 : memref<320x16xf32, #tpu.memory_space<hbm>>) target_semaphore(%run_scoped3A_330 : memref<!tpu.dma_semaphore, #tpu.memory_space<semaphore_mem>>)
      %dma_wait3A = arith.constant 0 : i32
      %dma_wait3A_335 = tpu.memref_slice %arg7[%multiple_of3A, %dma_wait3A] : memref<10240x16xf32, #tpu.memory_space<hbm>> -> memref<320x16xf32, #tpu.memory_space<hbm>>
      %dma_wait3A_336 = arith.constant 0 : i32
      %dma_wait3A_337 = tpu.memref_slice %arg7[%multiple_of3A, %dma_wait3A_336] : memref<10240x16xf32, #tpu.memory_space<hbm>> -> memref<320x16xf32, #tpu.memory_space<hbm>>
      tpu.wait_dma2 semaphore(%run_scoped3A_330 : memref<!tpu.dma_semaphore, #tpu.memory_space<semaphore_mem>>) src(%arg15 : memref<320x16xf32, #tpu.memory_space<vmem>>) dst(%dma_wait3A_337 : memref<320x16xf32, #tpu.memory_space<hbm>>)
      tpu.yield
    }) : () -> ()
    return
  }
}

</mosaic_0001>

<sc_bundles>
// kernel: kernel.4.cloned.1.call-start
scs
__scs_entry_jumppad:
0x0: {  	(pc) =	sbr.rel $0x88, $3  }
0x1: {  	(tag) =	ssettag $0x0;
	lr =	simm.s32 $0x1  }
0x2: {  	[smem:$0x3F9C] =	sst lr;
	_ =	strace $0xD0000000  }
0x3: {  	_ = 	snop  }
0x4: {  	_ = 	snop  }
0x5: {  	_ = 	snop  }
0x6: {  	_ = 	snop  }
0x7: {  	_ = 	snop  }
__scs_overlays_trampoline_lowered:
0x8: {  	[smem:$0x3FAB] =	sst s0  }
0x9: {  	[smem:$0x3FAC] =	sst s1  }
0xa: {  	[smem:$0x3FAD] =	sst s2  }
0xb: {  	[smem:$0x3FAE] =	sst s3  }
0xc: {  	[smem:$0x3FAF] =	sst s4  }
0xd: {  	[smem:$0x3FB0] =	sst s5  }
0xe: {  	[smem:$0x3FB1] =	sst s6  }
0xf: {  	[smem:$0x3FB2] =	sst s7  }
0x10: {  	[smem:$0x3FB3] =	sst s8  }
0x11: {  	[smem:$0x3FB4] =	sst s9;
	s0 =	simm.s32 @!p0 $0x0  }
0x12: {  	s1 =	sld [smem:$0x3F9A];
	s0 =	simm.s32 @p0 $0x1  }
0x13: {  	[smem:$0x3FB5] =	sst s0;
	s0 =	simm.s32 @!p1 $0x0  }
0x14: {  	s2 =	sld [smem:$0x3F99];
	s0 =	simm.s32 @p1 $0x1  }
0x15: {  	[smem:$0x3FB6] =	sst s0;
	s0 =	simm.s32 @!p2 $0x0  }
0x16: {  	s3 =	sld [smem:$0x3FDB];
	s0 =	simm.s32 @p2 $0x1  }
0x17: {  	s4 =	simm.s32 $0x1BF5;
	[smem:$0x3FB8] =	sst s0  }
0x18: {  	s0 =	sld [smem:$0x3F9B];
	_ =	swait.ge [sflag:s4], $0x0  }
0x19: {  	s7 =	sld [smem:$0x3F9C]  }
0x1a: {  	s8 =	sadd.s32 $0xFFFFE003, lr  }
0x1b: {  	s9 =	sadd.s32 $0xFFFFFEF7, lr;
	s5 =	simm.s32 $0xFFFFFFFF;
	p2 =	slt.u32 s8, $0xFFFFF086  }
0x1c: {  	p1 =	slt.u32 s9, $0xF7A;
	s5 =	simm.s32 @!p2 $0x0  }
0x1d: {  	s5 =	simm.s32 @p1 $0x1;
	p0 =	seq.s32 s7, s2  }
0x1e: {  	s7 =	smul.u32 @!p0 $0xF7A, s2;
	p2 =	seq.s32 @!p0 s5, $0x0  }
0x1f: {  	s9 =	smul.u32 $0xF7A, s1;
	s8 =	simm.s32 @!p0 $0x1BF5;
	p2 =	por !p2, p0  }
0x20: {  	[sflag:s8] =	ssyncset.s32 @!p0 $0xFFFFF086;
	s6 =	sadd.s32 @!p0 s3, s7;
	s7 =	simm.s32 @!p0 $0x108  }
0x21: {  	s3 =	sadd.s32 s3, s9;
	s6 =	sadd.s32 @!p0 $0x88, s6;
	s7 =	simm.s32 @p2 $0x1082  }
0x22: {  	[simem:s7], [sflag:s8] =	dma.local @!p0 [hbm:s6], $0xF7A  }
0x23: {  	s9 =	sor.u32 $0xD0000000, s2;
	s6 =	simm.s32 $0x108;
	_ =	swait.ge @!p0 [sflag:s8], $0x0  }
0x24: {  	s3 =	sadd.s32 $0x88, s3;
	s6 =	simm.s32 @!p1 $0x1082;
	[sflag:s4] =	ssyncset.s32 $0xFFFFF086  }
0x25: {  	[simem:s6], [sflag:s4] =	dma.local [hbm:s3], $0xF7A  }
0x26: {  	[smem:$0x3F9C] =	sst s1;
	(tag) =	ssettag s2;
	_ =	strace s9  }
0x27: {  	s1 =	sld [smem:$0x3FAC]  }
0x28: {  	s2 =	sld [smem:$0x3FAD]  }
0x29: {  	s4 =	sld [smem:$0x3FAF]  }
0x2a: {  	p0 =	seq.s32 s5, $0x0;
	s5 =	sld [smem:$0x3FB0]  }
0x2b: {  	s6 =	sld [smem:$0x3FB1]  }
0x2c: {  	s7 =	sld [smem:$0x3FB2]  }
0x2d: {  	s3 =	simm.s32 $0x108;
	s8 =	sld [smem:$0x3FB3]  }
0x2e: {  	s3 =	simm.s32 @!p0 $0x1082;
	s9 =	sld [smem:$0x3FB4]  }
0x2f: {  	lr =	sadd.s32 s0, s3;
	s0 =	sld [smem:$0x3FAB]  }
0x30: {  	s3 =	sld [smem:$0x3FAE]  }
0x31: {  	[smem:$0x3FB7] =	sst s10  }
0x32: {  	s10 =	sld [smem:$0x3FB5];
	_ =	sdelay $0x3  }
0x33: {  	p0 =	seq.s32 s10, $0x1;
	s10 =	sld [smem:$0x3FB7];
	_ =	sdelay $0x3  }
0x34: {  	[smem:$0x3FB7] =	sst s10  }
0x35: {  	s10 =	sld [smem:$0x3FB6];
	_ =	sdelay $0x3  }
0x36: {  	p1 =	seq.s32 s10, $0x1;
	s10 =	sld [smem:$0x3FB7];
	_ =	sdelay $0x3  }
0x37: {  	[smem:$0x3FB7] =	sst s10  }
0x38: {  	s10 =	sld [smem:$0x3FB8]  }
0x39: {  	_ = 	snop;
	(pc) =	sbr.ind lr, $3  }
0x3a: {  	_ = 	snop  }
0x3b: {  	_ = 	snop  }
0x3c: {  	p2 =	seq.s32 s10, $0x1;
	s10 =	sld [smem:$0x3FB7]  }
0x3d: {  	_ =	shalt  }
0x3e: {  	_ =	shalt  }
0x3f: {  	_ =	shalt  }
0x40: {  	_ =	shalt  }
0x41: {  	_ =	shalt  }
0x42: {  	_ =	shalt  }
0x43: {  	_ =	shalt  }
0x44: {  	_ =	shalt  }
0x45: {  	_ =	shalt  }
0x46: {  	_ =	shalt  }
0x47: {  	_ =	shalt  }
0x48: {  	_ =	shalt  }
0x49: {  	_ =	shalt  }
0x4a: {  	_ =	shalt  }
0x4b: {  	_ =	shalt  }
0x4c: {  	_ =	shalt  }
0x4d: {  	_ =	shalt  }
0x4e: {  	_ =	shalt  }
0x4f: {  	_ =	shalt  }
0x50: {  	_ =	shalt  }
0x51: {  	_ =	shalt  }
0x52: {  	_ =	shalt  }
0x53: {  	_ =	shalt  }
0x54: {  	_ =	shalt  }
0x55: {  	_ =	shalt  }
0x56: {  	_ =	shalt  }
0x57: {  	_ =	shalt  }
0x58: {  	_ =	shalt  }
0x59: {  	_ =	shalt  }
0x5a: {  	_ =	shalt  }
0x5b: {  	_ =	shalt  }
0x5c: {  	_ =	shalt  }
0x5d: {  	_ =	shalt  }
0x5e: {  	_ =	shalt  }
0x5f: {  	_ =	shalt  }
0x60: {  	_ =	shalt  }
0x61: {  	_ =	shalt  }
0x62: {  	_ =	shalt  }
0x63: {  	_ =	shalt  }
0x64: {  	_ =	shalt  }
0x65: {  	_ =	shalt  }
0x66: {  	_ =	shalt  }
0x67: {  	_ =	shalt  }
0x68: {  	_ =	shalt  }
0x69: {  	_ =	shalt  }
0x6a: {  	_ =	shalt  }
0x6b: {  	_ =	shalt  }
0x6c: {  	_ =	shalt  }
0x6d: {  	_ =	shalt  }
0x6e: {  	_ =	shalt  }
0x6f: {  	_ =	shalt  }
0x70: {  	_ =	shalt  }
0x71: {  	_ =	shalt  }
0x72: {  	_ =	shalt  }
0x73: {  	_ =	shalt  }
0x74: {  	_ =	shalt  }
0x75: {  	_ =	shalt  }
0x76: {  	_ =	shalt  }
0x77: {  	_ =	shalt  }
0x78: {  	_ =	shalt  }
0x79: {  	_ =	shalt  }
0x7a: {  	_ =	shalt  }
0x7b: {  	_ =	shalt  }
0x7c: {  	_ =	shalt  }
0x7d: {  	_ =	shalt  }
0x7e: {  	_ =	shalt  }
0x7f: {  	_ =	shalt  }
0x80: {  	_ =	shalt  }
0x81: {  	_ =	shalt  }
0x82: {  	_ =	shalt  }
0x83: {  	_ =	shalt  }
0x84: {  	_ =	shalt  }
0x85: {  	_ =	shalt  }
0x86: {  	_ =	shalt  }
0x87: {  	_ =	shalt  }
.Lfunc_end0:
.L_simem_size_0:
called_computation.1_lowered:
.L_overlay_start_0:
0x88: {  	s2 =	sld [smem:$0x3FD9]  }
0x89: {  	s3 =	sld [smem:$0x3FFE];
	_ =	sdelay $0x1  }
0x8a: {  	s1 =	srdreg.scid  }
0x8b: {  	s0 =	sand.u32 $0x1, s1  }
0x8c: {  	s17 =	sshll.u32 s0, $0xA;
	s2 =	sadd.s32 s3, s2  }
0x8d: {  	s2 =	sadd.s32 s2, s17  }
0x8e: {  	[smem:$0x3FC3] =	sst s2  }
0x8f: {  	_ = 	snop  }
0x90: {  	s2 =	sld [smem:$0x3FD0];
	(tm) =	ssettm $0x1  }
0x91: {  	s18 =	sld [smem:$0x3FFB];
	_ =	sdelay $0x3  }
0x92: {  	_ =	strace s18  }
0x93: {  	s3 =	sld [smem:$0x3FFC];
	_ =	sdelay $0x3  }
0x94: {  	_ =	strace s3  }
0x95: {  	s3 =	sld [smem:$0x3FFD];
	_ =	sdelay $0x3  }
0x96: {  	_ =	strace s3  }
0x97: {  	_ =	strace $0x8FFFFFFF  }
0x98: {  	s19 =	sld [smem:$0x3FDB];
	_ =	sdelay $0x1  }
0x99: {  	s4 =	simm.s32 $_scs_section_size  }
0x9a: {  	s5 =	simm.s32 $_size__tile_overlayer_lowered;
	s6 =	simm.s32 $_tile_overlayer_lowered  }
0x9b: {  	s22 =	simm.s32 $0x1BFF;
	s21 =	sshll.u32 s6, $0x1;
	s3 =	sadd.s32 s4, s19  }
0x9c: {  	s7 =	simm.s32 $0x0;
	s20 =	sshll.u32 s5, $0x1;
	s5 =	sadd.s32 s21, s3  }
0x9d: {  	[timem:s7], [sflag:s22] =	dma.local [hbm:s5], s20  }
0x9e: {  	_ =	swait.ge [sflag:s22], s20  }
0x9f: {  	s4 =	ssub.s32 $0x0, s20;
	[sflag:s22] =	ssyncset.done $0x0  }
0xa0: {  	[sflag:s22] =	ssyncadd.s32 s4;
	_ =	sdelay $0x1  }
0xa1: {  	s23 =	simm.s32 $0x1B8B  }
0xa2: {  	_ =	swait.ge [sflag:s23], $0x1  }
0xa3: {  	[sflag:s23] =	ssyncset.done $0x0  }
0xa4: {  	s25 =	simm.s32 $0x1B8E;
	s24 =	sld [smem:$0x3FFE];
	[sflag:s23] =	ssyncadd.s32 $0xFFFFFFFF  }
0xa5: {  	s26 =	simm.s32 $execute0_lowered;
	[smem:$0x3FD2] =	sst s25  }
0xa6: {  	s5 =	sshll.u32 s26, $0x1;
	_ =	strace $0x80000049;
	[dreg:$0x1] =	wrdreg $0xFFFFFFFF  }
0xa7: {  	s28 =	simm.s32 $_size_execute0_lowered;
	s3 =	sadd.s32 s3, s5;
	[dreg:$0x0] =	wrdreg $0x0  }
0xa8: {  	s5 =	sshll.u32 s28, $0x1;
	[dreg:$0x2] =	wrdreg s3  }
0xa9: {  	[dreg:$0x3] =	wrdreg s5  }
0xaa: {  	[dreg:$0x4] =	wrdreg $0xC0  }
0xab: {  	_ =	task [dreg:s7], $0x5FFFF  }
0xac: {  	[dreg:$0x1] =	wrdreg $0xFFFFFFFF  }
0xad: {  	[dreg:$0x0] =	wrdreg $0x60  }
0xae: {  	[dreg:$0x2] =	wrdreg s24  }
0xaf: {  	[dreg:$0x3] =	wrdreg s2  }
0xb0: {  	[dreg:$0x4] =	wrdreg $0x9  }
0xb1: {  	_ =	task.clear_ibuf [dreg:s7], $0x5FFFF;
	_ =	strace $0x90000049  }
0xb2: {  	s29 =	simm.s32 $0x9;
	_ =	strace $0x8000004B  }
0xb3: {  	_ =	swait.ge [sflag:s29], $0x1  }
0xb4: {  	[sflag:s29] =	ssyncadd.s32 $0xFFFFFFFF  }
0xb5: {  	_ =	strace $0x9000004B  }
0xb6: {  	_ =	sfence  }
0xb7: {  	s30 =	sld [smem:$0x0];
	_ =	sdelay $0x2  }
0xb8: {  	s31 =	sshll.u32 s1, $0xD;
	s1 =	sshrl.u32 s1, $0x2  }
0xb9: {  	s3 =	sand.u32 $0x4000, s31;
	s1 =	sadd.s32 s1, s30  }
0xba: {  	s0 =	sor.u32 s3, s0;
	s1 =	sshll.u32 s1, $0x11  }
0xbb: {  	s0 =	sor.u32 s1, s0  }
0xbc: {  	s0 =	sadd.s32 $0x8F2B, s0  }
0xbd: {  	[sflag:s0] =	ssyncadd.remote.s32 $0x1  }
0xbe: {  	_ =	sfence.sel $0xFFFF  }
0xbf: {  	[dreg:$0x0] =	wrdreg $0xFFFFFFFF;
	(pc) =	sbr.abs _section_cstart, $3  }
0xc0: {  	[dreg:$0x1] =	wrdreg $0xFFFFFFFF  }
0xc1: {  	_ =	task.clear_ibuf [dreg:s7], $0x2FFFF;
	_ =	strace $0x9FFFFFFF  }
0xc2: {  	(tm) =	ssettm $0x7FFFFFFF  }
0xc3: {  	_ =	shalt  }
tec
execute0_lowered:
.L_overlay_start_1:
0x0: {  	(tag) =	ssettag $0x1  }
0x1: {  	s1 =	srdreg.scid;
	s2 =	stileid.u32  }
0x2: {  	s0 =	rddreg [dreg:$0x0];
	s1 =	sand.u32 $0x1, s1;
	s4 =	sshll.u32 s2, $0x1  }
0x3: {  	s3 =	rddreg [dreg:$0x1];
	s7 =	sor.u32 s1, s4  }
0x4: {  	s14 =	simm.s32 $0x5;
	s2 =	simm.s32 $0x0;
	s11 =	smul.u32 $0x140, s7  }
0x5: {  	s5 =	sadd.s32 $0xFF400, s0;
	s6 =	sadd.s32 $0x63000, s0;
	s9 =	smul.u32 $0x280, s7  }
0x6: {  	[smem:$0x7FF] =	sst s2;
	s1 =	ssub.s32 $0x2, s1;
	s7 =	smul.u32 $0x5000, s7  }
0x7: {  	s4 =	sadd.s32 $0x187E00, s0;
	_ =	strace $0x8000004A;
	s26 =	sshrl.u32 s1, $0x1  }
0x8: {  	s1 =	ssub.s32 s1, s26;
	s29 =	sadd.s32 s6, s7;
	[dreg:$0x3] =	wrdreg s11  }
0x9: {  	s8 =	sshrl.u32 s11, $0x3;
	s30 =	sor.u32 $0x2, s11;
	[dreg:$0x6] =	wrdreg s29  }
.Ltmp0:
0xa: {  	s31 =	smax.u32 s1, $0x1;
	[dreg:$0x7] =	wrdreg s30;
	(pc) =	sbr.rel .LBB2_1-.Ltmp0, $4  }
0xb: {  	s10 =	sadd.s32 s8, s0;
	s3 =	sadd.s32 s3, s8;
	[dreg:$0x9] =	wrdreg s31  }
0xc: {  	s0 =	sadd.s32 s9, s0;
	[dreg:$0x4] =	wrdreg s3;
	s28 =	sadd.s32 $0x161000, s10  }
0xd: {  	s16 =	simm.s32 $0x4600;
	s0 =	sadd.s32 $0x161600, s0;
	[dreg:$0x5] =	wrdreg s28  }
0xe: {  	v0 =	vimm.f32 $0.0e+00;
	v1 =	vlaneseq.u32;
	s21 =	simm.s32 $0x4A00;
	s1 =	simm.s32 $0x0;
	[dreg:$0x8] =	wrdreg s0  }
.LBB2_41:
0xf: {  	s0 =	rddreg [dreg:$0x8];
	s1 =	simm.s32 $0x6FA8  }
0x10: {  	[hbm4b:s0+s2] =	stream.linear.scatter [tilespmem:s1], [sflag:$0x5], $0x1400, $0x38;
	[tilespmem:$0x83A8] =	vst v63  }
0x11: {  	_ =	swait.ge [sflag:s14], $0x1400  }
0x12: {  	s30 =	rddreg [dreg:$0xa]  }
0x13: {  	s31 =	rddreg [dreg:$0x9];
	s1 =	sadd.s32 $0x1, s30  }
0x14: {  	p0 =	sne.s32 s1, s31  }
.Ltmp1:
0x15: {  	_ = 	snop;
	(pc) =	sbr.rel @!p0 .LBB2_42-.Ltmp1, $3  }
0x16: {  	_ =	sdelay $0x1  }
0x17: {  	[sflag:s14] =	ssyncset.done $0x0  }
0x18: {  	[sflag:s14] =	ssyncadd.s32 $0xFFFFEC00  }
.LBB2_1:
0x19: {  	[dreg:$0xa] =	wrdreg s1  }
0x1a: {  	s0 =	rddreg [dreg:$0x4];
	s13 =	simm.s32 $0x6D00  }
0x1b: {  	[tilespmem:s13], [sflag:$0x5] =	stream.linear.gather [hbm4b:s0+s2], $0x148, $0x38;
	[tilespmem:$0x83A8] =	vst v63  }
0x1c: {  	_ =	swait.ge [sflag:s14], $0x148  }
0x1d: {  	[sflag:s14] =	ssyncset.done $0x0  }
0x1e: {  	s17 =	simm.s32 $0x6E58;
	s15 =	rddreg [dreg:$0x5];
	[sflag:s14] =	ssyncadd.s32 $0xFFFFFEB8  }
0x1f: {  	[tilespmem:s17], [sflag:$0x5] =	stream.linear.gather [hbm4b:s15+s2], $0x140, $0x38;
	[tilespmem:$0x83A8] =	vst v63  }
0x20: {  	_ =	swait.ge [sflag:s14], $0x140  }
0x21: {  	[sflag:s14] =	ssyncset.done $0x0  }
0x22: {  	[sflag:s14] =	ssyncadd.s32 $0xFFFFFEC0  }
0x23: {  	[tilespmem:$0x2400] =	vst v0  }
0x24: {  	[tilespmem:$0x4500] =	vst v0  }
0x25: {  	[tilespmem:$0x6C00] =	vst v0  }
0x26: {  	[tilespmem:$0x2410] =	vst v0  }
0x27: {  	[tilespmem:$0x4510] =	vst v0  }
0x28: {  	[tilespmem:$0x6C10] =	vst v0  }
0x29: {  	[tilespmem:$0x2420] =	vst v0  }
0x2a: {  	[tilespmem:$0x4520] =	vst v0  }
0x2b: {  	[tilespmem:$0x6C20] =	vst v0  }
0x2c: {  	[tilespmem:$0x2430] =	vst v0  }
0x2d: {  	[tilespmem:$0x4530] =	vst v0  }
0x2e: {  	[tilespmem:$0x6C30] =	vst v0  }
0x2f: {  	[tilespmem:$0x2440] =	vst v0  }
0x30: {  	[tilespmem:$0x4540] =	vst v0  }
0x31: {  	[tilespmem:$0x6C40] =	vst v0  }
0x32: {  	[tilespmem:$0x2450] =	vst v0  }
0x33: {  	[tilespmem:$0x4550] =	vst v0  }
0x34: {  	[tilespmem:$0x6C50] =	vst v0  }
0x35: {  	[tilespmem:$0x2460] =	vst v0  }
0x36: {  	[tilespmem:$0x4560] =	vst v0  }
0x37: {  	[tilespmem:$0x6C60] =	vst v0  }
0x38: {  	[tilespmem:$0x2470] =	vst v0  }
0x39: {  	[tilespmem:$0x4570] =	vst v0;
	v2 =	vld [tilespmem:$0x6D00]  }
0x3a: {  	[tilespmem:$0x6C70] =	vst v0  }
0x3b: {  	[tilespmem:$0x2480] =	vst v0  }
0x3c: {  	[tilespmem:$0x4580] =	vst v0  }
0x3d: {  	[tilespmem:$0x6C80] =	vst v0  }
0x3e: {  	[tilespmem:$0x2490] =	vst v0;
	(v2sf) =	vpush v2, $0x0  }
0x3f: {  	[tilespmem:$0x4590] =	vst v0  }
0x40: {  	[tilespmem:$0x6C90] =	vst v0  }
0x41: {  	[tilespmem:$0x24A0] =	vst v0;
	(v2sf) =	vpush v2, $0x1  }
0x42: {  	[tilespmem:$0x45A0] =	vst v0;
	(v2sf) =	vpush v2, $0x2  }
0x43: {  	[tilespmem:$0x6CA0] =	vst v0;
	(v2sf) =	vpush v2, $0x3  }
0x44: {  	[tilespmem:$0x24B0] =	vst v0  }
0x45: {  	[tilespmem:$0x45B0] =	vst v0  }
0x46: {  	[tilespmem:$0x6CB0] =	vst v0  }
0x47: {  	[tilespmem:$0x24C0] =	vst v0  }
0x48: {  	[tilespmem:$0x45C0] =	vst v0  }
0x49: {  	[tilespmem:$0x6CC0] =	vst v0  }
0x4a: {  	[tilespmem:$0x24D0] =	vst v0  }
0x4b: {  	[tilespmem:$0x45D0] =	vst v0  }
0x4c: {  	[tilespmem:$0x6CD0] =	vst v0  }
0x4d: {  	[tilespmem:$0x24E0] =	vst v0;
	s8 =	spop (v2sf)  }
0x4e: {  	[tilespmem:$0x45E0] =	vst v0;
	s18 =	sshra.s32 s8, $0x1F  }
0x4f: {  	[tilespmem:$0x6CE0] =	vst v0;
	s0 =	sshrl.u32 s18, $0x1D  }
0x50: {  	[tilespmem:$0x24F0] =	vst v0;
	s29 =	spop (v2sf);
	s19 =	sadd.s32 s0, s8  }
0x51: {  	[tilespmem:$0x45F0] =	vst v0;
	s24 =	spop (v2sf);
	s20 =	sadd.s32 $0xF, s29;
	s3 =	sshrl.u32 s19, $0x3  }
0x52: {  	[tilespmem:$0x6CF0] =	vst v0;
	s0 =	spop (v2sf);
	s1 =	sand.u32 $0xFFFFFFF8, s19;
	s3 =	sadd.s32 s5, s3  }
0x53: {  	[tilespmem:s2], [sflag:$0x5] =	stream.linear.gather [hbm4b:s3+s2], $0x200, $0x38;
	[tilespmem:$0x83A8] =	vst v63  }
0x54: {  	p0 =	sge.s32 s1, s20;
	_ =	swait.ge [sflag:s14], $0x200  }
0x55: {  	s22 =	sadd.s32 $0x80, s1;
	s7 =	simm.s32 @!p0 $0x80;
	[sflag:s14] =	ssyncset.done $0x0  }
0x56: {  	s9 =	simm.s32 @!p0 $0x0;
	s10 =	simm.s32 @!p0 $0x400;
	[sflag:s14] =	ssyncadd.s32 $0xFFFFFE00  }
0x57: {  	[tilespmem:s10], [sflag:$0x1] =	stream.indirect.gather @!p0 [hbm4b:s4+s7], $0x10, s9, s7, $0xb8;
	[tilespmem:$0x83A8] =	vst v63  }
0x58: {  	s25 =	sshra.s32 s29, $0x1F;
	p0 =	sge.s32 s22, s20  }
0x59: {  	s23 =	sadd.s32 $0x100, s1;
	s7 =	simm.s32 @!p0 $0x80;
	s9 =	simm.s32 @!p0 $0xC00  }
0x5a: {  	[tilespmem:s9], [sflag:$0x1] =	stream.indirect.gather @!p0 [hbm4b:s4+s7], $0x10, s7, s7, $0xb8;
	[tilespmem:$0x83A8] =	vst v63  }
0x5b: {  	s26 =	sshrl.u32 s25, $0x1D;
	s1 =	sadd.s32 $0x180, s1;
	p0 =	sge.s32 s23, s20  }
0x5c: {  	s7 =	simm.s32 @!p0 $0x80;
	s10 =	simm.s32 @!p0 $0x100;
	s11 =	simm.s32 @!p0 $0x1400  }
0x5d: {  	[tilespmem:s11], [sflag:$0x1] =	stream.indirect.gather @!p0 [hbm4b:s4+s7], $0x10, s10, s7, $0xb8;
	[tilespmem:$0x83A8] =	vst v63  }
0x5e: {  	s7 =	sadd.s32 s26, s29;
	p0 =	sge.s32 s1, s20  }
0x5f: {  	s1 =	simm.s32 @!p0 $0x80;
	s3 =	simm.s32 @!p0 $0x180;
	s9 =	simm.s32 @!p0 $0x1C00  }
0x60: {  	[tilespmem:s9], [sflag:$0x1] =	stream.indirect.gather @!p0 [hbm4b:s4+s1], $0x10, s3, s1, $0xb8;
	[tilespmem:$0x83A8] =	vst v63  }
.Ltmp2:
0x61: {  	s28 =	sand.u32 $0xFFFFFFF8, s7;
	(pc) =	sbr.rel .LBB2_2-.Ltmp2, $4  }
0x62: {  	s30 =	rddreg [dreg:$0x6];
	s1 =	sshrl.u32 s28, $0x3  }
0x63: {  	[tilespmem:s16], [sflag:$0x3] =	stream.linear.gather [hbm4b:s30+s2], $0x200, $0x38;
	[tilespmem:$0x83A8] =	vst v63  }
0x64: {  	s31 =	simm.s32 $0x200;
	s26 =	simm.s32 $0x0;
	s1 =	sadd.s32 s5, s1  }
0x65: {  	[tilespmem:s31], [sflag:$0x2] =	stream.linear.gather [hbm4b:s1+s2], $0x200, $0x38;
	[tilespmem:$0x83A8] =	vst v63  }
.LBB2_40:
0x66: {  	v6 =	vmov s1;
	_ =	sdelay $0x3  }
0x67: {  	s3 =	simm.s32 $0x6E58  }
0x68: {  	v6 =	vld.idx.msk [tilespmem:v6+s3+$0x0], $0xffff  }
0x69: {  	v2 =	vadd.f32 v2, v5;
	v3 =	vadd.f32 v3, v4  }
0x6a: {  	s26 =	sadd.s32 $0x1, s26  }
0x6b: {  	p0 =	sne.s32 s26, $0xA0;
	v2 =	vadd.f32 v3, v2  }
.Ltmp3:
0x6c: {  	_ = 	snop;
	(pc) =	sbr.rel @!p0 .LBB2_41-.Ltmp3, $4  }
0x6d: {  	v2 =	vadd.f32 v6, v2  }
0x6e: {  	s31 =	sshll.u32 s1, $0x4  }
0x6f: {  	s1 =	sand.u32 $0x3FFFFFF0, s31;
	v2 =	vmax.f32 v2, $0.0e+00  }
0x70: {  	s29 =	smov.u32 s25;
	s8 =	smov.u32 s28;
	[tilespmem:s1+$0x6FA8] =	vst v2  }
.LBB2_2:
0x71: {  	s13 =	sshll.u32 s26, $0x1  }
0x72: {  	v2 =	vld [tilespmem:s13+$0x6D04];
	_ =	sdelay $0x4  }
0x73: {  	(v2sf) =	vpush v2, $0x0  }
0x74: {  	(v2sf) =	vpush v2, $0x1;
	_ =	sdelay $0xc  }
0x75: {  	s28 =	smov.u32 s24;
	s1 =	sshra.s32 s8, $0x1F  }
0x76: {  	s25 =	smov.u32 s0;
	s1 =	sshrl.u32 s1, $0x1D;
	s24 =	spop (v2sf)  }
0x77: {  	s20 =	simm.s32 $0x2;
	s1 =	sadd.s32 s1, s8;
	s0 =	spop (v2sf)  }
0x78: {  	s7 =	sadd.s32 $0xF, s29;
	s17 =	sand.u32 $0xFFFFFFF8, s1;
	_ =	swait.ge [sflag:s20], $0x200  }
0x79: {  	p0 =	sge.s32 s17, s7;
	[sflag:s20] =	ssyncset.done $0x0  }
0x7a: {  	s1 =	simm.s32 @!p0 $0x1;
	[sflag:s20] =	ssyncadd.s32 $0xFFFFFE00  }
0x7b: {  	s3 =	sadd.s32 $0x80, s17;
	_ =	swait.ge @!p0 [sflag:s1], $0x800  }
0x7c: {  	p1 =	sge.s32 s3, s7;
	[sflag:s1] =	ssyncset.done @!p0 $0x0  }
0x7d: {  	[sflag:s1] =	ssyncadd.s32 @!p0 $0xFFFFF800;
	s1 =	simm.s32 @!p1 $0x1  }
0x7e: {  	s22 =	sadd.s32 $0x100, s17;
	_ =	swait.ge @!p1 [sflag:s1], $0x800  }
0x7f: {  	s9 =	sshra.s32 s29, $0x1F;
	p0 =	sge.s32 s22, s7;
	[sflag:s1] =	ssyncset.done @!p1 $0x0  }
0x80: {  	s9 =	sshrl.u32 s9, $0x1D;
	[sflag:s1] =	ssyncadd.s32 @!p1 $0xFFFFF800;
	s1 =	simm.s32 @!p0 $0x1  }
0x81: {  	s31 =	sadd.s32 $0xF, s28;
	s23 =	sadd.s32 $0x180, s17;
	_ =	swait.ge @!p0 [sflag:s1], $0x800  }
0x82: {  	s3 =	sadd.s32 s9, s29;
	p1 =	sge.s32 s23, s7;
	[sflag:s1] =	ssyncset.done @!p0 $0x0  }
0x83: {  	s30 =	sand.u32 $0xFFFFFFF8, s3;
	[sflag:s1] =	ssyncadd.s32 @!p0 $0xFFFFF800;
	s1 =	simm.s32 @!p1 $0x1  }
0x84: {  	s12 =	sshra.s32 s28, $0x1F;
	p0 =	sge.s32 s30, s31;
	_ =	swait.ge @!p1 [sflag:s1], $0x800  }
0x85: {  	s3 =	simm.s32 @!p0 $0x200;
	s10 =	simm.s32 @!p0 $0x0;
	[sflag:s1] =	ssyncset.done @!p1 $0x0  }
0x86: {  	s9 =	simm.s32 @!p0 $0x2500;
	s10 =	simm.s32 @p0 $0x1;
	[sflag:s1] =	ssyncadd.s32 @!p1 $0xFFFFF800  }
0x87: {  	s1 =	simm.s32 @!p0 $0x80;
	[smem:$0x7FC] =	sst s10;
	s10 =	sadd.s32 $0x80, s30  }
0x88: {  	[tilespmem:s9], [sflag:$0x1] =	stream.indirect.gather @!p0 [hbm4b:s4+s1], $0x10, s3, s1, $0xb8;
	[tilespmem:$0x83A8] =	vst v63  }
0x89: {  	s15 =	sshrl.u32 s12, $0x1D;
	s11 =	sadd.s32 $0x100, s30;
	p0 =	sge.s32 s10, s31  }
0x8a: {  	s18 =	sadd.s32 $0x180, s30;
	p2 =	sge.s32 s11, s31;
	s1 =	simm.s32 @!p0 $0x80  }
0x8b: {  	s3 =	simm.s32 @!p0 $0x280;
	s9 =	simm.s32 @!p0 $0x2D00;
	s10 =	simm.s32 @!p0 $0x0  }
0x8c: {  	[tilespmem:s9], [sflag:$0x1] =	stream.indirect.gather @!p0 [hbm4b:s4+s1], $0x10, s3, s1, $0xb8;
	[tilespmem:$0x83A8] =	vst v63  }
0x8d: {  	p3 =	sge.s32 s18, s31;
	s10 =	simm.s32 @p0 $0x1;
	s1 =	simm.s32 @!p2 $0x80  }
0x8e: {  	s9 =	simm.s32 @!p2 $0x300;
	[smem:$0x7FD] =	sst s10;
	s10 =	simm.s32 @!p2 $0x3500  }
0x8f: {  	[tilespmem:s10], [sflag:$0x1] =	stream.indirect.gather @!p2 [hbm4b:s4+s1], $0x10, s9, s1, $0xb8;
	[tilespmem:$0x83A8] =	vst v63  }
0x90: {  	p4 =	seq.s32 s26, $0x9F;
	s3 =	simm.s32 @!p3 $0x80;
	s1 =	sadd.s32 s15, s28  }
0x91: {  	s9 =	simm.s32 @!p3 $0x380;
	s10 =	simm.s32 @!p3 $0x3D00;
	s22 =	sand.u32 $0xFFFFFFF8, s1  }
0x92: {  	[tilespmem:s10], [sflag:$0x1] =	stream.indirect.gather @!p3 [hbm4b:s4+s3], $0x10, s9, s3, $0xb8;
	[tilespmem:$0x83A8] =	vst v63  }
0x93: {  	s19 =	rddreg [dreg:$0x3];
	s3 =	sshrl.u32 @!p4 s22, $0x3  }
0x94: {  	s1 =	sshllo.u32 s26, $0x1;
	s9 =	simm.s32 @!p4 $0x0;
	s3 =	sadd.s32 @!p4 s5, s3  }
0x95: {  	[tilespmem:s9], [sflag:$0x2] =	stream.linear.gather @!p4 [hbm4b:s3+s9], $0x200, $0x38;
	[tilespmem:$0x83A8] =	vst v63  }
0x96: {  	s11 =	ssub.s32 s8, s17;
	s20 =	simm.s32 $0x3;
	s3 =	sadd.s32 s19, s1  }
0x97: {  	s23 =	simm.s32 $0x4800;
	_ =	swait.ge [sflag:s20], $0x200;
	s3 =	smin.u32 s3, $0x270F  }
0x98: {  	p0 =	sgt.s32 s11, $0x0;
	[sflag:s20] =	ssyncset.done $0x0;
	s3 =	sshll.u32 s3, $0x6  }
0x99: {  	s9 =	ssub.s32 s29, s17;
	[sflag:s20] =	ssyncadd.s32 $0xFFFFFE00;
	s3 =	sadd.s32 s6, s3  }
0x9a: {  	[tilespmem:s23], [sflag:$0x3] =	stream.linear.gather [hbm4b:s3+s2], $0x200, $0x38;
	[tilespmem:$0x83A8] =	vst v63  }
0x9b: {  	p1 =	slt.s32 s9, $0x200;
	s10 =	smov.u32 s9;
	s3 =	smov.u32 s11  }
0x9c: {  	s10 =	simm.s32 @!p1 $0x200;
	s3 =	simm.s32 @!p0 $0x0  }
0x9d: {  	s23 =	ssub.s32 s10, s3  }
0x9e: {  	p0 =	sgt.s32 s23, $0x0;
	s10 =	smov.u32 s23  }
0x9f: {  	s10 =	simm.s32 @!p0 $0x0  }
0xa0: {  	s12 =	sadd.s32 $0xF, s10  }
0xa1: {  	p0 =	slt.s32 s12, $0x10  }
.Ltmp4:
0xa2: {  	_ = 	snop;
	(pc) =	sbr.rel @p0 .LBB2_10-.Ltmp4, $3  }
0xa3: {  	_ =	sdelay $0x1  }
0xa4: {  	v5 =	vimm.f32 $0.0e+00  }
0xa5: {  	v4 =	vimm.f32 $0.0e+00;
	v3 =	vimm.f32 $0.0e+00;
	v2 =	vimm.f32 $0.0e+00  }
0xa6: {  	s10 =	sshra.s32 s12, $0x1F  }
0xa7: {  	s15 =	sshrl.u32 s10, $0x1C  }
0xa8: {  	s19 =	sadd.s32 s15, s12  }
0xa9: {  	s15 =	sshra.s32 s19, $0x4  }
0xaa: {  	p0 =	sne.s32 s15, $0x1  }
.Ltmp5:
0xab: {  	s10 =	ssub.s32 s3, s11;
	(pc) =	sbr.rel @!p0 .LBB2_4-.Ltmp5, $4  }
0xac: {  	s20 =	sshll.u32 s3, $0x4;
	v2 =	vadd.s32 s10, v1  }
0xad: {  	s3 =	sand.u32 $0x3FFFFFF0, s20;
	vm0 =	vgt.s32 v2, $0x0  }
0xae: {  	s12 =	sadd.s32 $0x480, s3;
	v4 =	vnsel vm0, $0x0, v2  }
0xaf: {  	v3 =	vimm.f32 $0.0e+00;
	p5 =	por $0x0, $0x0;
	s20 =	sadd.s32 $0x100, s12;
	v2 =	vld [tilespmem:s12+$0xFFFFFFE0];
	s3 =	sadd.s32 $0xFFFFFFFF, s15;
	v17 =	vmin.u32 v4, $0x1FF  }
0xb0: {  	_ =	sdelay $0x3  }
0xb1: {  	v4 =	vld.idx.msk [tilespmem:v17+s16+$0x0], $0xffff  }
0xb2: {  	v9 =	vld [tilespmem:s20+$0xFFFFFFE0]  }
0xb3: {  	v11 =	vld [tilespmem:s12+$0xFFFFFFA0]  }
0xb4: {  	v5 =	vmov s23;
	v12 =	vld [tilespmem:s12+$0xFFFFFF80]  }
0xb5: {  	v15 =	vld [tilespmem:s12+$0x70];
	vm0 =	vgt.s32 v5, v1  }
0xb6: {  	v6 =	vld [tilespmem:s12+$0x50];
	v4 =	vnsel vm0, $0x0, v4  }
0xb7: {  	v10 =	vld [tilespmem:s12+$0x0];
	v13 =	vbroadcast v4, $0x0  }
0xb8: {  	v16 =	vld [tilespmem:s12+$0xFFFFFFB0];
	v7 =	vbroadcast v4, $0xE;
	v14 =	vbroadcast v4, $0x2  }
0xb9: {  	s10 =	sadd.s32 $0x10, s10;
	v21 =	vld [tilespmem:s12+$0xFFFFFFD0];
	v8 =	vbroadcast v4, $0xC;
	v17 =	vbroadcast v4, $0xF  }
0xba: {  	v26 =	vld [tilespmem:s12+$0xFFFFFFF0];
	v20 =	vadd.s32 s10, v1;
	v22 =	vbroadcast v4, $0xA;
	v12 =	vmul.f32 v13, v12  }
0xbb: {  	v18 =	vld [tilespmem:s12+$0x20];
	p0 =	sne.s32 s3, $0x1;
	vm15 =	vgt.s32 v20, $0x0;
	v24 =	vbroadcast v4, $0x1;
	v11 =	vmul.f32 v11, v14  }
.Ltmp6:
0xbc: {  	v19 =	vld [tilespmem:s12+$0xFFFFFF90];
	v14 =	vadd.f32 v12, v3;
	v12 =	vmul.f32 v15, v17;
	v17 =	vbroadcast v4, $0x3;
	(pc) =	sbr.rel @!p0 .LBB2_6-.Ltmp6, $4  }
0xbd: {  	v5 =	vld [tilespmem:s12+$0x60];
	v23 =	vnsel vm15, $0x0, v20;
	v27 =	vbroadcast v4, $0x7;
	v25 =	vbroadcast v4, $0xB  }
0xbe: {  	v20 =	vld [tilespmem:s12+$0x30];
	v15 =	vbroadcast v4, $0x5;
	v28 =	vmul.f32 v16, v17;
	v17 =	vmin.u32 v23, $0x1FF  }
0xbf: {  	s15 =	sadd.s32 $0xFFFFFFFF, s3;
	v13 =	vbroadcast v4, $0x9;
	v27 =	vmul.f32 v26, v27;
	v11 =	vadd.f32 v11, v3;
	v23 =	vld [tilespmem:s12+$0xFFFFFFC0]  }
0xc0: {  	s18 =	sadd.s32 $0x100, s20;
	p5 =	por $0x1, $0x1;
	s3 =	smov.u32 s23;
	v26 =	vld [tilespmem:s12+$0x10];
	v21 =	vmul.f32 v21, v15;
	v15 =	vimm.f32 $0.0e+00;
	v16 =	vimm.f32 $0.0e+00  }
.LBB2_7:
0xc1: {  	v29 =	vld [tilespmem:s18+$0xFFFFFFE0];
	p6 =	sne.s32 s15, $0x1;
	s15 =	sadd.s32 $0xFFFFFFFF, s15;
	v15 =	vadd.f32 v28, v15;
	v28 =	vbroadcast v4, $0x8;
	v18 =	vmul.f32 v18, v22;
	s3 =	sadd.s32 $0xFFFFFFF0, s3  }
0xc2: {  	v22 =	vmov s3;
	v19 =	vmul.f32 v24, v19;
	v24 =	vbroadcast v4, $0x4;
	v30 =	vld [tilespmem:s12+$0x40];
	s12 =	smov.u32 s20;
	s20 =	smov.u32 s18  }
0xc3: {  	v17 =	vld.idx.msk [tilespmem:v17+s16+$0x0], $0xffff;
	vm0 =	vgt.s32 v22, v1;
	v15 =	vadd.f32 v27, v15;
	v20 =	vmul.f32 v20, v25  }
0xc4: {  	v10 =	vmul.f32 v10, v28;
	v16 =	vadd.f32 v19, v16;
	v19 =	vmul.f32 v23, v24  }
0xc5: {  	v22 =	vbroadcast v4, $0x6;
	v13 =	vmul.f32 v26, v13;
	v15 =	vadd.f32 v20, v15  }
0xc6: {  	v4 =	vbroadcast v4, $0xD;
	v20 =	vld [tilespmem:s12+$0xFFFFFFA0];
	v14 =	vadd.f32 v19, v14;
	v16 =	vadd.f32 v21, v16  }
0xc7: {  	v21 =	vmul.f32 v2, v22;
	v2 =	vmovc v9;
	v19 =	vld [tilespmem:s12+$0xFFFFFF80];
	v22 =	vmul.f32 v30, v8;
	v15 =	vadd.f32 v12, v15  }
0xc8: {  	v23 =	vmul.f32 v5, v7;
	v9 =	vmovc v29;
	v12 =	vmul.f32 v6, v4;
	v8 =	vadd.f32 v13, v16;
	v5 =	vld [tilespmem:s12+$0x60]  }
0xc9: {  	v4 =	vnsel vm0, $0x0, v17;
	v11 =	vadd.f32 v21, v11;
	v13 =	vadd.f32 v10, v14;
	v17 =	vld [tilespmem:s12+$0x70]  }
0xca: {  	v14 =	vbroadcast v4, $0x0;
	v7 =	vbroadcast v4, $0xE;
	v6 =	vld [tilespmem:s12+$0x50];
	v16 =	vadd.f32 v12, v8  }
0xcb: {  	v12 =	vbroadcast v4, $0x2;
	v8 =	vbroadcast v4, $0xC;
	v11 =	vadd.f32 v18, v11;
	v10 =	vld [tilespmem:s12+$0x0]  }
0xcc: {  	v18 =	vbroadcast v4, $0xF;
	v14 =	vmul.f32 v14, v19;
	v21 =	vld [tilespmem:s12+$0xFFFFFFB0];
	v19 =	vadd.f32 v22, v13  }
0xcd: {  	s10 =	sadd.s32 $0x10, s10;
	v20 =	vmul.f32 v20, v12;
	v13 =	vbroadcast v4, $0x9;
	v11 =	vadd.f32 v23, v11;
	v26 =	vld [tilespmem:s12+$0xFFFFFFF0]  }
0xce: {  	v22 =	vadd.s32 s10, v1;
	v14 =	vadd.f32 v14, v19;
	v27 =	vld [tilespmem:s12+$0xFFFFFFD0];
	v12 =	vmul.f32 v17, v18  }
.Ltmp7:
0xcf: {  	v29 =	vbroadcast v4, $0x5;
	vm0 =	vgt.s32 v22, $0x0;
	v11 =	vadd.f32 v20, v11;
	v18 =	vld [tilespmem:s12+$0x20];
	(pc) =	sbr.rel @p6 .LBB2_7-.Ltmp7, $4  }
0xd0: {  	v23 =	vbroadcast v4, $0x3;
	v17 =	vnsel vm0, $0x0, v22;
	v22 =	vbroadcast v4, $0xA;
	v19 =	vld [tilespmem:s12+$0xFFFFFF90]  }
0xd1: {  	v24 =	vbroadcast v4, $0x1;
	v30 =	vbroadcast v4, $0x7;
	v17 =	vmin.u32 v17, $0x1FF;
	v20 =	vld [tilespmem:s12+$0x30]  }
0xd2: {  	v25 =	vbroadcast v4, $0xB;
	v28 =	vmul.f32 v21, v23;
	v23 =	vld [tilespmem:s12+$0xFFFFFFC0]  }
0xd3: {  	s18 =	sadd.s32 $0x100, s18;
	v21 =	vmul.f32 v27, v29;
	v27 =	vmul.f32 v26, v30;
	v26 =	vld [tilespmem:s12+$0x10]  }
0xd4: {  	s10 =	smov.u32 s12;
	v29 =	vmov v2;
	s12 =	smov.u32 s20;
	v2 =	vmov v9  }
.LBB2_9:
0xd5: {  	_ =	sdelay $0x2  }
0xd6: {  	v9 =	vadd.f32 @p5 v28, v15;
	v15 =	vbroadcast @p5 v4, $0x8;
	s3 =	sadd.s32 @p5 $0xFFFFFFF0, s3;
	v19 =	vmul.f32 @p5 v24, v19;
	v28 =	vld @p5 [tilespmem:s10+$0x40]  }
0xd7: {  	v24 =	vbroadcast @p5 v4, $0x4;
	v18 =	vmul.f32 @p5 v18, v22;
	v17 =	vld.idx.msk [tilespmem:v17+s16+$0x0], $0xffff;
	s23 =	smov.u32 @p5 s3  }
0xd8: {  	v5 =	vmul.f32 @p5 v5, v7;
	v20 =	vmul.f32 @p5 v20, v25;
	v63 =	vmov s23  }
0xd9: {  	v9 =	vadd.f32 @p5 v27, v9;
	v10 =	vmul.f32 @p5 v10, v15;
	v15 =	vbroadcast @p5 v4, $0x6  }
0xda: {  	v16 =	vadd.f32 @p5 v19, v16;
	v19 =	vmul.f32 @p5 v23, v24;
	v4 =	vbroadcast @p5 v4, $0xD  }
0xdb: {  	vm0 =	vgt.s32 v63, v1;
	v13 =	vmul.f32 @p5 v26, v13;
	v15 =	vmul.f32 @p5 v29, v15  }
0xdc: {  	v4 =	vmul.f32 @p5 v6, v4;
	v8 =	vmul.f32 @p5 v28, v8;
	v6 =	vnsel vm0, $0x0, v17  }
0xdd: {  	v31 =	vld [tilespmem:s12+$0xFFFFFFA0];
	v9 =	vadd.f32 @p5 v20, v9;
	v33 =	vbroadcast v6, $0x0;
	v34 =	vbroadcast v6, $0xE  }
0xde: {  	v32 =	vld [tilespmem:s12+$0xFFFFFF80];
	v16 =	vadd.f32 @p5 v21, v16;
	v35 =	vbroadcast v6, $0x2;
	v37 =	vbroadcast v6, $0xC  }
0xdf: {  	v7 =	vld [tilespmem:s12+$0x70];
	v14 =	vadd.f32 @p5 v19, v14;
	v17 =	vbroadcast v6, $0xF;
	v41 =	vbroadcast v6, $0x9  }
0xe0: {  	v36 =	vld [tilespmem:s12+$0xFFFFFFB0];
	v9 =	vadd.f32 @p5 v12, v9;
	v43 =	vbroadcast v6, $0x5;
	v45 =	vbroadcast v6, $0x3  }
0xe1: {  	v38 =	vld [tilespmem:s12+$0xFFFFFFF0];
	v12 =	vadd.f32 @p5 v13, v16;
	v46 =	vbroadcast v6, $0xA;
	v47 =	vbroadcast v6, $0x1  }
0xe2: {  	v40 =	vld [tilespmem:s12+$0xFFFFFFD0];
	v11 =	vadd.f32 @p5 v15, v11;
	v49 =	vbroadcast v6, $0x7;
	v51 =	vbroadcast v6, $0xB  }
0xe3: {  	v48 =	vld [tilespmem:s12+$0x30];
	v10 =	vadd.f32 @p5 v10, v14;
	v54 =	vbroadcast v6, $0x8;
	v56 =	vbroadcast v6, $0x4  }
0xe4: {  	v44 =	vld [tilespmem:s12+$0xFFFFFF90];
	v58 =	vbroadcast v6, $0x6;
	v6 =	vbroadcast v6, $0xD;
	v4 =	vadd.f32 @p5 v4, v12  }
0xe5: {  	v52 =	vld [tilespmem:s12+$0x10];
	v11 =	vadd.f32 @p5 v18, v11;
	v13 =	vmul.f32 v33, v32;
	v39 =	vmul.f32 v31, v35  }
0xe6: {  	v55 =	vld [tilespmem:s12+$0x0];
	v8 =	vadd.f32 @p5 v8, v10;
	v7 =	vmul.f32 v7, v17;
	v15 =	vmul.f32 v36, v45  }
0xe7: {  	v50 =	vld [tilespmem:s12+$0xFFFFFFC0];
	v12 =	vmul.f32 v40, v43;
	v9 =	vpsel p5, v9, v3;
	v5 =	vadd.f32 @p5 v5, v11  }
0xe8: {  	v53 =	vld [tilespmem:s12+$0x50];
	v18 =	vmul.f32 v38, v49;
	v23 =	vmul.f32 v48, v51;
	v8 =	vpsel p5, v8, v3  }
0xe9: {  	v42 =	vld [tilespmem:s12+$0x20];
	v5 =	vpsel p5, v5, v3;
	v3 =	vpsel p5, v4, v3;
	v4 =	vmul.f32 v47, v44  }
0xea: {  	v59 =	vld [tilespmem:s12+$0x60];
	v60 =	vmul.f32 v52, v41;
	v2 =	vmul.f32 v2, v58  }
0xeb: {  	v57 =	vld [tilespmem:s12+$0x40];
	v61 =	vmul.f32 v55, v54;
	v9 =	vadd.f32 v15, v9;
	v3 =	vadd.f32 v4, v3  }
0xec: {  	v8 =	vadd.f32 v13, v8;
	v5 =	vadd.f32 v39, v5;
	v4 =	vmul.f32 v50, v56  }
0xed: {  	v6 =	vmul.f32 v53, v6;
	v9 =	vadd.f32 v18, v9;
	v3 =	vadd.f32 v12, v3  }
0xee: {  	v11 =	vmul.f32 v42, v46;
	v2 =	vadd.f32 v2, v5;
	v4 =	vadd.f32 v4, v8  }
0xef: {  	v63 =	vmul.f32 v59, v34;
	v9 =	vadd.f32 v23, v9;
	v62 =	vadd.f32 v60, v3  }
0xf0: {  	v5 =	vmul.f32 v57, v37;
	v11 =	vadd.f32 v11, v2;
	v4 =	vadd.f32 v61, v4  }
0xf1: {  	v3 =	vadd.f32 v7, v9;
	v2 =	vadd.f32 v6, v62  }
0xf2: {  	v5 =	vadd.f32 v5, v4;
	v4 =	vadd.f32 v63, v11  }
.LBB2_10:
0xf3: {  	s3 =	sadd.s32 $0x1FF, s9  }
0xf4: {  	p0 =	slt.s32 s3, $0x400  }
.Ltmp8:
0xf5: {  	_ = 	snop;
	(pc) =	sbr.rel @p0 .LBB2_21-.Ltmp8, $1  }
0xf6: {  	_ =	sdelay $0x3  }
.Ltmp9:
0xf7: {  	(pc) =	sbr.rel .LBB2_12-.Ltmp9, $4  }
0xf8: {  	_ = 	snop  }
0xf9: {  	s10 =	sadd.s32 s11, s29  }
0xfa: {  	s9 =	sshrl.u32 s3, $0x9;
	s23 =	ssub.s32 s10, s8  }
0xfb: {  	s11 =	ssub.s32 $0x200, s11;
	s12 =	simm.s32 $0x1;
	s8 =	sadd.s32 $0xFFFFFE00, s23  }
.LBB2_14:
0xfc: {  	v18 =	vmov v3;
	s20 =	smov.u32 s10;
	v19 =	vmov v2  }
.LBB2_19:
0xfd: {  	_ =	sdelay $0x1  }
0xfe: {  	v12 =	vadd.f32 @p5 v31, v18;
	v18 =	vbroadcast @p5 v8, $0x8;
	v22 =	vmul.f32 @p5 v27, v22  }
0xff: {  	s3 =	sadd.s32 @p5 $0xFFFFFFF0, s20;
	v27 =	vbroadcast @p5 v8, $0x4;
	v21 =	vmul.f32 @p5 v21, v24;
	v31 =	vld @p5 [tilespmem:s15+$0x40]  }
0x100: {  	v20 =	vld.idx.msk [tilespmem:v20+s16+$0x0], $0xffff;
	v7 =	vmul.f32 @p5 v7, v10;
	s10 =	smov.u32 @p5 s3;
	v23 =	vmul.f32 @p5 v23, v28  }
0x101: {  	v63 =	vmov s10;
	v19 =	vadd.f32 @p5 v22, v19;
	v22 =	vmul.f32 @p5 v26, v27  }
0x102: {  	v12 =	vadd.f32 @p5 v30, v12;
	v13 =	vmul.f32 @p5 v13, v18;
	v18 =	vbroadcast @p5 v8, $0x6  }
0x103: {  	v33 =	vld [tilespmem:s23+$0x70];
	v8 =	vbroadcast @p5 v8, $0xD;
	vm0 =	vgt.s32 v63, v1;
	v16 =	vmul.f32 @p5 v29, v16  }
0x104: {  	v37 =	vld [tilespmem:s23+$0xFFFFFFB0];
	v12 =	vadd.f32 @p5 v23, v12;
	v19 =	vadd.f32 @p5 v25, v19;
	v18 =	vmul.f32 @p5 v32, v18  }
0x105: {  	v39 =	vld [tilespmem:s23+$0xFFFFFFF0];
	v8 =	vmul.f32 @p5 v9, v8;
	v11 =	vmul.f32 @p5 v31, v11;
	v32 =	vnsel vm0, $0x0, v20  }
0x106: {  	v45 =	vld [tilespmem:s23+$0xFFFFFF90];
	v17 =	vadd.f32 @p5 v22, v17;
	v34 =	vbroadcast v32, $0x0;
	v35 =	vbroadcast v32, $0xE  }
0x107: {  	v30 =	vld [tilespmem:s23+$0xFFFFFF80];
	v12 =	vadd.f32 @p5 v15, v12;
	v36 =	vbroadcast v32, $0x2;
	v38 =	vbroadcast v32, $0xC  }
0x108: {  	v29 =	vld [tilespmem:s23+$0xFFFFFFA0];
	v14 =	vadd.f32 @p5 v18, v14;
	v20 =	vbroadcast v32, $0xF;
	v42 =	vbroadcast v32, $0x9  }
0x109: {  	v49 =	vld [tilespmem:s23+$0x30];
	v15 =	vadd.f32 @p5 v16, v19;
	v44 =	vbroadcast v32, $0x5;
	v46 =	vbroadcast v32, $0x3  }
0x10a: {  	v50 =	vld [tilespmem:s23+$0xFFFFFFC0];
	v47 =	vbroadcast v32, $0xA;
	v48 =	vbroadcast v32, $0x1;
	v14 =	vadd.f32 @p5 v21, v14  }
0x10b: {  	v52 =	vld [tilespmem:s23+$0x10];
	v13 =	vadd.f32 @p5 v13, v17;
	v51 =	vbroadcast v32, $0xB;
	v54 =	vbroadcast v32, $0x8  }
0x10c: {  	v55 =	vld [tilespmem:s23+$0x0];
	v57 =	vbroadcast v32, $0x4;
	v16 =	vmul.f32 v34, v30;
	v7 =	vadd.f32 @p5 v7, v14  }
0x10d: {  	v8 =	vadd.f32 @p5 v8, v15;
	v40 =	vmul.f32 v29, v36;
	v10 =	vmul.f32 v33, v20  }
0x10e: {  	v41 =	vld [tilespmem:s23+$0xFFFFFFD0];
	v18 =	vmul.f32 v37, v46;
	v4 =	vpsel p5, v7, v4;
	v7 =	vbroadcast v32, $0x7  }
0x10f: {  	v3 =	vpsel p5, v12, v3;
	v56 =	vmul.f32 v48, v45;
	v25 =	vmul.f32 v49, v51  }
0x110: {  	v59 =	vld [tilespmem:s23+$0x60];
	v60 =	vmul.f32 v50, v57;
	v3 =	vadd.f32 v18, v3;
	v7 =	vmul.f32 v39, v7  }
0x111: {  	v43 =	vld [tilespmem:s23+$0x20];
	v11 =	vadd.f32 @p5 v11, v13;
	v61 =	vmul.f32 v52, v42;
	v62 =	vmul.f32 v55, v54  }
0x112: {  	v53 =	vld [tilespmem:s23+$0x50];
	v2 =	vpsel p5, v8, v2;
	v3 =	vadd.f32 v7, v3;
	v7 =	vbroadcast v32, $0x6  }
0x113: {  	v58 =	vld [tilespmem:s23+$0x40];
	v5 =	vpsel p5, v11, v5;
	v11 =	vmul.f32 v41, v44;
	v2 =	vadd.f32 v56, v2  }
0x114: {  	v5 =	vadd.f32 v16, v5;
	v4 =	vadd.f32 v40, v4;
	v6 =	vmul.f32 v6, v7  }
0x115: {  	v63 =	vmul.f32 v59, v35;
	v2 =	vadd.f32 v11, v2;
	v7 =	vbroadcast v32, $0xD  }
0x116: {  	v14 =	vmul.f32 v43, v47;
	v5 =	vadd.f32 v60, v5;
	v4 =	vadd.f32 v6, v4  }
0x117: {  	v2 =	vadd.f32 v61, v2;
	v3 =	vadd.f32 v25, v3;
	v7 =	vmul.f32 v53, v7  }
0x118: {  	v5 =	vadd.f32 v62, v5;
	v6 =	vmul.f32 v58, v38;
	v4 =	vadd.f32 v14, v4  }
0x119: {  	v3 =	vadd.f32 v10, v3;
	v2 =	vadd.f32 v7, v2  }
0x11a: {  	v5 =	vadd.f32 v6, v5;
	v4 =	vadd.f32 v63, v4  }
.LBB2_20:
0x11b: {  	s12 =	sadd.s32 $0x1, s12  }
0x11c: {  	p0 =	sne.s32 s12, s9  }
.Ltmp10:
0x11d: {  	_ = 	snop;
	(pc) =	sbr.rel @!p0 .LBB2_21-.Ltmp10, $2  }
0x11e: {  	_ =	sdelay $0x2  }
0x11f: {  	s8 =	sadd.s32 $0xFFFFFE00, s8;
	s11 =	sadd.s32 $0x200, s11  }
.LBB2_12:
0x120: {  	s3 =	sshll.u32 s12, $0x9  }
0x121: {  	s3 =	sadd.s32 s17, s3  }
0x122: {  	s10 =	sshrl.u32 s3, $0x3;
	p5 =	sge.s32 s3, s7;
	s19 =	sadd.s32 $0x80, s3  }
0x123: {  	s20 =	sadd.s32 $0x100, s3;
	s23 =	sadd.s32 $0x180, s3;
	s10 =	sadd.s32 s5, s10  }
0x124: {  	[tilespmem:s21], [sflag:$0x5] =	stream.linear.gather [hbm4b:s10+s2], $0x200, $0x38;
	[tilespmem:$0x83A8] =	vst v63  }
0x125: {  	s15 =	simm.s32 @!p5 $0x4A00;
	s18 =	simm.s32 @!p5 $0x4C00;
	_ =	swait.ge [sflag:s14], $0x200  }
0x126: {  	p6 =	sge.s32 s19, s7;
	p0 =	sge.s32 s20, s7;
	[sflag:s14] =	ssyncset.done $0x0  }
0x127: {  	p1 =	sge.s32 s23, s7;
	s10 =	simm.s32 @!p5 $0x80;
	[sflag:s14] =	ssyncadd.s32 $0xFFFFFE00  }
0x128: {  	[tilespmem:s18], [sflag:$0x4] =	stream.indirect.gather @!p5 [hbm4b:s4+s10], $0x10, s15, s10, $0xb8;
	[tilespmem:$0x83A8] =	vst v63  }
0x129: {  	s10 =	simm.s32 @!p6 $0x80;
	s15 =	simm.s32 @!p6 $0x4A80;
	s18 =	simm.s32 @!p6 $0x5400  }
0x12a: {  	[tilespmem:s18], [sflag:$0x4] =	stream.indirect.gather @!p6 [hbm4b:s4+s10], $0x10, s15, s10, $0xb8;
	[tilespmem:$0x83A8] =	vst v63  }
0x12b: {  	s10 =	simm.s32 @!p0 $0x80;
	s15 =	simm.s32 @!p0 $0x4B00;
	s18 =	simm.s32 @!p0 $0x5C00  }
0x12c: {  	[tilespmem:s18], [sflag:$0x4] =	stream.indirect.gather @!p0 [hbm4b:s4+s10], $0x10, s15, s10, $0xb8;
	[tilespmem:$0x83A8] =	vst v63  }
0x12d: {  	s10 =	simm.s32 @!p1 $0x80;
	s15 =	simm.s32 @!p1 $0x4B80;
	s18 =	simm.s32 @!p1 $0x6400  }
0x12e: {  	[tilespmem:s18], [sflag:$0x4] =	stream.indirect.gather @!p1 [hbm4b:s4+s10], $0x10, s15, s10, $0xb8;
	[tilespmem:$0x83A8] =	vst v63  }
0x12f: {  	s10 =	simm.s32 @!p5 $0x4  }
0x130: {  	_ =	swait.ge @!p5 [sflag:s10], $0x800  }
0x131: {  	[sflag:s10] =	ssyncset.done @!p5 $0x0  }
0x132: {  	[sflag:s10] =	ssyncadd.s32 @!p5 $0xFFFFF800;
	s10 =	simm.s32 @!p6 $0x4  }
0x133: {  	_ =	swait.ge @!p6 [sflag:s10], $0x800  }
0x134: {  	[sflag:s10] =	ssyncset.done @!p6 $0x0  }
0x135: {  	[sflag:s10] =	ssyncadd.s32 @!p6 $0xFFFFF800;
	s10 =	simm.s32 @!p0 $0x4  }
0x136: {  	_ =	swait.ge @!p0 [sflag:s10], $0x800  }
0x137: {  	s3 =	ssub.s32 s29, s3;
	[sflag:s10] =	ssyncset.done @!p0 $0x0  }
0x138: {  	[sflag:s10] =	ssyncadd.s32 @!p0 $0xFFFFF800;
	p0 =	slt.s32 s3, $0x1  }
.Ltmp11:
0x139: {  	_ = 	snop;
	(pc) =	sbr.rel @p0 .LBB2_20-.Ltmp11, $4  }
0x13a: {  	s10 =	simm.s32 @!p1 $0x4  }
0x13b: {  	_ =	swait.ge @!p1 [sflag:s10], $0x800  }
0x13c: {  	[sflag:s10] =	ssyncset.done @!p1 $0x0  }
0x13d: {  	[sflag:s10] =	ssyncadd.s32 @!p1 $0xFFFFF800  }
0x13e: {  	p0 =	sgt.s32 s8, $0x0;
	s3 =	smov.u32 s8  }
0x13f: {  	s3 =	simm.s32 @!p0 $0x0  }
0x140: {  	s3 =	smin.u32 s3, $0x200  }
0x141: {  	s3 =	sadd.s32 $0xF, s3  }
0x142: {  	s3 =	sshrl.u32 s3, $0x4  }
0x143: {  	s10 =	smov.u32 s8;
	p0 =	slt.s32 s8, $0x200;
	s3 =	smax.u32 s3, $0x1  }
0x144: {  	s10 =	simm.s32 @!p0 $0x200;
	p0 =	sne.s32 s3, $0x1  }
.Ltmp12:
0x145: {  	_ = 	snop;
	(pc) =	sbr.rel @!p0 .LBB2_14-.Ltmp12, $4  }
0x146: {  	v6 =	vadd.s32 s11, v1  }
0x147: {  	vm0 =	vgt.s32 v6, $0x0  }
0x148: {  	s23 =	simm.s32 $0x4C80;
	v7 =	vnsel vm0, $0x0, v6  }
0x149: {  	p5 =	por $0x0, $0x0;
	v6 =	vld [tilespmem:s23+$0xFFFFFFE0];
	v20 =	vmin.u32 v7, $0x1FF;
	s18 =	sadd.s32 $0xFFFFFFFF, s3;
	s3 =	simm.s32 $0x4D80  }
0x14a: {  	_ =	sdelay $0x3  }
0x14b: {  	v8 =	vld.idx.msk [tilespmem:v20+s16+$0x0], $0xffff  }
0x14c: {  	v12 =	vld [tilespmem:s3+$0xFFFFFFE0]  }
0x14d: {  	v14 =	vld [tilespmem:s23+$0xFFFFFFA0]  }
0x14e: {  	v15 =	vld [tilespmem:s23+$0xFFFFFF80];
	v9 =	vmov s10  }
0x14f: {  	v7 =	vld [tilespmem:s23+$0x60];
	vm0 =	vgt.s32 v9, v1  }
0x150: {  	v18 =	vld [tilespmem:s23+$0x70];
	v8 =	vnsel vm0, $0x0, v8  }
0x151: {  	v13 =	vld [tilespmem:s23+$0x0];
	v16 =	vbroadcast v8, $0x0  }
0x152: {  	v19 =	vld [tilespmem:s23+$0xFFFFFFB0];
	v17 =	vbroadcast v8, $0x2  }
0x153: {  	v29 =	vld [tilespmem:s23+$0xFFFFFFF0];
	s15 =	sadd.s32 $0x10, s11;
	v20 =	vbroadcast v8, $0xF;
	v15 =	vmul.f32 v16, v15  }
0x154: {  	v30 =	vld [tilespmem:s23+$0xFFFFFFD0];
	v25 =	vadd.s32 s15, v1;
	v10 =	vbroadcast v8, $0xE;
	v11 =	vbroadcast v8, $0xC  }
0x155: {  	v21 =	vld [tilespmem:s23+$0x20];
	p0 =	sne.s32 s18, $0x1;
	v14 =	vmul.f32 v14, v17;
	v17 =	vadd.f32 v15, v5;
	v15 =	vmul.f32 v18, v20  }
.Ltmp13:
0x156: {  	v22 =	vld [tilespmem:s23+$0xFFFFFF90];
	vm15 =	vgt.s32 v25, $0x0;
	v18 =	vbroadcast v8, $0x5;
	v20 =	vbroadcast v8, $0x3;
	(pc) =	sbr.rel @!p0 .LBB2_16-.Ltmp13, $4  }
0x157: {  	v23 =	vld [tilespmem:s23+$0x30];
	v25 =	vnsel vm15, $0x0, v25;
	v24 =	vbroadcast v8, $0xA;
	v27 =	vbroadcast v8, $0x1  }
0x158: {  	v26 =	vld [tilespmem:s23+$0xFFFFFFC0];
	v32 =	vbroadcast v8, $0x7;
	v31 =	vmul.f32 v19, v20;
	v20 =	vmin.u32 v25, $0x1FF  }
0x159: {  	s18 =	sadd.s32 $0xFFFFFFFF, s18;
	v9 =	vld [tilespmem:s23+$0x50];
	v28 =	vbroadcast v8, $0xB;
	v16 =	vbroadcast v8, $0x9;
	v14 =	vadd.f32 v14, v4  }
0x15a: {  	s19 =	simm.s32 $0x4E80;
	p5 =	por $0x1, $0x1;
	s20 =	smov.u32 s10;
	v25 =	vmul.f32 v30, v18;
	v30 =	vmul.f32 v29, v32;
	v29 =	vld [tilespmem:s23+$0x10];
	v19 =	vmovc v2;
	v18 =	vmov v3  }
.LBB2_17:
0x15b: {  	v32 =	vld [tilespmem:s19+$0xFFFFFFE0];
	p6 =	sne.s32 s18, $0x1;
	s18 =	sadd.s32 $0xFFFFFFFF, s18;
	v18 =	vadd.f32 v31, v18;
	v31 =	vbroadcast v8, $0x8;
	v21 =	vmul.f32 v21, v24;
	s20 =	sadd.s32 $0xFFFFFFF0, s20  }
0x15c: {  	v24 =	vmov s20;
	v22 =	vmul.f32 v27, v22;
	v27 =	vbroadcast v8, $0x4;
	v33 =	vld [tilespmem:s23+$0x40];
	s23 =	smov.u32 s3;
	s3 =	smov.u32 s19  }
0x15d: {  	v20 =	vld.idx.msk [tilespmem:v20+s16+$0x0], $0xffff;
	vm0 =	vgt.s32 v24, v1;
	v18 =	vadd.f32 v30, v18;
	v23 =	vmul.f32 v23, v28  }
0x15e: {  	v13 =	vmul.f32 v13, v31;
	v19 =	vadd.f32 v22, v19;
	v22 =	vmul.f32 v26, v27  }
0x15f: {  	v24 =	vbroadcast v8, $0x6;
	v16 =	vmul.f32 v29, v16;
	v18 =	vadd.f32 v23, v18  }
0x160: {  	v8 =	vbroadcast v8, $0xD;
	v23 =	vld [tilespmem:s23+$0xFFFFFFA0];
	v17 =	vadd.f32 v22, v17;
	v19 =	vadd.f32 v25, v19  }
0x161: {  	v24 =	vmul.f32 v6, v24;
	v6 =	vmovc v12;
	v22 =	vld [tilespmem:s23+$0xFFFFFF80];
	v25 =	vmul.f32 v33, v11;
	v18 =	vadd.f32 v15, v18  }
0x162: {  	v26 =	vmul.f32 v7, v10;
	v12 =	vmovc v32;
	v15 =	vmul.f32 v9, v8;
	v11 =	vadd.f32 v16, v19;
	v7 =	vld [tilespmem:s23+$0x60]  }
0x163: {  	v14 =	vadd.f32 v24, v14;
	v8 =	vnsel vm0, $0x0, v20;
	v16 =	vadd.f32 v13, v17;
	v20 =	vld [tilespmem:s23+$0x70]  }
0x164: {  	v17 =	vbroadcast v8, $0x0;
	v10 =	vbroadcast v8, $0xE;
	v9 =	vld [tilespmem:s23+$0x50];
	v19 =	vadd.f32 v15, v11  }
0x165: {  	v14 =	vadd.f32 v21, v14;
	v15 =	vbroadcast v8, $0x2;
	v11 =	vbroadcast v8, $0xC;
	v13 =	vld [tilespmem:s23+$0x0]  }
0x166: {  	v21 =	vbroadcast v8, $0xF;
	v17 =	vmul.f32 v17, v22;
	v28 =	vld [tilespmem:s23+$0xFFFFFFB0];
	v22 =	vadd.f32 v25, v16  }
0x167: {  	s15 =	sadd.s32 $0x10, s15;
	v14 =	vadd.f32 v26, v14;
	v23 =	vmul.f32 v23, v15;
	v16 =	vbroadcast v8, $0x9;
	v29 =	vld [tilespmem:s23+$0xFFFFFFF0]  }
0x168: {  	v24 =	vadd.s32 s15, v1;
	v17 =	vadd.f32 v17, v22;
	v25 =	vld [tilespmem:s23+$0xFFFFFFD0];
	v15 =	vmul.f32 v20, v21  }
.Ltmp14:
0x169: {  	vm0 =	vgt.s32 v24, $0x0;
	v30 =	vbroadcast v8, $0x5;
	v14 =	vadd.f32 v23, v14;
	v21 =	vld [tilespmem:s23+$0x20];
	(pc) =	sbr.rel @p6 .LBB2_17-.Ltmp14, $4  }
0x16a: {  	v26 =	vbroadcast v8, $0x3;
	v20 =	vnsel vm0, $0x0, v24;
	v24 =	vbroadcast v8, $0xA;
	v22 =	vld [tilespmem:s23+$0xFFFFFF90]  }
0x16b: {  	v27 =	vbroadcast v8, $0x1;
	v32 =	vbroadcast v8, $0x7;
	v20 =	vmin.u32 v20, $0x1FF;
	v23 =	vld [tilespmem:s23+$0x30]  }
0x16c: {  	v31 =	vmul.f32 v28, v26;
	v28 =	vbroadcast v8, $0xB;
	v26 =	vld [tilespmem:s23+$0xFFFFFFC0]  }
0x16d: {  	s19 =	sadd.s32 $0x100, s19;
	v25 =	vmul.f32 v25, v30;
	v30 =	vmul.f32 v29, v32;
	v29 =	vld [tilespmem:s23+$0x10]  }
.Ltmp15:
0x16e: {  	(pc) =	sbr.rel .LBB2_19-.Ltmp15, $2  }
0x16f: {  	_ =	sdelay $0x2  }
0x170: {  	s15 =	smov.u32 s23;
	v32 =	vmov v6;
	s23 =	smov.u32 s3;
	v6 =	vmov v12  }
.LBB2_16:
.Ltmp16:
0x171: {  	(pc) =	sbr.rel .LBB2_19-.Ltmp16, $2  }
0x172: {  	_ =	sdelay $0x2  }
0x173: {  	v32 =	vmovc v6;
	v18 =	vmov v3;
	s20 =	smov.u32 s10;
	s15 =	simm.s32 $0x4C80;
	s23 =	simm.s32 $0x4D80;
	v19 =	vmov v2;
	v6 =	vmov v12  }
.LBB2_21:
0x174: {  	v6 =	vmov s13  }
0x175: {  	v6 =	vand.u32 $0xFFFFFFFE, v6  }
0x176: {  	v6 =	vbroadcast v6, $0x0;
	_ =	sdelay $0x4  }
0x177: {  	s3 =	simm.s32 $0x6E58  }
0x178: {  	v6 =	vld.idx.msk [tilespmem:v6+s3+$0x0], $0xffff  }
0x179: {  	v2 =	vadd.f32 v2, v5;
	v3 =	vadd.f32 v3, v4;
	_ =	sdelay $0x1  }
0x17a: {  	v2 =	vadd.f32 v3, v2;
	_ =	sdelay $0x1  }
0x17b: {  	v2 =	vadd.f32 v6, v2  }
0x17c: {  	s18 =	sshll.u32 s26, $0x5  }
0x17d: {  	s3 =	sand.u32 $0x3FFFFFE0, s18;
	v2 =	vmax.f32 v2, $0.0e+00  }
0x17e: {  	[tilespmem:s3+$0x6FA8] =	vst v2;
	s3 =	simm.s32 @!p4 $0x2  }
0x17f: {  	_ =	swait.ge @!p4 [sflag:s3], $0x200  }
0x180: {  	s19 =	sld [smem:$0x7FC];
	_ =	sdelay $0x2  }
0x181: {  	[sflag:s3] =	ssyncset.done @!p4 $0x0;
	p0 =	seq.s32 s19, $0x1  }
0x182: {  	[sflag:s3] =	ssyncadd.s32 @!p4 $0xFFFFFE00;
	s3 =	simm.s32 @!p0 $0x1  }
0x183: {  	_ =	swait.ge @!p0 [sflag:s3], $0x800  }
0x184: {  	s20 =	sld [smem:$0x7FD];
	_ =	sdelay $0x1  }
0x185: {  	[sflag:s3] =	ssyncset.done @!p0 $0x0  }
0x186: {  	[sflag:s3] =	ssyncadd.s32 @!p0 $0xFFFFF800;
	p0 =	seq.s32 s20, $0x1  }
0x187: {  	s3 =	simm.s32 @!p0 $0x1  }
0x188: {  	_ =	swait.ge @!p0 [sflag:s3], $0x800  }
0x189: {  	[sflag:s3] =	ssyncset.done @!p0 $0x0  }
0x18a: {  	[sflag:s3] =	ssyncadd.s32 @!p0 $0xFFFFF800;
	s3 =	simm.s32 @!p2 $0x1  }
0x18b: {  	p0 =	sne.s32 s26, $0x9F;
	_ =	swait.ge @!p2 [sflag:s3], $0x800  }
0x18c: {  	s7 =	sadd.s32 @p0 $0xF, s25;
	[sflag:s3] =	ssyncset.done @!p2 $0x0  }
0x18d: {  	p1 =	sge.s32 @p0 s22, s7;
	[sflag:s3] =	ssyncadd.s32 @!p2 $0xFFFFF800;
	s3 =	simm.s32 @!p3 $0x1  }
0x18e: {  	p1 =	por p1, !p0;
	_ =	swait.ge @!p3 [sflag:s3], $0x800  }
0x18f: {  	s8 =	simm.s32 @!p1 $0x0;
	[sflag:s3] =	ssyncset.done @!p3 $0x0  }
0x190: {  	s9 =	simm.s32 @!p1 $0x400;
	[sflag:s3] =	ssyncadd.s32 @!p3 $0xFFFFF800;
	s3 =	simm.s32 @!p1 $0x80  }
0x191: {  	[tilespmem:s9], [sflag:$0x1] =	stream.indirect.gather @!p1 [hbm4b:s4+s3], $0x10, s8, s3, $0xb8;
	[tilespmem:$0x83A8] =	vst v63  }
0x192: {  	s3 =	sadd.s32 @p0 $0x80, s22  }
0x193: {  	p1 =	sge.s32 @p0 s3, s7  }
0x194: {  	p1 =	por p1, !p0  }
0x195: {  	s3 =	simm.s32 @!p1 $0x80;
	s8 =	simm.s32 @!p1 $0xC00  }
0x196: {  	[tilespmem:s8], [sflag:$0x1] =	stream.indirect.gather @!p1 [hbm4b:s4+s3], $0x10, s3, s3, $0xb8;
	[tilespmem:$0x83A8] =	vst v63  }
0x197: {  	s3 =	sadd.s32 @p0 $0x100, s22  }
0x198: {  	s23 =	sshra.s32 s25, $0x1F;
	p1 =	sge.s32 @p0 s3, s7  }
0x199: {  	s3 =	sshrl.u32 s23, $0x1D;
	p1 =	por p1, !p0  }
0x19a: {  	s8 =	simm.s32 @!p1 $0x80;
	s9 =	simm.s32 @!p1 $0x100;
	s10 =	simm.s32 @!p1 $0x1400  }
0x19b: {  	[tilespmem:s10], [sflag:$0x1] =	stream.indirect.gather @!p1 [hbm4b:s4+s8], $0x10, s9, s8, $0xb8;
	[tilespmem:$0x83A8] =	vst v63  }
0x19c: {  	s3 =	sadd.s32 s3, s25;
	s8 =	sadd.s32 @p0 $0x180, s22  }
0x19d: {  	s3 =	sand.u32 $0xFFFFFFF8, s3;
	p1 =	sge.s32 @p0 s8, s7  }
0x19e: {  	s3 =	sshrl.u32 @p0 s3, $0x3;
	p1 =	por p1, !p0  }
0x19f: {  	s7 =	simm.s32 @!p1 $0x80;
	s8 =	simm.s32 @!p1 $0x180;
	s9 =	simm.s32 @!p1 $0x1C00  }
0x1a0: {  	[tilespmem:s9], [sflag:$0x1] =	stream.indirect.gather @!p1 [hbm4b:s4+s7], $0x10, s8, s7, $0xb8;
	[tilespmem:$0x83A8] =	vst v63  }
0x1a1: {  	s3 =	sadd.s32 @p0 s5, s3;
	s7 =	simm.s32 @p0 $0x0;
	s8 =	simm.s32 @p0 $0x200  }
0x1a2: {  	[tilespmem:s8], [sflag:$0x2] =	stream.linear.gather @p0 [hbm4b:s3+s7], $0x200, $0x38;
	[tilespmem:$0x83A8] =	vst v63  }
0x1a3: {  	s8 =	rddreg [dreg:$0x7]  }
0x1a4: {  	s3 =	simm.s32 @p0 $0x3;
	s8 =	sadd.s32 @p0 s13, s8  }
0x1a5: {  	_ =	swait.ge @p0 [sflag:s3], $0x200;
	s8 =	smin.u32 @p0 s8, $0x270F  }
0x1a6: {  	s9 =	ssub.s32 s29, s30;
	[sflag:s3] =	ssyncset.done @p0 $0x0;
	s8 =	sshll.u32 @p0 s8, $0x6  }
0x1a7: {  	[sflag:s3] =	ssyncadd.s32 @p0 $0xFFFFFE00;
	s3 =	sadd.s32 @p0 s6, s8;
	s8 =	simm.s32 @p0 $0x4600  }
0x1a8: {  	[tilespmem:s8], [sflag:$0x3] =	stream.linear.gather @p0 [hbm4b:s3+s7], $0x200, $0x38;
	[tilespmem:$0x83A8] =	vst v63  }
0x1a9: {  	p1 =	sgt.s32 s9, $0x0;
	s7 =	ssub.s32 s28, s30  }
0x1aa: {  	s3 =	smov.u32 s9;
	p2 =	slt.s32 s7, $0x200;
	s8 =	smov.u32 s7  }
0x1ab: {  	s3 =	simm.s32 @!p1 $0x0;
	s8 =	simm.s32 @!p2 $0x200  }
0x1ac: {  	s11 =	ssub.s32 s8, s3  }
0x1ad: {  	p1 =	sgt.s32 s11, $0x0;
	s8 =	smov.u32 s11  }
0x1ae: {  	s8 =	simm.s32 @!p1 $0x0  }
0x1af: {  	s8 =	sadd.s32 $0xF, s8  }
0x1b0: {  	p1 =	slt.s32 s8, $0x10  }
.Ltmp17:
0x1b1: {  	_ = 	snop;
	(pc) =	sbr.rel @p1 .LBB2_29-.Ltmp17, $4  }
0x1b2: {  	s10 =	simm.s32 @!p0 $0x3  }
0x1b3: {  	_ =	swait.ge @!p0 [sflag:s10], $0x200  }
0x1b4: {  	v5 =	vimm.f32 $0.0e+00;
	[sflag:s10] =	ssyncset.done @!p0 $0x0  }
0x1b5: {  	v4 =	vimm.f32 $0.0e+00;
	v3 =	vimm.f32 $0.0e+00;
	v2 =	vimm.f32 $0.0e+00;
	[sflag:s10] =	ssyncadd.s32 @!p0 $0xFFFFFE00  }
0x1b6: {  	s12 =	sshra.s32 s8, $0x1F  }
0x1b7: {  	s12 =	sshrl.u32 s12, $0x1C  }
0x1b8: {  	s22 =	sadd.s32 s12, s8  }
0x1b9: {  	s12 =	sshra.s32 s22, $0x4  }
0x1ba: {  	s10 =	ssub.s32 s3, s9;
	p1 =	sne.s32 s12, $0x1  }
.Ltmp18:
0x1bb: {  	v2 =	vadd.s32 s10, v1;
	(pc) =	sbr.rel @!p1 .LBB2_23-.Ltmp18, $4  }
0x1bc: {  	s23 =	sshll.u32 s3, $0x4;
	vm0 =	vgt.s32 v2, $0x0  }
0x1bd: {  	s3 =	sand.u32 $0x3FFFFFF0, s23;
	v2 =	vnsel vm0, $0x0, v2  }
0x1be: {  	s8 =	sadd.s32 $0x25F0, s3;
	v4 =	vmin.u32 v2, $0x1FF  }
0x1bf: {  	v3 =	vimm.f32 $0.0e+00;
	p0 =	por $0x0, $0x0;
	v2 =	vld [tilespmem:s8+$0xFFFFFF70];
	s3 =	sadd.s32 $0xFFFFFFFF, s12;
	s12 =	sadd.s32 $0x100, s8;
	v16 =	vor.u32 $0x200, v4  }
0x1c0: {  	_ =	sdelay $0x3  }
0x1c1: {  	v4 =	vld.idx.msk [tilespmem:v16+s16+$0x0], $0xffff  }
0x1c2: {  	v9 =	vld [tilespmem:s12+$0xFFFFFF70]  }
0x1c3: {  	v11 =	vld [tilespmem:s8+$0xFFFFFF30]  }
0x1c4: {  	v5 =	vmov s11;
	v12 =	vld [tilespmem:s8+$0xFFFFFF10]  }
0x1c5: {  	v6 =	vld [tilespmem:s8+$0xFFFFFFE0];
	vm0 =	vgt.s32 v5, v1  }
0x1c6: {  	v14 =	vld [tilespmem:s8+$0x0];
	v4 =	vnsel vm0, $0x0, v4  }
0x1c7: {  	v10 =	vld [tilespmem:s8+$0xFFFFFF90];
	v13 =	vbroadcast v4, $0x0;
	v7 =	vbroadcast v4, $0xE  }
0x1c8: {  	v17 =	vld [tilespmem:s8+$0xFFFFFF40];
	v15 =	vbroadcast v4, $0x2;
	v8 =	vbroadcast v4, $0xC  }
0x1c9: {  	s10 =	sadd.s32 $0x10, s10;
	v22 =	vld [tilespmem:s8+$0xFFFFFF60];
	v28 =	vbroadcast v4, $0x5;
	v21 =	vbroadcast v4, $0xA  }
0x1ca: {  	v26 =	vld [tilespmem:s8+$0xFFFFFF80];
	v16 =	vadd.s32 s10, v1;
	v24 =	vbroadcast v4, $0x1;
	v29 =	vbroadcast v4, $0x7  }
0x1cb: {  	v18 =	vld [tilespmem:s8+$0xFFFFFFB0];
	p1 =	sne.s32 s3, $0x1;
	vm15 =	vgt.s32 v16, $0x0;
	v12 =	vmul.f32 v13, v12;
	v13 =	vbroadcast v4, $0xF  }
.Ltmp19:
0x1cc: {  	v19 =	vld [tilespmem:s8+$0xFFFFFF20];
	v16 =	vnsel vm15, $0x0, v16;
	v25 =	vbroadcast v4, $0xB;
	v15 =	vmul.f32 v11, v15;
	(pc) =	sbr.rel @!p1 .LBB2_25-.Ltmp19, $4  }
0x1cd: {  	v20 =	vld [tilespmem:s8+$0xFFFFFFC0];
	v16 =	vmin.u32 v16, $0x1FF;
	v13 =	vmul.f32 v14, v13;
	v14 =	vbroadcast v4, $0x3  }
0x1ce: {  	v23 =	vld [tilespmem:s8+$0xFFFFFF50];
	v16 =	vor.u32 $0x200, v16;
	v11 =	vbroadcast v4, $0x9;
	v22 =	vmul.f32 v22, v28  }
0x1cf: {  	s13 =	sadd.s32 $0xFFFFFFFF, s3;
	v5 =	vld [tilespmem:s8+$0xFFFFFFF0];
	v28 =	vmul.f32 v26, v29;
	v12 =	vadd.f32 v12, v3;
	v27 =	vmul.f32 v17, v14  }
0x1d0: {  	s15 =	sadd.s32 $0x100, s12;
	p0 =	por $0x1, $0x1;
	s3 =	smov.u32 s11;
	v26 =	vld [tilespmem:s8+$0xFFFFFFA0];
	v14 =	vadd.f32 v15, v3;
	v15 =	vimm.f32 $0.0e+00;
	v17 =	vimm.f32 $0.0e+00  }
.LBB2_26:
0x1d1: {  	v29 =	vld [tilespmem:s15+$0xFFFFFF70];
	p1 =	sne.s32 s13, $0x1;
	s13 =	sadd.s32 $0xFFFFFFFF, s13;
	v15 =	vadd.f32 v27, v15;
	v27 =	vbroadcast v4, $0x8;
	v18 =	vmul.f32 v18, v21;
	s3 =	sadd.s32 $0xFFFFFFF0, s3  }
0x1d2: {  	v21 =	vmov s3;
	v19 =	vmul.f32 v24, v19;
	v24 =	vbroadcast v4, $0x4;
	v30 =	vld [tilespmem:s8+$0xFFFFFFD0];
	s8 =	smov.u32 s12;
	s12 =	smov.u32 s15  }
0x1d3: {  	v16 =	vld.idx.msk [tilespmem:v16+s16+$0x0], $0xffff;
	vm0 =	vgt.s32 v21, v1;
	v15 =	vadd.f32 v28, v15;
	v20 =	vmul.f32 v20, v25  }
0x1d4: {  	v10 =	vmul.f32 v10, v27;
	v17 =	vadd.f32 v19, v17;
	v19 =	vmul.f32 v23, v24  }
0x1d5: {  	v21 =	vbroadcast v4, $0x6;
	v11 =	vmul.f32 v26, v11;
	v15 =	vadd.f32 v20, v15  }
0x1d6: {  	v4 =	vbroadcast v4, $0xD;
	v20 =	vld [tilespmem:s8+$0xFFFFFF30];
	v12 =	vadd.f32 v19, v12;
	v17 =	vadd.f32 v22, v17  }
0x1d7: {  	v21 =	vmul.f32 v2, v21;
	v2 =	vmovc v9;
	v19 =	vld [tilespmem:s8+$0xFFFFFF10];
	v22 =	vmul.f32 v30, v8;
	v15 =	vadd.f32 v13, v15  }
0x1d8: {  	v9 =	vmovc v29;
	v13 =	vmul.f32 v5, v7;
	v8 =	vadd.f32 v11, v17;
	v11 =	vmul.f32 v6, v4;
	v5 =	vld [tilespmem:s8+$0xFFFFFFF0]  }
0x1d9: {  	v14 =	vadd.f32 v21, v14;
	v4 =	vnsel vm0, $0x0, v16;
	v12 =	vadd.f32 v10, v12;
	v6 =	vld [tilespmem:s8+$0xFFFFFFE0]  }
0x1da: {  	v16 =	vbroadcast v4, $0x0;
	v7 =	vbroadcast v4, $0xE;
	v21 =	vld [tilespmem:s8+$0x0];
	v17 =	vadd.f32 v11, v8  }
0x1db: {  	v14 =	vadd.f32 v18, v14;
	v11 =	vbroadcast v4, $0x2;
	v8 =	vbroadcast v4, $0xC;
	v10 =	vld [tilespmem:s8+$0xFFFFFF90]  }
0x1dc: {  	s10 =	sadd.s32 $0x10, s10;
	v12 =	vadd.f32 v22, v12;
	v16 =	vmul.f32 v16, v19;
	v23 =	vld [tilespmem:s8+$0xFFFFFF40];
	v19 =	vbroadcast v4, $0xF  }
0x1dd: {  	v18 =	vadd.s32 s10, v1;
	v22 =	vmul.f32 v20, v11;
	v11 =	vbroadcast v4, $0x9;
	v26 =	vld [tilespmem:s8+$0xFFFFFF80]  }
0x1de: {  	vm0 =	vgt.s32 v18, $0x0;
	v14 =	vadd.f32 v13, v14;
	v12 =	vadd.f32 v16, v12;
	v28 =	vld [tilespmem:s8+$0xFFFFFF60]  }
.Ltmp20:
0x1df: {  	v29 =	vbroadcast v4, $0x5;
	v16 =	vnsel vm0, $0x0, v18;
	v18 =	vld [tilespmem:s8+$0xFFFFFFB0];
	v13 =	vmul.f32 v21, v19;
	(pc) =	sbr.rel @p1 .LBB2_26-.Ltmp20, $4  }
0x1e0: {  	v25 =	vbroadcast v4, $0x3;
	v16 =	vmin.u32 v16, $0x1FF;
	v21 =	vbroadcast v4, $0xA;
	v19 =	vld [tilespmem:s8+$0xFFFFFF20]  }
0x1e1: {  	v24 =	vbroadcast v4, $0x1;
	v30 =	vbroadcast v4, $0x7;
	v16 =	vor.u32 $0x200, v16;
	v20 =	vld [tilespmem:s8+$0xFFFFFFC0]  }
0x1e2: {  	v27 =	vmul.f32 v23, v25;
	v25 =	vbroadcast v4, $0xB;
	v23 =	vld [tilespmem:s8+$0xFFFFFF50]  }
0x1e3: {  	s15 =	sadd.s32 $0x100, s15;
	v14 =	vadd.f32 v22, v14;
	v22 =	vmul.f32 v28, v29;
	v28 =	vmul.f32 v26, v30;
	v26 =	vld [tilespmem:s8+$0xFFFFFFA0]  }
0x1e4: {  	s10 =	smov.u32 s8;
	v29 =	vmov v2;
	s8 =	smov.u32 s12;
	v2 =	vmov v9  }
.LBB2_28:
0x1e5: {  	_ =	sdelay $0x2  }
0x1e6: {  	v9 =	vadd.f32 @p0 v27, v15;
	v15 =	vbroadcast @p0 v4, $0x8;
	s3 =	sadd.s32 @p0 $0xFFFFFFF0, s3;
	v19 =	vmul.f32 @p0 v24, v19;
	v27 =	vld @p0 [tilespmem:s10+$0xFFFFFFD0]  }
0x1e7: {  	v24 =	vbroadcast @p0 v4, $0x4;
	v18 =	vmul.f32 @p0 v18, v21;
	v16 =	vld.idx.msk [tilespmem:v16+s16+$0x0], $0xffff;
	s11 =	smov.u32 @p0 s3  }
0x1e8: {  	v5 =	vmul.f32 @p0 v5, v7;
	v20 =	vmul.f32 @p0 v20, v25;
	v63 =	vmov s11  }
0x1e9: {  	v9 =	vadd.f32 @p0 v28, v9;
	v10 =	vmul.f32 @p0 v10, v15;
	v15 =	vbroadcast @p0 v4, $0x6  }
0x1ea: {  	v17 =	vadd.f32 @p0 v19, v17;
	v19 =	vmul.f32 @p0 v23, v24;
	v4 =	vbroadcast @p0 v4, $0xD  }
0x1eb: {  	vm0 =	vgt.s32 v63, v1;
	v11 =	vmul.f32 @p0 v26, v11;
	v15 =	vmul.f32 @p0 v29, v15  }
0x1ec: {  	v7 =	vld [tilespmem:s8+$0x0];
	v4 =	vmul.f32 @p0 v6, v4;
	v8 =	vmul.f32 @p0 v27, v8;
	v6 =	vnsel vm0, $0x0, v16  }
0x1ed: {  	v33 =	vld [tilespmem:s8+$0xFFFFFF40];
	v9 =	vadd.f32 @p0 v20, v9;
	v30 =	vbroadcast v6, $0x0;
	v31 =	vbroadcast v6, $0xE  }
0x1ee: {  	v36 =	vld [tilespmem:s8+$0xFFFFFF80];
	v17 =	vadd.f32 @p0 v22, v17;
	v32 =	vbroadcast v6, $0x2;
	v16 =	vbroadcast v6, $0xC  }
0x1ef: {  	v39 =	vld [tilespmem:s8+$0xFFFFFF60];
	v12 =	vadd.f32 @p0 v19, v12;
	v35 =	vbroadcast v6, $0xF;
	v38 =	vbroadcast v6, $0x9  }
0x1f0: {  	v28 =	vld [tilespmem:s8+$0xFFFFFF10];
	v9 =	vadd.f32 @p0 v13, v9;
	v40 =	vbroadcast v6, $0x5;
	v43 =	vbroadcast v6, $0x3  }
0x1f1: {  	v41 =	vld [tilespmem:s8+$0xFFFFFFB0];
	v11 =	vadd.f32 @p0 v11, v17;
	v44 =	vbroadcast v6, $0xA;
	v45 =	vbroadcast v6, $0x1  }
0x1f2: {  	v42 =	vld [tilespmem:s8+$0xFFFFFF20];
	v13 =	vadd.f32 @p0 v15, v14;
	v46 =	vbroadcast v6, $0x7;
	v50 =	vbroadcast v6, $0xB  }
0x1f3: {  	v47 =	vld [tilespmem:s8+$0xFFFFFFC0];
	v10 =	vadd.f32 @p0 v10, v12;
	v53 =	vbroadcast v6, $0x8;
	v55 =	vbroadcast v6, $0x4  }
0x1f4: {  	v51 =	vld [tilespmem:s8+$0xFFFFFFA0];
	v58 =	vbroadcast v6, $0x6;
	v6 =	vbroadcast v6, $0xD;
	v4 =	vadd.f32 @p0 v4, v11  }
0x1f5: {  	v29 =	vld [tilespmem:s8+$0xFFFFFF30];
	v34 =	vmul.f32 v30, v28;
	v13 =	vadd.f32 @p0 v18, v13;
	v7 =	vmul.f32 v7, v35  }
0x1f6: {  	v8 =	vadd.f32 @p0 v8, v10;
	v48 =	vmul.f32 v33, v43;
	v18 =	vmul.f32 v39, v40  }
0x1f7: {  	v49 =	vld [tilespmem:s8+$0xFFFFFF50];
	v9 =	vpsel p0, v9, v3;
	v19 =	vmul.f32 v36, v46;
	v5 =	vadd.f32 @p0 v5, v13  }
0x1f8: {  	v54 =	vld [tilespmem:s8+$0xFFFFFF90];
	v56 =	vmul.f32 v41, v44;
	v22 =	vmul.f32 v47, v50;
	v8 =	vpsel p0, v8, v3  }
0x1f9: {  	v52 =	vld [tilespmem:s8+$0xFFFFFFE0];
	v5 =	vpsel p0, v5, v3;
	v3 =	vpsel p0, v4, v3;
	v4 =	vmul.f32 v45, v42  }
0x1fa: {  	v59 =	vld [tilespmem:s8+$0xFFFFFFF0];
	v60 =	vmul.f32 v51, v38;
	v37 =	vmul.f32 v29, v32  }
0x1fb: {  	v57 =	vld [tilespmem:s8+$0xFFFFFFD0];
	v2 =	vmul.f32 v2, v58;
	v9 =	vadd.f32 v48, v9;
	v3 =	vadd.f32 v4, v3  }
0x1fc: {  	v8 =	vadd.f32 v34, v8;
	v5 =	vadd.f32 v37, v5;
	v4 =	vmul.f32 v49, v55  }
0x1fd: {  	v11 =	vmul.f32 v54, v53;
	v9 =	vadd.f32 v19, v9;
	v3 =	vadd.f32 v18, v3  }
0x1fe: {  	v6 =	vmul.f32 v52, v6;
	v2 =	vadd.f32 v2, v5;
	v4 =	vadd.f32 v4, v8  }
0x1ff: {  	v62 =	vmul.f32 v59, v31;
	v9 =	vadd.f32 v22, v9;
	v61 =	vadd.f32 v60, v3  }
0x200: {  	v5 =	vmul.f32 v57, v16;
	v63 =	vadd.f32 v56, v2;
	v4 =	vadd.f32 v11, v4  }
0x201: {  	v3 =	vadd.f32 v7, v9;
	v2 =	vadd.f32 v6, v61  }
0x202: {  	v5 =	vadd.f32 v5, v4;
	v4 =	vadd.f32 v62, v63  }
.LBB2_29:
0x203: {  	s3 =	sadd.s32 $0x1FF, s7  }
0x204: {  	p0 =	slt.s32 s3, $0x400  }
.Ltmp21:
0x205: {  	_ = 	snop;
	(pc) =	sbr.rel @p0 .LBB2_40-.Ltmp21, $1  }
0x206: {  	_ =	sdelay $0x3  }
.Ltmp22:
0x207: {  	(pc) =	sbr.rel .LBB2_31-.Ltmp22, $4  }
0x208: {  	_ = 	snop  }
0x209: {  	s8 =	sadd.s32 s9, s28  }
0x20a: {  	s7 =	sshrl.u32 s3, $0x9;
	s29 =	ssub.s32 s8, s29  }
0x20b: {  	s9 =	ssub.s32 $0x200, s9;
	s13 =	simm.s32 $0x1;
	s8 =	sadd.s32 $0xFFFFFE00, s29  }
.LBB2_33:
0x20c: {  	v17 =	vmov v3;
	s3 =	smov.u32 s12;
	v19 =	vmov v2  }
.LBB2_38:
0x20d: {  	_ =	sdelay $0x2  }
0x20e: {  	v12 =	vadd.f32 @p0 v31, v17;
	v17 =	vbroadcast @p0 v8, $0x8;
	s3 =	sadd.s32 @p0 $0xFFFFFFF0, s3;
	v22 =	vmul.f32 @p0 v27, v22;
	v31 =	vld @p0 [tilespmem:s10+$0x40]  }
0x20f: {  	v27 =	vbroadcast @p0 v8, $0x4;
	v21 =	vmul.f32 @p0 v21, v24;
	v20 =	vld.idx.msk [tilespmem:v20+s16+$0x0], $0xffff;
	s12 =	smov.u32 @p0 s3  }
0x210: {  	v7 =	vmul.f32 @p0 v7, v10;
	v23 =	vmul.f32 @p0 v23, v28;
	v58 =	vmov s12  }
0x211: {  	v12 =	vadd.f32 @p0 v30, v12;
	v13 =	vmul.f32 @p0 v13, v17;
	v17 =	vbroadcast @p0 v8, $0x6  }
0x212: {  	v19 =	vadd.f32 @p0 v22, v19;
	v22 =	vmul.f32 @p0 v25, v27;
	v8 =	vbroadcast @p0 v8, $0xD  }
0x213: {  	v59 =	vld [tilespmem:s11+$0xFFFFFF80];
	vm0 =	vgt.s32 v58, v1;
	v14 =	vmul.f32 @p0 v29, v14;
	v17 =	vmul.f32 @p0 v32, v17  }
0x214: {  	v60 =	vld [tilespmem:s11+$0xFFFFFFA0];
	v8 =	vmul.f32 @p0 v9, v8;
	v11 =	vmul.f32 @p0 v31, v11;
	v9 =	vnsel vm0, $0x0, v20  }
0x215: {  	v61 =	vld [tilespmem:s11+$0x70];
	v62 =	vbroadcast v9, $0x0;
	v63 =	vbroadcast v9, $0xE  }
0x216: {  	v35 =	vld [tilespmem:s11+$0xFFFFFFF0];
	v12 =	vadd.f32 @p0 v23, v12;
	v30 =	vbroadcast v9, $0x2;
	v31 =	vbroadcast v9, $0xC  }
0x217: {  	v40 =	vld [tilespmem:s11+$0x20];
	v19 =	vadd.f32 @p0 v26, v19;
	v34 =	vbroadcast v9, $0xF;
	v37 =	vbroadcast v9, $0x9  }
0x218: {  	v41 =	vld [tilespmem:s11+$0xFFFFFF90];
	v15 =	vadd.f32 @p0 v22, v15;
	v39 =	vbroadcast v9, $0x5;
	v42 =	vbroadcast v9, $0x3  }
0x219: {  	v46 =	vld [tilespmem:s11+$0x30];
	v12 =	vadd.f32 @p0 v16, v12;
	v43 =	vbroadcast v9, $0xA;
	v44 =	vbroadcast v9, $0x1  }
0x21a: {  	v48 =	vld [tilespmem:s11+$0xFFFFFFC0];
	v14 =	vadd.f32 @p0 v14, v19;
	v45 =	vbroadcast v9, $0x7;
	v49 =	vbroadcast v9, $0xB  }
0x21b: {  	v32 =	vld [tilespmem:s11+$0xFFFFFFB0];
	v16 =	vadd.f32 @p0 v17, v18;
	v52 =	vbroadcast v9, $0x8;
	v55 =	vbroadcast v9, $0x4  }
0x21c: {  	v50 =	vld [tilespmem:s11+$0x10];
	v13 =	vadd.f32 @p0 v13, v15;
	v58 =	vbroadcast v9, $0x6;
	v33 =	vmul.f32 v62, v59  }
0x21d: {  	v8 =	vadd.f32 @p0 v8, v14;
	v36 =	vmul.f32 v60, v30;
	v10 =	vmul.f32 v61, v34  }
0x21e: {  	v38 =	vld [tilespmem:s11+$0xFFFFFFD0];
	v11 =	vadd.f32 @p0 v11, v13;
	v22 =	vmul.f32 v35, v45;
	v54 =	vmul.f32 v44, v41  }
0x21f: {  	v53 =	vld [tilespmem:s11+$0x0];
	v16 =	vadd.f32 @p0 v21, v16;
	v56 =	vmul.f32 v40, v43;
	v20 =	vmul.f32 v46, v49  }
0x220: {  	v3 =	vpsel p0, v12, v3;
	v60 =	vmul.f32 v48, v55;
	v47 =	vmul.f32 v32, v42  }
0x221: {  	v59 =	vld [tilespmem:s11+$0x60];
	v61 =	vmul.f32 v50, v37;
	v6 =	vmul.f32 v6, v58;
	v7 =	vadd.f32 @p0 v7, v16  }
0x222: {  	v51 =	vld [tilespmem:s11+$0x50];
	v5 =	vpsel p0, v11, v5;
	v2 =	vpsel p0, v8, v2;
	v3 =	vadd.f32 v47, v3  }
0x223: {  	v57 =	vld [tilespmem:s11+$0x40];
	v2 =	vadd.f32 v54, v2;
	v4 =	vpsel p0, v7, v4;
	v7 =	vmul.f32 v38, v39  }
0x224: {  	v62 =	vmul.f32 v53, v52;
	v5 =	vadd.f32 v33, v5;
	v4 =	vadd.f32 v36, v4  }
0x225: {  	v3 =	vadd.f32 v22, v3;
	v2 =	vadd.f32 v7, v2;
	v7 =	vbroadcast v9, $0xD  }
0x226: {  	v5 =	vadd.f32 v60, v5;
	v63 =	vmul.f32 v59, v63;
	v4 =	vadd.f32 v6, v4  }
0x227: {  	v3 =	vadd.f32 v20, v3;
	v2 =	vadd.f32 v61, v2;
	v7 =	vmul.f32 v51, v7  }
0x228: {  	v6 =	vmul.f32 v57, v31;
	v5 =	vadd.f32 v62, v5;
	v4 =	vadd.f32 v56, v4  }
0x229: {  	v3 =	vadd.f32 v10, v3;
	v2 =	vadd.f32 v7, v2  }
0x22a: {  	v5 =	vadd.f32 v6, v5;
	v4 =	vadd.f32 v63, v4  }
.LBB2_39:
0x22b: {  	s13 =	sadd.s32 $0x1, s13  }
0x22c: {  	p0 =	sne.s32 s13, s7  }
.Ltmp23:
0x22d: {  	_ = 	snop;
	(pc) =	sbr.rel @!p0 .LBB2_40-.Ltmp23, $2  }
0x22e: {  	_ =	sdelay $0x2  }
0x22f: {  	s8 =	sadd.s32 $0xFFFFFE00, s8;
	s9 =	sadd.s32 $0x200, s9  }
.LBB2_31:
0x230: {  	s3 =	sshll.u32 s13, $0x9  }
0x231: {  	s3 =	sadd.s32 s30, s3  }
0x232: {  	s10 =	sshrl.u32 s3, $0x3;
	p0 =	sge.s32 s3, s31;
	s22 =	sadd.s32 $0x80, s3  }
0x233: {  	s23 =	sadd.s32 $0x100, s3;
	s29 =	sadd.s32 $0x180, s3;
	s10 =	sadd.s32 s5, s10  }
0x234: {  	[tilespmem:s21], [sflag:$0x5] =	stream.linear.gather [hbm4b:s10+s2], $0x200, $0x38;
	[tilespmem:$0x83A8] =	vst v63  }
0x235: {  	s11 =	simm.s32 @!p0 $0x4A00;
	s12 =	simm.s32 @!p0 $0x4C00;
	_ =	swait.ge [sflag:s14], $0x200  }
0x236: {  	p1 =	sge.s32 s22, s31;
	p2 =	sge.s32 s23, s31;
	[sflag:s14] =	ssyncset.done $0x0  }
0x237: {  	p3 =	sge.s32 s29, s31;
	s10 =	simm.s32 @!p0 $0x80;
	[sflag:s14] =	ssyncadd.s32 $0xFFFFFE00  }
0x238: {  	[tilespmem:s12], [sflag:$0x4] =	stream.indirect.gather @!p0 [hbm4b:s4+s10], $0x10, s11, s10, $0xb8;
	[tilespmem:$0x83A8] =	vst v63  }
0x239: {  	s10 =	simm.s32 @!p1 $0x80;
	s11 =	simm.s32 @!p1 $0x4A80;
	s12 =	simm.s32 @!p1 $0x5400  }
0x23a: {  	[tilespmem:s12], [sflag:$0x4] =	stream.indirect.gather @!p1 [hbm4b:s4+s10], $0x10, s11, s10, $0xb8;
	[tilespmem:$0x83A8] =	vst v63  }
0x23b: {  	s10 =	simm.s32 @!p2 $0x80;
	s11 =	simm.s32 @!p2 $0x4B00;
	s12 =	simm.s32 @!p2 $0x5C00  }
0x23c: {  	[tilespmem:s12], [sflag:$0x4] =	stream.indirect.gather @!p2 [hbm4b:s4+s10], $0x10, s11, s10, $0xb8;
	[tilespmem:$0x83A8] =	vst v63  }
0x23d: {  	s10 =	simm.s32 @!p3 $0x80;
	s11 =	simm.s32 @!p3 $0x4B80;
	s12 =	simm.s32 @!p3 $0x6400  }
0x23e: {  	[tilespmem:s12], [sflag:$0x4] =	stream.indirect.gather @!p3 [hbm4b:s4+s10], $0x10, s11, s10, $0xb8;
	[tilespmem:$0x83A8] =	vst v63  }
0x23f: {  	s10 =	simm.s32 @!p0 $0x4  }
0x240: {  	_ =	swait.ge @!p0 [sflag:s10], $0x800  }
0x241: {  	[sflag:s10] =	ssyncset.done @!p0 $0x0  }
0x242: {  	[sflag:s10] =	ssyncadd.s32 @!p0 $0xFFFFF800;
	s10 =	simm.s32 @!p1 $0x4  }
0x243: {  	_ =	swait.ge @!p1 [sflag:s10], $0x800  }
0x244: {  	[sflag:s10] =	ssyncset.done @!p1 $0x0  }
0x245: {  	s3 =	ssub.s32 s28, s3;
	[sflag:s10] =	ssyncadd.s32 @!p1 $0xFFFFF800;
	s10 =	simm.s32 @!p2 $0x4  }
0x246: {  	p0 =	slt.s32 s3, $0x1;
	_ =	swait.ge @!p2 [sflag:s10], $0x800  }
.Ltmp24:
0x247: {  	[sflag:s10] =	ssyncset.done @!p2 $0x0;
	(pc) =	sbr.rel @p0 .LBB2_39-.Ltmp24, $4  }
0x248: {  	[sflag:s10] =	ssyncadd.s32 @!p2 $0xFFFFF800;
	s10 =	simm.s32 @!p3 $0x4  }
0x249: {  	_ =	swait.ge @!p3 [sflag:s10], $0x800  }
0x24a: {  	[sflag:s10] =	ssyncset.done @!p3 $0x0  }
0x24b: {  	[sflag:s10] =	ssyncadd.s32 @!p3 $0xFFFFF800  }
0x24c: {  	p0 =	sgt.s32 s8, $0x0;
	s3 =	smov.u32 s8  }
0x24d: {  	s3 =	simm.s32 @!p0 $0x0  }
0x24e: {  	s3 =	smin.u32 s3, $0x200  }
0x24f: {  	s3 =	sadd.s32 $0xF, s3  }
0x250: {  	s3 =	sshrl.u32 s3, $0x4  }
0x251: {  	s3 =	smax.u32 s3, $0x1  }
0x252: {  	p1 =	sne.s32 s3, $0x1  }
.Ltmp25:
0x253: {  	v6 =	vadd.s32 s9, v1;
	(pc) =	sbr.rel @!p1 .LBB2_33-.Ltmp25, $4  }
0x254: {  	vm0 =	vgt.s32 v6, $0x0  }
0x255: {  	s12 =	smov.u32 s8;
	v6 =	vnsel vm0, $0x0, v6  }
0x256: {  	s11 =	simm.s32 $0x4C80;
	s17 =	simm.s32 $0x4D80;
	p0 =	slt.s32 s8, $0x200;
	v7 =	vmin.u32 v6, $0x1FF  }
0x257: {  	s12 =	simm.s32 @!p0 $0x200;
	p0 =	por $0x0, $0x0;
	v6 =	vld [tilespmem:s11+$0xFFFFFFE0];
	v20 =	vor.u32 $0x200, v7;
	s3 =	sadd.s32 $0xFFFFFFFF, s3  }
0x258: {  	_ =	sdelay $0x3  }
0x259: {  	v8 =	vld.idx.msk [tilespmem:v20+s16+$0x0], $0xffff  }
0x25a: {  	v12 =	vld [tilespmem:s17+$0xFFFFFFE0]  }
0x25b: {  	v14 =	vld [tilespmem:s11+$0xFFFFFFA0]  }
0x25c: {  	v15 =	vld [tilespmem:s11+$0xFFFFFF80];
	v9 =	vmov s12  }
0x25d: {  	v7 =	vld [tilespmem:s11+$0x60];
	vm0 =	vgt.s32 v9, v1  }
0x25e: {  	v16 =	vld [tilespmem:s11+$0x70];
	v8 =	vnsel vm0, $0x0, v8  }
0x25f: {  	v13 =	vld [tilespmem:s11+$0x0];
	v17 =	vbroadcast v8, $0x0  }
0x260: {  	v19 =	vld [tilespmem:s11+$0xFFFFFFB0];
	v10 =	vbroadcast v8, $0xE;
	v18 =	vbroadcast v8, $0x2  }
0x261: {  	s10 =	sadd.s32 $0x10, s9;
	v29 =	vld [tilespmem:s11+$0xFFFFFFF0];
	v11 =	vbroadcast v8, $0xC;
	v30 =	vbroadcast v8, $0x5  }
0x262: {  	v26 =	vld [tilespmem:s11+$0xFFFFFFD0];
	v20 =	vadd.s32 s10, v1;
	v15 =	vmul.f32 v17, v15;
	v17 =	vbroadcast v8, $0xF  }
0x263: {  	v21 =	vld [tilespmem:s11+$0x20];
	p1 =	sne.s32 s3, $0x1;
	vm15 =	vgt.s32 v20, $0x0;
	v25 =	vbroadcast v8, $0x3;
	v24 =	vbroadcast v8, $0xA  }
.Ltmp26:
0x264: {  	v22 =	vld [tilespmem:s11+$0xFFFFFF90];
	v27 =	vbroadcast v8, $0x1;
	v16 =	vmul.f32 v16, v17;
	v17 =	vnsel vm15, $0x0, v20;
	(pc) =	sbr.rel @!p1 .LBB2_35-.Ltmp26, $4  }
0x265: {  	v23 =	vld [tilespmem:s11+$0x30];
	v32 =	vbroadcast v8, $0x7;
	v28 =	vbroadcast v8, $0xB;
	v17 =	vmin.u32 v17, $0x1FF  }
0x266: {  	v9 =	vld [tilespmem:s11+$0x50];
	v18 =	vmul.f32 v14, v18;
	v31 =	vmul.f32 v19, v25;
	v20 =	vor.u32 $0x200, v17  }
0x267: {  	s15 =	sadd.s32 $0xFFFFFFFF, s3;
	v25 =	vld [tilespmem:s11+$0xFFFFFFC0];
	v26 =	vmul.f32 v26, v30;
	v30 =	vmul.f32 v29, v32  }
0x268: {  	s18 =	simm.s32 $0x4E80;
	p0 =	por $0x1, $0x1;
	s3 =	smov.u32 s12;
	v14 =	vbroadcast v8, $0x9;
	v29 =	vld [tilespmem:s11+$0x10];
	v19 =	vmovc v2;
	v15 =	vadd.f32 v15, v5;
	v18 =	vadd.f32 v18, v4;
	v17 =	vmovc v3  }
.LBB2_36:
0x269: {  	v32 =	vld [tilespmem:s18+$0xFFFFFFE0];
	p1 =	sne.s32 s15, $0x1;
	s15 =	sadd.s32 $0xFFFFFFFF, s15;
	v17 =	vadd.f32 v31, v17;
	v31 =	vbroadcast v8, $0x8;
	v21 =	vmul.f32 v21, v24;
	s3 =	sadd.s32 $0xFFFFFFF0, s3  }
0x26a: {  	v24 =	vmov s3;
	v22 =	vmul.f32 v27, v22;
	v27 =	vbroadcast v8, $0x4;
	v33 =	vld [tilespmem:s11+$0x40];
	s11 =	smov.u32 s17;
	s17 =	smov.u32 s18  }
0x26b: {  	v20 =	vld.idx.msk [tilespmem:v20+s16+$0x0], $0xffff;
	vm0 =	vgt.s32 v24, v1;
	v17 =	vadd.f32 v30, v17;
	v23 =	vmul.f32 v23, v28  }
0x26c: {  	v13 =	vmul.f32 v13, v31;
	v19 =	vadd.f32 v22, v19;
	v22 =	vmul.f32 v25, v27  }
0x26d: {  	v24 =	vbroadcast v8, $0x6;
	v14 =	vmul.f32 v29, v14;
	v17 =	vadd.f32 v23, v17  }
0x26e: {  	v8 =	vbroadcast v8, $0xD;
	v23 =	vld [tilespmem:s11+$0xFFFFFFA0];
	v15 =	vadd.f32 v22, v15;
	v19 =	vadd.f32 v26, v19  }
0x26f: {  	v24 =	vmul.f32 v6, v24;
	v6 =	vmovc v12;
	v22 =	vld [tilespmem:s11+$0xFFFFFF80];
	v25 =	vmul.f32 v33, v11;
	v17 =	vadd.f32 v16, v17  }
0x270: {  	v12 =	vmovc v32;
	v16 =	vmul.f32 v7, v10;
	v11 =	vadd.f32 v14, v19;
	v14 =	vmul.f32 v9, v8;
	v7 =	vld [tilespmem:s11+$0x60]  }
0x271: {  	v18 =	vadd.f32 v24, v18;
	v8 =	vnsel vm0, $0x0, v20;
	v15 =	vadd.f32 v13, v15;
	v9 =	vld [tilespmem:s11+$0x50]  }
0x272: {  	v20 =	vbroadcast v8, $0x0;
	v10 =	vbroadcast v8, $0xE;
	v24 =	vld [tilespmem:s11+$0x70];
	v19 =	vadd.f32 v14, v11  }
0x273: {  	v18 =	vadd.f32 v21, v18;
	v14 =	vbroadcast v8, $0x2;
	v11 =	vbroadcast v8, $0xC;
	v13 =	vld [tilespmem:s11+$0x0]  }
0x274: {  	s10 =	sadd.s32 $0x10, s10;
	v15 =	vadd.f32 v25, v15;
	v20 =	vmul.f32 v20, v22;
	v26 =	vld [tilespmem:s11+$0xFFFFFFB0];
	v22 =	vbroadcast v8, $0xF  }
0x275: {  	v21 =	vadd.s32 s10, v1;
	v29 =	vmul.f32 v23, v14;
	v14 =	vbroadcast v8, $0x9;
	v30 =	vld [tilespmem:s11+$0xFFFFFFF0]  }
0x276: {  	vm0 =	vgt.s32 v21, $0x0;
	v18 =	vadd.f32 v16, v18;
	v15 =	vadd.f32 v20, v15;
	v32 =	vld [tilespmem:s11+$0xFFFFFFD0]  }
.Ltmp27:
0x277: {  	v33 =	vbroadcast v8, $0x5;
	v20 =	vnsel vm0, $0x0, v21;
	v21 =	vld [tilespmem:s11+$0x20];
	v16 =	vmul.f32 v24, v22;
	(pc) =	sbr.rel @p1 .LBB2_36-.Ltmp27, $4  }
0x278: {  	v25 =	vbroadcast v8, $0x3;
	v20 =	vmin.u32 v20, $0x1FF;
	v24 =	vbroadcast v8, $0xA;
	v22 =	vld [tilespmem:s11+$0xFFFFFF90]  }
0x279: {  	v27 =	vbroadcast v8, $0x1;
	v34 =	vbroadcast v8, $0x7;
	v20 =	vor.u32 $0x200, v20;
	v23 =	vld [tilespmem:s11+$0x30]  }
0x27a: {  	v28 =	vbroadcast v8, $0xB;
	v31 =	vmul.f32 v26, v25;
	v25 =	vld [tilespmem:s11+$0xFFFFFFC0]  }
0x27b: {  	s18 =	sadd.s32 $0x100, s18;
	v18 =	vadd.f32 v29, v18;
	v30 =	vmul.f32 v30, v34;
	v26 =	vmul.f32 v32, v33;
	v29 =	vld [tilespmem:s11+$0x10]  }
.Ltmp28:
0x27c: {  	(pc) =	sbr.rel .LBB2_38-.Ltmp28, $2  }
0x27d: {  	_ =	sdelay $0x2  }
0x27e: {  	s10 =	smov.u32 s11;
	v32 =	vmov v6;
	s11 =	smov.u32 s17;
	v6 =	vmov v12  }
.LBB2_35:
.Ltmp29:
0x27f: {  	(pc) =	sbr.rel .LBB2_38-.Ltmp29, $2  }
0x280: {  	_ =	sdelay $0x2  }
0x281: {  	v32 =	vmovc v6;
	v17 =	vmov v3;
	s3 =	smov.u32 s12;
	s10 =	simm.s32 $0x4C80;
	s11 =	simm.s32 $0x4D80;
	v19 =	vmov v2;
	v6 =	vmov v12  }
.LBB2_4:
.Ltmp30:
0x282: {  	(pc) =	sbr.rel .LBB2_9-.Ltmp30, $2  }
0x283: {  	_ =	sdelay $0x2  }
0x284: {  	v15 =	vimm.f32 $0.0e+00;
	s3 =	smov.u32 s23;
	v16 =	vimm.f32 $0.0e+00  }
.LBB2_23:
.Ltmp31:
0x285: {  	(pc) =	sbr.rel .LBB2_28-.Ltmp31, $2  }
0x286: {  	_ =	sdelay $0x2  }
0x287: {  	v15 =	vimm.f32 $0.0e+00;
	s3 =	smov.u32 s11;
	v17 =	vimm.f32 $0.0e+00  }
.LBB2_6:
.Ltmp32:
0x288: {  	(pc) =	sbr.rel .LBB2_9-.Ltmp32, $2  }
0x289: {  	_ =	sdelay $0x2  }
0x28a: {  	s10 =	smov.u32 s12;
	v29 =	vmovc v2;
	v15 =	vimm.f32 $0.0e+00;
	s3 =	smov.u32 s23;
	s12 =	smov.u32 s20;
	v16 =	vimm.f32 $0.0e+00;
	v2 =	vmov v9  }
.LBB2_25:
.Ltmp33:
0x28b: {  	(pc) =	sbr.rel .LBB2_28-.Ltmp33, $2  }
0x28c: {  	_ =	sdelay $0x2  }
0x28d: {  	s10 =	smov.u32 s8;
	v29 =	vmovc v2;
	v15 =	vimm.f32 $0.0e+00;
	s3 =	smov.u32 s11;
	s8 =	smov.u32 s12;
	v17 =	vimm.f32 $0.0e+00;
	v2 =	vmov v9  }
.LBB2_42:
0x28e: {  	_ =	sfence.sel $0x180000  }
0x28f: {  	[bflag:$0x0] =	sbarrier.arrive $0xFFFF  }
0x290: {  	_ =	strace $0x9000004A  }
0x291: {  	s0 =	stileid.u32;
	[bflag:$0x2] =	sbarrier.arrive $0xFFFF  }
0x292: {  	p0 =	sne.s32 s0, $0x0;
	s0 =	rddreg [dreg:$0x2]  }
0x293: {  	s0 =	sadd.s32 @!p0 $0x100000, s0  }
0x294: {  	[sflag:s0] =	ssyncadd.tile.s32 @!p0 $0x1;
	_ =	shalt  }
.Lfunc_end2:
_tile_overlayer_lowered:
.L_overlay_start_2:
0x295: {  	(tag) =	ssettag $0x2  }
0x296: {  	s0 =	rddreg [dreg:$0x0];
	s2 =	stileid.u32  }
0x297: {  	s1 =	rddreg [dreg:$0x1];
	p0 =	sne.s32 s2, $0x0  }
0x298: {  	s3 =	rddreg [dreg:$0x2];
	[bflag:$0x3] =	sbarrier.arrive $0xFFFF;
	s2 =	simm.s32 @!p0 $0x1C05  }
0x299: {  	[timem:s3], [sflag:s2] =	dma.local @!p0 [hbm:s0], s1  }
0x29a: {  	s0 =	simm.s32 @!p0 $0x5  }
0x29b: {  	_ =	swait.ge @!p0 [sflag:s0], s1  }
0x29c: {  	s1 =	ssub.s32 @!p0 $0x0, s1;
	[sflag:s0] =	ssyncset.done @!p0 $0x0  }
0x29d: {  	[sflag:s0] =	ssyncadd.s32 @!p0 s1  }
0x29e: {  	[bflag:$0x3] =	sbarrier.arrive $0xFFFF  }
0x29f: {  	_ =	shalt  }

// kernel: scatter_offload_async_start
scs
__scs_entry_jumppad:
0x0: {  	(pc) =	sbr.rel $0x88, $3  }
0x1: {  	(tag) =	ssettag $0x0;
	lr =	simm.s32 $0x1  }
0x2: {  	[smem:$0x3F9C] =	sst lr;
	_ =	strace $0xD0000000  }
0x3: {  	_ = 	snop  }
0x4: {  	_ = 	snop  }
0x5: {  	_ = 	snop  }
0x6: {  	_ = 	snop  }
0x7: {  	_ = 	snop  }
__scs_overlays_trampoline_lowered:
0x8: {  	[smem:$0x3FAB] =	sst s0  }
0x9: {  	[smem:$0x3FAC] =	sst s1  }
0xa: {  	[smem:$0x3FAD] =	sst s2  }
0xb: {  	[smem:$0x3FAE] =	sst s3  }
0xc: {  	[smem:$0x3FAF] =	sst s4  }
0xd: {  	[smem:$0x3FB0] =	sst s5  }
0xe: {  	[smem:$0x3FB1] =	sst s6  }
0xf: {  	[smem:$0x3FB2] =	sst s7  }
0x10: {  	[smem:$0x3FB3] =	sst s8  }
0x11: {  	[smem:$0x3FB4] =	sst s9;
	s0 =	simm.s32 @!p0 $0x0  }
0x12: {  	s1 =	sld [smem:$0x3F9A];
	s0 =	simm.s32 @p0 $0x1  }
0x13: {  	[smem:$0x3FB5] =	sst s0;
	s0 =	simm.s32 @!p1 $0x0  }
0x14: {  	s2 =	sld [smem:$0x3F99];
	s0 =	simm.s32 @p1 $0x1  }
0x15: {  	[smem:$0x3FB6] =	sst s0;
	s0 =	simm.s32 @!p2 $0x0  }
0x16: {  	s3 =	sld [smem:$0x3FDB];
	s0 =	simm.s32 @p2 $0x1  }
0x17: {  	s4 =	simm.s32 $0x1BF5;
	[smem:$0x3FB8] =	sst s0  }
0x18: {  	s0 =	sld [smem:$0x3F9B];
	_ =	swait.ge [sflag:s4], $0x0  }
0x19: {  	s7 =	sld [smem:$0x3F9C]  }
0x1a: {  	s8 =	sadd.s32 $0xFFFFE003, lr  }
0x1b: {  	s9 =	sadd.s32 $0xFFFFFEF7, lr;
	s5 =	simm.s32 $0xFFFFFFFF;
	p2 =	slt.u32 s8, $0xFFFFF086  }
0x1c: {  	p1 =	slt.u32 s9, $0xF7A;
	s5 =	simm.s32 @!p2 $0x0  }
0x1d: {  	s5 =	simm.s32 @p1 $0x1;
	p0 =	seq.s32 s7, s2  }
0x1e: {  	s7 =	smul.u32 @!p0 $0xF7A, s2;
	p2 =	seq.s32 @!p0 s5, $0x0  }
0x1f: {  	s9 =	smul.u32 $0xF7A, s1;
	s8 =	simm.s32 @!p0 $0x1BF5;
	p2 =	por !p2, p0  }
0x20: {  	[sflag:s8] =	ssyncset.s32 @!p0 $0xFFFFF086;
	s6 =	sadd.s32 @!p0 s3, s7;
	s7 =	simm.s32 @!p0 $0x108  }
0x21: {  	s3 =	sadd.s32 s3, s9;
	s6 =	sadd.s32 @!p0 $0x88, s6;
	s7 =	simm.s32 @p2 $0x1082  }
0x22: {  	[simem:s7], [sflag:s8] =	dma.local @!p0 [hbm:s6], $0xF7A  }
0x23: {  	s9 =	sor.u32 $0xD0000000, s2;
	s6 =	simm.s32 $0x108;
	_ =	swait.ge @!p0 [sflag:s8], $0x0  }
0x24: {  	s3 =	sadd.s32 $0x88, s3;
	s6 =	simm.s32 @!p1 $0x1082;
	[sflag:s4] =	ssyncset.s32 $0xFFFFF086  }
0x25: {  	[simem:s6], [sflag:s4] =	dma.local [hbm:s3], $0xF7A  }
0x26: {  	[smem:$0x3F9C] =	sst s1;
	(tag) =	ssettag s2;
	_ =	strace s9  }
0x27: {  	s1 =	sld [smem:$0x3FAC]  }
0x28: {  	s2 =	sld [smem:$0x3FAD]  }
0x29: {  	s4 =	sld [smem:$0x3FAF]  }
0x2a: {  	p0 =	seq.s32 s5, $0x0;
	s5 =	sld [smem:$0x3FB0]  }
0x2b: {  	s6 =	sld [smem:$0x3FB1]  }
0x2c: {  	s7 =	sld [smem:$0x3FB2]  }
0x2d: {  	s3 =	simm.s32 $0x108;
	s8 =	sld [smem:$0x3FB3]  }
0x2e: {  	s3 =	simm.s32 @!p0 $0x1082;
	s9 =	sld [smem:$0x3FB4]  }
0x2f: {  	lr =	sadd.s32 s0, s3;
	s0 =	sld [smem:$0x3FAB]  }
0x30: {  	s3 =	sld [smem:$0x3FAE]  }
0x31: {  	[smem:$0x3FB7] =	sst s10  }
0x32: {  	s10 =	sld [smem:$0x3FB5];
	_ =	sdelay $0x3  }
0x33: {  	p0 =	seq.s32 s10, $0x1;
	s10 =	sld [smem:$0x3FB7];
	_ =	sdelay $0x3  }
0x34: {  	[smem:$0x3FB7] =	sst s10  }
0x35: {  	s10 =	sld [smem:$0x3FB6];
	_ =	sdelay $0x3  }
0x36: {  	p1 =	seq.s32 s10, $0x1;
	s10 =	sld [smem:$0x3FB7];
	_ =	sdelay $0x3  }
0x37: {  	[smem:$0x3FB7] =	sst s10  }
0x38: {  	s10 =	sld [smem:$0x3FB8]  }
0x39: {  	_ = 	snop;
	(pc) =	sbr.ind lr, $3  }
0x3a: {  	_ = 	snop  }
0x3b: {  	_ = 	snop  }
0x3c: {  	p2 =	seq.s32 s10, $0x1;
	s10 =	sld [smem:$0x3FB7]  }
0x3d: {  	_ =	shalt  }
0x3e: {  	_ =	shalt  }
0x3f: {  	_ =	shalt  }
0x40: {  	_ =	shalt  }
0x41: {  	_ =	shalt  }
0x42: {  	_ =	shalt  }
0x43: {  	_ =	shalt  }
0x44: {  	_ =	shalt  }
0x45: {  	_ =	shalt  }
0x46: {  	_ =	shalt  }
0x47: {  	_ =	shalt  }
0x48: {  	_ =	shalt  }
0x49: {  	_ =	shalt  }
0x4a: {  	_ =	shalt  }
0x4b: {  	_ =	shalt  }
0x4c: {  	_ =	shalt  }
0x4d: {  	_ =	shalt  }
0x4e: {  	_ =	shalt  }
0x4f: {  	_ =	shalt  }
0x50: {  	_ =	shalt  }
0x51: {  	_ =	shalt  }
0x52: {  	_ =	shalt  }
0x53: {  	_ =	shalt  }
0x54: {  	_ =	shalt  }
0x55: {  	_ =	shalt  }
0x56: {  	_ =	shalt  }
0x57: {  	_ =	shalt  }
0x58: {  	_ =	shalt  }
0x59: {  	_ =	shalt  }
0x5a: {  	_ =	shalt  }
0x5b: {  	_ =	shalt  }
0x5c: {  	_ =	shalt  }
0x5d: {  	_ =	shalt  }
0x5e: {  	_ =	shalt  }
0x5f: {  	_ =	shalt  }
0x60: {  	_ =	shalt  }
0x61: {  	_ =	shalt  }
0x62: {  	_ =	shalt  }
0x63: {  	_ =	shalt  }
0x64: {  	_ =	shalt  }
0x65: {  	_ =	shalt  }
0x66: {  	_ =	shalt  }
0x67: {  	_ =	shalt  }
0x68: {  	_ =	shalt  }
0x69: {  	_ =	shalt  }
0x6a: {  	_ =	shalt  }
0x6b: {  	_ =	shalt  }
0x6c: {  	_ =	shalt  }
0x6d: {  	_ =	shalt  }
0x6e: {  	_ =	shalt  }
0x6f: {  	_ =	shalt  }
0x70: {  	_ =	shalt  }
0x71: {  	_ =	shalt  }
0x72: {  	_ =	shalt  }
0x73: {  	_ =	shalt  }
0x74: {  	_ =	shalt  }
0x75: {  	_ =	shalt  }
0x76: {  	_ =	shalt  }
0x77: {  	_ =	shalt  }
0x78: {  	_ =	shalt  }
0x79: {  	_ =	shalt  }
0x7a: {  	_ =	shalt  }
0x7b: {  	_ =	shalt  }
0x7c: {  	_ =	shalt  }
0x7d: {  	_ =	shalt  }
0x7e: {  	_ =	shalt  }
0x7f: {  	_ =	shalt  }
0x80: {  	_ =	shalt  }
0x81: {  	_ =	shalt  }
0x82: {  	_ =	shalt  }
0x83: {  	_ =	shalt  }
0x84: {  	_ =	shalt  }
0x85: {  	_ =	shalt  }
0x86: {  	_ =	shalt  }
0x87: {  	_ =	shalt  }
.Lfunc_end0:
.L_simem_size_0:
called_computation_lowered:
.L_overlay_start_0:
0x88: {  	s0 =	sld [smem:$0x3FD9]  }
0x89: {  	s1 =	sld [smem:$0x3FFE];
	_ =	sdelay $0x3  }
0x8a: {  	s0 =	sadd.s32 s1, s0  }
0x8b: {  	[smem:$0x3FC3] =	sst s0  }
0x8c: {  	_ = 	snop  }
0x8d: {  	s0 =	sld [smem:$0x3FD0];
	(tm) =	ssettm $0x1  }
0x8e: {  	s16 =	sld [smem:$0x3FFB];
	_ =	sdelay $0x3  }
0x8f: {  	_ =	strace s16  }
0x90: {  	s1 =	sld [smem:$0x3FFC];
	_ =	sdelay $0x3  }
0x91: {  	_ =	strace s1  }
0x92: {  	s1 =	sld [smem:$0x3FFD];
	_ =	sdelay $0x3  }
0x93: {  	_ =	strace s1  }
0x94: {  	_ =	strace $0x8FFFFFFF  }
0x95: {  	s17 =	sld [smem:$0x3FDB];
	_ =	sdelay $0x1  }
0x96: {  	s2 =	simm.s32 $_scs_section_size  }
0x97: {  	s3 =	simm.s32 $_size__tile_overlayer_lowered;
	s4 =	simm.s32 $_tile_overlayer_lowered  }
0x98: {  	s20 =	simm.s32 $0x1BFF;
	s19 =	sshll.u32 s4, $0x1;
	s1 =	sadd.s32 s2, s17  }
0x99: {  	s5 =	simm.s32 $0x0;
	s18 =	sshll.u32 s3, $0x1;
	s3 =	sadd.s32 s19, s1  }
0x9a: {  	[timem:s5], [sflag:s20] =	dma.local [hbm:s3], s18  }
0x9b: {  	_ =	swait.ge [sflag:s20], s18  }
0x9c: {  	s2 =	ssub.s32 $0x0, s18;
	[sflag:s20] =	ssyncset.done $0x0  }
0x9d: {  	[sflag:s20] =	ssyncadd.s32 s2;
	_ =	sdelay $0x1  }
0x9e: {  	s21 =	simm.s32 $0x1B8B  }
0x9f: {  	_ =	swait.ge [sflag:s21], $0x1  }
0xa0: {  	[sflag:s21] =	ssyncset.done $0x0  }
0xa1: {  	s23 =	simm.s32 $0x1B8E;
	s22 =	sld [smem:$0x3FFE];
	[sflag:s21] =	ssyncadd.s32 $0xFFFFFFFF  }
0xa2: {  	s24 =	simm.s32 $execute0_lowered;
	[smem:$0x3FD2] =	sst s23  }
0xa3: {  	s3 =	sshll.u32 s24, $0x1;
	_ =	strace $0x80000046;
	[dreg:$0x1] =	wrdreg $0xFFFFFFFF  }
0xa4: {  	s25 =	simm.s32 $_size_execute0_lowered;
	s1 =	sadd.s32 s1, s3;
	[dreg:$0x0] =	wrdreg $0x0  }
0xa5: {  	s3 =	sshll.u32 s25, $0x1;
	[dreg:$0x2] =	wrdreg s1  }
0xa6: {  	[dreg:$0x3] =	wrdreg s3  }
0xa7: {  	[dreg:$0x4] =	wrdreg $0xC0  }
0xa8: {  	_ =	task [dreg:s5], $0x5FFFF  }
0xa9: {  	[dreg:$0x1] =	wrdreg $0xFFFFFFFF  }
0xaa: {  	[dreg:$0x0] =	wrdreg $0x60  }
0xab: {  	[dreg:$0x2] =	wrdreg s0  }
0xac: {  	[dreg:$0x3] =	wrdreg s22  }
0xad: {  	[dreg:$0x4] =	wrdreg $0x9  }
0xae: {  	_ =	task.clear_ibuf [dreg:s5], $0x5FFFF;
	_ =	strace $0x90000046  }
0xaf: {  	s26 =	simm.s32 $0x9;
	_ =	strace $0x80000048  }
0xb0: {  	_ =	swait.ge [sflag:s26], $0x1  }
0xb1: {  	[sflag:s26] =	ssyncadd.s32 $0xFFFFFFFF  }
0xb2: {  	_ =	strace $0x90000048  }
0xb3: {  	_ =	sfence  }
0xb4: {  	s28 =	sld [smem:$0x0];
	_ =	sdelay $0x1  }
0xb5: {  	s29 =	srdreg.scid  }
0xb6: {  	s30 =	sshll.u32 s29, $0xD;
	s31 =	sshrl.u32 s29, $0x2  }
0xb7: {  	s2 =	sand.u32 $0x4000, s30;
	s1 =	sand.u32 $0x1, s29;
	s0 =	sadd.s32 s31, s28  }
0xb8: {  	s1 =	sor.u32 s2, s1;
	s0 =	sshll.u32 s0, $0x11  }
0xb9: {  	s0 =	sor.u32 s0, s1  }
0xba: {  	s0 =	sadd.s32 $0x8F2B, s0  }
0xbb: {  	[sflag:s0] =	ssyncadd.remote.s32 $0x1  }
0xbc: {  	_ =	sfence.sel $0xFFFF  }
0xbd: {  	[dreg:$0x0] =	wrdreg $0xFFFFFFFF;
	(pc) =	sbr.abs _section_cstart, $3  }
0xbe: {  	[dreg:$0x1] =	wrdreg $0xFFFFFFFF  }
0xbf: {  	_ =	task.clear_ibuf [dreg:s5], $0x2FFFF;
	_ =	strace $0x9FFFFFFF  }
0xc0: {  	(tm) =	ssettm $0x7FFFFFFF  }
0xc1: {  	_ =	shalt  }
tec
execute0_lowered:
.L_overlay_start_1:
0x0: {  	(tag) =	ssettag $0x1  }
0x1: {  	s1 =	rddreg [dreg:$0x0]  }
0x2: {  	s5 =	rddreg [dreg:$0x1]  }
0x3: {  	s0 =	rddreg [dreg:$0x2];
	s3 =	stileid.u32  }
0x4: {  	_ =	strace $0x80000047;
	s2 =	simm.s32 $0x3E;
	p0 =	sne.s32 s3, $0x0  }
0x5: {  	[sflag:s2] =	ssyncpa.u1 $0x0;
	s4 =	simm.s32 @!p0 $0x1C3E;
	s6 =	simm.s32 @!p0 $0x0  }
0x6: {  	[spmem:s6], [sflag:s4] =	dma.local @!p0 [hbm:s1], $0x580  }
0x7: {  	s4 =	simm.s32 @!p0 $0x3E  }
0x8: {  	_ =	swait.ge @!p0 [sflag:s4], $0x580  }
0x9: {  	s3 =	smul.u32 $0x30D40, s3;
	[sflag:s4] =	ssyncset.done @!p0 $0x0  }
.Ltmp0:
0xa: {  	s7 =	simm.s32 $0x2;
	[sflag:s4] =	ssyncadd.s32 @!p0 $0xFFFFFA80;
	(pc) =	sbr.rel .LBB2_1-.Ltmp0, $4  }
0xb: {  	s8 =	simm.s32 $0x0;
	s9 =	simm.s32 $0x0;
	[bflag:$0x0] =	sbarrier.arrive $0xFFFF  }
0xc: {  	s6 =	sadd.s32 $0x30D40, s3;
	[sflag:s2] =	ssyncpa.u1 $0x1;
	s2 =	simm.s32 $0x1  }
0xd: {  	s10 =	smov.u32 s3;
	s4 =	sadd.s32 $0x1400, s5;
	[sflag:s2] =	ssyncpa.u1 $0x0  }
0xe: {  	vm0 =	vmmov $0xffff;
	s5 =	sadd.s32 $0x1B8C00, s5;
	(ifvalue) =	ssetifvalue $0x2C00;
	[sflag:s7] =	ssyncpa.u1 $0x0  }
.LBB2_5:
0xf: {  	s9 =	sadd.s32 $0x1, s9  }
0x10: {  	p2 =	sne.s32 s9, $0x1A  }
.Ltmp1:
0x11: {  	_ = 	snop;
	(pc) =	sbr.rel @!p2 .LBB2_6-.Ltmp1, $4  }
0x12: {  	_ = 	snop  }
0x13: {  	s11 =	sadd.s32 $0x1F40, s10  }
0x14: {  	s10 =	smov.u32 s3;
	p1 =	slt.s32 s11, s6  }
0x15: {  	s10 =	smov.u32 @p1 s11  }
.LBB2_1:
0x16: {  	p1 =	seq.s32 s9, $0x19  }
0x17: {  	s11 =	sxor.u32 @!p1 $0xFFFFFFFF, s9  }
0x18: {  	s11 =	sand.u32 @!p1 $0x1, s11  }
0x19: {  	s11 =	smul.u32 @!p1 $0x1F40, s11  }
0x1a: {  	s12 =	sshrl.u32 @!p1 s10, $0x3  }
0x1b: {  	s15 =	sand.u32 @!p1 $0x7, s10;
	s13 =	sadd.s32 @!p1 s4, s12;
	s14 =	sadd.s32 @!p1 $0x2C0, s11  }
0x1c: {  	[tilespmem:s14], [sflag:$0x2] =	stream.linear.gather @!p1 [hbm4b:s13+s15], $0x1F40, $0x38;
	[tilespmem:$0x7FC0] =	vst v63  }
0x1d: {  	p2 =	seq.s32 @!p1 s9, $0x0;
	s12 =	sadd.s32 @!p1 s5, s12;
	s11 =	sadd.s32 @!p1 $0x4140, s11  }
0x1e: {  	[tilespmem:s11], [sflag:$0x2] =	stream.linear.gather @!p1 [hbm4b:s12+s15], $0x1F40, $0x38;
	[tilespmem:$0x7FC0] =	vst v63  }
0x1f: {  	p1 =	por p1, !p2  }
.Ltmp2:
0x20: {  	_ = 	snop;
	(pc) =	sbr.rel @!p1 .LBB2_5-.Ltmp2, $1  }
0x21: {  	_ =	sdelay $0x3  }
0x22: {  	s11 =	sand.u32 $0x1, s9  }
0x23: {  	_ =	swait.ge [sflag:s7], $0x3E80;
	p1 =	seq.s32 s11, $0x1;
	s11 =	simm.s32 $0x1F40  }
0x24: {  	[sflag:s7] =	ssyncset.done $0x0;
	s11 =	simm.s32 @!p1 $0x0  }
0x25: {  	[sflag:s7] =	ssyncadd.s32 $0xFFFFC180;
	s13 =	sadd.s32 $0x2C0, s11  }
0x26: {  	v0 =	vld.msk [tilespmem:s13+$0x0 ss:$0x1], $0xffff;
	_ =	sdelay $0x4  }
0x27: {  	v0 =	vmin.u32 v0, $0x2C00;
	_ =	sdelay $0x3  }
0x28: {  	s12 =	simm.s32 $0x0;
	s11 =	sadd.s32 $0x4140, s11;
	s13 =	sadd.s32 $0x10, s13  }
0x29: {  	[spmem:s8] =	stream.indirect_vreg.scatter.add.s32 [tilespmem:s11], [sflag:$0x1], $0x1, v0, vm0, $0x4038;
	[tilespmem:$0x7FC0] =	vst v63  }
.LBB2_3:
0x2a: {  	v0 =	vld.msk [tilespmem:s13+$0x0 ss:$0x1], $0xffff;
	s12 =	sadd.s32 $0x10, s12  }
0x2b: {  	p1 =	slt.u32 s12, $0x1F30;
	_ =	sdelay $0x4  }
0x2c: {  	v0 =	vmin.u32 v0, $0x2C00  }
.Ltmp3:
0x2d: {  	(pc) =	sbr.rel @p1 .LBB2_3-.Ltmp3, $3  }
0x2e: {  	_ =	sdelay $0x1  }
0x2f: {  	s13 =	sadd.s32 $0x10, s13;
	s11 =	sadd.s32 $0x10, s11  }
0x30: {  	[spmem:s8] =	stream.indirect_vreg.scatter.add.s32 [tilespmem:s11], [sflag:$0x1], $0x1, v0, vm0, $0x4038;
	[tilespmem:$0x7FC0] =	vst v63  }
.Ltmp4:
0x31: {  	(pc) =	sbr.rel .LBB2_5-.Ltmp4, $4  }
0x32: {  	_ = 	snop  }
0x33: {  	_ =	swait.ge [sflag:s2], $0x1F40  }
0x34: {  	[sflag:s2] =	ssyncset.done $0x0  }
0x35: {  	[sflag:s2] =	ssyncadd.s32 $0xFFFFE0C0  }
.LBB2_6:
0x36: {  	_ =	sfence.sel $0x180000  }
0x37: {  	s2 =	simm.s32 $0x2;
	[bflag:$0x0] =	sbarrier.arrive $0xFFFF  }
0x38: {  	s30 =	simm.s32 $0x1;
	[sflag:s2] =	ssyncpa.u1 $0x1  }
0x39: {  	[sflag:s30] =	ssyncpa.u1 $0x1  }
0x3a: {  	_ =	sfence.stream.spmem  }
0x3b: {  	s31 =	simm.s32 $0x3D;
	[bflag:$0x0] =	sbarrier.arrive $0xFFFF  }
0x3c: {  	s2 =	simm.s32 @p0 $0x3D;
	[sflag:s31] =	ssyncpa.u1 $0x0  }
0x3d: {  	[sflag:s2] =	ssyncpa.u1 @p0 $0x1  }
0x3e: {  	[bflag:$0x0] =	sbarrier.arrive @p0 $0xFFFF  }
0x3f: {  	_ =	strace @p0 $0x90000047  }
0x40: {  	s3 =	simm.s32 @!p0 $0x1C3D;
	s2 =	simm.s32 @!p0 $0x0;
	[bflag:$0x2] =	sbarrier.arrive @p0 $0xFFFF  }
0x41: {  	[hbm:s1], [sflag:s3] =	dma.local @!p0 [spmem:s2], $0x580  }
0x42: {  	s1 =	simm.s32 @!p0 $0x3D  }
0x43: {  	_ =	swait.ge @!p0 [sflag:s1], $0x580  }
0x44: {  	[sflag:s1] =	ssyncset.done @!p0 $0x0  }
0x45: {  	[sflag:s1] =	ssyncadd.s32 @!p0 $0xFFFFFA80  }
0x46: {  	[sflag:s1] =	ssyncpa.u1 @!p0 $0x1  }
0x47: {  	[bflag:$0x0] =	sbarrier.arrive @!p0 $0xFFFF  }
0x48: {  	_ =	strace @!p0 $0x90000047  }
0x49: {  	s0 =	sadd.s32 @!p0 $0x100000, s0;
	[bflag:$0x2] =	sbarrier.arrive @!p0 $0xFFFF  }
0x4a: {  	[sflag:s0] =	ssyncadd.tile.s32 @!p0 $0x1;
	_ =	shalt  }
.Lfunc_end2:
_tile_overlayer_lowered:
.L_overlay_start_2:
0x4b: {  	(tag) =	ssettag $0x2  }
0x4c: {  	s0 =	rddreg [dreg:$0x0];
	s2 =	stileid.u32  }
0x4d: {  	s1 =	rddreg [dreg:$0x1];
	p0 =	sne.s32 s2, $0x0  }
0x4e: {  	s3 =	rddreg [dreg:$0x2];
	[bflag:$0x3] =	sbarrier.arrive $0xFFFF;
	s2 =	simm.s32 @!p0 $0x1C01  }
0x4f: {  	[timem:s3], [sflag:s2] =	dma.local @!p0 [hbm:s0], s1  }
0x50: {  	s0 =	simm.s32 @!p0 $0x1  }
0x51: {  	_ =	swait.ge @!p0 [sflag:s0], s1  }
0x52: {  	s1 =	ssub.s32 @!p0 $0x0, s1;
	[sflag:s0] =	ssyncset.done @!p0 $0x0  }
0x53: {  	[sflag:s0] =	ssyncadd.s32 @!p0 s1  }
0x54: {  	[bflag:$0x3] =	sbarrier.arrive $0xFFFF  }
0x55: {  	_ =	shalt  }

</sc_bundles>
